<compile_context>
chip_gen: v7x
topology: tpu7x:2x2x1
jax: 0.10.2.dev20260603
libtpu: 0.0.44.dev20260713+nightly
codegen_flags: <defaults>
</compile_context>

<pallas_src>
import functools

import jax
import jax.numpy as jnp
from jax import lax
from jax.experimental import pallas as pl
from jax.experimental.pallas import tpu as pltpu
from jax.experimental.pallas import tpu_sc as plsc

N_NODES = 10000
FEAT = 128
EMB = 64
BATCH = 1024
N_EDGES = 320000

NC = 2
NS = 16
NW = NC * NS

CHUNK = 128
CH_PER_W = 80
EPW = CH_PER_W * CHUNK
EPAD = EPW * NW
DEG_N = 10240
DPS = DEG_N // NS

ACC_ROWS = 10112
RPS = ACC_ROWS // NS

_THETAS = ((1.0, -1.0, 0.25), (0.0, 1.0, -0.5), (0.0, 0.0, 0.25))

_mesh = plsc.VectorSubcoreMesh(core_axis_name="c", subcore_axis_name="s")


@functools.partial(
    pl.kernel,
    out_type=jax.ShapeDtypeStruct((NC, ACC_ROWS, EMB), jnp.float32),
    mesh=_mesh,
    scratch_types=[
        pltpu.VMEM((CH_PER_W, CHUNK), jnp.int32),
        pltpu.VMEM((CH_PER_W, CHUNK), jnp.int32),
        pltpu.VMEM((CHUNK, EMB), jnp.float32),
        pltpu.VMEM((CHUNK, EMB), jnp.float32),
        pltpu.VMEM_SHARED((ACC_ROWS, EMB), jnp.float32),
        pltpu.VMEM_SHARED((ACC_ROWS, EMB), jnp.float32),
        pltpu.SemaphoreType.DMA,
        pltpu.SemaphoreType.DMA,
    ],
    compiler_params=pltpu.CompilerParams(use_tc_tiling_on_sc=False),
)
def _segsum64(xs_hbm, src_hbm, dst_hbm, out_hbm,
              sidx_v, didx_v, rows_v, rows_b, xs_sh, acc_sh, sem0, sem1):
    cid = lax.axis_index("c")
    sid = lax.axis_index("s")
    g = cid * NS + sid
    pltpu.sync_copy(src_hbm.at[g], sidx_v)
    pltpu.sync_copy(dst_hbm.at[g], didx_v)
    pltpu.sync_copy(xs_hbm.at[pl.ds(sid * RPS, RPS)],
                    xs_sh.at[pl.ds(sid * RPS, RPS)])
    def zbody(r, carry):
        for c in range(EMB // 16):
            rows_v[r, pl.ds(c * 16, 16)] = jnp.zeros((16,), jnp.float32)
        return carry

    lax.fori_loop(0, CHUNK, zbody, 0)
    for k in range(RPS // CHUNK):
        pltpu.sync_copy(rows_v, acc_sh.at[pl.ds(sid * RPS + k * CHUNK, CHUNK)])
    tail = RPS % CHUNK
    if tail:
        pltpu.sync_copy(
            rows_v.at[pl.ds(0, tail)],
            acc_sh.at[pl.ds(sid * RPS + (RPS // CHUNK) * CHUNK, tail)])
    plsc.subcore_barrier()

    last = CH_PER_W - 1
    pltpu.async_copy(xs_sh.at[sidx_v.at[0]], rows_v, sem0)
    pltpu.async_copy(xs_sh.at[sidx_v.at[1]], rows_b, sem1)

    def body(i, carry):
        j0 = 2 * i
        j1 = 2 * i + 1
        jn0 = jnp.minimum(j0 + 2, last)
        jn1 = jnp.minimum(j1 + 2, last)
        pltpu.make_async_copy(xs_sh.at[sidx_v.at[j0]], rows_v, sem0).wait()
        pltpu.sync_copy(rows_v, acc_sh.at[didx_v.at[j0]], add=True)
        pltpu.async_copy(xs_sh.at[sidx_v.at[jn0]], rows_v, sem0)
        pltpu.make_async_copy(xs_sh.at[sidx_v.at[j1]], rows_b, sem1).wait()
        pltpu.sync_copy(rows_b, acc_sh.at[didx_v.at[j1]], add=True)
        pltpu.async_copy(xs_sh.at[sidx_v.at[jn1]], rows_b, sem1)
        return carry

    lax.fori_loop(0, CH_PER_W // 2, body, 0)
    pltpu.make_async_copy(xs_sh.at[sidx_v.at[last]], rows_v, sem0).wait()
    pltpu.make_async_copy(xs_sh.at[sidx_v.at[last]], rows_b, sem1).wait()
    plsc.subcore_barrier()
    pltpu.sync_copy(acc_sh.at[pl.ds(sid * RPS, RPS)],
                    out_hbm.at[cid, pl.ds(sid * RPS, RPS)])


@functools.partial(
    pl.kernel,
    out_type=jax.ShapeDtypeStruct((NC, DEG_N), jnp.float32),
    mesh=_mesh,
    scratch_types=[
        pltpu.VMEM((CH_PER_W, CHUNK), jnp.int32),
        pltpu.VMEM((CHUNK,), jnp.float32),
        pltpu.VMEM((DPS,), jnp.float32),
        pltpu.VMEM_SHARED((DEG_N,), jnp.float32),
    ],
    compiler_params=pltpu.CompilerParams(use_tc_tiling_on_sc=False),
)
def _degcount(dst_hbm, zeros_hbm, out_hbm, didx_v, ones_v, stage_v, acc_sh):
    cid = lax.axis_index("c")
    sid = lax.axis_index("s")
    g = cid * NS + sid
    pltpu.sync_copy(dst_hbm.at[g], didx_v)
    for i in range(CHUNK // 16):
        ones_v[pl.ds(i * 16, 16)] = jnp.ones((16,), jnp.float32)
    pltpu.sync_copy(zeros_hbm.at[pl.ds(sid * DPS, DPS)], stage_v)
    pltpu.sync_copy(stage_v, acc_sh.at[pl.ds(sid * DPS, DPS)])
    plsc.subcore_barrier()

    def body(j, carry):
        pltpu.sync_copy(ones_v, acc_sh.at[didx_v.at[j]], add=True)
        return carry

    lax.fori_loop(0, CH_PER_W, body, 0)
    plsc.subcore_barrier()
    pltpu.sync_copy(acc_sh.at[pl.ds(sid * DPS, DPS)], stage_v)
    pltpu.sync_copy(stage_v, out_hbm.at[cid, pl.ds(sid * DPS, DPS)])


def _make_gather(D):
    bpw = BATCH // NW

    @functools.partial(
        pl.kernel,
        out_type=jax.ShapeDtypeStruct((BATCH, D), jnp.float32),
        mesh=_mesh,
        scratch_types=[
            pltpu.VMEM((bpw,), jnp.int32),
            pltpu.VMEM((bpw, D), jnp.float32),
            pltpu.SemaphoreType.DMA,
        ],
        compiler_params=pltpu.CompilerParams(use_tc_tiling_on_sc=False),
    )
    def _gather(table_hbm, idx_hbm, out_hbm, idx_v, rows_v, sem):
        cid = lax.axis_index("c")
        sid = lax.axis_index("s")
        base = (cid * NS + sid) * bpw
        pltpu.sync_copy(idx_hbm.at[pl.ds(base, bpw)], idx_v)
        pltpu.async_copy(table_hbm.at[idx_v], rows_v, sem).wait()
        pltpu.sync_copy(rows_v, out_hbm.at[pl.ds(base, bpw)])

    return _gather


_gather_feat = _make_gather(FEAT)
_gather_emb = _make_gather(EMB)


def _mlp_body(f_ref, w1_ref, b1_ref, w2_ref, b2_ref, deg2_ref,
              h_ref, y_ref, d_ref):
    f = f_ref[...]
    h = jnp.maximum(jnp.dot(f, w1_ref[...], preferred_element_type=jnp.float32)
                    + b1_ref[...][None, :], 0.0)
    h = jnp.maximum(jnp.dot(h, w2_ref[...], preferred_element_type=jnp.float32)
                    + b2_ref[...][None, :], 0.0)
    deg = deg2_ref[0, :N_NODES] + deg2_ref[1, :N_NODES]
    d = lax.rsqrt(jnp.maximum(deg, 1.0))
    h_ref[...] = h
    y_ref[:N_NODES, :] = d[:, None] * h
    y_ref[N_NODES:, :] = jnp.zeros((ACC_ROWS - N_NODES, EMB), jnp.float32)
    d_ref[...] = d[:, None]


def _mlp(features, W1, b1, W2, b2, deg2):
    return pl.pallas_call(
        _mlp_body,
        out_shape=(
            jax.ShapeDtypeStruct((N_NODES, EMB), jnp.float32),
            jax.ShapeDtypeStruct((ACC_ROWS, EMB), jnp.float32),
            jax.ShapeDtypeStruct((N_NODES, 1), jnp.float32),
        ),
    )(features, W1, b1, W2, b2, deg2)


def _final_body(fsel_ref, hsel_ref, w3_ref, b3_ref, w_ref, wclf_ref, bclf_ref,
                comb_ref, cs_ref):
    fsel = fsel_ref[...]
    spe = jnp.dot(hsel_ref[...], w3_ref[...],
                  preferred_element_type=jnp.float32) + b3_ref[...][None, :]
    center_h = jnp.dot(fsel, w_ref[...], preferred_element_type=jnp.float32)
    agg = jnp.dot(spe, w_ref[...], preferred_element_type=jnp.float32)
    comb_ref[...] = jnp.maximum(center_h + agg, 0.0)
    cs_ref[...] = jnp.dot(fsel, wclf_ref[...],
                          preferred_element_type=jnp.float32) + bclf_ref[...][None, :]


def _final(fsel, hsel, W3, b3, weight, W_clf, b_clf):
    return pl.pallas_call(
        _final_body,
        out_shape=(
            jax.ShapeDtypeStruct((BATCH, EMB), jnp.float32),
            jax.ShapeDtypeStruct((BATCH, 2), jnp.float32),
        ),
    )(fsel, hsel, W3, b3, weight, W_clf, b_clf)


def kernel(nodes, labels, edge_index, features, W_clf, b_clf,
           W1, b1, W2, b2, W3, b3, weight):
    src = edge_index[0]
    dst = edge_index[1]
    pad = EPAD - N_EDGES
    src_p = jnp.concatenate(
        [src, jnp.zeros((pad,), jnp.int32)]).reshape(NW, CH_PER_W, CHUNK)
    dst_p = jnp.concatenate(
        [dst, jnp.full((pad,), N_NODES, jnp.int32)]).reshape(NW, CH_PER_W, CHUNK)
    zerosd = jnp.zeros((DEG_N,), jnp.float32)

    deg2 = _degcount(dst_p, zerosd)

    h, y, d = _mlp(features, W1, b1, W2, b2, deg2)

    pad_y = jnp.zeros((ACC_ROWS - N_NODES, EMB), jnp.float32)
    for t0, t1, t2 in _THETAS:
        p2 = _segsum64(y, src_p, dst_p)
        p = p2[0, :N_NODES, :] + p2[1, :N_NODES, :]
        tmp1 = h - d * p
        y = jnp.concatenate([d * tmp1, pad_y], axis=0)
        p2 = _segsum64(y, src_p, dst_p)
        p = p2[0, :N_NODES, :] + p2[1, :N_NODES, :]
        h = t0 * h + t1 * tmp1 + t2 * (tmp1 - d * p)
        y = jnp.concatenate([d * h, pad_y], axis=0)

    fsel = _gather_feat(features, nodes)
    hsel = _gather_emb(h, nodes)
    combined, center_scores = _final(fsel, hsel, W3, b3, weight, W_clf, b_clf)
    return (combined, center_scores)

# --- scband reference (transcript-rebuilt; emitter-appended) ---
"""Pipeline reference for scband-inter-agg-5755256177390 (READ-ONLY COPY).

The authoritative reference and input builder live on the scoring server;
editing this copy changes nothing except your own understanding.
"""

import jax, jax.numpy as jnp
import numpy as np

N_NODES = 10000
N_EDGES = 320000
FEAT_DIM = 128
EMBED_DIM = 64
BATCH = 1024

# Bernstein-basis polynomial coefficients from calculate_theta2(d=2) (BWGNN beta wavelets):
# f_i(x) = C(2,i) * (x/2)^i * (1-x/2)^(2-i), expanded in powers of x
THETAS = [[1.0, -1.0, 0.25], [0.0, 1.0, -0.5], [0.0, 0.0, 0.25]]


def setup_inputs(seed: int = 0) -> dict:
    key = jax.random.key(seed)
    ks = jax.random.split(key, 16)
    nodes = jax.random.randint(ks[0], (BATCH,), 0, N_NODES, dtype=jnp.int32)
    labels = jax.random.randint(ks[1], (BATCH,), 0, 2, dtype=jnp.int32)
    edge_index = jax.random.randint(ks[2], (2, N_EDGES), 0, N_NODES, dtype=jnp.int32)
    features = jax.random.normal(ks[3], (N_NODES, FEAT_DIM), dtype=jnp.float32)
    # learned parameters
    W_clf = jax.random.normal(ks[4], (FEAT_DIM, 2), dtype=jnp.float32) * 0.05
    b_clf = jnp.zeros((2,), dtype=jnp.float32)
    W1 = jax.random.normal(ks[5], (FEAT_DIM, EMBED_DIM), dtype=jnp.float32) * 0.05
    b1 = jnp.zeros((EMBED_DIM,), dtype=jnp.float32)
    W2 = jax.random.normal(ks[6], (EMBED_DIM, EMBED_DIM), dtype=jnp.float32) * 0.05
    b2 = jnp.zeros((EMBED_DIM,), dtype=jnp.float32)
    W3 = jax.random.normal(ks[7], (EMBED_DIM, FEAT_DIM), dtype=jnp.float32) * 0.05
    b3 = jnp.zeros((FEAT_DIM,), dtype=jnp.float32)
    weight = jax.random.normal(ks[8], (FEAT_DIM, EMBED_DIM), dtype=jnp.float32) * 0.05
    return {"nodes": nodes, "labels": labels, "edge_index": edge_index,
            "features": features, "W_clf": W_clf, "b_clf": b_clf,
            "W1": W1, "b1": b1, "W2": W2, "b2": b2, "W3": W3, "b3": b3,
            "weight": weight}


def reference(nodes, labels, edge_index, features, W_clf, b_clf, W1, b1, W2, b2, W3, b3, weight):
    N = features.shape[0]
    n = nodes.shape[0]
    src = edge_index[0]
    dst = edge_index[1]

    # label classifier over all node features (batch_scores)
    batch_scores = features @ W_clf + b_clf
    center_scores = batch_scores[nodes]

    # intra-relation aggregation (relation r1): mean of raw neighbor features per dst node
    deg = jax.ops.segment_sum(jnp.ones((src.shape[0],), jnp.float32), dst, num_segments=N)
    deg_safe = jnp.maximum(deg, 1.0)
    neigh_sum = jax.ops.segment_sum(features[src], dst, num_segments=N)
    neigh_mean = neigh_sum / deg_safe[:, None]
    r1_feats = neigh_mean[nodes]  # [n, feat_dim]

    # spectral branch: MLP then chained PolyConv (beta-wavelet polynomial of sym-norm Laplacian)
    h = jax.nn.relu(features @ W1 + b1)
    h = jax.nn.relu(h @ W2 + b2)
    d_inv_sqrt = 1.0 / jnp.sqrt(deg_safe)

    def lap(x):
        msg = d_inv_sqrt[src][:, None] * x[src]
        agg = jax.ops.segment_sum(msg, dst, num_segments=N)
        return x - d_inv_sqrt[:, None] * agg

    for theta in THETAS:
        out = theta[0] * h
        tmp = h
        for k in range(1, len(theta)):
            tmp = lap(tmp)
            out = out + theta[k] * tmp
        h = out
    h = h @ W3 + b3
    spe_feats = h[nodes]  # [n, feat_dim]

    # inter-relation aggregation (threshold_inter_agg with agg_weight=[0, 1])
    self_feats = features[nodes]
    spe_spa_feats = jnp.concatenate([r1_feats, spe_feats], axis=0)  # [2n, feat_dim]
    center_h = self_feats @ weight
    neigh_h = spe_spa_feats @ weight
    aggregated = neigh_h[0:n, :] * 0.0 + neigh_h[n:2 * n, :] * 1.0
    combined = jax.nn.relu(center_h + aggregated)
    return (combined, center_scores)

if __name__ == "__main__":
    import jax
    _d = setup_inputs()
    print(jax.jit(kernel)(*tuple(_d.values())))

</pallas_src>

<mosaic_0001>
#map = affine_map<(d0, d1) -> (0, 0)>
#map1 = affine_map<(d0, d1) -> (0, 0, 0)>
module attributes {stable_mosaic.version = 14 : i64} {
  func.func @_segsum64(%arg0: i32, %arg1: i32, %arg2: memref<10112x64xf32, #tpu.memory_space<hbm>>, %arg3: memref<32x80x128xi32, #tpu.memory_space<hbm>>, %arg4: memref<32x80x128xi32, #tpu.memory_space<hbm>>, %arg5: memref<2x10112x64xf32, #tpu.memory_space<hbm>>, %arg6: memref<80x128xi32, #tpu.memory_space<vmem>>, %arg7: memref<80x128xi32, #tpu.memory_space<vmem>>, %arg8: memref<128x64xf32, #tpu.memory_space<vmem>>, %arg9: memref<128x64xf32, #tpu.memory_space<vmem>>, %arg10: memref<10112x64xf32, #tpu.memory_space<vmem_shared>>, %arg11: memref<10112x64xf32, #tpu.memory_space<vmem_shared>>, %arg12: memref<!tpu.dma_semaphore, #tpu.memory_space<semaphore_mem>>, %arg13: memref<!tpu.dma_semaphore, #tpu.memory_space<semaphore_mem>>) attributes {dimension_semantics = [#tpu.dimension_semantics<core_parallel>, #tpu.dimension_semantics<subcore_parallel>], iteration_bounds = array<i64: 2, 16>, scalar_prefetch = 0 : i64, scratch_operands = 8 : i64, tpu.core_type = #tpu.core_type<sc_vector_subcore>, window_params = [{transform_indices = #map}, {transform_indices = #map1}, {transform_indices = #map1}, {transform_indices = #map1}]} {
    %mul3A = arith.constant 16 : i32
    %mul3A_0 = arith.muli %arg0, %mul3A : i32
    %add3A = arith.addi %mul3A_0, %arg1 : i32
    "tpu.region"() ({
      %run_scoped3A = tpu.sem_alloc : memref<!tpu.dma_semaphore, #tpu.memory_space<semaphore_mem>>
      %dma_start3A_67 = arith.constant 0 : i32
      %dma_start3A_68 = arith.constant 0 : i32
      %dma_start3A_69 = tpu.memref_slice %arg3[%add3A, %dma_start3A_67, %dma_start3A_68] : memref<32x80x128xi32, #tpu.memory_space<hbm>> -> memref<1x80x128xi32, #tpu.memory_space<hbm>>
      %dma_start3A_70 = tpu.memref_squeeze %dma_start3A_69 : memref<1x80x128xi32, #tpu.memory_space<hbm>> -> memref<80x128xi32, #tpu.memory_space<hbm>>
      %dma_start3A_71 = arith.constant 0 : i32
      %dma_start3A_72 = arith.constant 0 : i32
      %dma_start3A_73 = tpu.memref_slice %arg3[%add3A, %dma_start3A_71, %dma_start3A_72] : memref<32x80x128xi32, #tpu.memory_space<hbm>> -> memref<1x80x128xi32, #tpu.memory_space<hbm>>
      %dma_start3A_74 = tpu.memref_squeeze %dma_start3A_73 : memref<1x80x128xi32, #tpu.memory_space<hbm>> -> memref<80x128xi32, #tpu.memory_space<hbm>>
      tpu.enqueue_dma source(%dma_start3A_74 : memref<80x128xi32, #tpu.memory_space<hbm>>) target(%arg6 : memref<80x128xi32, #tpu.memory_space<vmem>>) target_semaphore(%run_scoped3A : memref<!tpu.dma_semaphore, #tpu.memory_space<semaphore_mem>>)
      %dma_wait3A_75 = arith.constant 0 : i32
      %dma_wait3A_76 = arith.constant 0 : i32
      %dma_wait3A_77 = tpu.memref_slice %arg3[%add3A, %dma_wait3A_75, %dma_wait3A_76] : memref<32x80x128xi32, #tpu.memory_space<hbm>> -> memref<1x80x128xi32, #tpu.memory_space<hbm>>
      %dma_wait3A_78 = tpu.memref_squeeze %dma_wait3A_77 : memref<1x80x128xi32, #tpu.memory_space<hbm>> -> memref<80x128xi32, #tpu.memory_space<hbm>>
      %dma_wait3A_79 = arith.constant 0 : i32
      %dma_wait3A_80 = arith.constant 0 : i32
      %dma_wait3A_81 = tpu.memref_slice %arg3[%add3A, %dma_wait3A_79, %dma_wait3A_80] : memref<32x80x128xi32, #tpu.memory_space<hbm>> -> memref<1x80x128xi32, #tpu.memory_space<hbm>>
      %dma_wait3A_82 = tpu.memref_squeeze %dma_wait3A_81 : memref<1x80x128xi32, #tpu.memory_space<hbm>> -> memref<80x128xi32, #tpu.memory_space<hbm>>
      tpu.wait_dma2 semaphore(%run_scoped3A : memref<!tpu.dma_semaphore, #tpu.memory_space<semaphore_mem>>) src(%dma_wait3A_82 : memref<80x128xi32, #tpu.memory_space<hbm>>) dst(%arg6 : memref<80x128xi32, #tpu.memory_space<vmem>>)
      tpu.yield
    }) : () -> ()
    "tpu.region"() ({
      %run_scoped3A = tpu.sem_alloc : memref<!tpu.dma_semaphore, #tpu.memory_space<semaphore_mem>>
      %dma_start3A_67 = arith.constant 0 : i32
      %dma_start3A_68 = arith.constant 0 : i32
      %dma_start3A_69 = tpu.memref_slice %arg4[%add3A, %dma_start3A_67, %dma_start3A_68] : memref<32x80x128xi32, #tpu.memory_space<hbm>> -> memref<1x80x128xi32, #tpu.memory_space<hbm>>
      %dma_start3A_70 = tpu.memref_squeeze %dma_start3A_69 : memref<1x80x128xi32, #tpu.memory_space<hbm>> -> memref<80x128xi32, #tpu.memory_space<hbm>>
      %dma_start3A_71 = arith.constant 0 : i32
      %dma_start3A_72 = arith.constant 0 : i32
      %dma_start3A_73 = tpu.memref_slice %arg4[%add3A, %dma_start3A_71, %dma_start3A_72] : memref<32x80x128xi32, #tpu.memory_space<hbm>> -> memref<1x80x128xi32, #tpu.memory_space<hbm>>
      %dma_start3A_74 = tpu.memref_squeeze %dma_start3A_73 : memref<1x80x128xi32, #tpu.memory_space<hbm>> -> memref<80x128xi32, #tpu.memory_space<hbm>>
      tpu.enqueue_dma source(%dma_start3A_74 : memref<80x128xi32, #tpu.memory_space<hbm>>) target(%arg7 : memref<80x128xi32, #tpu.memory_space<vmem>>) target_semaphore(%run_scoped3A : memref<!tpu.dma_semaphore, #tpu.memory_space<semaphore_mem>>)
      %dma_wait3A_75 = arith.constant 0 : i32
      %dma_wait3A_76 = arith.constant 0 : i32
      %dma_wait3A_77 = tpu.memref_slice %arg4[%add3A, %dma_wait3A_75, %dma_wait3A_76] : memref<32x80x128xi32, #tpu.memory_space<hbm>> -> memref<1x80x128xi32, #tpu.memory_space<hbm>>
      %dma_wait3A_78 = tpu.memref_squeeze %dma_wait3A_77 : memref<1x80x128xi32, #tpu.memory_space<hbm>> -> memref<80x128xi32, #tpu.memory_space<hbm>>
      %dma_wait3A_79 = arith.constant 0 : i32
      %dma_wait3A_80 = arith.constant 0 : i32
      %dma_wait3A_81 = tpu.memref_slice %arg4[%add3A, %dma_wait3A_79, %dma_wait3A_80] : memref<32x80x128xi32, #tpu.memory_space<hbm>> -> memref<1x80x128xi32, #tpu.memory_space<hbm>>
      %dma_wait3A_82 = tpu.memref_squeeze %dma_wait3A_81 : memref<1x80x128xi32, #tpu.memory_space<hbm>> -> memref<80x128xi32, #tpu.memory_space<hbm>>
      tpu.wait_dma2 semaphore(%run_scoped3A : memref<!tpu.dma_semaphore, #tpu.memory_space<semaphore_mem>>) src(%dma_wait3A_82 : memref<80x128xi32, #tpu.memory_space<hbm>>) dst(%arg7 : memref<80x128xi32, #tpu.memory_space<vmem>>)
      tpu.yield
    }) : () -> ()
    %mul3A_1 = arith.constant 632 : i32
    %mul3A_2 = arith.muli %arg1, %mul3A_1 : i32
    %mul3A_3 = arith.constant 632 : i32
    %mul3A_4 = arith.muli %arg1, %mul3A_3 : i32
    "tpu.region"() ({
      %run_scoped3A = tpu.sem_alloc : memref<!tpu.dma_semaphore, #tpu.memory_space<semaphore_mem>>
      %dma_start3A_67 = arith.constant 0 : i32
      %dma_start3A_68 = tpu.memref_slice %arg10[%mul3A_4, %dma_start3A_67] : memref<10112x64xf32, #tpu.memory_space<vmem_shared>> -> memref<632x64xf32, #tpu.memory_space<vmem_shared>>
      %dma_start3A_69 = arith.constant 0 : i32
      %dma_start3A_70 = tpu.memref_slice %arg2[%mul3A_2, %dma_start3A_69] : memref<10112x64xf32, #tpu.memory_space<hbm>> -> memref<632x64xf32, #tpu.memory_space<hbm>>
      tpu.enqueue_dma source(%dma_start3A_70 : memref<632x64xf32, #tpu.memory_space<hbm>>) target(%dma_start3A_68 : memref<632x64xf32, #tpu.memory_space<vmem_shared>>) target_semaphore(%run_scoped3A : memref<!tpu.dma_semaphore, #tpu.memory_space<semaphore_mem>>)
      %dma_wait3A_71 = arith.constant 0 : i32
      %dma_wait3A_72 = tpu.memref_slice %arg10[%mul3A_4, %dma_wait3A_71] : memref<10112x64xf32, #tpu.memory_space<vmem_shared>> -> memref<632x64xf32, #tpu.memory_space<vmem_shared>>
      %dma_wait3A_73 = arith.constant 0 : i32
      %dma_wait3A_74 = tpu.memref_slice %arg2[%mul3A_2, %dma_wait3A_73] : memref<10112x64xf32, #tpu.memory_space<hbm>> -> memref<632x64xf32, #tpu.memory_space<hbm>>
      tpu.wait_dma2 semaphore(%run_scoped3A : memref<!tpu.dma_semaphore, #tpu.memory_space<semaphore_mem>>) src(%dma_wait3A_74 : memref<632x64xf32, #tpu.memory_space<hbm>>) dst(%dma_wait3A_72 : memref<632x64xf32, #tpu.memory_space<vmem_shared>>)
      tpu.yield
    }) : () -> ()
    %scan3A = arith.constant 0 : i32
    %scan3A_5 = arith.constant 0 : i32
    %scan3A_6 = arith.constant 128 : i32
    %scan3A_7 = arith.addi %scan3A_5, %scan3A_6 : i32
    %scan3A_8 = arith.constant 1 : i32
    scf.for %scan3A_67 = %scan3A_5 to %scan3A_7 step %scan3A_8  : i32 {
      %broadcast_in_dim3A = arith.constant 0.000000e+00 : f32
      %broadcast_in_dim3A_68 = vector.broadcast %broadcast_in_dim3A : f32 to vector<16xf32>
      %swap3A = arith.index_cast %scan3A_67 : i32 to index
      %swap3A_69 = arith.constant 0 : index
      %swap3A_70 = tpu.vector_load %arg8[%swap3A, %swap3A_69] {strides = array<i32>} : memref<128x64xf32, #tpu.memory_space<vmem>>, vector<1x16xf32>,
      %swap3A_71 = vector.shape_cast %swap3A_70 : vector<1x16xf32> to vector<16xf32>
      %swap3A_72 = vector.shape_cast %broadcast_in_dim3A_68 : vector<16xf32> to vector<1x16xf32>
      tpu.vector_store %arg8[%swap3A, %swap3A_69], %swap3A_72 {strides = array<i32>} : memref<128x64xf32, #tpu.memory_space<vmem>>, vector<1x16xf32>,
      %broadcast_in_dim3A_73 = arith.constant 0.000000e+00 : f32
      %broadcast_in_dim3A_74 = vector.broadcast %broadcast_in_dim3A_73 : f32 to vector<16xf32>
      %swap3A_75 = arith.index_cast %scan3A_67 : i32 to index
      %swap3A_76 = arith.constant 16 : index
      %swap3A_77 = tpu.vector_load %arg8[%swap3A_75, %swap3A_76] {strides = array<i32>} : memref<128x64xf32, #tpu.memory_space<vmem>>, vector<1x16xf32>,
      %swap3A_78 = vector.shape_cast %swap3A_77 : vector<1x16xf32> to vector<16xf32>
      %swap3A_79 = vector.shape_cast %broadcast_in_dim3A_74 : vector<16xf32> to vector<1x16xf32>
      tpu.vector_store %arg8[%swap3A_75, %swap3A_76], %swap3A_79 {strides = array<i32>} : memref<128x64xf32, #tpu.memory_space<vmem>>, vector<1x16xf32>,
      %broadcast_in_dim3A_80 = arith.constant 0.000000e+00 : f32
      %broadcast_in_dim3A_81 = vector.broadcast %broadcast_in_dim3A_80 : f32 to vector<16xf32>
      %swap3A_82 = arith.index_cast %scan3A_67 : i32 to index
      %swap3A_83 = arith.constant 32 : index
      %swap3A_84 = tpu.vector_load %arg8[%swap3A_82, %swap3A_83] {strides = array<i32>} : memref<128x64xf32, #tpu.memory_space<vmem>>, vector<1x16xf32>,
      %swap3A_85 = vector.shape_cast %swap3A_84 : vector<1x16xf32> to vector<16xf32>
      %swap3A_86 = vector.shape_cast %broadcast_in_dim3A_81 : vector<16xf32> to vector<1x16xf32>
      tpu.vector_store %arg8[%swap3A_82, %swap3A_83], %swap3A_86 {strides = array<i32>} : memref<128x64xf32, #tpu.memory_space<vmem>>, vector<1x16xf32>,
      %broadcast_in_dim3A_87 = arith.constant 0.000000e+00 : f32
      %broadcast_in_dim3A_88 = vector.broadcast %broadcast_in_dim3A_87 : f32 to vector<16xf32>
      %swap3A_89 = arith.index_cast %scan3A_67 : i32 to index
      %swap3A_90 = arith.constant 48 : index
      %swap3A_91 = tpu.vector_load %arg8[%swap3A_89, %swap3A_90] {strides = array<i32>} : memref<128x64xf32, #tpu.memory_space<vmem>>, vector<1x16xf32>,
      %swap3A_92 = vector.shape_cast %swap3A_91 : vector<1x16xf32> to vector<16xf32>
      %swap3A_93 = vector.shape_cast %broadcast_in_dim3A_88 : vector<16xf32> to vector<1x16xf32>
      tpu.vector_store %arg8[%swap3A_89, %swap3A_90], %swap3A_93 {strides = array<i32>} : memref<128x64xf32, #tpu.memory_space<vmem>>, vector<1x16xf32>,
    }
    %scan3A_9 = arith.constant 128 : i32
    %mul3A_10 = arith.constant 632 : i32
    %mul3A_11 = arith.muli %arg1, %mul3A_10 : i32
    %add3A_12 = arith.constant 0 : i32
    %add3A_13 = arith.addi %mul3A_11, %add3A_12 : i32
    "tpu.region"() ({
      %run_scoped3A = tpu.sem_alloc : memref<!tpu.dma_semaphore, #tpu.memory_space<semaphore_mem>>
      %dma_start3A_67 = arith.constant 0 : i32
      %dma_start3A_68 = tpu.memref_slice %arg11[%add3A_13, %dma_start3A_67] : memref<10112x64xf32, #tpu.memory_space<vmem_shared>> -> memref<128x64xf32, #tpu.memory_space<vmem_shared>>
      %dma_start3A_69 = arith.constant 0 : i32
      %dma_start3A_70 = tpu.memref_slice %arg11[%add3A_13, %dma_start3A_69] : memref<10112x64xf32, #tpu.memory_space<vmem_shared>> -> memref<128x64xf32, #tpu.memory_space<vmem_shared>>
      tpu.enqueue_dma source(%arg8 : memref<128x64xf32, #tpu.memory_space<vmem>>) target(%dma_start3A_70 : memref<128x64xf32, #tpu.memory_space<vmem_shared>>) target_semaphore(%run_scoped3A : memref<!tpu.dma_semaphore, #tpu.memory_space<semaphore_mem>>)
      %dma_wait3A_71 = arith.constant 0 : i32
      %dma_wait3A_72 = tpu.memref_slice %arg11[%add3A_13, %dma_wait3A_71] : memref<10112x64xf32, #tpu.memory_space<vmem_shared>> -> memref<128x64xf32, #tpu.memory_space<vmem_shared>>
      %dma_wait3A_73 = arith.constant 0 : i32
      %dma_wait3A_74 = tpu.memref_slice %arg11[%add3A_13, %dma_wait3A_73] : memref<10112x64xf32, #tpu.memory_space<vmem_shared>> -> memref<128x64xf32, #tpu.memory_space<vmem_shared>>
      tpu.wait_dma2 semaphore(%run_scoped3A : memref<!tpu.dma_semaphore, #tpu.memory_space<semaphore_mem>>) src(%arg8 : memref<128x64xf32, #tpu.memory_space<vmem>>) dst(%dma_wait3A_74 : memref<128x64xf32, #tpu.memory_space<vmem_shared>>)
      tpu.yield
    }) : () -> ()
    %mul3A_14 = arith.constant 632 : i32
    %mul3A_15 = arith.muli %arg1, %mul3A_14 : i32
    %add3A_16 = arith.constant 128 : i32
    %add3A_17 = arith.addi %mul3A_15, %add3A_16 : i32
    "tpu.region"() ({
      %run_scoped3A = tpu.sem_alloc : memref<!tpu.dma_semaphore, #tpu.memory_space<semaphore_mem>>
      %dma_start3A_67 = arith.constant 0 : i32
      %dma_start3A_68 = tpu.memref_slice %arg11[%add3A_17, %dma_start3A_67] : memref<10112x64xf32, #tpu.memory_space<vmem_shared>> -> memref<128x64xf32, #tpu.memory_space<vmem_shared>>
      %dma_start3A_69 = arith.constant 0 : i32
      %dma_start3A_70 = tpu.memref_slice %arg11[%add3A_17, %dma_start3A_69] : memref<10112x64xf32, #tpu.memory_space<vmem_shared>> -> memref<128x64xf32, #tpu.memory_space<vmem_shared>>
      tpu.enqueue_dma source(%arg8 : memref<128x64xf32, #tpu.memory_space<vmem>>) target(%dma_start3A_70 : memref<128x64xf32, #tpu.memory_space<vmem_shared>>) target_semaphore(%run_scoped3A : memref<!tpu.dma_semaphore, #tpu.memory_space<semaphore_mem>>)
      %dma_wait3A_71 = arith.constant 0 : i32
      %dma_wait3A_72 = tpu.memref_slice %arg11[%add3A_17, %dma_wait3A_71] : memref<10112x64xf32, #tpu.memory_space<vmem_shared>> -> memref<128x64xf32, #tpu.memory_space<vmem_shared>>
      %dma_wait3A_73 = arith.constant 0 : i32
      %dma_wait3A_74 = tpu.memref_slice %arg11[%add3A_17, %dma_wait3A_73] : memref<10112x64xf32, #tpu.memory_space<vmem_shared>> -> memref<128x64xf32, #tpu.memory_space<vmem_shared>>
      tpu.wait_dma2 semaphore(%run_scoped3A : memref<!tpu.dma_semaphore, #tpu.memory_space<semaphore_mem>>) src(%arg8 : memref<128x64xf32, #tpu.memory_space<vmem>>) dst(%dma_wait3A_74 : memref<128x64xf32, #tpu.memory_space<vmem_shared>>)
      tpu.yield
    }) : () -> ()
    %mul3A_18 = arith.constant 632 : i32
    %mul3A_19 = arith.muli %arg1, %mul3A_18 : i32
    %add3A_20 = arith.constant 256 : i32
    %add3A_21 = arith.addi %mul3A_19, %add3A_20 : i32
    "tpu.region"() ({
      %run_scoped3A = tpu.sem_alloc : memref<!tpu.dma_semaphore, #tpu.memory_space<semaphore_mem>>
      %dma_start3A_67 = arith.constant 0 : i32
      %dma_start3A_68 = tpu.memref_slice %arg11[%add3A_21, %dma_start3A_67] : memref<10112x64xf32, #tpu.memory_space<vmem_shared>> -> memref<128x64xf32, #tpu.memory_space<vmem_shared>>
      %dma_start3A_69 = arith.constant 0 : i32
      %dma_start3A_70 = tpu.memref_slice %arg11[%add3A_21, %dma_start3A_69] : memref<10112x64xf32, #tpu.memory_space<vmem_shared>> -> memref<128x64xf32, #tpu.memory_space<vmem_shared>>
      tpu.enqueue_dma source(%arg8 : memref<128x64xf32, #tpu.memory_space<vmem>>) target(%dma_start3A_70 : memref<128x64xf32, #tpu.memory_space<vmem_shared>>) target_semaphore(%run_scoped3A : memref<!tpu.dma_semaphore, #tpu.memory_space<semaphore_mem>>)
      %dma_wait3A_71 = arith.constant 0 : i32
      %dma_wait3A_72 = tpu.memref_slice %arg11[%add3A_21, %dma_wait3A_71] : memref<10112x64xf32, #tpu.memory_space<vmem_shared>> -> memref<128x64xf32, #tpu.memory_space<vmem_shared>>
      %dma_wait3A_73 = arith.constant 0 : i32
      %dma_wait3A_74 = tpu.memref_slice %arg11[%add3A_21, %dma_wait3A_73] : memref<10112x64xf32, #tpu.memory_space<vmem_shared>> -> memref<128x64xf32, #tpu.memory_space<vmem_shared>>
      tpu.wait_dma2 semaphore(%run_scoped3A : memref<!tpu.dma_semaphore, #tpu.memory_space<semaphore_mem>>) src(%arg8 : memref<128x64xf32, #tpu.memory_space<vmem>>) dst(%dma_wait3A_74 : memref<128x64xf32, #tpu.memory_space<vmem_shared>>)
      tpu.yield
    }) : () -> ()
    %mul3A_22 = arith.constant 632 : i32
    %mul3A_23 = arith.muli %arg1, %mul3A_22 : i32
    %add3A_24 = arith.constant 384 : i32
    %add3A_25 = arith.addi %mul3A_23, %add3A_24 : i32
    "tpu.region"() ({
      %run_scoped3A = tpu.sem_alloc : memref<!tpu.dma_semaphore, #tpu.memory_space<semaphore_mem>>
      %dma_start3A_67 = arith.constant 0 : i32
      %dma_start3A_68 = tpu.memref_slice %arg11[%add3A_25, %dma_start3A_67] : memref<10112x64xf32, #tpu.memory_space<vmem_shared>> -> memref<128x64xf32, #tpu.memory_space<vmem_shared>>
      %dma_start3A_69 = arith.constant 0 : i32
      %dma_start3A_70 = tpu.memref_slice %arg11[%add3A_25, %dma_start3A_69] : memref<10112x64xf32, #tpu.memory_space<vmem_shared>> -> memref<128x64xf32, #tpu.memory_space<vmem_shared>>
      tpu.enqueue_dma source(%arg8 : memref<128x64xf32, #tpu.memory_space<vmem>>) target(%dma_start3A_70 : memref<128x64xf32, #tpu.memory_space<vmem_shared>>) target_semaphore(%run_scoped3A : memref<!tpu.dma_semaphore, #tpu.memory_space<semaphore_mem>>)
      %dma_wait3A_71 = arith.constant 0 : i32
      %dma_wait3A_72 = tpu.memref_slice %arg11[%add3A_25, %dma_wait3A_71] : memref<10112x64xf32, #tpu.memory_space<vmem_shared>> -> memref<128x64xf32, #tpu.memory_space<vmem_shared>>
      %dma_wait3A_73 = arith.constant 0 : i32
      %dma_wait3A_74 = tpu.memref_slice %arg11[%add3A_25, %dma_wait3A_73] : memref<10112x64xf32, #tpu.memory_space<vmem_shared>> -> memref<128x64xf32, #tpu.memory_space<vmem_shared>>
      tpu.wait_dma2 semaphore(%run_scoped3A : memref<!tpu.dma_semaphore, #tpu.memory_space<semaphore_mem>>) src(%arg8 : memref<128x64xf32, #tpu.memory_space<vmem>>) dst(%dma_wait3A_74 : memref<128x64xf32, #tpu.memory_space<vmem_shared>>)
      tpu.yield
    }) : () -> ()
    %mul3A_26 = arith.constant 632 : i32
    %mul3A_27 = arith.muli %arg1, %mul3A_26 : i32
    %add3A_28 = arith.constant 512 : i32
    %add3A_29 = arith.addi %mul3A_27, %add3A_28 : i32
    "tpu.region"() ({
      %run_scoped3A = tpu.sem_alloc : memref<!tpu.dma_semaphore, #tpu.memory_space<semaphore_mem>>
      %dma_start3A_67 = arith.constant 0 : i32
      %dma_start3A_68 = arith.constant 0 : i32
      %dma_start3A_69 = tpu.memref_slice %arg8[%dma_start3A_67, %dma_start3A_68] : memref<128x64xf32, #tpu.memory_space<vmem>> -> memref<120x64xf32, #tpu.memory_space<vmem>>
      %dma_start3A_70 = arith.constant 0 : i32
      %dma_start3A_71 = tpu.memref_slice %arg11[%add3A_29, %dma_start3A_70] : memref<10112x64xf32, #tpu.memory_space<vmem_shared>> -> memref<120x64xf32, #tpu.memory_space<vmem_shared>>
      %dma_start3A_72 = arith.constant 0 : i32
      %dma_start3A_73 = tpu.memref_slice %arg11[%add3A_29, %dma_start3A_72] : memref<10112x64xf32, #tpu.memory_space<vmem_shared>> -> memref<120x64xf32, #tpu.memory_space<vmem_shared>>
      %dma_start3A_74 = arith.constant 0 : i32
      %dma_start3A_75 = arith.constant 0 : i32
      %dma_start3A_76 = tpu.memref_slice %arg8[%dma_start3A_74, %dma_start3A_75] : memref<128x64xf32, #tpu.memory_space<vmem>> -> memref<120x64xf32, #tpu.memory_space<vmem>>
      tpu.enqueue_dma source(%dma_start3A_76 : memref<120x64xf32, #tpu.memory_space<vmem>>) target(%dma_start3A_73 : memref<120x64xf32, #tpu.memory_space<vmem_shared>>) target_semaphore(%run_scoped3A : memref<!tpu.dma_semaphore, #tpu.memory_space<semaphore_mem>>)
      %dma_wait3A_77 = arith.constant 0 : i32
      %dma_wait3A_78 = arith.constant 0 : i32
      %dma_wait3A_79 = tpu.memref_slice %arg8[%dma_wait3A_77, %dma_wait3A_78] : memref<128x64xf32, #tpu.memory_space<vmem>> -> memref<120x64xf32, #tpu.memory_space<vmem>>
      %dma_wait3A_80 = arith.constant 0 : i32
      %dma_wait3A_81 = tpu.memref_slice %arg11[%add3A_29, %dma_wait3A_80] : memref<10112x64xf32, #tpu.memory_space<vmem_shared>> -> memref<120x64xf32, #tpu.memory_space<vmem_shared>>
      %dma_wait3A_82 = arith.constant 0 : i32
      %dma_wait3A_83 = tpu.memref_slice %arg11[%add3A_29, %dma_wait3A_82] : memref<10112x64xf32, #tpu.memory_space<vmem_shared>> -> memref<120x64xf32, #tpu.memory_space<vmem_shared>>
      %dma_wait3A_84 = arith.constant 0 : i32
      %dma_wait3A_85 = arith.constant 0 : i32
      %dma_wait3A_86 = tpu.memref_slice %arg8[%dma_wait3A_84, %dma_wait3A_85] : memref<128x64xf32, #tpu.memory_space<vmem>> -> memref<120x64xf32, #tpu.memory_space<vmem>>
      tpu.wait_dma2 semaphore(%run_scoped3A : memref<!tpu.dma_semaphore, #tpu.memory_space<semaphore_mem>>) src(%dma_wait3A_86 : memref<120x64xf32, #tpu.memory_space<vmem>>) dst(%dma_wait3A_83 : memref<120x64xf32, #tpu.memory_space<vmem_shared>>)
      tpu.yield
    }) : () -> ()
    %barrier3A = arith.constant 0 : index
    tpu.barrier barrier_id(%barrier3A)
    %dma_start3A = arith.constant 0 : i32
    %dma_start3A_30 = arith.constant 0 : i32
    %dma_start3A_31 = tpu.memref_slice %arg6[%dma_start3A, %dma_start3A_30] : memref<80x128xi32, #tpu.memory_space<vmem>> -> memref<1x128xi32, #tpu.memory_space<vmem>>
    %dma_start3A_32 = tpu.memref_squeeze %dma_start3A_31 : memref<1x128xi32, #tpu.memory_space<vmem>> -> memref<128xi32, #tpu.memory_space<vmem>>
    %dma_start3A_33 = arith.constant 0 : i32
    %dma_start3A_34 = arith.constant 0 : i32
    %dma_start3A_35 = tpu.memref_slice %arg10[%dma_start3A_33, %dma_start3A_34] : memref<10112x64xf32, #tpu.memory_space<vmem_shared>> -> memref<10112x64xf32, #tpu.memory_space<vmem_shared>>
    tpu.enqueue_indirect_dma source(%dma_start3A_35 : memref<10112x64xf32, #tpu.memory_space<vmem_shared>>) target(%arg8 : memref<128x64xf32, #tpu.memory_space<vmem>>) offsets(%dma_start3A_32 : memref<128xi32, #tpu.memory_space<vmem>>) semaphore(%arg12 : memref<!tpu.dma_semaphore, #tpu.memory_space<semaphore_mem>>)
    %dma_start3A_36 = arith.constant 1 : i32
    %dma_start3A_37 = arith.constant 0 : i32
    %dma_start3A_38 = tpu.memref_slice %arg6[%dma_start3A_36, %dma_start3A_37] : memref<80x128xi32, #tpu.memory_space<vmem>> -> memref<1x128xi32, #tpu.memory_space<vmem>>
    %dma_start3A_39 = tpu.memref_squeeze %dma_start3A_38 : memref<1x128xi32, #tpu.memory_space<vmem>> -> memref<128xi32, #tpu.memory_space<vmem>>
    %dma_start3A_40 = arith.constant 0 : i32
    %dma_start3A_41 = arith.constant 0 : i32
    %dma_start3A_42 = tpu.memref_slice %arg10[%dma_start3A_40, %dma_start3A_41] : memref<10112x64xf32, #tpu.memory_space<vmem_shared>> -> memref<10112x64xf32, #tpu.memory_space<vmem_shared>>
    tpu.enqueue_indirect_dma source(%dma_start3A_42 : memref<10112x64xf32, #tpu.memory_space<vmem_shared>>) target(%arg9 : memref<128x64xf32, #tpu.memory_space<vmem>>) offsets(%dma_start3A_39 : memref<128xi32, #tpu.memory_space<vmem>>) semaphore(%arg13 : memref<!tpu.dma_semaphore, #tpu.memory_space<semaphore_mem>>)
    %scan3A_43 = arith.constant 0 : i32
    %scan3A_44 = arith.constant 0 : i32
    %scan3A_45 = arith.constant 40 : i32
    %scan3A_46 = arith.addi %scan3A_44, %scan3A_45 : i32
    %scan3A_47 = arith.constant 1 : i32
    scf.for %scan3A_67 = %scan3A_44 to %scan3A_46 step %scan3A_47  : i32 {
      %mul3A_68 = arith.constant 2 : i32
      %mul3A_69 = arith.muli %mul3A_68, %scan3A_67 : i32
      %mul3A_70 = arith.constant 2 : i32
      %mul3A_71 = arith.muli %mul3A_70, %scan3A_67 : i32
      %add3A_72 = arith.constant 1 : i32
      %add3A_73 = arith.addi %mul3A_71, %add3A_72 : i32
      %add3A_74 = arith.constant 2 : i32
      %add3A_75 = arith.addi %mul3A_69, %add3A_74 : i32
      %min3A = arith.constant 79 : i32
      %min3A_76 = arith.minsi %add3A_75, %min3A : i32
      %add3A_77 = arith.constant 2 : i32
      %add3A_78 = arith.addi %add3A_73, %add3A_77 : i32
      %min3A_79 = arith.constant 79 : i32
      %min3A_80 = arith.minsi %add3A_78, %min3A_79 : i32
      %dma_wait3A_81 = arith.constant 0 : i32
      %dma_wait3A_82 = tpu.memref_slice %arg6[%mul3A_69, %dma_wait3A_81] : memref<80x128xi32, #tpu.memory_space<vmem>> -> memref<1x128xi32, #tpu.memory_space<vmem>>
      %dma_wait3A_83 = tpu.memref_squeeze %dma_wait3A_82 : memref<1x128xi32, #tpu.memory_space<vmem>> -> memref<128xi32, #tpu.memory_space<vmem>>
      %dma_wait3A_84 = arith.constant 0 : i32
      %dma_wait3A_85 = arith.constant 0 : i32
      %dma_wait3A_86 = tpu.memref_slice %arg10[%dma_wait3A_84, %dma_wait3A_85] : memref<10112x64xf32, #tpu.memory_space<vmem_shared>> -> memref<10112x64xf32, #tpu.memory_space<vmem_shared>>
      tpu.wait_indirect_dma semaphore(%arg12 : memref<!tpu.dma_semaphore, #tpu.memory_space<semaphore_mem>>) src(%dma_wait3A_86 : memref<10112x64xf32, #tpu.memory_space<vmem_shared>>) dst(%arg8 : memref<128x64xf32, #tpu.memory_space<vmem>>)
      "tpu.region"() ({
        %run_scoped3A = tpu.sem_alloc : memref<!tpu.dma_semaphore, #tpu.memory_space<semaphore_mem>>
        %dma_start3A_105 = arith.constant 0 : i32
        %dma_start3A_106 = tpu.memref_slice %arg7[%mul3A_69, %dma_start3A_105] : memref<80x128xi32, #tpu.memory_space<vmem>> -> memref<1x128xi32, #tpu.memory_space<vmem>>
        %dma_start3A_107 = tpu.memref_squeeze %dma_start3A_106 : memref<1x128xi32, #tpu.memory_space<vmem>> -> memref<128xi32, #tpu.memory_space<vmem>>
        %dma_start3A_108 = arith.constant 0 : i32
        %dma_start3A_109 = arith.constant 0 : i32
        %dma_start3A_110 = tpu.memref_slice %arg11[%dma_start3A_108, %dma_start3A_109] : memref<10112x64xf32, #tpu.memory_space<vmem_shared>> -> memref<10112x64xf32, #tpu.memory_space<vmem_shared>>
        tpu.enqueue_indirect_dma source(%arg8 : memref<128x64xf32, #tpu.memory_space<vmem>>) target(%dma_start3A_110 : memref<10112x64xf32, #tpu.memory_space<vmem_shared>>) offsets(%dma_start3A_107 : memref<128xi32, #tpu.memory_space<vmem>>) semaphore(%run_scoped3A : memref<!tpu.dma_semaphore, #tpu.memory_space<semaphore_mem>>) {add = true}
        %dma_wait3A_111 = arith.constant 0 : i32
        %dma_wait3A_112 = tpu.memref_slice %arg7[%mul3A_69, %dma_wait3A_111] : memref<80x128xi32, #tpu.memory_space<vmem>> -> memref<1x128xi32, #tpu.memory_space<vmem>>
        %dma_wait3A_113 = tpu.memref_squeeze %dma_wait3A_112 : memref<1x128xi32, #tpu.memory_space<vmem>> -> memref<128xi32, #tpu.memory_space<vmem>>
        %dma_wait3A_114 = arith.constant 0 : i32
        %dma_wait3A_115 = arith.constant 0 : i32
        %dma_wait3A_116 = tpu.memref_slice %arg11[%dma_wait3A_114, %dma_wait3A_115] : memref<10112x64xf32, #tpu.memory_space<vmem_shared>> -> memref<10112x64xf32, #tpu.memory_space<vmem_shared>>
        tpu.wait_indirect_dma semaphore(%run_scoped3A : memref<!tpu.dma_semaphore, #tpu.memory_space<semaphore_mem>>) src(%arg8 : memref<128x64xf32, #tpu.memory_space<vmem>>) dst(%dma_wait3A_116 : memref<10112x64xf32, #tpu.memory_space<vmem_shared>>)
        tpu.yield
      }) : () -> ()
      %dma_start3A_87 = arith.constant 0 : i32
      %dma_start3A_88 = tpu.memref_slice %arg6[%min3A_76, %dma_start3A_87] : memref<80x128xi32, #tpu.memory_space<vmem>> -> memref<1x128xi32, #tpu.memory_space<vmem>>
      %dma_start3A_89 = tpu.memref_squeeze %dma_start3A_88 : memref<1x128xi32, #tpu.memory_space<vmem>> -> memref<128xi32, #tpu.memory_space<vmem>>
      %dma_start3A_90 = arith.constant 0 : i32
      %dma_start3A_91 = arith.constant 0 : i32
      %dma_start3A_92 = tpu.memref_slice %arg10[%dma_start3A_90, %dma_start3A_91] : memref<10112x64xf32, #tpu.memory_space<vmem_shared>> -> memref<10112x64xf32, #tpu.memory_space<vmem_shared>>
      tpu.enqueue_indirect_dma source(%dma_start3A_92 : memref<10112x64xf32, #tpu.memory_space<vmem_shared>>) target(%arg8 : memref<128x64xf32, #tpu.memory_space<vmem>>) offsets(%dma_start3A_89 : memref<128xi32, #tpu.memory_space<vmem>>) semaphore(%arg12 : memref<!tpu.dma_semaphore, #tpu.memory_space<semaphore_mem>>)
      %dma_wait3A_93 = arith.constant 0 : i32
      %dma_wait3A_94 = tpu.memref_slice %arg6[%add3A_73, %dma_wait3A_93] : memref<80x128xi32, #tpu.memory_space<vmem>> -> memref<1x128xi32, #tpu.memory_space<vmem>>
      %dma_wait3A_95 = tpu.memref_squeeze %dma_wait3A_94 : memref<1x128xi32, #tpu.memory_space<vmem>> -> memref<128xi32, #tpu.memory_space<vmem>>
      %dma_wait3A_96 = arith.constant 0 : i32
      %dma_wait3A_97 = arith.constant 0 : i32
      %dma_wait3A_98 = tpu.memref_slice %arg10[%dma_wait3A_96, %dma_wait3A_97] : memref<10112x64xf32, #tpu.memory_space<vmem_shared>> -> memref<10112x64xf32, #tpu.memory_space<vmem_shared>>
      tpu.wait_indirect_dma semaphore(%arg13 : memref<!tpu.dma_semaphore, #tpu.memory_space<semaphore_mem>>) src(%dma_wait3A_98 : memref<10112x64xf32, #tpu.memory_space<vmem_shared>>) dst(%arg9 : memref<128x64xf32, #tpu.memory_space<vmem>>)
      "tpu.region"() ({
        %run_scoped3A = tpu.sem_alloc : memref<!tpu.dma_semaphore, #tpu.memory_space<semaphore_mem>>
        %dma_start3A_105 = arith.constant 0 : i32
        %dma_start3A_106 = tpu.memref_slice %arg7[%add3A_73, %dma_start3A_105] : memref<80x128xi32, #tpu.memory_space<vmem>> -> memref<1x128xi32, #tpu.memory_space<vmem>>
        %dma_start3A_107 = tpu.memref_squeeze %dma_start3A_106 : memref<1x128xi32, #tpu.memory_space<vmem>> -> memref<128xi32, #tpu.memory_space<vmem>>
        %dma_start3A_108 = arith.constant 0 : i32
        %dma_start3A_109 = arith.constant 0 : i32
        %dma_start3A_110 = tpu.memref_slice %arg11[%dma_start3A_108, %dma_start3A_109] : memref<10112x64xf32, #tpu.memory_space<vmem_shared>> -> memref<10112x64xf32, #tpu.memory_space<vmem_shared>>
        tpu.enqueue_indirect_dma source(%arg9 : memref<128x64xf32, #tpu.memory_space<vmem>>) target(%dma_start3A_110 : memref<10112x64xf32, #tpu.memory_space<vmem_shared>>) offsets(%dma_start3A_107 : memref<128xi32, #tpu.memory_space<vmem>>) semaphore(%run_scoped3A : memref<!tpu.dma_semaphore, #tpu.memory_space<semaphore_mem>>) {add = true}
        %dma_wait3A_111 = arith.constant 0 : i32
        %dma_wait3A_112 = tpu.memref_slice %arg7[%add3A_73, %dma_wait3A_111] : memref<80x128xi32, #tpu.memory_space<vmem>> -> memref<1x128xi32, #tpu.memory_space<vmem>>
        %dma_wait3A_113 = tpu.memref_squeeze %dma_wait3A_112 : memref<1x128xi32, #tpu.memory_space<vmem>> -> memref<128xi32, #tpu.memory_space<vmem>>
        %dma_wait3A_114 = arith.constant 0 : i32
        %dma_wait3A_115 = arith.constant 0 : i32
        %dma_wait3A_116 = tpu.memref_slice %arg11[%dma_wait3A_114, %dma_wait3A_115] : memref<10112x64xf32, #tpu.memory_space<vmem_shared>> -> memref<10112x64xf32, #tpu.memory_space<vmem_shared>>
        tpu.wait_indirect_dma semaphore(%run_scoped3A : memref<!tpu.dma_semaphore, #tpu.memory_space<semaphore_mem>>) src(%arg9 : memref<128x64xf32, #tpu.memory_space<vmem>>) dst(%dma_wait3A_116 : memref<10112x64xf32, #tpu.memory_space<vmem_shared>>)
        tpu.yield
      }) : () -> ()
      %dma_start3A_99 = arith.constant 0 : i32
      %dma_start3A_100 = tpu.memref_slice %arg6[%min3A_80, %dma_start3A_99] : memref<80x128xi32, #tpu.memory_space<vmem>> -> memref<1x128xi32, #tpu.memory_space<vmem>>
      %dma_start3A_101 = tpu.memref_squeeze %dma_start3A_100 : memref<1x128xi32, #tpu.memory_space<vmem>> -> memref<128xi32, #tpu.memory_space<vmem>>
      %dma_start3A_102 = arith.constant 0 : i32
      %dma_start3A_103 = arith.constant 0 : i32
      %dma_start3A_104 = tpu.memref_slice %arg10[%dma_start3A_102, %dma_start3A_103] : memref<10112x64xf32, #tpu.memory_space<vmem_shared>> -> memref<10112x64xf32, #tpu.memory_space<vmem_shared>>
      tpu.enqueue_indirect_dma source(%dma_start3A_104 : memref<10112x64xf32, #tpu.memory_space<vmem_shared>>) target(%arg9 : memref<128x64xf32, #tpu.memory_space<vmem>>) offsets(%dma_start3A_101 : memref<128xi32, #tpu.memory_space<vmem>>) semaphore(%arg13 : memref<!tpu.dma_semaphore, #tpu.memory_space<semaphore_mem>>)
    }
    %scan3A_48 = arith.constant 40 : i32
    %dma_wait3A = arith.constant 79 : i32
    %dma_wait3A_49 = arith.constant 0 : i32
    %dma_wait3A_50 = tpu.memref_slice %arg6[%dma_wait3A, %dma_wait3A_49] : memref<80x128xi32, #tpu.memory_space<vmem>> -> memref<1x128xi32, #tpu.memory_space<vmem>>
    %dma_wait3A_51 = tpu.memref_squeeze %dma_wait3A_50 : memref<1x128xi32, #tpu.memory_space<vmem>> -> memref<128xi32, #tpu.memory_space<vmem>>
    %dma_wait3A_52 = arith.constant 0 : i32
    %dma_wait3A_53 = arith.constant 0 : i32
    %dma_wait3A_54 = tpu.memref_slice %arg10[%dma_wait3A_52, %dma_wait3A_53] : memref<10112x64xf32, #tpu.memory_space<vmem_shared>> -> memref<10112x64xf32, #tpu.memory_space<vmem_shared>>
    tpu.wait_indirect_dma semaphore(%arg12 : memref<!tpu.dma_semaphore, #tpu.memory_space<semaphore_mem>>) src(%dma_wait3A_54 : memref<10112x64xf32, #tpu.memory_space<vmem_shared>>) dst(%arg8 : memref<128x64xf32, #tpu.memory_space<vmem>>)
    %dma_wait3A_55 = arith.constant 79 : i32
    %dma_wait3A_56 = arith.constant 0 : i32
    %dma_wait3A_57 = tpu.memref_slice %arg6[%dma_wait3A_55, %dma_wait3A_56] : memref<80x128xi32, #tpu.memory_space<vmem>> -> memref<1x128xi32, #tpu.memory_space<vmem>>
    %dma_wait3A_58 = tpu.memref_squeeze %dma_wait3A_57 : memref<1x128xi32, #tpu.memory_space<vmem>> -> memref<128xi32, #tpu.memory_space<vmem>>
    %dma_wait3A_59 = arith.constant 0 : i32
    %dma_wait3A_60 = arith.constant 0 : i32
    %dma_wait3A_61 = tpu.memref_slice %arg10[%dma_wait3A_59, %dma_wait3A_60] : memref<10112x64xf32, #tpu.memory_space<vmem_shared>> -> memref<10112x64xf32, #tpu.memory_space<vmem_shared>>
    tpu.wait_indirect_dma semaphore(%arg13 : memref<!tpu.dma_semaphore, #tpu.memory_space<semaphore_mem>>) src(%dma_wait3A_61 : memref<10112x64xf32, #tpu.memory_space<vmem_shared>>) dst(%arg9 : memref<128x64xf32, #tpu.memory_space<vmem>>)
    %barrier3A_62 = arith.constant 0 : index
    tpu.barrier barrier_id(%barrier3A_62)
    %mul3A_63 = arith.constant 632 : i32
    %mul3A_64 = arith.muli %arg1, %mul3A_63 : i32
    %mul3A_65 = arith.constant 632 : i32
    %mul3A_66 = arith.muli %arg1, %mul3A_65 : i32
    "tpu.region"() ({
      %run_scoped3A = tpu.sem_alloc : memref<!tpu.dma_semaphore, #tpu.memory_space<semaphore_mem>>
      %dma_start3A_67 = arith.constant 0 : i32
      %dma_start3A_68 = tpu.memref_slice %arg5[%arg0, %mul3A_66, %dma_start3A_67] : memref<2x10112x64xf32, #tpu.memory_space<hbm>> -> memref<1x632x64xf32, #tpu.memory_space<hbm>>
      %dma_start3A_69 = tpu.memref_squeeze %dma_start3A_68 : memref<1x632x64xf32, #tpu.memory_space<hbm>> -> memref<632x64xf32, #tpu.memory_space<hbm>>
      %dma_start3A_70 = arith.constant 0 : i32
      %dma_start3A_71 = tpu.memref_slice %arg11[%mul3A_64, %dma_start3A_70] : memref<10112x64xf32, #tpu.memory_space<vmem_shared>> -> memref<632x64xf32, #tpu.memory_space<vmem_shared>>
      tpu.enqueue_dma source(%dma_start3A_71 : memref<632x64xf32, #tpu.memory_space<vmem_shared>>) target(%dma_start3A_69 : memref<632x64xf32, #tpu.memory_space<hbm>>) target_semaphore(%run_scoped3A : memref<!tpu.dma_semaphore, #tpu.memory_space<semaphore_mem>>)
      %dma_wait3A_72 = arith.constant 0 : i32
      %dma_wait3A_73 = tpu.memref_slice %arg5[%arg0, %mul3A_66, %dma_wait3A_72] : memref<2x10112x64xf32, #tpu.memory_space<hbm>> -> memref<1x632x64xf32, #tpu.memory_space<hbm>>
      %dma_wait3A_74 = tpu.memref_squeeze %dma_wait3A_73 : memref<1x632x64xf32, #tpu.memory_space<hbm>> -> memref<632x64xf32, #tpu.memory_space<hbm>>
      %dma_wait3A_75 = arith.constant 0 : i32
      %dma_wait3A_76 = tpu.memref_slice %arg11[%mul3A_64, %dma_wait3A_75] : memref<10112x64xf32, #tpu.memory_space<vmem_shared>> -> memref<632x64xf32, #tpu.memory_space<vmem_shared>>
      tpu.wait_dma2 semaphore(%run_scoped3A : memref<!tpu.dma_semaphore, #tpu.memory_space<semaphore_mem>>) src(%dma_wait3A_76 : memref<632x64xf32, #tpu.memory_space<vmem_shared>>) dst(%dma_wait3A_74 : memref<632x64xf32, #tpu.memory_space<hbm>>)
      tpu.yield
    }) : () -> ()
    return
  }
}

#map = affine_map<(d0, d1) -> (0, 0)>
#map1 = affine_map<(d0, d1) -> (0, 0, 0)>
module attributes {stable_mosaic.version = 14 : i64} {
  func.func @_segsum64(%arg0: i32, %arg1: i32, %arg2: memref<10112x64xf32, #tpu.memory_space<hbm>>, %arg3: memref<32x80x128xi32, #tpu.memory_space<hbm>>, %arg4: memref<32x80x128xi32, #tpu.memory_space<hbm>>, %arg5: memref<2x10112x64xf32, #tpu.memory_space<hbm>>, %arg6: memref<80x128xi32, #tpu.memory_space<vmem>>, %arg7: memref<80x128xi32, #tpu.memory_space<vmem>>, %arg8: memref<128x64xf32, #tpu.memory_space<vmem>>, %arg9: memref<128x64xf32, #tpu.memory_space<vmem>>, %arg10: memref<10112x64xf32, #tpu.memory_space<vmem_shared>>, %arg11: memref<10112x64xf32, #tpu.memory_space<vmem_shared>>, %arg12: memref<!tpu.dma_semaphore, #tpu.memory_space<semaphore_mem>>, %arg13: memref<!tpu.dma_semaphore, #tpu.memory_space<semaphore_mem>>) attributes {dimension_semantics = [#tpu.dimension_semantics<core_parallel>, #tpu.dimension_semantics<subcore_parallel>], iteration_bounds = array<i64: 2, 16>, scalar_prefetch = 0 : i64, scratch_operands = 8 : i64, tpu.core_type = #tpu.core_type<sc_vector_subcore>, window_params = [{transform_indices = #map}, {transform_indices = #map1}, {transform_indices = #map1}, {transform_indices = #map1}]} {
    %mul3A = arith.constant 16 : i32
    %mul3A_0 = arith.muli %arg0, %mul3A : i32
    %add3A = arith.addi %mul3A_0, %arg1 : i32
    "tpu.region"() ({
      %run_scoped3A = tpu.sem_alloc : memref<!tpu.dma_semaphore, #tpu.memory_space<semaphore_mem>>
      %dma_start3A_67 = arith.constant 0 : i32
      %dma_start3A_68 = arith.constant 0 : i32
      %dma_start3A_69 = tpu.memref_slice %arg3[%add3A, %dma_start3A_67, %dma_start3A_68] : memref<32x80x128xi32, #tpu.memory_space<hbm>> -> memref<1x80x128xi32, #tpu.memory_space<hbm>>
      %dma_start3A_70 = tpu.memref_squeeze %dma_start3A_69 : memref<1x80x128xi32, #tpu.memory_space<hbm>> -> memref<80x128xi32, #tpu.memory_space<hbm>>
      %dma_start3A_71 = arith.constant 0 : i32
      %dma_start3A_72 = arith.constant 0 : i32
      %dma_start3A_73 = tpu.memref_slice %arg3[%add3A, %dma_start3A_71, %dma_start3A_72] : memref<32x80x128xi32, #tpu.memory_space<hbm>> -> memref<1x80x128xi32, #tpu.memory_space<hbm>>
      %dma_start3A_74 = tpu.memref_squeeze %dma_start3A_73 : memref<1x80x128xi32, #tpu.memory_space<hbm>> -> memref<80x128xi32, #tpu.memory_space<hbm>>
      tpu.enqueue_dma source(%dma_start3A_74 : memref<80x128xi32, #tpu.memory_space<hbm>>) target(%arg6 : memref<80x128xi32, #tpu.memory_space<vmem>>) target_semaphore(%run_scoped3A : memref<!tpu.dma_semaphore, #tpu.memory_space<semaphore_mem>>)
      %dma_wait3A_75 = arith.constant 0 : i32
      %dma_wait3A_76 = arith.constant 0 : i32
      %dma_wait3A_77 = tpu.memref_slice %arg3[%add3A, %dma_wait3A_75, %dma_wait3A_76] : memref<32x80x128xi32, #tpu.memory_space<hbm>> -> memref<1x80x128xi32, #tpu.memory_space<hbm>>
      %dma_wait3A_78 = tpu.memref_squeeze %dma_wait3A_77 : memref<1x80x128xi32, #tpu.memory_space<hbm>> -> memref<80x128xi32, #tpu.memory_space<hbm>>
      %dma_wait3A_79 = arith.constant 0 : i32
      %dma_wait3A_80 = arith.constant 0 : i32
      %dma_wait3A_81 = tpu.memref_slice %arg3[%add3A, %dma_wait3A_79, %dma_wait3A_80] : memref<32x80x128xi32, #tpu.memory_space<hbm>> -> memref<1x80x128xi32, #tpu.memory_space<hbm>>
      %dma_wait3A_82 = tpu.memref_squeeze %dma_wait3A_81 : memref<1x80x128xi32, #tpu.memory_space<hbm>> -> memref<80x128xi32, #tpu.memory_space<hbm>>
      tpu.wait_dma2 semaphore(%run_scoped3A : memref<!tpu.dma_semaphore, #tpu.memory_space<semaphore_mem>>) src(%dma_wait3A_82 : memref<80x128xi32, #tpu.memory_space<hbm>>) dst(%arg6 : memref<80x128xi32, #tpu.memory_space<vmem>>)
      tpu.yield
    }) : () -> ()
    "tpu.region"() ({
      %run_scoped3A = tpu.sem_alloc : memref<!tpu.dma_semaphore, #tpu.memory_space<semaphore_mem>>
      %dma_start3A_67 = arith.constant 0 : i32
      %dma_start3A_68 = arith.constant 0 : i32
      %dma_start3A_69 = tpu.memref_slice %arg4[%add3A, %dma_start3A_67, %dma_start3A_68] : memref<32x80x128xi32, #tpu.memory_space<hbm>> -> memref<1x80x128xi32, #tpu.memory_space<hbm>>
      %dma_start3A_70 = tpu.memref_squeeze %dma_start3A_69 : memref<1x80x128xi32, #tpu.memory_space<hbm>> -> memref<80x128xi32, #tpu.memory_space<hbm>>
      %dma_start3A_71 = arith.constant 0 : i32
      %dma_start3A_72 = arith.constant 0 : i32
      %dma_start3A_73 = tpu.memref_slice %arg4[%add3A, %dma_start3A_71, %dma_start3A_72] : memref<32x80x128xi32, #tpu.memory_space<hbm>> -> memref<1x80x128xi32, #tpu.memory_space<hbm>>
      %dma_start3A_74 = tpu.memref_squeeze %dma_start3A_73 : memref<1x80x128xi32, #tpu.memory_space<hbm>> -> memref<80x128xi32, #tpu.memory_space<hbm>>
      tpu.enqueue_dma source(%dma_start3A_74 : memref<80x128xi32, #tpu.memory_space<hbm>>) target(%arg7 : memref<80x128xi32, #tpu.memory_space<vmem>>) target_semaphore(%run_scoped3A : memref<!tpu.dma_semaphore, #tpu.memory_space<semaphore_mem>>)
      %dma_wait3A_75 = arith.constant 0 : i32
      %dma_wait3A_76 = arith.constant 0 : i32
      %dma_wait3A_77 = tpu.memref_slice %arg4[%add3A, %dma_wait3A_75, %dma_wait3A_76] : memref<32x80x128xi32, #tpu.memory_space<hbm>> -> memref<1x80x128xi32, #tpu.memory_space<hbm>>
      %dma_wait3A_78 = tpu.memref_squeeze %dma_wait3A_77 : memref<1x80x128xi32, #tpu.memory_space<hbm>> -> memref<80x128xi32, #tpu.memory_space<hbm>>
      %dma_wait3A_79 = arith.constant 0 : i32
      %dma_wait3A_80 = arith.constant 0 : i32
      %dma_wait3A_81 = tpu.memref_slice %arg4[%add3A, %dma_wait3A_79, %dma_wait3A_80] : memref<32x80x128xi32, #tpu.memory_space<hbm>> -> memref<1x80x128xi32, #tpu.memory_space<hbm>>
      %dma_wait3A_82 = tpu.memref_squeeze %dma_wait3A_81 : memref<1x80x128xi32, #tpu.memory_space<hbm>> -> memref<80x128xi32, #tpu.memory_space<hbm>>
      tpu.wait_dma2 semaphore(%run_scoped3A : memref<!tpu.dma_semaphore, #tpu.memory_space<semaphore_mem>>) src(%dma_wait3A_82 : memref<80x128xi32, #tpu.memory_space<hbm>>) dst(%arg7 : memref<80x128xi32, #tpu.memory_space<vmem>>)
      tpu.yield
    }) : () -> ()
    %mul3A_1 = arith.constant 632 : i32
    %mul3A_2 = arith.muli %arg1, %mul3A_1 : i32
    %mul3A_3 = arith.constant 632 : i32
    %mul3A_4 = arith.muli %arg1, %mul3A_3 : i32
    "tpu.region"() ({
      %run_scoped3A = tpu.sem_alloc : memref<!tpu.dma_semaphore, #tpu.memory_space<semaphore_mem>>
      %dma_start3A_67 = arith.constant 0 : i32
      %dma_start3A_68 = tpu.memref_slice %arg10[%mul3A_4, %dma_start3A_67] : memref<10112x64xf32, #tpu.memory_space<vmem_shared>> -> memref<632x64xf32, #tpu.memory_space<vmem_shared>>
      %dma_start3A_69 = arith.constant 0 : i32
      %dma_start3A_70 = tpu.memref_slice %arg2[%mul3A_2, %dma_start3A_69] : memref<10112x64xf32, #tpu.memory_space<hbm>> -> memref<632x64xf32, #tpu.memory_space<hbm>>
      tpu.enqueue_dma source(%dma_start3A_70 : memref<632x64xf32, #tpu.memory_space<hbm>>) target(%dma_start3A_68 : memref<632x64xf32, #tpu.memory_space<vmem_shared>>) target_semaphore(%run_scoped3A : memref<!tpu.dma_semaphore, #tpu.memory_space<semaphore_mem>>)
      %dma_wait3A_71 = arith.constant 0 : i32
      %dma_wait3A_72 = tpu.memref_slice %arg10[%mul3A_4, %dma_wait3A_71] : memref<10112x64xf32, #tpu.memory_space<vmem_shared>> -> memref<632x64xf32, #tpu.memory_space<vmem_shared>>
      %dma_wait3A_73 = arith.constant 0 : i32
      %dma_wait3A_74 = tpu.memref_slice %arg2[%mul3A_2, %dma_wait3A_73] : memref<10112x64xf32, #tpu.memory_space<hbm>> -> memref<632x64xf32, #tpu.memory_space<hbm>>
      tpu.wait_dma2 semaphore(%run_scoped3A : memref<!tpu.dma_semaphore, #tpu.memory_space<semaphore_mem>>) src(%dma_wait3A_74 : memref<632x64xf32, #tpu.memory_space<hbm>>) dst(%dma_wait3A_72 : memref<632x64xf32, #tpu.memory_space<vmem_shared>>)
      tpu.yield
    }) : () -> ()
    %scan3A = arith.constant 0 : i32
    %scan3A_5 = arith.constant 0 : i32
    %scan3A_6 = arith.constant 128 : i32
    %scan3A_7 = arith.addi %scan3A_5, %scan3A_6 : i32
    %scan3A_8 = arith.constant 1 : i32
    scf.for %scan3A_67 = %scan3A_5 to %scan3A_7 step %scan3A_8  : i32 {
      %broadcast_in_dim3A = arith.constant 0.000000e+00 : f32
      %broadcast_in_dim3A_68 = vector.broadcast %broadcast_in_dim3A : f32 to vector<16xf32>
      %swap3A = arith.index_cast %scan3A_67 : i32 to index
      %swap3A_69 = arith.constant 0 : index
      %swap3A_70 = tpu.vector_load %arg8[%swap3A, %swap3A_69] {strides = array<i32>} : memref<128x64xf32, #tpu.memory_space<vmem>>, vector<1x16xf32>,
      %swap3A_71 = vector.shape_cast %swap3A_70 : vector<1x16xf32> to vector<16xf32>
      %swap3A_72 = vector.shape_cast %broadcast_in_dim3A_68 : vector<16xf32> to vector<1x16xf32>
      tpu.vector_store %arg8[%swap3A, %swap3A_69], %swap3A_72 {strides = array<i32>} : memref<128x64xf32, #tpu.memory_space<vmem>>, vector<1x16xf32>,
      %broadcast_in_dim3A_73 = arith.constant 0.000000e+00 : f32
      %broadcast_in_dim3A_74 = vector.broadcast %broadcast_in_dim3A_73 : f32 to vector<16xf32>
      %swap3A_75 = arith.index_cast %scan3A_67 : i32 to index
      %swap3A_76 = arith.constant 16 : index
      %swap3A_77 = tpu.vector_load %arg8[%swap3A_75, %swap3A_76] {strides = array<i32>} : memref<128x64xf32, #tpu.memory_space<vmem>>, vector<1x16xf32>,
      %swap3A_78 = vector.shape_cast %swap3A_77 : vector<1x16xf32> to vector<16xf32>
      %swap3A_79 = vector.shape_cast %broadcast_in_dim3A_74 : vector<16xf32> to vector<1x16xf32>
      tpu.vector_store %arg8[%swap3A_75, %swap3A_76], %swap3A_79 {strides = array<i32>} : memref<128x64xf32, #tpu.memory_space<vmem>>, vector<1x16xf32>,
      %broadcast_in_dim3A_80 = arith.constant 0.000000e+00 : f32
      %broadcast_in_dim3A_81 = vector.broadcast %broadcast_in_dim3A_80 : f32 to vector<16xf32>
      %swap3A_82 = arith.index_cast %scan3A_67 : i32 to index
      %swap3A_83 = arith.constant 32 : index
      %swap3A_84 = tpu.vector_load %arg8[%swap3A_82, %swap3A_83] {strides = array<i32>} : memref<128x64xf32, #tpu.memory_space<vmem>>, vector<1x16xf32>,
      %swap3A_85 = vector.shape_cast %swap3A_84 : vector<1x16xf32> to vector<16xf32>
      %swap3A_86 = vector.shape_cast %broadcast_in_dim3A_81 : vector<16xf32> to vector<1x16xf32>
      tpu.vector_store %arg8[%swap3A_82, %swap3A_83], %swap3A_86 {strides = array<i32>} : memref<128x64xf32, #tpu.memory_space<vmem>>, vector<1x16xf32>,
      %broadcast_in_dim3A_87 = arith.constant 0.000000e+00 : f32
      %broadcast_in_dim3A_88 = vector.broadcast %broadcast_in_dim3A_87 : f32 to vector<16xf32>
      %swap3A_89 = arith.index_cast %scan3A_67 : i32 to index
      %swap3A_90 = arith.constant 48 : index
      %swap3A_91 = tpu.vector_load %arg8[%swap3A_89, %swap3A_90] {strides = array<i32>} : memref<128x64xf32, #tpu.memory_space<vmem>>, vector<1x16xf32>,
      %swap3A_92 = vector.shape_cast %swap3A_91 : vector<1x16xf32> to vector<16xf32>
      %swap3A_93 = vector.shape_cast %broadcast_in_dim3A_88 : vector<16xf32> to vector<1x16xf32>
      tpu.vector_store %arg8[%swap3A_89, %swap3A_90], %swap3A_93 {strides = array<i32>} : memref<128x64xf32, #tpu.memory_space<vmem>>, vector<1x16xf32>,
    }
    %scan3A_9 = arith.constant 128 : i32
    %mul3A_10 = arith.constant 632 : i32
    %mul3A_11 = arith.muli %arg1, %mul3A_10 : i32
    %add3A_12 = arith.constant 0 : i32
    %add3A_13 = arith.addi %mul3A_11, %add3A_12 : i32
    "tpu.region"() ({
      %run_scoped3A = tpu.sem_alloc : memref<!tpu.dma_semaphore, #tpu.memory_space<semaphore_mem>>
      %dma_start3A_67 = arith.constant 0 : i32
      %dma_start3A_68 = tpu.memref_slice %arg11[%add3A_13, %dma_start3A_67] : memref<10112x64xf32, #tpu.memory_space<vmem_shared>> -> memref<128x64xf32, #tpu.memory_space<vmem_shared>>
      %dma_start3A_69 = arith.constant 0 : i32
      %dma_start3A_70 = tpu.memref_slice %arg11[%add3A_13, %dma_start3A_69] : memref<10112x64xf32, #tpu.memory_space<vmem_shared>> -> memref<128x64xf32, #tpu.memory_space<vmem_shared>>
      tpu.enqueue_dma source(%arg8 : memref<128x64xf32, #tpu.memory_space<vmem>>) target(%dma_start3A_70 : memref<128x64xf32, #tpu.memory_space<vmem_shared>>) target_semaphore(%run_scoped3A : memref<!tpu.dma_semaphore, #tpu.memory_space<semaphore_mem>>)
      %dma_wait3A_71 = arith.constant 0 : i32
      %dma_wait3A_72 = tpu.memref_slice %arg11[%add3A_13, %dma_wait3A_71] : memref<10112x64xf32, #tpu.memory_space<vmem_shared>> -> memref<128x64xf32, #tpu.memory_space<vmem_shared>>
      %dma_wait3A_73 = arith.constant 0 : i32
      %dma_wait3A_74 = tpu.memref_slice %arg11[%add3A_13, %dma_wait3A_73] : memref<10112x64xf32, #tpu.memory_space<vmem_shared>> -> memref<128x64xf32, #tpu.memory_space<vmem_shared>>
      tpu.wait_dma2 semaphore(%run_scoped3A : memref<!tpu.dma_semaphore, #tpu.memory_space<semaphore_mem>>) src(%arg8 : memref<128x64xf32, #tpu.memory_space<vmem>>) dst(%dma_wait3A_74 : memref<128x64xf32, #tpu.memory_space<vmem_shared>>)
      tpu.yield
    }) : () -> ()
    %mul3A_14 = arith.constant 632 : i32
    %mul3A_15 = arith.muli %arg1, %mul3A_14 : i32
    %add3A_16 = arith.constant 128 : i32
    %add3A_17 = arith.addi %mul3A_15, %add3A_16 : i32
    "tpu.region"() ({
      %run_scoped3A = tpu.sem_alloc : memref<!tpu.dma_semaphore, #tpu.memory_space<semaphore_mem>>
      %dma_start3A_67 = arith.constant 0 : i32
      %dma_start3A_68 = tpu.memref_slice %arg11[%add3A_17, %dma_start3A_67] : memref<10112x64xf32, #tpu.memory_space<vmem_shared>> -> memref<128x64xf32, #tpu.memory_space<vmem_shared>>
      %dma_start3A_69 = arith.constant 0 : i32
      %dma_start3A_70 = tpu.memref_slice %arg11[%add3A_17, %dma_start3A_69] : memref<10112x64xf32, #tpu.memory_space<vmem_shared>> -> memref<128x64xf32, #tpu.memory_space<vmem_shared>>
      tpu.enqueue_dma source(%arg8 : memref<128x64xf32, #tpu.memory_space<vmem>>) target(%dma_start3A_70 : memref<128x64xf32, #tpu.memory_space<vmem_shared>>) target_semaphore(%run_scoped3A : memref<!tpu.dma_semaphore, #tpu.memory_space<semaphore_mem>>)
      %dma_wait3A_71 = arith.constant 0 : i32
      %dma_wait3A_72 = tpu.memref_slice %arg11[%add3A_17, %dma_wait3A_71] : memref<10112x64xf32, #tpu.memory_space<vmem_shared>> -> memref<128x64xf32, #tpu.memory_space<vmem_shared>>
      %dma_wait3A_73 = arith.constant 0 : i32
      %dma_wait3A_74 = tpu.memref_slice %arg11[%add3A_17, %dma_wait3A_73] : memref<10112x64xf32, #tpu.memory_space<vmem_shared>> -> memref<128x64xf32, #tpu.memory_space<vmem_shared>>
      tpu.wait_dma2 semaphore(%run_scoped3A : memref<!tpu.dma_semaphore, #tpu.memory_space<semaphore_mem>>) src(%arg8 : memref<128x64xf32, #tpu.memory_space<vmem>>) dst(%dma_wait3A_74 : memref<128x64xf32, #tpu.memory_space<vmem_shared>>)
      tpu.yield
    }) : () -> ()
    %mul3A_18 = arith.constant 632 : i32
    %mul3A_19 = arith.muli %arg1, %mul3A_18 : i32
    %add3A_20 = arith.constant 256 : i32
    %add3A_21 = arith.addi %mul3A_19, %add3A_20 : i32
    "tpu.region"() ({
      %run_scoped3A = tpu.sem_alloc : memref<!tpu.dma_semaphore, #tpu.memory_space<semaphore_mem>>
      %dma_start3A_67 = arith.constant 0 : i32
      %dma_start3A_68 = tpu.memref_slice %arg11[%add3A_21, %dma_start3A_67] : memref<10112x64xf32, #tpu.memory_space<vmem_shared>> -> memref<128x64xf32, #tpu.memory_space<vmem_shared>>
      %dma_start3A_69 = arith.constant 0 : i32
      %dma_start3A_70 = tpu.memref_slice %arg11[%add3A_21, %dma_start3A_69] : memref<10112x64xf32, #tpu.memory_space<vmem_shared>> -> memref<128x64xf32, #tpu.memory_space<vmem_shared>>
      tpu.enqueue_dma source(%arg8 : memref<128x64xf32, #tpu.memory_space<vmem>>) target(%dma_start3A_70 : memref<128x64xf32, #tpu.memory_space<vmem_shared>>) target_semaphore(%run_scoped3A : memref<!tpu.dma_semaphore, #tpu.memory_space<semaphore_mem>>)
      %dma_wait3A_71 = arith.constant 0 : i32
      %dma_wait3A_72 = tpu.memref_slice %arg11[%add3A_21, %dma_wait3A_71] : memref<10112x64xf32, #tpu.memory_space<vmem_shared>> -> memref<128x64xf32, #tpu.memory_space<vmem_shared>>
      %dma_wait3A_73 = arith.constant 0 : i32
      %dma_wait3A_74 = tpu.memref_slice %arg11[%add3A_21, %dma_wait3A_73] : memref<10112x64xf32, #tpu.memory_space<vmem_shared>> -> memref<128x64xf32, #tpu.memory_space<vmem_shared>>
      tpu.wait_dma2 semaphore(%run_scoped3A : memref<!tpu.dma_semaphore, #tpu.memory_space<semaphore_mem>>) src(%arg8 : memref<128x64xf32, #tpu.memory_space<vmem>>) dst(%dma_wait3A_74 : memref<128x64xf32, #tpu.memory_space<vmem_shared>>)
      tpu.yield
    }) : () -> ()
    %mul3A_22 = arith.constant 632 : i32
    %mul3A_23 = arith.muli %arg1, %mul3A_22 : i32
    %add3A_24 = arith.constant 384 : i32
    %add3A_25 = arith.addi %mul3A_23, %add3A_24 : i32
    "tpu.region"() ({
      %run_scoped3A = tpu.sem_alloc : memref<!tpu.dma_semaphore, #tpu.memory_space<semaphore_mem>>
      %dma_start3A_67 = arith.constant 0 : i32
      %dma_start3A_68 = tpu.memref_slice %arg11[%add3A_25, %dma_start3A_67] : memref<10112x64xf32, #tpu.memory_space<vmem_shared>> -> memref<128x64xf32, #tpu.memory_space<vmem_shared>>
      %dma_start3A_69 = arith.constant 0 : i32
      %dma_start3A_70 = tpu.memref_slice %arg11[%add3A_25, %dma_start3A_69] : memref<10112x64xf32, #tpu.memory_space<vmem_shared>> -> memref<128x64xf32, #tpu.memory_space<vmem_shared>>
      tpu.enqueue_dma source(%arg8 : memref<128x64xf32, #tpu.memory_space<vmem>>) target(%dma_start3A_70 : memref<128x64xf32, #tpu.memory_space<vmem_shared>>) target_semaphore(%run_scoped3A : memref<!tpu.dma_semaphore, #tpu.memory_space<semaphore_mem>>)
      %dma_wait3A_71 = arith.constant 0 : i32
      %dma_wait3A_72 = tpu.memref_slice %arg11[%add3A_25, %dma_wait3A_71] : memref<10112x64xf32, #tpu.memory_space<vmem_shared>> -> memref<128x64xf32, #tpu.memory_space<vmem_shared>>
      %dma_wait3A_73 = arith.constant 0 : i32
      %dma_wait3A_74 = tpu.memref_slice %arg11[%add3A_25, %dma_wait3A_73] : memref<10112x64xf32, #tpu.memory_space<vmem_shared>> -> memref<128x64xf32, #tpu.memory_space<vmem_shared>>
      tpu.wait_dma2 semaphore(%run_scoped3A : memref<!tpu.dma_semaphore, #tpu.memory_space<semaphore_mem>>) src(%arg8 : memref<128x64xf32, #tpu.memory_space<vmem>>) dst(%dma_wait3A_74 : memref<128x64xf32, #tpu.memory_space<vmem_shared>>)
      tpu.yield
    }) : () -> ()
    %mul3A_26 = arith.constant 632 : i32
    %mul3A_27 = arith.muli %arg1, %mul3A_26 : i32
    %add3A_28 = arith.constant 512 : i32
    %add3A_29 = arith.addi %mul3A_27, %add3A_28 : i32
    "tpu.region"() ({
      %run_scoped3A = tpu.sem_alloc : memref<!tpu.dma_semaphore, #tpu.memory_space<semaphore_mem>>
      %dma_start3A_67 = arith.constant 0 : i32
      %dma_start3A_68 = arith.constant 0 : i32
      %dma_start3A_69 = tpu.memref_slice %arg8[%dma_start3A_67, %dma_start3A_68] : memref<128x64xf32, #tpu.memory_space<vmem>> -> memref<120x64xf32, #tpu.memory_space<vmem>>
      %dma_start3A_70 = arith.constant 0 : i32
      %dma_start3A_71 = tpu.memref_slice %arg11[%add3A_29, %dma_start3A_70] : memref<10112x64xf32, #tpu.memory_space<vmem_shared>> -> memref<120x64xf32, #tpu.memory_space<vmem_shared>>
      %dma_start3A_72 = arith.constant 0 : i32
      %dma_start3A_73 = tpu.memref_slice %arg11[%add3A_29, %dma_start3A_72] : memref<10112x64xf32, #tpu.memory_space<vmem_shared>> -> memref<120x64xf32, #tpu.memory_space<vmem_shared>>
      %dma_start3A_74 = arith.constant 0 : i32
      %dma_start3A_75 = arith.constant 0 : i32
      %dma_start3A_76 = tpu.memref_slice %arg8[%dma_start3A_74, %dma_start3A_75] : memref<128x64xf32, #tpu.memory_space<vmem>> -> memref<120x64xf32, #tpu.memory_space<vmem>>
      tpu.enqueue_dma source(%dma_start3A_76 : memref<120x64xf32, #tpu.memory_space<vmem>>) target(%dma_start3A_73 : memref<120x64xf32, #tpu.memory_space<vmem_shared>>) target_semaphore(%run_scoped3A : memref<!tpu.dma_semaphore, #tpu.memory_space<semaphore_mem>>)
      %dma_wait3A_77 = arith.constant 0 : i32
      %dma_wait3A_78 = arith.constant 0 : i32
      %dma_wait3A_79 = tpu.memref_slice %arg8[%dma_wait3A_77, %dma_wait3A_78] : memref<128x64xf32, #tpu.memory_space<vmem>> -> memref<120x64xf32, #tpu.memory_space<vmem>>
      %dma_wait3A_80 = arith.constant 0 : i32
      %dma_wait3A_81 = tpu.memref_slice %arg11[%add3A_29, %dma_wait3A_80] : memref<10112x64xf32, #tpu.memory_space<vmem_shared>> -> memref<120x64xf32, #tpu.memory_space<vmem_shared>>
      %dma_wait3A_82 = arith.constant 0 : i32
      %dma_wait3A_83 = tpu.memref_slice %arg11[%add3A_29, %dma_wait3A_82] : memref<10112x64xf32, #tpu.memory_space<vmem_shared>> -> memref<120x64xf32, #tpu.memory_space<vmem_shared>>
      %dma_wait3A_84 = arith.constant 0 : i32
      %dma_wait3A_85 = arith.constant 0 : i32
      %dma_wait3A_86 = tpu.memref_slice %arg8[%dma_wait3A_84, %dma_wait3A_85] : memref<128x64xf32, #tpu.memory_space<vmem>> -> memref<120x64xf32, #tpu.memory_space<vmem>>
      tpu.wait_dma2 semaphore(%run_scoped3A : memref<!tpu.dma_semaphore, #tpu.memory_space<semaphore_mem>>) src(%dma_wait3A_86 : memref<120x64xf32, #tpu.memory_space<vmem>>) dst(%dma_wait3A_83 : memref<120x64xf32, #tpu.memory_space<vmem_shared>>)
      tpu.yield
    }) : () -> ()
    %barrier3A = arith.constant 0 : index
    tpu.barrier barrier_id(%barrier3A)
    %dma_start3A = arith.constant 0 : i32
    %dma_start3A_30 = arith.constant 0 : i32
    %dma_start3A_31 = tpu.memref_slice %arg6[%dma_start3A, %dma_start3A_30] : memref<80x128xi32, #tpu.memory_space<vmem>> -> memref<1x128xi32, #tpu.memory_space<vmem>>
    %dma_start3A_32 = tpu.memref_squeeze %dma_start3A_31 : memref<1x128xi32, #tpu.memory_space<vmem>> -> memref<128xi32, #tpu.memory_space<vmem>>
    %dma_start3A_33 = arith.constant 0 : i32
    %dma_start3A_34 = arith.constant 0 : i32
    %dma_start3A_35 = tpu.memref_slice %arg10[%dma_start3A_33, %dma_start3A_34] : memref<10112x64xf32, #tpu.memory_space<vmem_shared>> -> memref<10112x64xf32, #tpu.memory_space<vmem_shared>>
    tpu.enqueue_indirect_dma source(%dma_start3A_35 : memref<10112x64xf32, #tpu.memory_space<vmem_shared>>) target(%arg8 : memref<128x64xf32, #tpu.memory_space<vmem>>) offsets(%dma_start3A_32 : memref<128xi32, #tpu.memory_space<vmem>>) semaphore(%arg12 : memref<!tpu.dma_semaphore, #tpu.memory_space<semaphore_mem>>)
    %dma_start3A_36 = arith.constant 1 : i32
    %dma_start3A_37 = arith.constant 0 : i32
    %dma_start3A_38 = tpu.memref_slice %arg6[%dma_start3A_36, %dma_start3A_37] : memref<80x128xi32, #tpu.memory_space<vmem>> -> memref<1x128xi32, #tpu.memory_space<vmem>>
    %dma_start3A_39 = tpu.memref_squeeze %dma_start3A_38 : memref<1x128xi32, #tpu.memory_space<vmem>> -> memref<128xi32, #tpu.memory_space<vmem>>
    %dma_start3A_40 = arith.constant 0 : i32
    %dma_start3A_41 = arith.constant 0 : i32
    %dma_start3A_42 = tpu.memref_slice %arg10[%dma_start3A_40, %dma_start3A_41] : memref<10112x64xf32, #tpu.memory_space<vmem_shared>> -> memref<10112x64xf32, #tpu.memory_space<vmem_shared>>
    tpu.enqueue_indirect_dma source(%dma_start3A_42 : memref<10112x64xf32, #tpu.memory_space<vmem_shared>>) target(%arg9 : memref<128x64xf32, #tpu.memory_space<vmem>>) offsets(%dma_start3A_39 : memref<128xi32, #tpu.memory_space<vmem>>) semaphore(%arg13 : memref<!tpu.dma_semaphore, #tpu.memory_space<semaphore_mem>>)
    %scan3A_43 = arith.constant 0 : i32
    %scan3A_44 = arith.constant 0 : i32
    %scan3A_45 = arith.constant 40 : i32
    %scan3A_46 = arith.addi %scan3A_44, %scan3A_45 : i32
    %scan3A_47 = arith.constant 1 : i32
    scf.for %scan3A_67 = %scan3A_44 to %scan3A_46 step %scan3A_47  : i32 {
      %mul3A_68 = arith.constant 2 : i32
      %mul3A_69 = arith.muli %mul3A_68, %scan3A_67 : i32
      %mul3A_70 = arith.constant 2 : i32
      %mul3A_71 = arith.muli %mul3A_70, %scan3A_67 : i32
      %add3A_72 = arith.constant 1 : i32
      %add3A_73 = arith.addi %mul3A_71, %add3A_72 : i32
      %add3A_74 = arith.constant 2 : i32
      %add3A_75 = arith.addi %mul3A_69, %add3A_74 : i32
      %min3A = arith.constant 79 : i32
      %min3A_76 = arith.minsi %add3A_75, %min3A : i32
      %add3A_77 = arith.constant 2 : i32
      %add3A_78 = arith.addi %add3A_73, %add3A_77 : i32
      %min3A_79 = arith.constant 79 : i32
      %min3A_80 = arith.minsi %add3A_78, %min3A_79 : i32
      %dma_wait3A_81 = arith.constant 0 : i32
      %dma_wait3A_82 = tpu.memref_slice %arg6[%mul3A_69, %dma_wait3A_81] : memref<80x128xi32, #tpu.memory_space<vmem>> -> memref<1x128xi32, #tpu.memory_space<vmem>>
      %dma_wait3A_83 = tpu.memref_squeeze %dma_wait3A_82 : memref<1x128xi32, #tpu.memory_space<vmem>> -> memref<128xi32, #tpu.memory_space<vmem>>
      %dma_wait3A_84 = arith.constant 0 : i32
      %dma_wait3A_85 = arith.constant 0 : i32
      %dma_wait3A_86 = tpu.memref_slice %arg10[%dma_wait3A_84, %dma_wait3A_85] : memref<10112x64xf32, #tpu.memory_space<vmem_shared>> -> memref<10112x64xf32, #tpu.memory_space<vmem_shared>>
      tpu.wait_indirect_dma semaphore(%arg12 : memref<!tpu.dma_semaphore, #tpu.memory_space<semaphore_mem>>) src(%dma_wait3A_86 : memref<10112x64xf32, #tpu.memory_space<vmem_shared>>) dst(%arg8 : memref<128x64xf32, #tpu.memory_space<vmem>>)
      "tpu.region"() ({
        %run_scoped3A = tpu.sem_alloc : memref<!tpu.dma_semaphore, #tpu.memory_space<semaphore_mem>>
        %dma_start3A_105 = arith.constant 0 : i32
        %dma_start3A_106 = tpu.memref_slice %arg7[%mul3A_69, %dma_start3A_105] : memref<80x128xi32, #tpu.memory_space<vmem>> -> memref<1x128xi32, #tpu.memory_space<vmem>>
        %dma_start3A_107 = tpu.memref_squeeze %dma_start3A_106 : memref<1x128xi32, #tpu.memory_space<vmem>> -> memref<128xi32, #tpu.memory_space<vmem>>
        %dma_start3A_108 = arith.constant 0 : i32
        %dma_start3A_109 = arith.constant 0 : i32
        %dma_start3A_110 = tpu.memref_slice %arg11[%dma_start3A_108, %dma_start3A_109] : memref<10112x64xf32, #tpu.memory_space<vmem_shared>> -> memref<10112x64xf32, #tpu.memory_space<vmem_shared>>
        tpu.enqueue_indirect_dma source(%arg8 : memref<128x64xf32, #tpu.memory_space<vmem>>) target(%dma_start3A_110 : memref<10112x64xf32, #tpu.memory_space<vmem_shared>>) offsets(%dma_start3A_107 : memref<128xi32, #tpu.memory_space<vmem>>) semaphore(%run_scoped3A : memref<!tpu.dma_semaphore, #tpu.memory_space<semaphore_mem>>) {add = true}
        %dma_wait3A_111 = arith.constant 0 : i32
        %dma_wait3A_112 = tpu.memref_slice %arg7[%mul3A_69, %dma_wait3A_111] : memref<80x128xi32, #tpu.memory_space<vmem>> -> memref<1x128xi32, #tpu.memory_space<vmem>>
        %dma_wait3A_113 = tpu.memref_squeeze %dma_wait3A_112 : memref<1x128xi32, #tpu.memory_space<vmem>> -> memref<128xi32, #tpu.memory_space<vmem>>
        %dma_wait3A_114 = arith.constant 0 : i32
        %dma_wait3A_115 = arith.constant 0 : i32
        %dma_wait3A_116 = tpu.memref_slice %arg11[%dma_wait3A_114, %dma_wait3A_115] : memref<10112x64xf32, #tpu.memory_space<vmem_shared>> -> memref<10112x64xf32, #tpu.memory_space<vmem_shared>>
        tpu.wait_indirect_dma semaphore(%run_scoped3A : memref<!tpu.dma_semaphore, #tpu.memory_space<semaphore_mem>>) src(%arg8 : memref<128x64xf32, #tpu.memory_space<vmem>>) dst(%dma_wait3A_116 : memref<10112x64xf32, #tpu.memory_space<vmem_shared>>)
        tpu.yield
      }) : () -> ()
      %dma_start3A_87 = arith.constant 0 : i32
      %dma_start3A_88 = tpu.memref_slice %arg6[%min3A_76, %dma_start3A_87] : memref<80x128xi32, #tpu.memory_space<vmem>> -> memref<1x128xi32, #tpu.memory_space<vmem>>
      %dma_start3A_89 = tpu.memref_squeeze %dma_start3A_88 : memref<1x128xi32, #tpu.memory_space<vmem>> -> memref<128xi32, #tpu.memory_space<vmem>>
      %dma_start3A_90 = arith.constant 0 : i32
      %dma_start3A_91 = arith.constant 0 : i32
      %dma_start3A_92 = tpu.memref_slice %arg10[%dma_start3A_90, %dma_start3A_91] : memref<10112x64xf32, #tpu.memory_space<vmem_shared>> -> memref<10112x64xf32, #tpu.memory_space<vmem_shared>>
      tpu.enqueue_indirect_dma source(%dma_start3A_92 : memref<10112x64xf32, #tpu.memory_space<vmem_shared>>) target(%arg8 : memref<128x64xf32, #tpu.memory_space<vmem>>) offsets(%dma_start3A_89 : memref<128xi32, #tpu.memory_space<vmem>>) semaphore(%arg12 : memref<!tpu.dma_semaphore, #tpu.memory_space<semaphore_mem>>)
      %dma_wait3A_93 = arith.constant 0 : i32
      %dma_wait3A_94 = tpu.memref_slice %arg6[%add3A_73, %dma_wait3A_93] : memref<80x128xi32, #tpu.memory_space<vmem>> -> memref<1x128xi32, #tpu.memory_space<vmem>>
      %dma_wait3A_95 = tpu.memref_squeeze %dma_wait3A_94 : memref<1x128xi32, #tpu.memory_space<vmem>> -> memref<128xi32, #tpu.memory_space<vmem>>
      %dma_wait3A_96 = arith.constant 0 : i32
      %dma_wait3A_97 = arith.constant 0 : i32
      %dma_wait3A_98 = tpu.memref_slice %arg10[%dma_wait3A_96, %dma_wait3A_97] : memref<10112x64xf32, #tpu.memory_space<vmem_shared>> -> memref<10112x64xf32, #tpu.memory_space<vmem_shared>>
      tpu.wait_indirect_dma semaphore(%arg13 : memref<!tpu.dma_semaphore, #tpu.memory_space<semaphore_mem>>) src(%dma_wait3A_98 : memref<10112x64xf32, #tpu.memory_space<vmem_shared>>) dst(%arg9 : memref<128x64xf32, #tpu.memory_space<vmem>>)
      "tpu.region"() ({
        %run_scoped3A = tpu.sem_alloc : memref<!tpu.dma_semaphore, #tpu.memory_space<semaphore_mem>>
        %dma_start3A_105 = arith.constant 0 : i32
        %dma_start3A_106 = tpu.memref_slice %arg7[%add3A_73, %dma_start3A_105] : memref<80x128xi32, #tpu.memory_space<vmem>> -> memref<1x128xi32, #tpu.memory_space<vmem>>
        %dma_start3A_107 = tpu.memref_squeeze %dma_start3A_106 : memref<1x128xi32, #tpu.memory_space<vmem>> -> memref<128xi32, #tpu.memory_space<vmem>>
        %dma_start3A_108 = arith.constant 0 : i32
        %dma_start3A_109 = arith.constant 0 : i32
        %dma_start3A_110 = tpu.memref_slice %arg11[%dma_start3A_108, %dma_start3A_109] : memref<10112x64xf32, #tpu.memory_space<vmem_shared>> -> memref<10112x64xf32, #tpu.memory_space<vmem_shared>>
        tpu.enqueue_indirect_dma source(%arg9 : memref<128x64xf32, #tpu.memory_space<vmem>>) target(%dma_start3A_110 : memref<10112x64xf32, #tpu.memory_space<vmem_shared>>) offsets(%dma_start3A_107 : memref<128xi32, #tpu.memory_space<vmem>>) semaphore(%run_scoped3A : memref<!tpu.dma_semaphore, #tpu.memory_space<semaphore_mem>>) {add = true}
        %dma_wait3A_111 = arith.constant 0 : i32
        %dma_wait3A_112 = tpu.memref_slice %arg7[%add3A_73, %dma_wait3A_111] : memref<80x128xi32, #tpu.memory_space<vmem>> -> memref<1x128xi32, #tpu.memory_space<vmem>>
        %dma_wait3A_113 = tpu.memref_squeeze %dma_wait3A_112 : memref<1x128xi32, #tpu.memory_space<vmem>> -> memref<128xi32, #tpu.memory_space<vmem>>
        %dma_wait3A_114 = arith.constant 0 : i32
        %dma_wait3A_115 = arith.constant 0 : i32
        %dma_wait3A_116 = tpu.memref_slice %arg11[%dma_wait3A_114, %dma_wait3A_115] : memref<10112x64xf32, #tpu.memory_space<vmem_shared>> -> memref<10112x64xf32, #tpu.memory_space<vmem_shared>>
        tpu.wait_indirect_dma semaphore(%run_scoped3A : memref<!tpu.dma_semaphore, #tpu.memory_space<semaphore_mem>>) src(%arg9 : memref<128x64xf32, #tpu.memory_space<vmem>>) dst(%dma_wait3A_116 : memref<10112x64xf32, #tpu.memory_space<vmem_shared>>)
        tpu.yield
      }) : () -> ()
      %dma_start3A_99 = arith.constant 0 : i32
      %dma_start3A_100 = tpu.memref_slice %arg6[%min3A_80, %dma_start3A_99] : memref<80x128xi32, #tpu.memory_space<vmem>> -> memref<1x128xi32, #tpu.memory_space<vmem>>
      %dma_start3A_101 = tpu.memref_squeeze %dma_start3A_100 : memref<1x128xi32, #tpu.memory_space<vmem>> -> memref<128xi32, #tpu.memory_space<vmem>>
      %dma_start3A_102 = arith.constant 0 : i32
      %dma_start3A_103 = arith.constant 0 : i32
      %dma_start3A_104 = tpu.memref_slice %arg10[%dma_start3A_102, %dma_start3A_103] : memref<10112x64xf32, #tpu.memory_space<vmem_shared>> -> memref<10112x64xf32, #tpu.memory_space<vmem_shared>>
      tpu.enqueue_indirect_dma source(%dma_start3A_104 : memref<10112x64xf32, #tpu.memory_space<vmem_shared>>) target(%arg9 : memref<128x64xf32, #tpu.memory_space<vmem>>) offsets(%dma_start3A_101 : memref<128xi32, #tpu.memory_space<vmem>>) semaphore(%arg13 : memref<!tpu.dma_semaphore, #tpu.memory_space<semaphore_mem>>)
    }
    %scan3A_48 = arith.constant 40 : i32
    %dma_wait3A = arith.constant 79 : i32
    %dma_wait3A_49 = arith.constant 0 : i32
    %dma_wait3A_50 = tpu.memref_slice %arg6[%dma_wait3A, %dma_wait3A_49] : memref<80x128xi32, #tpu.memory_space<vmem>> -> memref<1x128xi32, #tpu.memory_space<vmem>>
    %dma_wait3A_51 = tpu.memref_squeeze %dma_wait3A_50 : memref<1x128xi32, #tpu.memory_space<vmem>> -> memref<128xi32, #tpu.memory_space<vmem>>
    %dma_wait3A_52 = arith.constant 0 : i32
    %dma_wait3A_53 = arith.constant 0 : i32
    %dma_wait3A_54 = tpu.memref_slice %arg10[%dma_wait3A_52, %dma_wait3A_53] : memref<10112x64xf32, #tpu.memory_space<vmem_shared>> -> memref<10112x64xf32, #tpu.memory_space<vmem_shared>>
    tpu.wait_indirect_dma semaphore(%arg12 : memref<!tpu.dma_semaphore, #tpu.memory_space<semaphore_mem>>) src(%dma_wait3A_54 : memref<10112x64xf32, #tpu.memory_space<vmem_shared>>) dst(%arg8 : memref<128x64xf32, #tpu.memory_space<vmem>>)
    %dma_wait3A_55 = arith.constant 79 : i32
    %dma_wait3A_56 = arith.constant 0 : i32
    %dma_wait3A_57 = tpu.memref_slice %arg6[%dma_wait3A_55, %dma_wait3A_56] : memref<80x128xi32, #tpu.memory_space<vmem>> -> memref<1x128xi32, #tpu.memory_space<vmem>>
    %dma_wait3A_58 = tpu.memref_squeeze %dma_wait3A_57 : memref<1x128xi32, #tpu.memory_space<vmem>> -> memref<128xi32, #tpu.memory_space<vmem>>
    %dma_wait3A_59 = arith.constant 0 : i32
    %dma_wait3A_60 = arith.constant 0 : i32
    %dma_wait3A_61 = tpu.memref_slice %arg10[%dma_wait3A_59, %dma_wait3A_60] : memref<10112x64xf32, #tpu.memory_space<vmem_shared>> -> memref<10112x64xf32, #tpu.memory_space<vmem_shared>>
    tpu.wait_indirect_dma semaphore(%arg13 : memref<!tpu.dma_semaphore, #tpu.memory_space<semaphore_mem>>) src(%dma_wait3A_61 : memref<10112x64xf32, #tpu.memory_space<vmem_shared>>) dst(%arg9 : memref<128x64xf32, #tpu.memory_space<vmem>>)
    %barrier3A_62 = arith.constant 0 : index
    tpu.barrier barrier_id(%barrier3A_62)
    %mul3A_63 = arith.constant 632 : i32
    %mul3A_64 = arith.muli %arg1, %mul3A_63 : i32
    %mul3A_65 = arith.constant 632 : i32
    %mul3A_66 = arith.muli %arg1, %mul3A_65 : i32
    "tpu.region"() ({
      %run_scoped3A = tpu.sem_alloc : memref<!tpu.dma_semaphore, #tpu.memory_space<semaphore_mem>>
      %dma_start3A_67 = arith.constant 0 : i32
      %dma_start3A_68 = tpu.memref_slice %arg5[%arg0, %mul3A_66, %dma_start3A_67] : memref<2x10112x64xf32, #tpu.memory_space<hbm>> -> memref<1x632x64xf32, #tpu.memory_space<hbm>>
      %dma_start3A_69 = tpu.memref_squeeze %dma_start3A_68 : memref<1x632x64xf32, #tpu.memory_space<hbm>> -> memref<632x64xf32, #tpu.memory_space<hbm>>
      %dma_start3A_70 = arith.constant 0 : i32
      %dma_start3A_71 = tpu.memref_slice %arg11[%mul3A_64, %dma_start3A_70] : memref<10112x64xf32, #tpu.memory_space<vmem_shared>> -> memref<632x64xf32, #tpu.memory_space<vmem_shared>>
      tpu.enqueue_dma source(%dma_start3A_71 : memref<632x64xf32, #tpu.memory_space<vmem_shared>>) target(%dma_start3A_69 : memref<632x64xf32, #tpu.memory_space<hbm>>) target_semaphore(%run_scoped3A : memref<!tpu.dma_semaphore, #tpu.memory_space<semaphore_mem>>)
      %dma_wait3A_72 = arith.constant 0 : i32
      %dma_wait3A_73 = tpu.memref_slice %arg5[%arg0, %mul3A_66, %dma_wait3A_72] : memref<2x10112x64xf32, #tpu.memory_space<hbm>> -> memref<1x632x64xf32, #tpu.memory_space<hbm>>
      %dma_wait3A_74 = tpu.memref_squeeze %dma_wait3A_73 : memref<1x632x64xf32, #tpu.memory_space<hbm>> -> memref<632x64xf32, #tpu.memory_space<hbm>>
      %dma_wait3A_75 = arith.constant 0 : i32
      %dma_wait3A_76 = tpu.memref_slice %arg11[%mul3A_64, %dma_wait3A_75] : memref<10112x64xf32, #tpu.memory_space<vmem_shared>> -> memref<632x64xf32, #tpu.memory_space<vmem_shared>>
      tpu.wait_dma2 semaphore(%run_scoped3A : memref<!tpu.dma_semaphore, #tpu.memory_space<semaphore_mem>>) src(%dma_wait3A_76 : memref<632x64xf32, #tpu.memory_space<vmem_shared>>) dst(%dma_wait3A_74 : memref<632x64xf32, #tpu.memory_space<hbm>>)
      tpu.yield
    }) : () -> ()
    return
  }
}

#map = affine_map<(d0, d1) -> (0, 0, 0)>
#map1 = affine_map<(d0, d1) -> (0)>
#map2 = affine_map<(d0, d1) -> (0, 0)>
module attributes {stable_mosaic.version = 14 : i64} {
  func.func @_degcount(%arg0: i32, %arg1: i32, %arg2: memref<32x80x128xi32, #tpu.memory_space<hbm>>, %arg3: memref<10240xf32, #tpu.memory_space<hbm>>, %arg4: memref<2x10240xf32, #tpu.memory_space<hbm>>, %arg5: memref<80x128xi32, #tpu.memory_space<vmem>>, %arg6: memref<128xf32, #tpu.memory_space<vmem>>, %arg7: memref<640xf32, #tpu.memory_space<vmem>>, %arg8: memref<10240xf32, #tpu.memory_space<vmem_shared>>) attributes {dimension_semantics = [#tpu.dimension_semantics<core_parallel>, #tpu.dimension_semantics<subcore_parallel>], iteration_bounds = array<i64: 2, 16>, scalar_prefetch = 0 : i64, scratch_operands = 4 : i64, tpu.core_type = #tpu.core_type<sc_vector_subcore>, window_params = [{transform_indices = #map}, {transform_indices = #map1}, {transform_indices = #map2}]} {
    %mul3A = arith.constant 16 : i32
    %mul3A_0 = arith.muli %arg0, %mul3A : i32
    %add3A = arith.addi %mul3A_0, %arg1 : i32
    "tpu.region"() ({
      %run_scoped3A = tpu.sem_alloc : memref<!tpu.dma_semaphore, #tpu.memory_space<semaphore_mem>>
      %dma_start3A = arith.constant 0 : i32
      %dma_start3A_61 = arith.constant 0 : i32
      %dma_start3A_62 = tpu.memref_slice %arg2[%add3A, %dma_start3A, %dma_start3A_61] : memref<32x80x128xi32, #tpu.memory_space<hbm>> -> memref<1x80x128xi32, #tpu.memory_space<hbm>>
      %dma_start3A_63 = tpu.memref_squeeze %dma_start3A_62 : memref<1x80x128xi32, #tpu.memory_space<hbm>> -> memref<80x128xi32, #tpu.memory_space<hbm>>
      %dma_start3A_64 = arith.constant 0 : i32
      %dma_start3A_65 = arith.constant 0 : i32
      %dma_start3A_66 = tpu.memref_slice %arg2[%add3A, %dma_start3A_64, %dma_start3A_65] : memref<32x80x128xi32, #tpu.memory_space<hbm>> -> memref<1x80x128xi32, #tpu.memory_space<hbm>>
      %dma_start3A_67 = tpu.memref_squeeze %dma_start3A_66 : memref<1x80x128xi32, #tpu.memory_space<hbm>> -> memref<80x128xi32, #tpu.memory_space<hbm>>
      tpu.enqueue_dma source(%dma_start3A_67 : memref<80x128xi32, #tpu.memory_space<hbm>>) target(%arg5 : memref<80x128xi32, #tpu.memory_space<vmem>>) target_semaphore(%run_scoped3A : memref<!tpu.dma_semaphore, #tpu.memory_space<semaphore_mem>>)
      %dma_wait3A = arith.constant 0 : i32
      %dma_wait3A_68 = arith.constant 0 : i32
      %dma_wait3A_69 = tpu.memref_slice %arg2[%add3A, %dma_wait3A, %dma_wait3A_68] : memref<32x80x128xi32, #tpu.memory_space<hbm>> -> memref<1x80x128xi32, #tpu.memory_space<hbm>>
      %dma_wait3A_70 = tpu.memref_squeeze %dma_wait3A_69 : memref<1x80x128xi32, #tpu.memory_space<hbm>> -> memref<80x128xi32, #tpu.memory_space<hbm>>
      %dma_wait3A_71 = arith.constant 0 : i32
      %dma_wait3A_72 = arith.constant 0 : i32
      %dma_wait3A_73 = tpu.memref_slice %arg2[%add3A, %dma_wait3A_71, %dma_wait3A_72] : memref<32x80x128xi32, #tpu.memory_space<hbm>> -> memref<1x80x128xi32, #tpu.memory_space<hbm>>
      %dma_wait3A_74 = tpu.memref_squeeze %dma_wait3A_73 : memref<1x80x128xi32, #tpu.memory_space<hbm>> -> memref<80x128xi32, #tpu.memory_space<hbm>>
      tpu.wait_dma2 semaphore(%run_scoped3A : memref<!tpu.dma_semaphore, #tpu.memory_space<semaphore_mem>>) src(%dma_wait3A_74 : memref<80x128xi32, #tpu.memory_space<hbm>>) dst(%arg5 : memref<80x128xi32, #tpu.memory_space<vmem>>)
      tpu.yield
    }) : () -> ()
    %broadcast_in_dim3A = arith.constant 1.000000e+00 : f32
    %broadcast_in_dim3A_1 = vector.broadcast %broadcast_in_dim3A : f32 to vector<16xf32>
    %swap3A = arith.constant 0 : index
    %swap3A_2 = tpu.vector_load %arg6[%swap3A] {strides = array<i32>} : memref<128xf32, #tpu.memory_space<vmem>>, vector<16xf32>,
    %swap3A_3 = vector.shape_cast %swap3A_2 : vector<16xf32> to vector<16xf32>
    %swap3A_4 = vector.shape_cast %broadcast_in_dim3A_1 : vector<16xf32> to vector<16xf32>
    tpu.vector_store %arg6[%swap3A], %swap3A_4 {strides = array<i32>} : memref<128xf32, #tpu.memory_space<vmem>>, vector<16xf32>,
    %broadcast_in_dim3A_5 = arith.constant 1.000000e+00 : f32
    %broadcast_in_dim3A_6 = vector.broadcast %broadcast_in_dim3A_5 : f32 to vector<16xf32>
    %swap3A_7 = arith.constant 16 : index
    %swap3A_8 = tpu.vector_load %arg6[%swap3A_7] {strides = array<i32>} : memref<128xf32, #tpu.memory_space<vmem>>, vector<16xf32>,
    %swap3A_9 = vector.shape_cast %swap3A_8 : vector<16xf32> to vector<16xf32>
    %swap3A_10 = vector.shape_cast %broadcast_in_dim3A_6 : vector<16xf32> to vector<16xf32>
    tpu.vector_store %arg6[%swap3A_7], %swap3A_10 {strides = array<i32>} : memref<128xf32, #tpu.memory_space<vmem>>, vector<16xf32>,
    %broadcast_in_dim3A_11 = arith.constant 1.000000e+00 : f32
    %broadcast_in_dim3A_12 = vector.broadcast %broadcast_in_dim3A_11 : f32 to vector<16xf32>
    %swap3A_13 = arith.constant 32 : index
    %swap3A_14 = tpu.vector_load %arg6[%swap3A_13] {strides = array<i32>} : memref<128xf32, #tpu.memory_space<vmem>>, vector<16xf32>,
    %swap3A_15 = vector.shape_cast %swap3A_14 : vector<16xf32> to vector<16xf32>
    %swap3A_16 = vector.shape_cast %broadcast_in_dim3A_12 : vector<16xf32> to vector<16xf32>
    tpu.vector_store %arg6[%swap3A_13], %swap3A_16 {strides = array<i32>} : memref<128xf32, #tpu.memory_space<vmem>>, vector<16xf32>,
    %broadcast_in_dim3A_17 = arith.constant 1.000000e+00 : f32
    %broadcast_in_dim3A_18 = vector.broadcast %broadcast_in_dim3A_17 : f32 to vector<16xf32>
    %swap3A_19 = arith.constant 48 : index
    %swap3A_20 = tpu.vector_load %arg6[%swap3A_19] {strides = array<i32>} : memref<128xf32, #tpu.memory_space<vmem>>, vector<16xf32>,
    %swap3A_21 = vector.shape_cast %swap3A_20 : vector<16xf32> to vector<16xf32>
    %swap3A_22 = vector.shape_cast %broadcast_in_dim3A_18 : vector<16xf32> to vector<16xf32>
    tpu.vector_store %arg6[%swap3A_19], %swap3A_22 {strides = array<i32>} : memref<128xf32, #tpu.memory_space<vmem>>, vector<16xf32>,
    %broadcast_in_dim3A_23 = arith.constant 1.000000e+00 : f32
    %broadcast_in_dim3A_24 = vector.broadcast %broadcast_in_dim3A_23 : f32 to vector<16xf32>
    %swap3A_25 = arith.constant 64 : index
    %swap3A_26 = tpu.vector_load %arg6[%swap3A_25] {strides = array<i32>} : memref<128xf32, #tpu.memory_space<vmem>>, vector<16xf32>,
    %swap3A_27 = vector.shape_cast %swap3A_26 : vector<16xf32> to vector<16xf32>
    %swap3A_28 = vector.shape_cast %broadcast_in_dim3A_24 : vector<16xf32> to vector<16xf32>
    tpu.vector_store %arg6[%swap3A_25], %swap3A_28 {strides = array<i32>} : memref<128xf32, #tpu.memory_space<vmem>>, vector<16xf32>,
    %broadcast_in_dim3A_29 = arith.constant 1.000000e+00 : f32
    %broadcast_in_dim3A_30 = vector.broadcast %broadcast_in_dim3A_29 : f32 to vector<16xf32>
    %swap3A_31 = arith.constant 80 : index
    %swap3A_32 = tpu.vector_load %arg6[%swap3A_31] {strides = array<i32>} : memref<128xf32, #tpu.memory_space<vmem>>, vector<16xf32>,
    %swap3A_33 = vector.shape_cast %swap3A_32 : vector<16xf32> to vector<16xf32>
    %swap3A_34 = vector.shape_cast %broadcast_in_dim3A_30 : vector<16xf32> to vector<16xf32>
    tpu.vector_store %arg6[%swap3A_31], %swap3A_34 {strides = array<i32>} : memref<128xf32, #tpu.memory_space<vmem>>, vector<16xf32>,
    %broadcast_in_dim3A_35 = arith.constant 1.000000e+00 : f32
    %broadcast_in_dim3A_36 = vector.broadcast %broadcast_in_dim3A_35 : f32 to vector<16xf32>
    %swap3A_37 = arith.constant 96 : index
    %swap3A_38 = tpu.vector_load %arg6[%swap3A_37] {strides = array<i32>} : memref<128xf32, #tpu.memory_space<vmem>>, vector<16xf32>,
    %swap3A_39 = vector.shape_cast %swap3A_38 : vector<16xf32> to vector<16xf32>
    %swap3A_40 = vector.shape_cast %broadcast_in_dim3A_36 : vector<16xf32> to vector<16xf32>
    tpu.vector_store %arg6[%swap3A_37], %swap3A_40 {strides = array<i32>} : memref<128xf32, #tpu.memory_space<vmem>>, vector<16xf32>,
    %broadcast_in_dim3A_41 = arith.constant 1.000000e+00 : f32
    %broadcast_in_dim3A_42 = vector.broadcast %broadcast_in_dim3A_41 : f32 to vector<16xf32>
    %swap3A_43 = arith.constant 112 : index
    %swap3A_44 = tpu.vector_load %arg6[%swap3A_43] {strides = array<i32>} : memref<128xf32, #tpu.memory_space<vmem>>, vector<16xf32>,
    %swap3A_45 = vector.shape_cast %swap3A_44 : vector<16xf32> to vector<16xf32>
    %swap3A_46 = vector.shape_cast %broadcast_in_dim3A_42 : vector<16xf32> to vector<16xf32>
    tpu.vector_store %arg6[%swap3A_43], %swap3A_46 {strides = array<i32>} : memref<128xf32, #tpu.memory_space<vmem>>, vector<16xf32>,
    %mul3A_47 = arith.constant 640 : i32
    %mul3A_48 = arith.muli %arg1, %mul3A_47 : i32
    "tpu.region"() ({
      %run_scoped3A = tpu.sem_alloc : memref<!tpu.dma_semaphore, #tpu.memory_space<semaphore_mem>>
      %dma_start3A = tpu.memref_slice %arg3[%mul3A_48] : memref<10240xf32, #tpu.memory_space<hbm>> -> memref<640xf32, #tpu.memory_space<hbm>>
      %dma_start3A_61 = tpu.memref_slice %arg3[%mul3A_48] : memref<10240xf32, #tpu.memory_space<hbm>> -> memref<640xf32, #tpu.memory_space<hbm>>
      tpu.enqueue_dma source(%dma_start3A_61 : memref<640xf32, #tpu.memory_space<hbm>>) target(%arg7 : memref<640xf32, #tpu.memory_space<vmem>>) target_semaphore(%run_scoped3A : memref<!tpu.dma_semaphore, #tpu.memory_space<semaphore_mem>>)
      %dma_wait3A = tpu.memref_slice %arg3[%mul3A_48] : memref<10240xf32, #tpu.memory_space<hbm>> -> memref<640xf32, #tpu.memory_space<hbm>>
      %dma_wait3A_62 = tpu.memref_slice %arg3[%mul3A_48] : memref<10240xf32, #tpu.memory_space<hbm>> -> memref<640xf32, #tpu.memory_space<hbm>>
      tpu.wait_dma2 semaphore(%run_scoped3A : memref<!tpu.dma_semaphore, #tpu.memory_space<semaphore_mem>>) src(%dma_wait3A_62 : memref<640xf32, #tpu.memory_space<hbm>>) dst(%arg7 : memref<640xf32, #tpu.memory_space<vmem>>)
      tpu.yield
    }) : () -> ()
    %mul3A_49 = arith.constant 640 : i32
    %mul3A_50 = arith.muli %arg1, %mul3A_49 : i32
    "tpu.region"() ({
      %run_scoped3A = tpu.sem_alloc : memref<!tpu.dma_semaphore, #tpu.memory_space<semaphore_mem>>
      %dma_start3A = tpu.memref_slice %arg8[%mul3A_50] : memref<10240xf32, #tpu.memory_space<vmem_shared>> -> memref<640xf32, #tpu.memory_space<vmem_shared>>
      %dma_start3A_61 = tpu.memref_slice %arg8[%mul3A_50] : memref<10240xf32, #tpu.memory_space<vmem_shared>> -> memref<640xf32, #tpu.memory_space<vmem_shared>>
      tpu.enqueue_dma source(%arg7 : memref<640xf32, #tpu.memory_space<vmem>>) target(%dma_start3A_61 : memref<640xf32, #tpu.memory_space<vmem_shared>>) target_semaphore(%run_scoped3A : memref<!tpu.dma_semaphore, #tpu.memory_space<semaphore_mem>>)
      %dma_wait3A = tpu.memref_slice %arg8[%mul3A_50] : memref<10240xf32, #tpu.memory_space<vmem_shared>> -> memref<640xf32, #tpu.memory_space<vmem_shared>>
      %dma_wait3A_62 = tpu.memref_slice %arg8[%mul3A_50] : memref<10240xf32, #tpu.memory_space<vmem_shared>> -> memref<640xf32, #tpu.memory_space<vmem_shared>>
      tpu.wait_dma2 semaphore(%run_scoped3A : memref<!tpu.dma_semaphore, #tpu.memory_space<semaphore_mem>>) src(%arg7 : memref<640xf32, #tpu.memory_space<vmem>>) dst(%dma_wait3A_62 : memref<640xf32, #tpu.memory_space<vmem_shared>>)
      tpu.yield
    }) : () -> ()
    %barrier3A = arith.constant 0 : index
    tpu.barrier barrier_id(%barrier3A)
    %scan3A = arith.constant 0 : i32
    %scan3A_51 = arith.constant 0 : i32
    %scan3A_52 = arith.constant 80 : i32
    %scan3A_53 = arith.addi %scan3A_51, %scan3A_52 : i32
    %scan3A_54 = arith.constant 1 : i32
    scf.for %scan3A_61 = %scan3A_51 to %scan3A_53 step %scan3A_54  : i32 {
      "tpu.region"() ({
        %run_scoped3A = tpu.sem_alloc : memref<!tpu.dma_semaphore, #tpu.memory_space<semaphore_mem>>
        %dma_start3A = arith.constant 0 : i32
        %dma_start3A_62 = tpu.memref_slice %arg5[%scan3A_61, %dma_start3A] : memref<80x128xi32, #tpu.memory_space<vmem>> -> memref<1x128xi32, #tpu.memory_space<vmem>>
        %dma_start3A_63 = tpu.memref_squeeze %dma_start3A_62 : memref<1x128xi32, #tpu.memory_space<vmem>> -> memref<128xi32, #tpu.memory_space<vmem>>
        %dma_start3A_64 = arith.constant 0 : i32
        %dma_start3A_65 = tpu.memref_slice %arg8[%dma_start3A_64] : memref<10240xf32, #tpu.memory_space<vmem_shared>> -> memref<10240xf32, #tpu.memory_space<vmem_shared>>
        tpu.enqueue_indirect_dma source(%arg6 : memref<128xf32, #tpu.memory_space<vmem>>) target(%dma_start3A_65 : memref<10240xf32, #tpu.memory_space<vmem_shared>>) offsets(%dma_start3A_63 : memref<128xi32, #tpu.memory_space<vmem>>) semaphore(%run_scoped3A : memref<!tpu.dma_semaphore, #tpu.memory_space<semaphore_mem>>) {add = true}
        %dma_wait3A = arith.constant 0 : i32
        %dma_wait3A_66 = tpu.memref_slice %arg5[%scan3A_61, %dma_wait3A] : memref<80x128xi32, #tpu.memory_space<vmem>> -> memref<1x128xi32, #tpu.memory_space<vmem>>
        %dma_wait3A_67 = tpu.memref_squeeze %dma_wait3A_66 : memref<1x128xi32, #tpu.memory_space<vmem>> -> memref<128xi32, #tpu.memory_space<vmem>>
        %dma_wait3A_68 = arith.constant 0 : i32
        %dma_wait3A_69 = tpu.memref_slice %arg8[%dma_wait3A_68] : memref<10240xf32, #tpu.memory_space<vmem_shared>> -> memref<10240xf32, #tpu.memory_space<vmem_shared>>
        tpu.wait_indirect_dma semaphore(%run_scoped3A : memref<!tpu.dma_semaphore, #tpu.memory_space<semaphore_mem>>) src(%arg6 : memref<128xf32, #tpu.memory_space<vmem>>) dst(%dma_wait3A_69 : memref<10240xf32, #tpu.memory_space<vmem_shared>>)
        tpu.yield
      }) : () -> ()
    }
    %scan3A_55 = arith.constant 80 : i32
    %barrier3A_56 = arith.constant 0 : index
    tpu.barrier barrier_id(%barrier3A_56)
    %mul3A_57 = arith.constant 640 : i32
    %mul3A_58 = arith.muli %arg1, %mul3A_57 : i32
    "tpu.region"() ({
      %run_scoped3A = tpu.sem_alloc : memref<!tpu.dma_semaphore, #tpu.memory_space<semaphore_mem>>
      %dma_start3A = tpu.memref_slice %arg8[%mul3A_58] : memref<10240xf32, #tpu.memory_space<vmem_shared>> -> memref<640xf32, #tpu.memory_space<vmem_shared>>
      %dma_start3A_61 = tpu.memref_slice %arg8[%mul3A_58] : memref<10240xf32, #tpu.memory_space<vmem_shared>> -> memref<640xf32, #tpu.memory_space<vmem_shared>>
      tpu.enqueue_dma source(%dma_start3A_61 : memref<640xf32, #tpu.memory_space<vmem_shared>>) target(%arg7 : memref<640xf32, #tpu.memory_space<vmem>>) target_semaphore(%run_scoped3A : memref<!tpu.dma_semaphore, #tpu.memory_space<semaphore_mem>>)
      %dma_wait3A = tpu.memref_slice %arg8[%mul3A_58] : memref<10240xf32, #tpu.memory_space<vmem_shared>> -> memref<640xf32, #tpu.memory_space<vmem_shared>>
      %dma_wait3A_62 = tpu.memref_slice %arg8[%mul3A_58] : memref<10240xf32, #tpu.memory_space<vmem_shared>> -> memref<640xf32, #tpu.memory_space<vmem_shared>>
      tpu.wait_dma2 semaphore(%run_scoped3A : memref<!tpu.dma_semaphore, #tpu.memory_space<semaphore_mem>>) src(%dma_wait3A_62 : memref<640xf32, #tpu.memory_space<vmem_shared>>) dst(%arg7 : memref<640xf32, #tpu.memory_space<vmem>>)
      tpu.yield
    }) : () -> ()
    %mul3A_59 = arith.constant 640 : i32
    %mul3A_60 = arith.muli %arg1, %mul3A_59 : i32
    "tpu.region"() ({
      %run_scoped3A = tpu.sem_alloc : memref<!tpu.dma_semaphore, #tpu.memory_space<semaphore_mem>>
      %dma_start3A = tpu.memref_slice %arg4[%arg0, %mul3A_60] : memref<2x10240xf32, #tpu.memory_space<hbm>> -> memref<1x640xf32, #tpu.memory_space<hbm>>
      %dma_start3A_61 = tpu.memref_squeeze %dma_start3A : memref<1x640xf32, #tpu.memory_space<hbm>> -> memref<640xf32, #tpu.memory_space<hbm>>
      %dma_start3A_62 = tpu.memref_slice %arg4[%arg0, %mul3A_60] : memref<2x10240xf32, #tpu.memory_space<hbm>> -> memref<1x640xf32, #tpu.memory_space<hbm>>
      %dma_start3A_63 = tpu.memref_squeeze %dma_start3A_62 : memref<1x640xf32, #tpu.memory_space<hbm>> -> memref<640xf32, #tpu.memory_space<hbm>>
      tpu.enqueue_dma source(%arg7 : memref<640xf32, #tpu.memory_space<vmem>>) target(%dma_start3A_63 : memref<640xf32, #tpu.memory_space<hbm>>) target_semaphore(%run_scoped3A : memref<!tpu.dma_semaphore, #tpu.memory_space<semaphore_mem>>)
      %dma_wait3A = tpu.memref_slice %arg4[%arg0, %mul3A_60] : memref<2x10240xf32, #tpu.memory_space<hbm>> -> memref<1x640xf32, #tpu.memory_space<hbm>>
      %dma_wait3A_64 = tpu.memref_squeeze %dma_wait3A : memref<1x640xf32, #tpu.memory_space<hbm>> -> memref<640xf32, #tpu.memory_space<hbm>>
      %dma_wait3A_65 = tpu.memref_slice %arg4[%arg0, %mul3A_60] : memref<2x10240xf32, #tpu.memory_space<hbm>> -> memref<1x640xf32, #tpu.memory_space<hbm>>
      %dma_wait3A_66 = tpu.memref_squeeze %dma_wait3A_65 : memref<1x640xf32, #tpu.memory_space<hbm>> -> memref<640xf32, #tpu.memory_space<hbm>>
      tpu.wait_dma2 semaphore(%run_scoped3A : memref<!tpu.dma_semaphore, #tpu.memory_space<semaphore_mem>>) src(%arg7 : memref<640xf32, #tpu.memory_space<vmem>>) dst(%dma_wait3A_66 : memref<640xf32, #tpu.memory_space<hbm>>)
      tpu.yield
    }) : () -> ()
    return
  }
}

#map = affine_map<(d0, d1) -> (0, 0)>
#map1 = affine_map<(d0, d1) -> (0, 0, 0)>
module attributes {stable_mosaic.version = 14 : i64} {
  func.func @_segsum64(%arg0: i32, %arg1: i32, %arg2: memref<10112x64xf32, #tpu.memory_space<hbm>>, %arg3: memref<32x80x128xi32, #tpu.memory_space<hbm>>, %arg4: memref<32x80x128xi32, #tpu.memory_space<hbm>>, %arg5: memref<2x10112x64xf32, #tpu.memory_space<hbm>>, %arg6: memref<80x128xi32, #tpu.memory_space<vmem>>, %arg7: memref<80x128xi32, #tpu.memory_space<vmem>>, %arg8: memref<128x64xf32, #tpu.memory_space<vmem>>, %arg9: memref<128x64xf32, #tpu.memory_space<vmem>>, %arg10: memref<10112x64xf32, #tpu.memory_space<vmem_shared>>, %arg11: memref<10112x64xf32, #tpu.memory_space<vmem_shared>>, %arg12: memref<!tpu.dma_semaphore, #tpu.memory_space<semaphore_mem>>, %arg13: memref<!tpu.dma_semaphore, #tpu.memory_space<semaphore_mem>>) attributes {dimension_semantics = [#tpu.dimension_semantics<core_parallel>, #tpu.dimension_semantics<subcore_parallel>], iteration_bounds = array<i64: 2, 16>, scalar_prefetch = 0 : i64, scratch_operands = 8 : i64, tpu.core_type = #tpu.core_type<sc_vector_subcore>, window_params = [{transform_indices = #map}, {transform_indices = #map1}, {transform_indices = #map1}, {transform_indices = #map1}]} {
    %mul3A = arith.constant 16 : i32
    %mul3A_0 = arith.muli %arg0, %mul3A : i32
    %add3A = arith.addi %mul3A_0, %arg1 : i32
    "tpu.region"() ({
      %run_scoped3A = tpu.sem_alloc : memref<!tpu.dma_semaphore, #tpu.memory_space<semaphore_mem>>
      %dma_start3A_67 = arith.constant 0 : i32
      %dma_start3A_68 = arith.constant 0 : i32
      %dma_start3A_69 = tpu.memref_slice %arg3[%add3A, %dma_start3A_67, %dma_start3A_68] : memref<32x80x128xi32, #tpu.memory_space<hbm>> -> memref<1x80x128xi32, #tpu.memory_space<hbm>>
      %dma_start3A_70 = tpu.memref_squeeze %dma_start3A_69 : memref<1x80x128xi32, #tpu.memory_space<hbm>> -> memref<80x128xi32, #tpu.memory_space<hbm>>
      %dma_start3A_71 = arith.constant 0 : i32
      %dma_start3A_72 = arith.constant 0 : i32
      %dma_start3A_73 = tpu.memref_slice %arg3[%add3A, %dma_start3A_71, %dma_start3A_72] : memref<32x80x128xi32, #tpu.memory_space<hbm>> -> memref<1x80x128xi32, #tpu.memory_space<hbm>>
      %dma_start3A_74 = tpu.memref_squeeze %dma_start3A_73 : memref<1x80x128xi32, #tpu.memory_space<hbm>> -> memref<80x128xi32, #tpu.memory_space<hbm>>
      tpu.enqueue_dma source(%dma_start3A_74 : memref<80x128xi32, #tpu.memory_space<hbm>>) target(%arg6 : memref<80x128xi32, #tpu.memory_space<vmem>>) target_semaphore(%run_scoped3A : memref<!tpu.dma_semaphore, #tpu.memory_space<semaphore_mem>>)
      %dma_wait3A_75 = arith.constant 0 : i32
      %dma_wait3A_76 = arith.constant 0 : i32
      %dma_wait3A_77 = tpu.memref_slice %arg3[%add3A, %dma_wait3A_75, %dma_wait3A_76] : memref<32x80x128xi32, #tpu.memory_space<hbm>> -> memref<1x80x128xi32, #tpu.memory_space<hbm>>
      %dma_wait3A_78 = tpu.memref_squeeze %dma_wait3A_77 : memref<1x80x128xi32, #tpu.memory_space<hbm>> -> memref<80x128xi32, #tpu.memory_space<hbm>>
      %dma_wait3A_79 = arith.constant 0 : i32
      %dma_wait3A_80 = arith.constant 0 : i32
      %dma_wait3A_81 = tpu.memref_slice %arg3[%add3A, %dma_wait3A_79, %dma_wait3A_80] : memref<32x80x128xi32, #tpu.memory_space<hbm>> -> memref<1x80x128xi32, #tpu.memory_space<hbm>>
      %dma_wait3A_82 = tpu.memref_squeeze %dma_wait3A_81 : memref<1x80x128xi32, #tpu.memory_space<hbm>> -> memref<80x128xi32, #tpu.memory_space<hbm>>
      tpu.wait_dma2 semaphore(%run_scoped3A : memref<!tpu.dma_semaphore, #tpu.memory_space<semaphore_mem>>) src(%dma_wait3A_82 : memref<80x128xi32, #tpu.memory_space<hbm>>) dst(%arg6 : memref<80x128xi32, #tpu.memory_space<vmem>>)
      tpu.yield
    }) : () -> ()
    "tpu.region"() ({
      %run_scoped3A = tpu.sem_alloc : memref<!tpu.dma_semaphore, #tpu.memory_space<semaphore_mem>>
      %dma_start3A_67 = arith.constant 0 : i32
      %dma_start3A_68 = arith.constant 0 : i32
      %dma_start3A_69 = tpu.memref_slice %arg4[%add3A, %dma_start3A_67, %dma_start3A_68] : memref<32x80x128xi32, #tpu.memory_space<hbm>> -> memref<1x80x128xi32, #tpu.memory_space<hbm>>
      %dma_start3A_70 = tpu.memref_squeeze %dma_start3A_69 : memref<1x80x128xi32, #tpu.memory_space<hbm>> -> memref<80x128xi32, #tpu.memory_space<hbm>>
      %dma_start3A_71 = arith.constant 0 : i32
      %dma_start3A_72 = arith.constant 0 : i32
      %dma_start3A_73 = tpu.memref_slice %arg4[%add3A, %dma_start3A_71, %dma_start3A_72] : memref<32x80x128xi32, #tpu.memory_space<hbm>> -> memref<1x80x128xi32, #tpu.memory_space<hbm>>
      %dma_start3A_74 = tpu.memref_squeeze %dma_start3A_73 : memref<1x80x128xi32, #tpu.memory_space<hbm>> -> memref<80x128xi32, #tpu.memory_space<hbm>>
      tpu.enqueue_dma source(%dma_start3A_74 : memref<80x128xi32, #tpu.memory_space<hbm>>) target(%arg7 : memref<80x128xi32, #tpu.memory_space<vmem>>) target_semaphore(%run_scoped3A : memref<!tpu.dma_semaphore, #tpu.memory_space<semaphore_mem>>)
      %dma_wait3A_75 = arith.constant 0 : i32
      %dma_wait3A_76 = arith.constant 0 : i32
      %dma_wait3A_77 = tpu.memref_slice %arg4[%add3A, %dma_wait3A_75, %dma_wait3A_76] : memref<32x80x128xi32, #tpu.memory_space<hbm>> -> memref<1x80x128xi32, #tpu.memory_space<hbm>>
      %dma_wait3A_78 = tpu.memref_squeeze %dma_wait3A_77 : memref<1x80x128xi32, #tpu.memory_space<hbm>> -> memref<80x128xi32, #tpu.memory_space<hbm>>
      %dma_wait3A_79 = arith.constant 0 : i32
      %dma_wait3A_80 = arith.constant 0 : i32
      %dma_wait3A_81 = tpu.memref_slice %arg4[%add3A, %dma_wait3A_79, %dma_wait3A_80] : memref<32x80x128xi32, #tpu.memory_space<hbm>> -> memref<1x80x128xi32, #tpu.memory_space<hbm>>
      %dma_wait3A_82 = tpu.memref_squeeze %dma_wait3A_81 : memref<1x80x128xi32, #tpu.memory_space<hbm>> -> memref<80x128xi32, #tpu.memory_space<hbm>>
      tpu.wait_dma2 semaphore(%run_scoped3A : memref<!tpu.dma_semaphore, #tpu.memory_space<semaphore_mem>>) src(%dma_wait3A_82 : memref<80x128xi32, #tpu.memory_space<hbm>>) dst(%arg7 : memref<80x128xi32, #tpu.memory_space<vmem>>)
      tpu.yield
    }) : () -> ()
    %mul3A_1 = arith.constant 632 : i32
    %mul3A_2 = arith.muli %arg1, %mul3A_1 : i32
    %mul3A_3 = arith.constant 632 : i32
    %mul3A_4 = arith.muli %arg1, %mul3A_3 : i32
    "tpu.region"() ({
      %run_scoped3A = tpu.sem_alloc : memref<!tpu.dma_semaphore, #tpu.memory_space<semaphore_mem>>
      %dma_start3A_67 = arith.constant 0 : i32
      %dma_start3A_68 = tpu.memref_slice %arg10[%mul3A_4, %dma_start3A_67] : memref<10112x64xf32, #tpu.memory_space<vmem_shared>> -> memref<632x64xf32, #tpu.memory_space<vmem_shared>>
      %dma_start3A_69 = arith.constant 0 : i32
      %dma_start3A_70 = tpu.memref_slice %arg2[%mul3A_2, %dma_start3A_69] : memref<10112x64xf32, #tpu.memory_space<hbm>> -> memref<632x64xf32, #tpu.memory_space<hbm>>
      tpu.enqueue_dma source(%dma_start3A_70 : memref<632x64xf32, #tpu.memory_space<hbm>>) target(%dma_start3A_68 : memref<632x64xf32, #tpu.memory_space<vmem_shared>>) target_semaphore(%run_scoped3A : memref<!tpu.dma_semaphore, #tpu.memory_space<semaphore_mem>>)
      %dma_wait3A_71 = arith.constant 0 : i32
      %dma_wait3A_72 = tpu.memref_slice %arg10[%mul3A_4, %dma_wait3A_71] : memref<10112x64xf32, #tpu.memory_space<vmem_shared>> -> memref<632x64xf32, #tpu.memory_space<vmem_shared>>
      %dma_wait3A_73 = arith.constant 0 : i32
      %dma_wait3A_74 = tpu.memref_slice %arg2[%mul3A_2, %dma_wait3A_73] : memref<10112x64xf32, #tpu.memory_space<hbm>> -> memref<632x64xf32, #tpu.memory_space<hbm>>
      tpu.wait_dma2 semaphore(%run_scoped3A : memref<!tpu.dma_semaphore, #tpu.memory_space<semaphore_mem>>) src(%dma_wait3A_74 : memref<632x64xf32, #tpu.memory_space<hbm>>) dst(%dma_wait3A_72 : memref<632x64xf32, #tpu.memory_space<vmem_shared>>)
      tpu.yield
    }) : () -> ()
    %scan3A = arith.constant 0 : i32
    %scan3A_5 = arith.constant 0 : i32
    %scan3A_6 = arith.constant 128 : i32
    %scan3A_7 = arith.addi %scan3A_5, %scan3A_6 : i32
    %scan3A_8 = arith.constant 1 : i32
    scf.for %scan3A_67 = %scan3A_5 to %scan3A_7 step %scan3A_8  : i32 {
      %broadcast_in_dim3A = arith.constant 0.000000e+00 : f32
      %broadcast_in_dim3A_68 = vector.broadcast %broadcast_in_dim3A : f32 to vector<16xf32>
      %swap3A = arith.index_cast %scan3A_67 : i32 to index
      %swap3A_69 = arith.constant 0 : index
      %swap3A_70 = tpu.vector_load %arg8[%swap3A, %swap3A_69] {strides = array<i32>} : memref<128x64xf32, #tpu.memory_space<vmem>>, vector<1x16xf32>,
      %swap3A_71 = vector.shape_cast %swap3A_70 : vector<1x16xf32> to vector<16xf32>
      %swap3A_72 = vector.shape_cast %broadcast_in_dim3A_68 : vector<16xf32> to vector<1x16xf32>
      tpu.vector_store %arg8[%swap3A, %swap3A_69], %swap3A_72 {strides = array<i32>} : memref<128x64xf32, #tpu.memory_space<vmem>>, vector<1x16xf32>,
      %broadcast_in_dim3A_73 = arith.constant 0.000000e+00 : f32
      %broadcast_in_dim3A_74 = vector.broadcast %broadcast_in_dim3A_73 : f32 to vector<16xf32>
      %swap3A_75 = arith.index_cast %scan3A_67 : i32 to index
      %swap3A_76 = arith.constant 16 : index
      %swap3A_77 = tpu.vector_load %arg8[%swap3A_75, %swap3A_76] {strides = array<i32>} : memref<128x64xf32, #tpu.memory_space<vmem>>, vector<1x16xf32>,
      %swap3A_78 = vector.shape_cast %swap3A_77 : vector<1x16xf32> to vector<16xf32>
      %swap3A_79 = vector.shape_cast %broadcast_in_dim3A_74 : vector<16xf32> to vector<1x16xf32>
      tpu.vector_store %arg8[%swap3A_75, %swap3A_76], %swap3A_79 {strides = array<i32>} : memref<128x64xf32, #tpu.memory_space<vmem>>, vector<1x16xf32>,
      %broadcast_in_dim3A_80 = arith.constant 0.000000e+00 : f32
      %broadcast_in_dim3A_81 = vector.broadcast %broadcast_in_dim3A_80 : f32 to vector<16xf32>
      %swap3A_82 = arith.index_cast %scan3A_67 : i32 to index
      %swap3A_83 = arith.constant 32 : index
      %swap3A_84 = tpu.vector_load %arg8[%swap3A_82, %swap3A_83] {strides = array<i32>} : memref<128x64xf32, #tpu.memory_space<vmem>>, vector<1x16xf32>,
      %swap3A_85 = vector.shape_cast %swap3A_84 : vector<1x16xf32> to vector<16xf32>
      %swap3A_86 = vector.shape_cast %broadcast_in_dim3A_81 : vector<16xf32> to vector<1x16xf32>
      tpu.vector_store %arg8[%swap3A_82, %swap3A_83], %swap3A_86 {strides = array<i32>} : memref<128x64xf32, #tpu.memory_space<vmem>>, vector<1x16xf32>,
      %broadcast_in_dim3A_87 = arith.constant 0.000000e+00 : f32
      %broadcast_in_dim3A_88 = vector.broadcast %broadcast_in_dim3A_87 : f32 to vector<16xf32>
      %swap3A_89 = arith.index_cast %scan3A_67 : i32 to index
      %swap3A_90 = arith.constant 48 : index
      %swap3A_91 = tpu.vector_load %arg8[%swap3A_89, %swap3A_90] {strides = array<i32>} : memref<128x64xf32, #tpu.memory_space<vmem>>, vector<1x16xf32>,
      %swap3A_92 = vector.shape_cast %swap3A_91 : vector<1x16xf32> to vector<16xf32>
      %swap3A_93 = vector.shape_cast %broadcast_in_dim3A_88 : vector<16xf32> to vector<1x16xf32>
      tpu.vector_store %arg8[%swap3A_89, %swap3A_90], %swap3A_93 {strides = array<i32>} : memref<128x64xf32, #tpu.memory_space<vmem>>, vector<1x16xf32>,
    }
    %scan3A_9 = arith.constant 128 : i32
    %mul3A_10 = arith.constant 632 : i32
    %mul3A_11 = arith.muli %arg1, %mul3A_10 : i32
    %add3A_12 = arith.constant 0 : i32
    %add3A_13 = arith.addi %mul3A_11, %add3A_12 : i32
    "tpu.region"() ({
      %run_scoped3A = tpu.sem_alloc : memref<!tpu.dma_semaphore, #tpu.memory_space<semaphore_mem>>
      %dma_start3A_67 = arith.constant 0 : i32
      %dma_start3A_68 = tpu.memref_slice %arg11[%add3A_13, %dma_start3A_67] : memref<10112x64xf32, #tpu.memory_space<vmem_shared>> -> memref<128x64xf32, #tpu.memory_space<vmem_shared>>
      %dma_start3A_69 = arith.constant 0 : i32
      %dma_start3A_70 = tpu.memref_slice %arg11[%add3A_13, %dma_start3A_69] : memref<10112x64xf32, #tpu.memory_space<vmem_shared>> -> memref<128x64xf32, #tpu.memory_space<vmem_shared>>
      tpu.enqueue_dma source(%arg8 : memref<128x64xf32, #tpu.memory_space<vmem>>) target(%dma_start3A_70 : memref<128x64xf32, #tpu.memory_space<vmem_shared>>) target_semaphore(%run_scoped3A : memref<!tpu.dma_semaphore, #tpu.memory_space<semaphore_mem>>)
      %dma_wait3A_71 = arith.constant 0 : i32
      %dma_wait3A_72 = tpu.memref_slice %arg11[%add3A_13, %dma_wait3A_71] : memref<10112x64xf32, #tpu.memory_space<vmem_shared>> -> memref<128x64xf32, #tpu.memory_space<vmem_shared>>
      %dma_wait3A_73 = arith.constant 0 : i32
      %dma_wait3A_74 = tpu.memref_slice %arg11[%add3A_13, %dma_wait3A_73] : memref<10112x64xf32, #tpu.memory_space<vmem_shared>> -> memref<128x64xf32, #tpu.memory_space<vmem_shared>>
      tpu.wait_dma2 semaphore(%run_scoped3A : memref<!tpu.dma_semaphore, #tpu.memory_space<semaphore_mem>>) src(%arg8 : memref<128x64xf32, #tpu.memory_space<vmem>>) dst(%dma_wait3A_74 : memref<128x64xf32, #tpu.memory_space<vmem_shared>>)
      tpu.yield
    }) : () -> ()
    %mul3A_14 = arith.constant 632 : i32
    %mul3A_15 = arith.muli %arg1, %mul3A_14 : i32
    %add3A_16 = arith.constant 128 : i32
    %add3A_17 = arith.addi %mul3A_15, %add3A_16 : i32
    "tpu.region"() ({
      %run_scoped3A = tpu.sem_alloc : memref<!tpu.dma_semaphore, #tpu.memory_space<semaphore_mem>>
      %dma_start3A_67 = arith.constant 0 : i32
      %dma_start3A_68 = tpu.memref_slice %arg11[%add3A_17, %dma_start3A_67] : memref<10112x64xf32, #tpu.memory_space<vmem_shared>> -> memref<128x64xf32, #tpu.memory_space<vmem_shared>>
      %dma_start3A_69 = arith.constant 0 : i32
      %dma_start3A_70 = tpu.memref_slice %arg11[%add3A_17, %dma_start3A_69] : memref<10112x64xf32, #tpu.memory_space<vmem_shared>> -> memref<128x64xf32, #tpu.memory_space<vmem_shared>>
      tpu.enqueue_dma source(%arg8 : memref<128x64xf32, #tpu.memory_space<vmem>>) target(%dma_start3A_70 : memref<128x64xf32, #tpu.memory_space<vmem_shared>>) target_semaphore(%run_scoped3A : memref<!tpu.dma_semaphore, #tpu.memory_space<semaphore_mem>>)
      %dma_wait3A_71 = arith.constant 0 : i32
      %dma_wait3A_72 = tpu.memref_slice %arg11[%add3A_17, %dma_wait3A_71] : memref<10112x64xf32, #tpu.memory_space<vmem_shared>> -> memref<128x64xf32, #tpu.memory_space<vmem_shared>>
      %dma_wait3A_73 = arith.constant 0 : i32
      %dma_wait3A_74 = tpu.memref_slice %arg11[%add3A_17, %dma_wait3A_73] : memref<10112x64xf32, #tpu.memory_space<vmem_shared>> -> memref<128x64xf32, #tpu.memory_space<vmem_shared>>
      tpu.wait_dma2 semaphore(%run_scoped3A : memref<!tpu.dma_semaphore, #tpu.memory_space<semaphore_mem>>) src(%arg8 : memref<128x64xf32, #tpu.memory_space<vmem>>) dst(%dma_wait3A_74 : memref<128x64xf32, #tpu.memory_space<vmem_shared>>)
      tpu.yield
    }) : () -> ()
    %mul3A_18 = arith.constant 632 : i32
    %mul3A_19 = arith.muli %arg1, %mul3A_18 : i32
    %add3A_20 = arith.constant 256 : i32
    %add3A_21 = arith.addi %mul3A_19, %add3A_20 : i32
    "tpu.region"() ({
      %run_scoped3A = tpu.sem_alloc : memref<!tpu.dma_semaphore, #tpu.memory_space<semaphore_mem>>
      %dma_start3A_67 = arith.constant 0 : i32
      %dma_start3A_68 = tpu.memref_slice %arg11[%add3A_21, %dma_start3A_67] : memref<10112x64xf32, #tpu.memory_space<vmem_shared>> -> memref<128x64xf32, #tpu.memory_space<vmem_shared>>
      %dma_start3A_69 = arith.constant 0 : i32
      %dma_start3A_70 = tpu.memref_slice %arg11[%add3A_21, %dma_start3A_69] : memref<10112x64xf32, #tpu.memory_space<vmem_shared>> -> memref<128x64xf32, #tpu.memory_space<vmem_shared>>
      tpu.enqueue_dma source(%arg8 : memref<128x64xf32, #tpu.memory_space<vmem>>) target(%dma_start3A_70 : memref<128x64xf32, #tpu.memory_space<vmem_shared>>) target_semaphore(%run_scoped3A : memref<!tpu.dma_semaphore, #tpu.memory_space<semaphore_mem>>)
      %dma_wait3A_71 = arith.constant 0 : i32
      %dma_wait3A_72 = tpu.memref_slice %arg11[%add3A_21, %dma_wait3A_71] : memref<10112x64xf32, #tpu.memory_space<vmem_shared>> -> memref<128x64xf32, #tpu.memory_space<vmem_shared>>
      %dma_wait3A_73 = arith.constant 0 : i32
      %dma_wait3A_74 = tpu.memref_slice %arg11[%add3A_21, %dma_wait3A_73] : memref<10112x64xf32, #tpu.memory_space<vmem_shared>> -> memref<128x64xf32, #tpu.memory_space<vmem_shared>>
      tpu.wait_dma2 semaphore(%run_scoped3A : memref<!tpu.dma_semaphore, #tpu.memory_space<semaphore_mem>>) src(%arg8 : memref<128x64xf32, #tpu.memory_space<vmem>>) dst(%dma_wait3A_74 : memref<128x64xf32, #tpu.memory_space<vmem_shared>>)
      tpu.yield
    }) : () -> ()
    %mul3A_22 = arith.constant 632 : i32
    %mul3A_23 = arith.muli %arg1, %mul3A_22 : i32
    %add3A_24 = arith.constant 384 : i32
    %add3A_25 = arith.addi %mul3A_23, %add3A_24 : i32
    "tpu.region"() ({
      %run_scoped3A = tpu.sem_alloc : memref<!tpu.dma_semaphore, #tpu.memory_space<semaphore_mem>>
      %dma_start3A_67 = arith.constant 0 : i32
      %dma_start3A_68 = tpu.memref_slice %arg11[%add3A_25, %dma_start3A_67] : memref<10112x64xf32, #tpu.memory_space<vmem_shared>> -> memref<128x64xf32, #tpu.memory_space<vmem_shared>>
      %dma_start3A_69 = arith.constant 0 : i32
      %dma_start3A_70 = tpu.memref_slice %arg11[%add3A_25, %dma_start3A_69] : memref<10112x64xf32, #tpu.memory_space<vmem_shared>> -> memref<128x64xf32, #tpu.memory_space<vmem_shared>>
      tpu.enqueue_dma source(%arg8 : memref<128x64xf32, #tpu.memory_space<vmem>>) target(%dma_start3A_70 : memref<128x64xf32, #tpu.memory_space<vmem_shared>>) target_semaphore(%run_scoped3A : memref<!tpu.dma_semaphore, #tpu.memory_space<semaphore_mem>>)
      %dma_wait3A_71 = arith.constant 0 : i32
      %dma_wait3A_72 = tpu.memref_slice %arg11[%add3A_25, %dma_wait3A_71] : memref<10112x64xf32, #tpu.memory_space<vmem_shared>> -> memref<128x64xf32, #tpu.memory_space<vmem_shared>>
      %dma_wait3A_73 = arith.constant 0 : i32
      %dma_wait3A_74 = tpu.memref_slice %arg11[%add3A_25, %dma_wait3A_73] : memref<10112x64xf32, #tpu.memory_space<vmem_shared>> -> memref<128x64xf32, #tpu.memory_space<vmem_shared>>
      tpu.wait_dma2 semaphore(%run_scoped3A : memref<!tpu.dma_semaphore, #tpu.memory_space<semaphore_mem>>) src(%arg8 : memref<128x64xf32, #tpu.memory_space<vmem>>) dst(%dma_wait3A_74 : memref<128x64xf32, #tpu.memory_space<vmem_shared>>)
      tpu.yield
    }) : () -> ()
    %mul3A_26 = arith.constant 632 : i32
    %mul3A_27 = arith.muli %arg1, %mul3A_26 : i32
    %add3A_28 = arith.constant 512 : i32
    %add3A_29 = arith.addi %mul3A_27, %add3A_28 : i32
    "tpu.region"() ({
      %run_scoped3A = tpu.sem_alloc : memref<!tpu.dma_semaphore, #tpu.memory_space<semaphore_mem>>
      %dma_start3A_67 = arith.constant 0 : i32
      %dma_start3A_68 = arith.constant 0 : i32
      %dma_start3A_69 = tpu.memref_slice %arg8[%dma_start3A_67, %dma_start3A_68] : memref<128x64xf32, #tpu.memory_space<vmem>> -> memref<120x64xf32, #tpu.memory_space<vmem>>
      %dma_start3A_70 = arith.constant 0 : i32
      %dma_start3A_71 = tpu.memref_slice %arg11[%add3A_29, %dma_start3A_70] : memref<10112x64xf32, #tpu.memory_space<vmem_shared>> -> memref<120x64xf32, #tpu.memory_space<vmem_shared>>
      %dma_start3A_72 = arith.constant 0 : i32
      %dma_start3A_73 = tpu.memref_slice %arg11[%add3A_29, %dma_start3A_72] : memref<10112x64xf32, #tpu.memory_space<vmem_shared>> -> memref<120x64xf32, #tpu.memory_space<vmem_shared>>
      %dma_start3A_74 = arith.constant 0 : i32
      %dma_start3A_75 = arith.constant 0 : i32
      %dma_start3A_76 = tpu.memref_slice %arg8[%dma_start3A_74, %dma_start3A_75] : memref<128x64xf32, #tpu.memory_space<vmem>> -> memref<120x64xf32, #tpu.memory_space<vmem>>
      tpu.enqueue_dma source(%dma_start3A_76 : memref<120x64xf32, #tpu.memory_space<vmem>>) target(%dma_start3A_73 : memref<120x64xf32, #tpu.memory_space<vmem_shared>>) target_semaphore(%run_scoped3A : memref<!tpu.dma_semaphore, #tpu.memory_space<semaphore_mem>>)
      %dma_wait3A_77 = arith.constant 0 : i32
      %dma_wait3A_78 = arith.constant 0 : i32
      %dma_wait3A_79 = tpu.memref_slice %arg8[%dma_wait3A_77, %dma_wait3A_78] : memref<128x64xf32, #tpu.memory_space<vmem>> -> memref<120x64xf32, #tpu.memory_space<vmem>>
      %dma_wait3A_80 = arith.constant 0 : i32
      %dma_wait3A_81 = tpu.memref_slice %arg11[%add3A_29, %dma_wait3A_80] : memref<10112x64xf32, #tpu.memory_space<vmem_shared>> -> memref<120x64xf32, #tpu.memory_space<vmem_shared>>
      %dma_wait3A_82 = arith.constant 0 : i32
      %dma_wait3A_83 = tpu.memref_slice %arg11[%add3A_29, %dma_wait3A_82] : memref<10112x64xf32, #tpu.memory_space<vmem_shared>> -> memref<120x64xf32, #tpu.memory_space<vmem_shared>>
      %dma_wait3A_84 = arith.constant 0 : i32
      %dma_wait3A_85 = arith.constant 0 : i32
      %dma_wait3A_86 = tpu.memref_slice %arg8[%dma_wait3A_84, %dma_wait3A_85] : memref<128x64xf32, #tpu.memory_space<vmem>> -> memref<120x64xf32, #tpu.memory_space<vmem>>
      tpu.wait_dma2 semaphore(%run_scoped3A : memref<!tpu.dma_semaphore, #tpu.memory_space<semaphore_mem>>) src(%dma_wait3A_86 : memref<120x64xf32, #tpu.memory_space<vmem>>) dst(%dma_wait3A_83 : memref<120x64xf32, #tpu.memory_space<vmem_shared>>)
      tpu.yield
    }) : () -> ()
    %barrier3A = arith.constant 0 : index
    tpu.barrier barrier_id(%barrier3A)
    %dma_start3A = arith.constant 0 : i32
    %dma_start3A_30 = arith.constant 0 : i32
    %dma_start3A_31 = tpu.memref_slice %arg6[%dma_start3A, %dma_start3A_30] : memref<80x128xi32, #tpu.memory_space<vmem>> -> memref<1x128xi32, #tpu.memory_space<vmem>>
    %dma_start3A_32 = tpu.memref_squeeze %dma_start3A_31 : memref<1x128xi32, #tpu.memory_space<vmem>> -> memref<128xi32, #tpu.memory_space<vmem>>
    %dma_start3A_33 = arith.constant 0 : i32
    %dma_start3A_34 = arith.constant 0 : i32
    %dma_start3A_35 = tpu.memref_slice %arg10[%dma_start3A_33, %dma_start3A_34] : memref<10112x64xf32, #tpu.memory_space<vmem_shared>> -> memref<10112x64xf32, #tpu.memory_space<vmem_shared>>
    tpu.enqueue_indirect_dma source(%dma_start3A_35 : memref<10112x64xf32, #tpu.memory_space<vmem_shared>>) target(%arg8 : memref<128x64xf32, #tpu.memory_space<vmem>>) offsets(%dma_start3A_32 : memref<128xi32, #tpu.memory_space<vmem>>) semaphore(%arg12 : memref<!tpu.dma_semaphore, #tpu.memory_space<semaphore_mem>>)
    %dma_start3A_36 = arith.constant 1 : i32
    %dma_start3A_37 = arith.constant 0 : i32
    %dma_start3A_38 = tpu.memref_slice %arg6[%dma_start3A_36, %dma_start3A_37] : memref<80x128xi32, #tpu.memory_space<vmem>> -> memref<1x128xi32, #tpu.memory_space<vmem>>
    %dma_start3A_39 = tpu.memref_squeeze %dma_start3A_38 : memref<1x128xi32, #tpu.memory_space<vmem>> -> memref<128xi32, #tpu.memory_space<vmem>>
    %dma_start3A_40 = arith.constant 0 : i32
    %dma_start3A_41 = arith.constant 0 : i32
    %dma_start3A_42 = tpu.memref_slice %arg10[%dma_start3A_40, %dma_start3A_41] : memref<10112x64xf32, #tpu.memory_space<vmem_shared>> -> memref<10112x64xf32, #tpu.memory_space<vmem_shared>>
    tpu.enqueue_indirect_dma source(%dma_start3A_42 : memref<10112x64xf32, #tpu.memory_space<vmem_shared>>) target(%arg9 : memref<128x64xf32, #tpu.memory_space<vmem>>) offsets(%dma_start3A_39 : memref<128xi32, #tpu.memory_space<vmem>>) semaphore(%arg13 : memref<!tpu.dma_semaphore, #tpu.memory_space<semaphore_mem>>)
    %scan3A_43 = arith.constant 0 : i32
    %scan3A_44 = arith.constant 0 : i32
    %scan3A_45 = arith.constant 40 : i32
    %scan3A_46 = arith.addi %scan3A_44, %scan3A_45 : i32
    %scan3A_47 = arith.constant 1 : i32
    scf.for %scan3A_67 = %scan3A_44 to %scan3A_46 step %scan3A_47  : i32 {
      %mul3A_68 = arith.constant 2 : i32
      %mul3A_69 = arith.muli %mul3A_68, %scan3A_67 : i32
      %mul3A_70 = arith.constant 2 : i32
      %mul3A_71 = arith.muli %mul3A_70, %scan3A_67 : i32
      %add3A_72 = arith.constant 1 : i32
      %add3A_73 = arith.addi %mul3A_71, %add3A_72 : i32
      %add3A_74 = arith.constant 2 : i32
      %add3A_75 = arith.addi %mul3A_69, %add3A_74 : i32
      %min3A = arith.constant 79 : i32
      %min3A_76 = arith.minsi %add3A_75, %min3A : i32
      %add3A_77 = arith.constant 2 : i32
      %add3A_78 = arith.addi %add3A_73, %add3A_77 : i32
      %min3A_79 = arith.constant 79 : i32
      %min3A_80 = arith.minsi %add3A_78, %min3A_79 : i32
      %dma_wait3A_81 = arith.constant 0 : i32
      %dma_wait3A_82 = tpu.memref_slice %arg6[%mul3A_69, %dma_wait3A_81] : memref<80x128xi32, #tpu.memory_space<vmem>> -> memref<1x128xi32, #tpu.memory_space<vmem>>
      %dma_wait3A_83 = tpu.memref_squeeze %dma_wait3A_82 : memref<1x128xi32, #tpu.memory_space<vmem>> -> memref<128xi32, #tpu.memory_space<vmem>>
      %dma_wait3A_84 = arith.constant 0 : i32
      %dma_wait3A_85 = arith.constant 0 : i32
      %dma_wait3A_86 = tpu.memref_slice %arg10[%dma_wait3A_84, %dma_wait3A_85] : memref<10112x64xf32, #tpu.memory_space<vmem_shared>> -> memref<10112x64xf32, #tpu.memory_space<vmem_shared>>
      tpu.wait_indirect_dma semaphore(%arg12 : memref<!tpu.dma_semaphore, #tpu.memory_space<semaphore_mem>>) src(%dma_wait3A_86 : memref<10112x64xf32, #tpu.memory_space<vmem_shared>>) dst(%arg8 : memref<128x64xf32, #tpu.memory_space<vmem>>)
      "tpu.region"() ({
        %run_scoped3A = tpu.sem_alloc : memref<!tpu.dma_semaphore, #tpu.memory_space<semaphore_mem>>
        %dma_start3A_105 = arith.constant 0 : i32
        %dma_start3A_106 = tpu.memref_slice %arg7[%mul3A_69, %dma_start3A_105] : memref<80x128xi32, #tpu.memory_space<vmem>> -> memref<1x128xi32, #tpu.memory_space<vmem>>
        %dma_start3A_107 = tpu.memref_squeeze %dma_start3A_106 : memref<1x128xi32, #tpu.memory_space<vmem>> -> memref<128xi32, #tpu.memory_space<vmem>>
        %dma_start3A_108 = arith.constant 0 : i32
        %dma_start3A_109 = arith.constant 0 : i32
        %dma_start3A_110 = tpu.memref_slice %arg11[%dma_start3A_108, %dma_start3A_109] : memref<10112x64xf32, #tpu.memory_space<vmem_shared>> -> memref<10112x64xf32, #tpu.memory_space<vmem_shared>>
        tpu.enqueue_indirect_dma source(%arg8 : memref<128x64xf32, #tpu.memory_space<vmem>>) target(%dma_start3A_110 : memref<10112x64xf32, #tpu.memory_space<vmem_shared>>) offsets(%dma_start3A_107 : memref<128xi32, #tpu.memory_space<vmem>>) semaphore(%run_scoped3A : memref<!tpu.dma_semaphore, #tpu.memory_space<semaphore_mem>>) {add = true}
        %dma_wait3A_111 = arith.constant 0 : i32
        %dma_wait3A_112 = tpu.memref_slice %arg7[%mul3A_69, %dma_wait3A_111] : memref<80x128xi32, #tpu.memory_space<vmem>> -> memref<1x128xi32, #tpu.memory_space<vmem>>
        %dma_wait3A_113 = tpu.memref_squeeze %dma_wait3A_112 : memref<1x128xi32, #tpu.memory_space<vmem>> -> memref<128xi32, #tpu.memory_space<vmem>>
        %dma_wait3A_114 = arith.constant 0 : i32
        %dma_wait3A_115 = arith.constant 0 : i32
        %dma_wait3A_116 = tpu.memref_slice %arg11[%dma_wait3A_114, %dma_wait3A_115] : memref<10112x64xf32, #tpu.memory_space<vmem_shared>> -> memref<10112x64xf32, #tpu.memory_space<vmem_shared>>
        tpu.wait_indirect_dma semaphore(%run_scoped3A : memref<!tpu.dma_semaphore, #tpu.memory_space<semaphore_mem>>) src(%arg8 : memref<128x64xf32, #tpu.memory_space<vmem>>) dst(%dma_wait3A_116 : memref<10112x64xf32, #tpu.memory_space<vmem_shared>>)
        tpu.yield
      }) : () -> ()
      %dma_start3A_87 = arith.constant 0 : i32
      %dma_start3A_88 = tpu.memref_slice %arg6[%min3A_76, %dma_start3A_87] : memref<80x128xi32, #tpu.memory_space<vmem>> -> memref<1x128xi32, #tpu.memory_space<vmem>>
      %dma_start3A_89 = tpu.memref_squeeze %dma_start3A_88 : memref<1x128xi32, #tpu.memory_space<vmem>> -> memref<128xi32, #tpu.memory_space<vmem>>
      %dma_start3A_90 = arith.constant 0 : i32
      %dma_start3A_91 = arith.constant 0 : i32
      %dma_start3A_92 = tpu.memref_slice %arg10[%dma_start3A_90, %dma_start3A_91] : memref<10112x64xf32, #tpu.memory_space<vmem_shared>> -> memref<10112x64xf32, #tpu.memory_space<vmem_shared>>
      tpu.enqueue_indirect_dma source(%dma_start3A_92 : memref<10112x64xf32, #tpu.memory_space<vmem_shared>>) target(%arg8 : memref<128x64xf32, #tpu.memory_space<vmem>>) offsets(%dma_start3A_89 : memref<128xi32, #tpu.memory_space<vmem>>) semaphore(%arg12 : memref<!tpu.dma_semaphore, #tpu.memory_space<semaphore_mem>>)
      %dma_wait3A_93 = arith.constant 0 : i32
      %dma_wait3A_94 = tpu.memref_slice %arg6[%add3A_73, %dma_wait3A_93] : memref<80x128xi32, #tpu.memory_space<vmem>> -> memref<1x128xi32, #tpu.memory_space<vmem>>
      %dma_wait3A_95 = tpu.memref_squeeze %dma_wait3A_94 : memref<1x128xi32, #tpu.memory_space<vmem>> -> memref<128xi32, #tpu.memory_space<vmem>>
      %dma_wait3A_96 = arith.constant 0 : i32
      %dma_wait3A_97 = arith.constant 0 : i32
      %dma_wait3A_98 = tpu.memref_slice %arg10[%dma_wait3A_96, %dma_wait3A_97] : memref<10112x64xf32, #tpu.memory_space<vmem_shared>> -> memref<10112x64xf32, #tpu.memory_space<vmem_shared>>
      tpu.wait_indirect_dma semaphore(%arg13 : memref<!tpu.dma_semaphore, #tpu.memory_space<semaphore_mem>>) src(%dma_wait3A_98 : memref<10112x64xf32, #tpu.memory_space<vmem_shared>>) dst(%arg9 : memref<128x64xf32, #tpu.memory_space<vmem>>)
      "tpu.region"() ({
        %run_scoped3A = tpu.sem_alloc : memref<!tpu.dma_semaphore, #tpu.memory_space<semaphore_mem>>
        %dma_start3A_105 = arith.constant 0 : i32
        %dma_start3A_106 = tpu.memref_slice %arg7[%add3A_73, %dma_start3A_105] : memref<80x128xi32, #tpu.memory_space<vmem>> -> memref<1x128xi32, #tpu.memory_space<vmem>>
        %dma_start3A_107 = tpu.memref_squeeze %dma_start3A_106 : memref<1x128xi32, #tpu.memory_space<vmem>> -> memref<128xi32, #tpu.memory_space<vmem>>
        %dma_start3A_108 = arith.constant 0 : i32
        %dma_start3A_109 = arith.constant 0 : i32
        %dma_start3A_110 = tpu.memref_slice %arg11[%dma_start3A_108, %dma_start3A_109] : memref<10112x64xf32, #tpu.memory_space<vmem_shared>> -> memref<10112x64xf32, #tpu.memory_space<vmem_shared>>
        tpu.enqueue_indirect_dma source(%arg9 : memref<128x64xf32, #tpu.memory_space<vmem>>) target(%dma_start3A_110 : memref<10112x64xf32, #tpu.memory_space<vmem_shared>>) offsets(%dma_start3A_107 : memref<128xi32, #tpu.memory_space<vmem>>) semaphore(%run_scoped3A : memref<!tpu.dma_semaphore, #tpu.memory_space<semaphore_mem>>) {add = true}
        %dma_wait3A_111 = arith.constant 0 : i32
        %dma_wait3A_112 = tpu.memref_slice %arg7[%add3A_73, %dma_wait3A_111] : memref<80x128xi32, #tpu.memory_space<vmem>> -> memref<1x128xi32, #tpu.memory_space<vmem>>
        %dma_wait3A_113 = tpu.memref_squeeze %dma_wait3A_112 : memref<1x128xi32, #tpu.memory_space<vmem>> -> memref<128xi32, #tpu.memory_space<vmem>>
        %dma_wait3A_114 = arith.constant 0 : i32
        %dma_wait3A_115 = arith.constant 0 : i32
        %dma_wait3A_116 = tpu.memref_slice %arg11[%dma_wait3A_114, %dma_wait3A_115] : memref<10112x64xf32, #tpu.memory_space<vmem_shared>> -> memref<10112x64xf32, #tpu.memory_space<vmem_shared>>
        tpu.wait_indirect_dma semaphore(%run_scoped3A : memref<!tpu.dma_semaphore, #tpu.memory_space<semaphore_mem>>) src(%arg9 : memref<128x64xf32, #tpu.memory_space<vmem>>) dst(%dma_wait3A_116 : memref<10112x64xf32, #tpu.memory_space<vmem_shared>>)
        tpu.yield
      }) : () -> ()
      %dma_start3A_99 = arith.constant 0 : i32
      %dma_start3A_100 = tpu.memref_slice %arg6[%min3A_80, %dma_start3A_99] : memref<80x128xi32, #tpu.memory_space<vmem>> -> memref<1x128xi32, #tpu.memory_space<vmem>>
      %dma_start3A_101 = tpu.memref_squeeze %dma_start3A_100 : memref<1x128xi32, #tpu.memory_space<vmem>> -> memref<128xi32, #tpu.memory_space<vmem>>
      %dma_start3A_102 = arith.constant 0 : i32
      %dma_start3A_103 = arith.constant 0 : i32
      %dma_start3A_104 = tpu.memref_slice %arg10[%dma_start3A_102, %dma_start3A_103] : memref<10112x64xf32, #tpu.memory_space<vmem_shared>> -> memref<10112x64xf32, #tpu.memory_space<vmem_shared>>
      tpu.enqueue_indirect_dma source(%dma_start3A_104 : memref<10112x64xf32, #tpu.memory_space<vmem_shared>>) target(%arg9 : memref<128x64xf32, #tpu.memory_space<vmem>>) offsets(%dma_start3A_101 : memref<128xi32, #tpu.memory_space<vmem>>) semaphore(%arg13 : memref<!tpu.dma_semaphore, #tpu.memory_space<semaphore_mem>>)
    }
    %scan3A_48 = arith.constant 40 : i32
    %dma_wait3A = arith.constant 79 : i32
    %dma_wait3A_49 = arith.constant 0 : i32
    %dma_wait3A_50 = tpu.memref_slice %arg6[%dma_wait3A, %dma_wait3A_49] : memref<80x128xi32, #tpu.memory_space<vmem>> -> memref<1x128xi32, #tpu.memory_space<vmem>>
    %dma_wait3A_51 = tpu.memref_squeeze %dma_wait3A_50 : memref<1x128xi32, #tpu.memory_space<vmem>> -> memref<128xi32, #tpu.memory_space<vmem>>
    %dma_wait3A_52 = arith.constant 0 : i32
    %dma_wait3A_53 = arith.constant 0 : i32
    %dma_wait3A_54 = tpu.memref_slice %arg10[%dma_wait3A_52, %dma_wait3A_53] : memref<10112x64xf32, #tpu.memory_space<vmem_shared>> -> memref<10112x64xf32, #tpu.memory_space<vmem_shared>>
    tpu.wait_indirect_dma semaphore(%arg12 : memref<!tpu.dma_semaphore, #tpu.memory_space<semaphore_mem>>) src(%dma_wait3A_54 : memref<10112x64xf32, #tpu.memory_space<vmem_shared>>) dst(%arg8 : memref<128x64xf32, #tpu.memory_space<vmem>>)
    %dma_wait3A_55 = arith.constant 79 : i32
    %dma_wait3A_56 = arith.constant 0 : i32
    %dma_wait3A_57 = tpu.memref_slice %arg6[%dma_wait3A_55, %dma_wait3A_56] : memref<80x128xi32, #tpu.memory_space<vmem>> -> memref<1x128xi32, #tpu.memory_space<vmem>>
    %dma_wait3A_58 = tpu.memref_squeeze %dma_wait3A_57 : memref<1x128xi32, #tpu.memory_space<vmem>> -> memref<128xi32, #tpu.memory_space<vmem>>
    %dma_wait3A_59 = arith.constant 0 : i32
    %dma_wait3A_60 = arith.constant 0 : i32
    %dma_wait3A_61 = tpu.memref_slice %arg10[%dma_wait3A_59, %dma_wait3A_60] : memref<10112x64xf32, #tpu.memory_space<vmem_shared>> -> memref<10112x64xf32, #tpu.memory_space<vmem_shared>>
    tpu.wait_indirect_dma semaphore(%arg13 : memref<!tpu.dma_semaphore, #tpu.memory_space<semaphore_mem>>) src(%dma_wait3A_61 : memref<10112x64xf32, #tpu.memory_space<vmem_shared>>) dst(%arg9 : memref<128x64xf32, #tpu.memory_space<vmem>>)
    %barrier3A_62 = arith.constant 0 : index
    tpu.barrier barrier_id(%barrier3A_62)
    %mul3A_63 = arith.constant 632 : i32
    %mul3A_64 = arith.muli %arg1, %mul3A_63 : i32
    %mul3A_65 = arith.constant 632 : i32
    %mul3A_66 = arith.muli %arg1, %mul3A_65 : i32
    "tpu.region"() ({
      %run_scoped3A = tpu.sem_alloc : memref<!tpu.dma_semaphore, #tpu.memory_space<semaphore_mem>>
      %dma_start3A_67 = arith.constant 0 : i32
      %dma_start3A_68 = tpu.memref_slice %arg5[%arg0, %mul3A_66, %dma_start3A_67] : memref<2x10112x64xf32, #tpu.memory_space<hbm>> -> memref<1x632x64xf32, #tpu.memory_space<hbm>>
      %dma_start3A_69 = tpu.memref_squeeze %dma_start3A_68 : memref<1x632x64xf32, #tpu.memory_space<hbm>> -> memref<632x64xf32, #tpu.memory_space<hbm>>
      %dma_start3A_70 = arith.constant 0 : i32
      %dma_start3A_71 = tpu.memref_slice %arg11[%mul3A_64, %dma_start3A_70] : memref<10112x64xf32, #tpu.memory_space<vmem_shared>> -> memref<632x64xf32, #tpu.memory_space<vmem_shared>>
      tpu.enqueue_dma source(%dma_start3A_71 : memref<632x64xf32, #tpu.memory_space<vmem_shared>>) target(%dma_start3A_69 : memref<632x64xf32, #tpu.memory_space<hbm>>) target_semaphore(%run_scoped3A : memref<!tpu.dma_semaphore, #tpu.memory_space<semaphore_mem>>)
      %dma_wait3A_72 = arith.constant 0 : i32
      %dma_wait3A_73 = tpu.memref_slice %arg5[%arg0, %mul3A_66, %dma_wait3A_72] : memref<2x10112x64xf32, #tpu.memory_space<hbm>> -> memref<1x632x64xf32, #tpu.memory_space<hbm>>
      %dma_wait3A_74 = tpu.memref_squeeze %dma_wait3A_73 : memref<1x632x64xf32, #tpu.memory_space<hbm>> -> memref<632x64xf32, #tpu.memory_space<hbm>>
      %dma_wait3A_75 = arith.constant 0 : i32
      %dma_wait3A_76 = tpu.memref_slice %arg11[%mul3A_64, %dma_wait3A_75] : memref<10112x64xf32, #tpu.memory_space<vmem_shared>> -> memref<632x64xf32, #tpu.memory_space<vmem_shared>>
      tpu.wait_dma2 semaphore(%run_scoped3A : memref<!tpu.dma_semaphore, #tpu.memory_space<semaphore_mem>>) src(%dma_wait3A_76 : memref<632x64xf32, #tpu.memory_space<vmem_shared>>) dst(%dma_wait3A_74 : memref<632x64xf32, #tpu.memory_space<hbm>>)
      tpu.yield
    }) : () -> ()
    return
  }
}

#map = affine_map<(d0, d1) -> (0, 0)>
#map1 = affine_map<(d0, d1) -> (0, 0, 0)>
module attributes {stable_mosaic.version = 14 : i64} {
  func.func @_segsum64(%arg0: i32, %arg1: i32, %arg2: memref<10112x64xf32, #tpu.memory_space<hbm>>, %arg3: memref<32x80x128xi32, #tpu.memory_space<hbm>>, %arg4: memref<32x80x128xi32, #tpu.memory_space<hbm>>, %arg5: memref<2x10112x64xf32, #tpu.memory_space<hbm>>, %arg6: memref<80x128xi32, #tpu.memory_space<vmem>>, %arg7: memref<80x128xi32, #tpu.memory_space<vmem>>, %arg8: memref<128x64xf32, #tpu.memory_space<vmem>>, %arg9: memref<128x64xf32, #tpu.memory_space<vmem>>, %arg10: memref<10112x64xf32, #tpu.memory_space<vmem_shared>>, %arg11: memref<10112x64xf32, #tpu.memory_space<vmem_shared>>, %arg12: memref<!tpu.dma_semaphore, #tpu.memory_space<semaphore_mem>>, %arg13: memref<!tpu.dma_semaphore, #tpu.memory_space<semaphore_mem>>) attributes {dimension_semantics = [#tpu.dimension_semantics<core_parallel>, #tpu.dimension_semantics<subcore_parallel>], iteration_bounds = array<i64: 2, 16>, scalar_prefetch = 0 : i64, scratch_operands = 8 : i64, tpu.core_type = #tpu.core_type<sc_vector_subcore>, window_params = [{transform_indices = #map}, {transform_indices = #map1}, {transform_indices = #map1}, {transform_indices = #map1}]} {
    %mul3A = arith.constant 16 : i32
    %mul3A_0 = arith.muli %arg0, %mul3A : i32
    %add3A = arith.addi %mul3A_0, %arg1 : i32
    "tpu.region"() ({
      %run_scoped3A = tpu.sem_alloc : memref<!tpu.dma_semaphore, #tpu.memory_space<semaphore_mem>>
      %dma_start3A_67 = arith.constant 0 : i32
      %dma_start3A_68 = arith.constant 0 : i32
      %dma_start3A_69 = tpu.memref_slice %arg3[%add3A, %dma_start3A_67, %dma_start3A_68] : memref<32x80x128xi32, #tpu.memory_space<hbm>> -> memref<1x80x128xi32, #tpu.memory_space<hbm>>
      %dma_start3A_70 = tpu.memref_squeeze %dma_start3A_69 : memref<1x80x128xi32, #tpu.memory_space<hbm>> -> memref<80x128xi32, #tpu.memory_space<hbm>>
      %dma_start3A_71 = arith.constant 0 : i32
      %dma_start3A_72 = arith.constant 0 : i32
      %dma_start3A_73 = tpu.memref_slice %arg3[%add3A, %dma_start3A_71, %dma_start3A_72] : memref<32x80x128xi32, #tpu.memory_space<hbm>> -> memref<1x80x128xi32, #tpu.memory_space<hbm>>
      %dma_start3A_74 = tpu.memref_squeeze %dma_start3A_73 : memref<1x80x128xi32, #tpu.memory_space<hbm>> -> memref<80x128xi32, #tpu.memory_space<hbm>>
      tpu.enqueue_dma source(%dma_start3A_74 : memref<80x128xi32, #tpu.memory_space<hbm>>) target(%arg6 : memref<80x128xi32, #tpu.memory_space<vmem>>) target_semaphore(%run_scoped3A : memref<!tpu.dma_semaphore, #tpu.memory_space<semaphore_mem>>)
      %dma_wait3A_75 = arith.constant 0 : i32
      %dma_wait3A_76 = arith.constant 0 : i32
      %dma_wait3A_77 = tpu.memref_slice %arg3[%add3A, %dma_wait3A_75, %dma_wait3A_76] : memref<32x80x128xi32, #tpu.memory_space<hbm>> -> memref<1x80x128xi32, #tpu.memory_space<hbm>>
      %dma_wait3A_78 = tpu.memref_squeeze %dma_wait3A_77 : memref<1x80x128xi32, #tpu.memory_space<hbm>> -> memref<80x128xi32, #tpu.memory_space<hbm>>
      %dma_wait3A_79 = arith.constant 0 : i32
      %dma_wait3A_80 = arith.constant 0 : i32
      %dma_wait3A_81 = tpu.memref_slice %arg3[%add3A, %dma_wait3A_79, %dma_wait3A_80] : memref<32x80x128xi32, #tpu.memory_space<hbm>> -> memref<1x80x128xi32, #tpu.memory_space<hbm>>
      %dma_wait3A_82 = tpu.memref_squeeze %dma_wait3A_81 : memref<1x80x128xi32, #tpu.memory_space<hbm>> -> memref<80x128xi32, #tpu.memory_space<hbm>>
      tpu.wait_dma2 semaphore(%run_scoped3A : memref<!tpu.dma_semaphore, #tpu.memory_space<semaphore_mem>>) src(%dma_wait3A_82 : memref<80x128xi32, #tpu.memory_space<hbm>>) dst(%arg6 : memref<80x128xi32, #tpu.memory_space<vmem>>)
      tpu.yield
    }) : () -> ()
    "tpu.region"() ({
      %run_scoped3A = tpu.sem_alloc : memref<!tpu.dma_semaphore, #tpu.memory_space<semaphore_mem>>
      %dma_start3A_67 = arith.constant 0 : i32
      %dma_start3A_68 = arith.constant 0 : i32
      %dma_start3A_69 = tpu.memref_slice %arg4[%add3A, %dma_start3A_67, %dma_start3A_68] : memref<32x80x128xi32, #tpu.memory_space<hbm>> -> memref<1x80x128xi32, #tpu.memory_space<hbm>>
      %dma_start3A_70 = tpu.memref_squeeze %dma_start3A_69 : memref<1x80x128xi32, #tpu.memory_space<hbm>> -> memref<80x128xi32, #tpu.memory_space<hbm>>
      %dma_start3A_71 = arith.constant 0 : i32
      %dma_start3A_72 = arith.constant 0 : i32
      %dma_start3A_73 = tpu.memref_slice %arg4[%add3A, %dma_start3A_71, %dma_start3A_72] : memref<32x80x128xi32, #tpu.memory_space<hbm>> -> memref<1x80x128xi32, #tpu.memory_space<hbm>>
      %dma_start3A_74 = tpu.memref_squeeze %dma_start3A_73 : memref<1x80x128xi32, #tpu.memory_space<hbm>> -> memref<80x128xi32, #tpu.memory_space<hbm>>
      tpu.enqueue_dma source(%dma_start3A_74 : memref<80x128xi32, #tpu.memory_space<hbm>>) target(%arg7 : memref<80x128xi32, #tpu.memory_space<vmem>>) target_semaphore(%run_scoped3A : memref<!tpu.dma_semaphore, #tpu.memory_space<semaphore_mem>>)
      %dma_wait3A_75 = arith.constant 0 : i32
      %dma_wait3A_76 = arith.constant 0 : i32
      %dma_wait3A_77 = tpu.memref_slice %arg4[%add3A, %dma_wait3A_75, %dma_wait3A_76] : memref<32x80x128xi32, #tpu.memory_space<hbm>> -> memref<1x80x128xi32, #tpu.memory_space<hbm>>
      %dma_wait3A_78 = tpu.memref_squeeze %dma_wait3A_77 : memref<1x80x128xi32, #tpu.memory_space<hbm>> -> memref<80x128xi32, #tpu.memory_space<hbm>>
      %dma_wait3A_79 = arith.constant 0 : i32
      %dma_wait3A_80 = arith.constant 0 : i32
      %dma_wait3A_81 = tpu.memref_slice %arg4[%add3A, %dma_wait3A_79, %dma_wait3A_80] : memref<32x80x128xi32, #tpu.memory_space<hbm>> -> memref<1x80x128xi32, #tpu.memory_space<hbm>>
      %dma_wait3A_82 = tpu.memref_squeeze %dma_wait3A_81 : memref<1x80x128xi32, #tpu.memory_space<hbm>> -> memref<80x128xi32, #tpu.memory_space<hbm>>
      tpu.wait_dma2 semaphore(%run_scoped3A : memref<!tpu.dma_semaphore, #tpu.memory_space<semaphore_mem>>) src(%dma_wait3A_82 : memref<80x128xi32, #tpu.memory_space<hbm>>) dst(%arg7 : memref<80x128xi32, #tpu.memory_space<vmem>>)
      tpu.yield
    }) : () -> ()
    %mul3A_1 = arith.constant 632 : i32
    %mul3A_2 = arith.muli %arg1, %mul3A_1 : i32
    %mul3A_3 = arith.constant 632 : i32
    %mul3A_4 = arith.muli %arg1, %mul3A_3 : i32
    "tpu.region"() ({
      %run_scoped3A = tpu.sem_alloc : memref<!tpu.dma_semaphore, #tpu.memory_space<semaphore_mem>>
      %dma_start3A_67 = arith.constant 0 : i32
      %dma_start3A_68 = tpu.memref_slice %arg10[%mul3A_4, %dma_start3A_67] : memref<10112x64xf32, #tpu.memory_space<vmem_shared>> -> memref<632x64xf32, #tpu.memory_space<vmem_shared>>
      %dma_start3A_69 = arith.constant 0 : i32
      %dma_start3A_70 = tpu.memref_slice %arg2[%mul3A_2, %dma_start3A_69] : memref<10112x64xf32, #tpu.memory_space<hbm>> -> memref<632x64xf32, #tpu.memory_space<hbm>>
      tpu.enqueue_dma source(%dma_start3A_70 : memref<632x64xf32, #tpu.memory_space<hbm>>) target(%dma_start3A_68 : memref<632x64xf32, #tpu.memory_space<vmem_shared>>) target_semaphore(%run_scoped3A : memref<!tpu.dma_semaphore, #tpu.memory_space<semaphore_mem>>)
      %dma_wait3A_71 = arith.constant 0 : i32
      %dma_wait3A_72 = tpu.memref_slice %arg10[%mul3A_4, %dma_wait3A_71] : memref<10112x64xf32, #tpu.memory_space<vmem_shared>> -> memref<632x64xf32, #tpu.memory_space<vmem_shared>>
      %dma_wait3A_73 = arith.constant 0 : i32
      %dma_wait3A_74 = tpu.memref_slice %arg2[%mul3A_2, %dma_wait3A_73] : memref<10112x64xf32, #tpu.memory_space<hbm>> -> memref<632x64xf32, #tpu.memory_space<hbm>>
      tpu.wait_dma2 semaphore(%run_scoped3A : memref<!tpu.dma_semaphore, #tpu.memory_space<semaphore_mem>>) src(%dma_wait3A_74 : memref<632x64xf32, #tpu.memory_space<hbm>>) dst(%dma_wait3A_72 : memref<632x64xf32, #tpu.memory_space<vmem_shared>>)
      tpu.yield
    }) : () -> ()
    %scan3A = arith.constant 0 : i32
    %scan3A_5 = arith.constant 0 : i32
    %scan3A_6 = arith.constant 128 : i32
    %scan3A_7 = arith.addi %scan3A_5, %scan3A_6 : i32
    %scan3A_8 = arith.constant 1 : i32
    scf.for %scan3A_67 = %scan3A_5 to %scan3A_7 step %scan3A_8  : i32 {
      %broadcast_in_dim3A = arith.constant 0.000000e+00 : f32
      %broadcast_in_dim3A_68 = vector.broadcast %broadcast_in_dim3A : f32 to vector<16xf32>
      %swap3A = arith.index_cast %scan3A_67 : i32 to index
      %swap3A_69 = arith.constant 0 : index
      %swap3A_70 = tpu.vector_load %arg8[%swap3A, %swap3A_69] {strides = array<i32>} : memref<128x64xf32, #tpu.memory_space<vmem>>, vector<1x16xf32>,
      %swap3A_71 = vector.shape_cast %swap3A_70 : vector<1x16xf32> to vector<16xf32>
      %swap3A_72 = vector.shape_cast %broadcast_in_dim3A_68 : vector<16xf32> to vector<1x16xf32>
      tpu.vector_store %arg8[%swap3A, %swap3A_69], %swap3A_72 {strides = array<i32>} : memref<128x64xf32, #tpu.memory_space<vmem>>, vector<1x16xf32>,
      %broadcast_in_dim3A_73 = arith.constant 0.000000e+00 : f32
      %broadcast_in_dim3A_74 = vector.broadcast %broadcast_in_dim3A_73 : f32 to vector<16xf32>
      %swap3A_75 = arith.index_cast %scan3A_67 : i32 to index
      %swap3A_76 = arith.constant 16 : index
      %swap3A_77 = tpu.vector_load %arg8[%swap3A_75, %swap3A_76] {strides = array<i32>} : memref<128x64xf32, #tpu.memory_space<vmem>>, vector<1x16xf32>,
      %swap3A_78 = vector.shape_cast %swap3A_77 : vector<1x16xf32> to vector<16xf32>
      %swap3A_79 = vector.shape_cast %broadcast_in_dim3A_74 : vector<16xf32> to vector<1x16xf32>
      tpu.vector_store %arg8[%swap3A_75, %swap3A_76], %swap3A_79 {strides = array<i32>} : memref<128x64xf32, #tpu.memory_space<vmem>>, vector<1x16xf32>,
      %broadcast_in_dim3A_80 = arith.constant 0.000000e+00 : f32
      %broadcast_in_dim3A_81 = vector.broadcast %broadcast_in_dim3A_80 : f32 to vector<16xf32>
      %swap3A_82 = arith.index_cast %scan3A_67 : i32 to index
      %swap3A_83 = arith.constant 32 : index
      %swap3A_84 = tpu.vector_load %arg8[%swap3A_82, %swap3A_83] {strides = array<i32>} : memref<128x64xf32, #tpu.memory_space<vmem>>, vector<1x16xf32>,
      %swap3A_85 = vector.shape_cast %swap3A_84 : vector<1x16xf32> to vector<16xf32>
      %swap3A_86 = vector.shape_cast %broadcast_in_dim3A_81 : vector<16xf32> to vector<1x16xf32>
      tpu.vector_store %arg8[%swap3A_82, %swap3A_83], %swap3A_86 {strides = array<i32>} : memref<128x64xf32, #tpu.memory_space<vmem>>, vector<1x16xf32>,
      %broadcast_in_dim3A_87 = arith.constant 0.000000e+00 : f32
      %broadcast_in_dim3A_88 = vector.broadcast %broadcast_in_dim3A_87 : f32 to vector<16xf32>
      %swap3A_89 = arith.index_cast %scan3A_67 : i32 to index
      %swap3A_90 = arith.constant 48 : index
      %swap3A_91 = tpu.vector_load %arg8[%swap3A_89, %swap3A_90] {strides = array<i32>} : memref<128x64xf32, #tpu.memory_space<vmem>>, vector<1x16xf32>,
      %swap3A_92 = vector.shape_cast %swap3A_91 : vector<1x16xf32> to vector<16xf32>
      %swap3A_93 = vector.shape_cast %broadcast_in_dim3A_88 : vector<16xf32> to vector<1x16xf32>
      tpu.vector_store %arg8[%swap3A_89, %swap3A_90], %swap3A_93 {strides = array<i32>} : memref<128x64xf32, #tpu.memory_space<vmem>>, vector<1x16xf32>,
    }
    %scan3A_9 = arith.constant 128 : i32
    %mul3A_10 = arith.constant 632 : i32
    %mul3A_11 = arith.muli %arg1, %mul3A_10 : i32
    %add3A_12 = arith.constant 0 : i32
    %add3A_13 = arith.addi %mul3A_11, %add3A_12 : i32
    "tpu.region"() ({
      %run_scoped3A = tpu.sem_alloc : memref<!tpu.dma_semaphore, #tpu.memory_space<semaphore_mem>>
      %dma_start3A_67 = arith.constant 0 : i32
      %dma_start3A_68 = tpu.memref_slice %arg11[%add3A_13, %dma_start3A_67] : memref<10112x64xf32, #tpu.memory_space<vmem_shared>> -> memref<128x64xf32, #tpu.memory_space<vmem_shared>>
      %dma_start3A_69 = arith.constant 0 : i32
      %dma_start3A_70 = tpu.memref_slice %arg11[%add3A_13, %dma_start3A_69] : memref<10112x64xf32, #tpu.memory_space<vmem_shared>> -> memref<128x64xf32, #tpu.memory_space<vmem_shared>>
      tpu.enqueue_dma source(%arg8 : memref<128x64xf32, #tpu.memory_space<vmem>>) target(%dma_start3A_70 : memref<128x64xf32, #tpu.memory_space<vmem_shared>>) target_semaphore(%run_scoped3A : memref<!tpu.dma_semaphore, #tpu.memory_space<semaphore_mem>>)
      %dma_wait3A_71 = arith.constant 0 : i32
      %dma_wait3A_72 = tpu.memref_slice %arg11[%add3A_13, %dma_wait3A_71] : memref<10112x64xf32, #tpu.memory_space<vmem_shared>> -> memref<128x64xf32, #tpu.memory_space<vmem_shared>>
      %dma_wait3A_73 = arith.constant 0 : i32
      %dma_wait3A_74 = tpu.memref_slice %arg11[%add3A_13, %dma_wait3A_73] : memref<10112x64xf32, #tpu.memory_space<vmem_shared>> -> memref<128x64xf32, #tpu.memory_space<vmem_shared>>
      tpu.wait_dma2 semaphore(%run_scoped3A : memref<!tpu.dma_semaphore, #tpu.memory_space<semaphore_mem>>) src(%arg8 : memref<128x64xf32, #tpu.memory_space<vmem>>) dst(%dma_wait3A_74 : memref<128x64xf32, #tpu.memory_space<vmem_shared>>)
      tpu.yield
    }) : () -> ()
    %mul3A_14 = arith.constant 632 : i32
    %mul3A_15 = arith.muli %arg1, %mul3A_14 : i32
    %add3A_16 = arith.constant 128 : i32
    %add3A_17 = arith.addi %mul3A_15, %add3A_16 : i32
    "tpu.region"() ({
      %run_scoped3A = tpu.sem_alloc : memref<!tpu.dma_semaphore, #tpu.memory_space<semaphore_mem>>
      %dma_start3A_67 = arith.constant 0 : i32
      %dma_start3A_68 = tpu.memref_slice %arg11[%add3A_17, %dma_start3A_67] : memref<10112x64xf32, #tpu.memory_space<vmem_shared>> -> memref<128x64xf32, #tpu.memory_space<vmem_shared>>
      %dma_start3A_69 = arith.constant 0 : i32
      %dma_start3A_70 = tpu.memref_slice %arg11[%add3A_17, %dma_start3A_69] : memref<10112x64xf32, #tpu.memory_space<vmem_shared>> -> memref<128x64xf32, #tpu.memory_space<vmem_shared>>
      tpu.enqueue_dma source(%arg8 : memref<128x64xf32, #tpu.memory_space<vmem>>) target(%dma_start3A_70 : memref<128x64xf32, #tpu.memory_space<vmem_shared>>) target_semaphore(%run_scoped3A : memref<!tpu.dma_semaphore, #tpu.memory_space<semaphore_mem>>)
      %dma_wait3A_71 = arith.constant 0 : i32
      %dma_wait3A_72 = tpu.memref_slice %arg11[%add3A_17, %dma_wait3A_71] : memref<10112x64xf32, #tpu.memory_space<vmem_shared>> -> memref<128x64xf32, #tpu.memory_space<vmem_shared>>
      %dma_wait3A_73 = arith.constant 0 : i32
      %dma_wait3A_74 = tpu.memref_slice %arg11[%add3A_17, %dma_wait3A_73] : memref<10112x64xf32, #tpu.memory_space<vmem_shared>> -> memref<128x64xf32, #tpu.memory_space<vmem_shared>>
      tpu.wait_dma2 semaphore(%run_scoped3A : memref<!tpu.dma_semaphore, #tpu.memory_space<semaphore_mem>>) src(%arg8 : memref<128x64xf32, #tpu.memory_space<vmem>>) dst(%dma_wait3A_74 : memref<128x64xf32, #tpu.memory_space<vmem_shared>>)
      tpu.yield
    }) : () -> ()
    %mul3A_18 = arith.constant 632 : i32
    %mul3A_19 = arith.muli %arg1, %mul3A_18 : i32
    %add3A_20 = arith.constant 256 : i32
    %add3A_21 = arith.addi %mul3A_19, %add3A_20 : i32
    "tpu.region"() ({
      %run_scoped3A = tpu.sem_alloc : memref<!tpu.dma_semaphore, #tpu.memory_space<semaphore_mem>>
      %dma_start3A_67 = arith.constant 0 : i32
      %dma_start3A_68 = tpu.memref_slice %arg11[%add3A_21, %dma_start3A_67] : memref<10112x64xf32, #tpu.memory_space<vmem_shared>> -> memref<128x64xf32, #tpu.memory_space<vmem_shared>>
      %dma_start3A_69 = arith.constant 0 : i32
      %dma_start3A_70 = tpu.memref_slice %arg11[%add3A_21, %dma_start3A_69] : memref<10112x64xf32, #tpu.memory_space<vmem_shared>> -> memref<128x64xf32, #tpu.memory_space<vmem_shared>>
      tpu.enqueue_dma source(%arg8 : memref<128x64xf32, #tpu.memory_space<vmem>>) target(%dma_start3A_70 : memref<128x64xf32, #tpu.memory_space<vmem_shared>>) target_semaphore(%run_scoped3A : memref<!tpu.dma_semaphore, #tpu.memory_space<semaphore_mem>>)
      %dma_wait3A_71 = arith.constant 0 : i32
      %dma_wait3A_72 = tpu.memref_slice %arg11[%add3A_21, %dma_wait3A_71] : memref<10112x64xf32, #tpu.memory_space<vmem_shared>> -> memref<128x64xf32, #tpu.memory_space<vmem_shared>>
      %dma_wait3A_73 = arith.constant 0 : i32
      %dma_wait3A_74 = tpu.memref_slice %arg11[%add3A_21, %dma_wait3A_73] : memref<10112x64xf32, #tpu.memory_space<vmem_shared>> -> memref<128x64xf32, #tpu.memory_space<vmem_shared>>
      tpu.wait_dma2 semaphore(%run_scoped3A : memref<!tpu.dma_semaphore, #tpu.memory_space<semaphore_mem>>) src(%arg8 : memref<128x64xf32, #tpu.memory_space<vmem>>) dst(%dma_wait3A_74 : memref<128x64xf32, #tpu.memory_space<vmem_shared>>)
      tpu.yield
    }) : () -> ()
    %mul3A_22 = arith.constant 632 : i32
    %mul3A_23 = arith.muli %arg1, %mul3A_22 : i32
    %add3A_24 = arith.constant 384 : i32
    %add3A_25 = arith.addi %mul3A_23, %add3A_24 : i32
    "tpu.region"() ({
      %run_scoped3A = tpu.sem_alloc : memref<!tpu.dma_semaphore, #tpu.memory_space<semaphore_mem>>
      %dma_start3A_67 = arith.constant 0 : i32
      %dma_start3A_68 = tpu.memref_slice %arg11[%add3A_25, %dma_start3A_67] : memref<10112x64xf32, #tpu.memory_space<vmem_shared>> -> memref<128x64xf32, #tpu.memory_space<vmem_shared>>
      %dma_start3A_69 = arith.constant 0 : i32
      %dma_start3A_70 = tpu.memref_slice %arg11[%add3A_25, %dma_start3A_69] : memref<10112x64xf32, #tpu.memory_space<vmem_shared>> -> memref<128x64xf32, #tpu.memory_space<vmem_shared>>
      tpu.enqueue_dma source(%arg8 : memref<128x64xf32, #tpu.memory_space<vmem>>) target(%dma_start3A_70 : memref<128x64xf32, #tpu.memory_space<vmem_shared>>) target_semaphore(%run_scoped3A : memref<!tpu.dma_semaphore, #tpu.memory_space<semaphore_mem>>)
      %dma_wait3A_71 = arith.constant 0 : i32
      %dma_wait3A_72 = tpu.memref_slice %arg11[%add3A_25, %dma_wait3A_71] : memref<10112x64xf32, #tpu.memory_space<vmem_shared>> -> memref<128x64xf32, #tpu.memory_space<vmem_shared>>
      %dma_wait3A_73 = arith.constant 0 : i32
      %dma_wait3A_74 = tpu.memref_slice %arg11[%add3A_25, %dma_wait3A_73] : memref<10112x64xf32, #tpu.memory_space<vmem_shared>> -> memref<128x64xf32, #tpu.memory_space<vmem_shared>>
      tpu.wait_dma2 semaphore(%run_scoped3A : memref<!tpu.dma_semaphore, #tpu.memory_space<semaphore_mem>>) src(%arg8 : memref<128x64xf32, #tpu.memory_space<vmem>>) dst(%dma_wait3A_74 : memref<128x64xf32, #tpu.memory_space<vmem_shared>>)
      tpu.yield
    }) : () -> ()
    %mul3A_26 = arith.constant 632 : i32
    %mul3A_27 = arith.muli %arg1, %mul3A_26 : i32
    %add3A_28 = arith.constant 512 : i32
    %add3A_29 = arith.addi %mul3A_27, %add3A_28 : i32
    "tpu.region"() ({
      %run_scoped3A = tpu.sem_alloc : memref<!tpu.dma_semaphore, #tpu.memory_space<semaphore_mem>>
      %dma_start3A_67 = arith.constant 0 : i32
      %dma_start3A_68 = arith.constant 0 : i32
      %dma_start3A_69 = tpu.memref_slice %arg8[%dma_start3A_67, %dma_start3A_68] : memref<128x64xf32, #tpu.memory_space<vmem>> -> memref<120x64xf32, #tpu.memory_space<vmem>>
      %dma_start3A_70 = arith.constant 0 : i32
      %dma_start3A_71 = tpu.memref_slice %arg11[%add3A_29, %dma_start3A_70] : memref<10112x64xf32, #tpu.memory_space<vmem_shared>> -> memref<120x64xf32, #tpu.memory_space<vmem_shared>>
      %dma_start3A_72 = arith.constant 0 : i32
      %dma_start3A_73 = tpu.memref_slice %arg11[%add3A_29, %dma_start3A_72] : memref<10112x64xf32, #tpu.memory_space<vmem_shared>> -> memref<120x64xf32, #tpu.memory_space<vmem_shared>>
      %dma_start3A_74 = arith.constant 0 : i32
      %dma_start3A_75 = arith.constant 0 : i32
      %dma_start3A_76 = tpu.memref_slice %arg8[%dma_start3A_74, %dma_start3A_75] : memref<128x64xf32, #tpu.memory_space<vmem>> -> memref<120x64xf32, #tpu.memory_space<vmem>>
      tpu.enqueue_dma source(%dma_start3A_76 : memref<120x64xf32, #tpu.memory_space<vmem>>) target(%dma_start3A_73 : memref<120x64xf32, #tpu.memory_space<vmem_shared>>) target_semaphore(%run_scoped3A : memref<!tpu.dma_semaphore, #tpu.memory_space<semaphore_mem>>)
      %dma_wait3A_77 = arith.constant 0 : i32
      %dma_wait3A_78 = arith.constant 0 : i32
      %dma_wait3A_79 = tpu.memref_slice %arg8[%dma_wait3A_77, %dma_wait3A_78] : memref<128x64xf32, #tpu.memory_space<vmem>> -> memref<120x64xf32, #tpu.memory_space<vmem>>
      %dma_wait3A_80 = arith.constant 0 : i32
      %dma_wait3A_81 = tpu.memref_slice %arg11[%add3A_29, %dma_wait3A_80] : memref<10112x64xf32, #tpu.memory_space<vmem_shared>> -> memref<120x64xf32, #tpu.memory_space<vmem_shared>>
      %dma_wait3A_82 = arith.constant 0 : i32
      %dma_wait3A_83 = tpu.memref_slice %arg11[%add3A_29, %dma_wait3A_82] : memref<10112x64xf32, #tpu.memory_space<vmem_shared>> -> memref<120x64xf32, #tpu.memory_space<vmem_shared>>
      %dma_wait3A_84 = arith.constant 0 : i32
      %dma_wait3A_85 = arith.constant 0 : i32
      %dma_wait3A_86 = tpu.memref_slice %arg8[%dma_wait3A_84, %dma_wait3A_85] : memref<128x64xf32, #tpu.memory_space<vmem>> -> memref<120x64xf32, #tpu.memory_space<vmem>>
      tpu.wait_dma2 semaphore(%run_scoped3A : memref<!tpu.dma_semaphore, #tpu.memory_space<semaphore_mem>>) src(%dma_wait3A_86 : memref<120x64xf32, #tpu.memory_space<vmem>>) dst(%dma_wait3A_83 : memref<120x64xf32, #tpu.memory_space<vmem_shared>>)
      tpu.yield
    }) : () -> ()
    %barrier3A = arith.constant 0 : index
    tpu.barrier barrier_id(%barrier3A)
    %dma_start3A = arith.constant 0 : i32
    %dma_start3A_30 = arith.constant 0 : i32
    %dma_start3A_31 = tpu.memref_slice %arg6[%dma_start3A, %dma_start3A_30] : memref<80x128xi32, #tpu.memory_space<vmem>> -> memref<1x128xi32, #tpu.memory_space<vmem>>
    %dma_start3A_32 = tpu.memref_squeeze %dma_start3A_31 : memref<1x128xi32, #tpu.memory_space<vmem>> -> memref<128xi32, #tpu.memory_space<vmem>>
    %dma_start3A_33 = arith.constant 0 : i32
    %dma_start3A_34 = arith.constant 0 : i32
    %dma_start3A_35 = tpu.memref_slice %arg10[%dma_start3A_33, %dma_start3A_34] : memref<10112x64xf32, #tpu.memory_space<vmem_shared>> -> memref<10112x64xf32, #tpu.memory_space<vmem_shared>>
    tpu.enqueue_indirect_dma source(%dma_start3A_35 : memref<10112x64xf32, #tpu.memory_space<vmem_shared>>) target(%arg8 : memref<128x64xf32, #tpu.memory_space<vmem>>) offsets(%dma_start3A_32 : memref<128xi32, #tpu.memory_space<vmem>>) semaphore(%arg12 : memref<!tpu.dma_semaphore, #tpu.memory_space<semaphore_mem>>)
    %dma_start3A_36 = arith.constant 1 : i32
    %dma_start3A_37 = arith.constant 0 : i32
    %dma_start3A_38 = tpu.memref_slice %arg6[%dma_start3A_36, %dma_start3A_37] : memref<80x128xi32, #tpu.memory_space<vmem>> -> memref<1x128xi32, #tpu.memory_space<vmem>>
    %dma_start3A_39 = tpu.memref_squeeze %dma_start3A_38 : memref<1x128xi32, #tpu.memory_space<vmem>> -> memref<128xi32, #tpu.memory_space<vmem>>
    %dma_start3A_40 = arith.constant 0 : i32
    %dma_start3A_41 = arith.constant 0 : i32
    %dma_start3A_42 = tpu.memref_slice %arg10[%dma_start3A_40, %dma_start3A_41] : memref<10112x64xf32, #tpu.memory_space<vmem_shared>> -> memref<10112x64xf32, #tpu.memory_space<vmem_shared>>
    tpu.enqueue_indirect_dma source(%dma_start3A_42 : memref<10112x64xf32, #tpu.memory_space<vmem_shared>>) target(%arg9 : memref<128x64xf32, #tpu.memory_space<vmem>>) offsets(%dma_start3A_39 : memref<128xi32, #tpu.memory_space<vmem>>) semaphore(%arg13 : memref<!tpu.dma_semaphore, #tpu.memory_space<semaphore_mem>>)
    %scan3A_43 = arith.constant 0 : i32
    %scan3A_44 = arith.constant 0 : i32
    %scan3A_45 = arith.constant 40 : i32
    %scan3A_46 = arith.addi %scan3A_44, %scan3A_45 : i32
    %scan3A_47 = arith.constant 1 : i32
    scf.for %scan3A_67 = %scan3A_44 to %scan3A_46 step %scan3A_47  : i32 {
      %mul3A_68 = arith.constant 2 : i32
      %mul3A_69 = arith.muli %mul3A_68, %scan3A_67 : i32
      %mul3A_70 = arith.constant 2 : i32
      %mul3A_71 = arith.muli %mul3A_70, %scan3A_67 : i32
      %add3A_72 = arith.constant 1 : i32
      %add3A_73 = arith.addi %mul3A_71, %add3A_72 : i32
      %add3A_74 = arith.constant 2 : i32
      %add3A_75 = arith.addi %mul3A_69, %add3A_74 : i32
      %min3A = arith.constant 79 : i32
      %min3A_76 = arith.minsi %add3A_75, %min3A : i32
      %add3A_77 = arith.constant 2 : i32
      %add3A_78 = arith.addi %add3A_73, %add3A_77 : i32
      %min3A_79 = arith.constant 79 : i32
      %min3A_80 = arith.minsi %add3A_78, %min3A_79 : i32
      %dma_wait3A_81 = arith.constant 0 : i32
      %dma_wait3A_82 = tpu.memref_slice %arg6[%mul3A_69, %dma_wait3A_81] : memref<80x128xi32, #tpu.memory_space<vmem>> -> memref<1x128xi32, #tpu.memory_space<vmem>>
      %dma_wait3A_83 = tpu.memref_squeeze %dma_wait3A_82 : memref<1x128xi32, #tpu.memory_space<vmem>> -> memref<128xi32, #tpu.memory_space<vmem>>
      %dma_wait3A_84 = arith.constant 0 : i32
      %dma_wait3A_85 = arith.constant 0 : i32
      %dma_wait3A_86 = tpu.memref_slice %arg10[%dma_wait3A_84, %dma_wait3A_85] : memref<10112x64xf32, #tpu.memory_space<vmem_shared>> -> memref<10112x64xf32, #tpu.memory_space<vmem_shared>>
      tpu.wait_indirect_dma semaphore(%arg12 : memref<!tpu.dma_semaphore, #tpu.memory_space<semaphore_mem>>) src(%dma_wait3A_86 : memref<10112x64xf32, #tpu.memory_space<vmem_shared>>) dst(%arg8 : memref<128x64xf32, #tpu.memory_space<vmem>>)
      "tpu.region"() ({
        %run_scoped3A = tpu.sem_alloc : memref<!tpu.dma_semaphore, #tpu.memory_space<semaphore_mem>>
        %dma_start3A_105 = arith.constant 0 : i32
        %dma_start3A_106 = tpu.memref_slice %arg7[%mul3A_69, %dma_start3A_105] : memref<80x128xi32, #tpu.memory_space<vmem>> -> memref<1x128xi32, #tpu.memory_space<vmem>>
        %dma_start3A_107 = tpu.memref_squeeze %dma_start3A_106 : memref<1x128xi32, #tpu.memory_space<vmem>> -> memref<128xi32, #tpu.memory_space<vmem>>
        %dma_start3A_108 = arith.constant 0 : i32
        %dma_start3A_109 = arith.constant 0 : i32
        %dma_start3A_110 = tpu.memref_slice %arg11[%dma_start3A_108, %dma_start3A_109] : memref<10112x64xf32, #tpu.memory_space<vmem_shared>> -> memref<10112x64xf32, #tpu.memory_space<vmem_shared>>
        tpu.enqueue_indirect_dma source(%arg8 : memref<128x64xf32, #tpu.memory_space<vmem>>) target(%dma_start3A_110 : memref<10112x64xf32, #tpu.memory_space<vmem_shared>>) offsets(%dma_start3A_107 : memref<128xi32, #tpu.memory_space<vmem>>) semaphore(%run_scoped3A : memref<!tpu.dma_semaphore, #tpu.memory_space<semaphore_mem>>) {add = true}
        %dma_wait3A_111 = arith.constant 0 : i32
        %dma_wait3A_112 = tpu.memref_slice %arg7[%mul3A_69, %dma_wait3A_111] : memref<80x128xi32, #tpu.memory_space<vmem>> -> memref<1x128xi32, #tpu.memory_space<vmem>>
        %dma_wait3A_113 = tpu.memref_squeeze %dma_wait3A_112 : memref<1x128xi32, #tpu.memory_space<vmem>> -> memref<128xi32, #tpu.memory_space<vmem>>
        %dma_wait3A_114 = arith.constant 0 : i32
        %dma_wait3A_115 = arith.constant 0 : i32
        %dma_wait3A_116 = tpu.memref_slice %arg11[%dma_wait3A_114, %dma_wait3A_115] : memref<10112x64xf32, #tpu.memory_space<vmem_shared>> -> memref<10112x64xf32, #tpu.memory_space<vmem_shared>>
        tpu.wait_indirect_dma semaphore(%run_scoped3A : memref<!tpu.dma_semaphore, #tpu.memory_space<semaphore_mem>>) src(%arg8 : memref<128x64xf32, #tpu.memory_space<vmem>>) dst(%dma_wait3A_116 : memref<10112x64xf32, #tpu.memory_space<vmem_shared>>)
        tpu.yield
      }) : () -> ()
      %dma_start3A_87 = arith.constant 0 : i32
      %dma_start3A_88 = tpu.memref_slice %arg6[%min3A_76, %dma_start3A_87] : memref<80x128xi32, #tpu.memory_space<vmem>> -> memref<1x128xi32, #tpu.memory_space<vmem>>
      %dma_start3A_89 = tpu.memref_squeeze %dma_start3A_88 : memref<1x128xi32, #tpu.memory_space<vmem>> -> memref<128xi32, #tpu.memory_space<vmem>>
      %dma_start3A_90 = arith.constant 0 : i32
      %dma_start3A_91 = arith.constant 0 : i32
      %dma_start3A_92 = tpu.memref_slice %arg10[%dma_start3A_90, %dma_start3A_91] : memref<10112x64xf32, #tpu.memory_space<vmem_shared>> -> memref<10112x64xf32, #tpu.memory_space<vmem_shared>>
      tpu.enqueue_indirect_dma source(%dma_start3A_92 : memref<10112x64xf32, #tpu.memory_space<vmem_shared>>) target(%arg8 : memref<128x64xf32, #tpu.memory_space<vmem>>) offsets(%dma_start3A_89 : memref<128xi32, #tpu.memory_space<vmem>>) semaphore(%arg12 : memref<!tpu.dma_semaphore, #tpu.memory_space<semaphore_mem>>)
      %dma_wait3A_93 = arith.constant 0 : i32
      %dma_wait3A_94 = tpu.memref_slice %arg6[%add3A_73, %dma_wait3A_93] : memref<80x128xi32, #tpu.memory_space<vmem>> -> memref<1x128xi32, #tpu.memory_space<vmem>>
      %dma_wait3A_95 = tpu.memref_squeeze %dma_wait3A_94 : memref<1x128xi32, #tpu.memory_space<vmem>> -> memref<128xi32, #tpu.memory_space<vmem>>
      %dma_wait3A_96 = arith.constant 0 : i32
      %dma_wait3A_97 = arith.constant 0 : i32
      %dma_wait3A_98 = tpu.memref_slice %arg10[%dma_wait3A_96, %dma_wait3A_97] : memref<10112x64xf32, #tpu.memory_space<vmem_shared>> -> memref<10112x64xf32, #tpu.memory_space<vmem_shared>>
      tpu.wait_indirect_dma semaphore(%arg13 : memref<!tpu.dma_semaphore, #tpu.memory_space<semaphore_mem>>) src(%dma_wait3A_98 : memref<10112x64xf32, #tpu.memory_space<vmem_shared>>) dst(%arg9 : memref<128x64xf32, #tpu.memory_space<vmem>>)
      "tpu.region"() ({
        %run_scoped3A = tpu.sem_alloc : memref<!tpu.dma_semaphore, #tpu.memory_space<semaphore_mem>>
        %dma_start3A_105 = arith.constant 0 : i32
        %dma_start3A_106 = tpu.memref_slice %arg7[%add3A_73, %dma_start3A_105] : memref<80x128xi32, #tpu.memory_space<vmem>> -> memref<1x128xi32, #tpu.memory_space<vmem>>
        %dma_start3A_107 = tpu.memref_squeeze %dma_start3A_106 : memref<1x128xi32, #tpu.memory_space<vmem>> -> memref<128xi32, #tpu.memory_space<vmem>>
        %dma_start3A_108 = arith.constant 0 : i32
        %dma_start3A_109 = arith.constant 0 : i32
        %dma_start3A_110 = tpu.memref_slice %arg11[%dma_start3A_108, %dma_start3A_109] : memref<10112x64xf32, #tpu.memory_space<vmem_shared>> -> memref<10112x64xf32, #tpu.memory_space<vmem_shared>>
        tpu.enqueue_indirect_dma source(%arg9 : memref<128x64xf32, #tpu.memory_space<vmem>>) target(%dma_start3A_110 : memref<10112x64xf32, #tpu.memory_space<vmem_shared>>) offsets(%dma_start3A_107 : memref<128xi32, #tpu.memory_space<vmem>>) semaphore(%run_scoped3A : memref<!tpu.dma_semaphore, #tpu.memory_space<semaphore_mem>>) {add = true}
        %dma_wait3A_111 = arith.constant 0 : i32
        %dma_wait3A_112 = tpu.memref_slice %arg7[%add3A_73, %dma_wait3A_111] : memref<80x128xi32, #tpu.memory_space<vmem>> -> memref<1x128xi32, #tpu.memory_space<vmem>>
        %dma_wait3A_113 = tpu.memref_squeeze %dma_wait3A_112 : memref<1x128xi32, #tpu.memory_space<vmem>> -> memref<128xi32, #tpu.memory_space<vmem>>
        %dma_wait3A_114 = arith.constant 0 : i32
        %dma_wait3A_115 = arith.constant 0 : i32
        %dma_wait3A_116 = tpu.memref_slice %arg11[%dma_wait3A_114, %dma_wait3A_115] : memref<10112x64xf32, #tpu.memory_space<vmem_shared>> -> memref<10112x64xf32, #tpu.memory_space<vmem_shared>>
        tpu.wait_indirect_dma semaphore(%run_scoped3A : memref<!tpu.dma_semaphore, #tpu.memory_space<semaphore_mem>>) src(%arg9 : memref<128x64xf32, #tpu.memory_space<vmem>>) dst(%dma_wait3A_116 : memref<10112x64xf32, #tpu.memory_space<vmem_shared>>)
        tpu.yield
      }) : () -> ()
      %dma_start3A_99 = arith.constant 0 : i32
      %dma_start3A_100 = tpu.memref_slice %arg6[%min3A_80, %dma_start3A_99] : memref<80x128xi32, #tpu.memory_space<vmem>> -> memref<1x128xi32, #tpu.memory_space<vmem>>
      %dma_start3A_101 = tpu.memref_squeeze %dma_start3A_100 : memref<1x128xi32, #tpu.memory_space<vmem>> -> memref<128xi32, #tpu.memory_space<vmem>>
      %dma_start3A_102 = arith.constant 0 : i32
      %dma_start3A_103 = arith.constant 0 : i32
      %dma_start3A_104 = tpu.memref_slice %arg10[%dma_start3A_102, %dma_start3A_103] : memref<10112x64xf32, #tpu.memory_space<vmem_shared>> -> memref<10112x64xf32, #tpu.memory_space<vmem_shared>>
      tpu.enqueue_indirect_dma source(%dma_start3A_104 : memref<10112x64xf32, #tpu.memory_space<vmem_shared>>) target(%arg9 : memref<128x64xf32, #tpu.memory_space<vmem>>) offsets(%dma_start3A_101 : memref<128xi32, #tpu.memory_space<vmem>>) semaphore(%arg13 : memref<!tpu.dma_semaphore, #tpu.memory_space<semaphore_mem>>)
    }
    %scan3A_48 = arith.constant 40 : i32
    %dma_wait3A = arith.constant 79 : i32
    %dma_wait3A_49 = arith.constant 0 : i32
    %dma_wait3A_50 = tpu.memref_slice %arg6[%dma_wait3A, %dma_wait3A_49] : memref<80x128xi32, #tpu.memory_space<vmem>> -> memref<1x128xi32, #tpu.memory_space<vmem>>
    %dma_wait3A_51 = tpu.memref_squeeze %dma_wait3A_50 : memref<1x128xi32, #tpu.memory_space<vmem>> -> memref<128xi32, #tpu.memory_space<vmem>>
    %dma_wait3A_52 = arith.constant 0 : i32
    %dma_wait3A_53 = arith.constant 0 : i32
    %dma_wait3A_54 = tpu.memref_slice %arg10[%dma_wait3A_52, %dma_wait3A_53] : memref<10112x64xf32, #tpu.memory_space<vmem_shared>> -> memref<10112x64xf32, #tpu.memory_space<vmem_shared>>
    tpu.wait_indirect_dma semaphore(%arg12 : memref<!tpu.dma_semaphore, #tpu.memory_space<semaphore_mem>>) src(%dma_wait3A_54 : memref<10112x64xf32, #tpu.memory_space<vmem_shared>>) dst(%arg8 : memref<128x64xf32, #tpu.memory_space<vmem>>)
    %dma_wait3A_55 = arith.constant 79 : i32
    %dma_wait3A_56 = arith.constant 0 : i32
    %dma_wait3A_57 = tpu.memref_slice %arg6[%dma_wait3A_55, %dma_wait3A_56] : memref<80x128xi32, #tpu.memory_space<vmem>> -> memref<1x128xi32, #tpu.memory_space<vmem>>
    %dma_wait3A_58 = tpu.memref_squeeze %dma_wait3A_57 : memref<1x128xi32, #tpu.memory_space<vmem>> -> memref<128xi32, #tpu.memory_space<vmem>>
    %dma_wait3A_59 = arith.constant 0 : i32
    %dma_wait3A_60 = arith.constant 0 : i32
    %dma_wait3A_61 = tpu.memref_slice %arg10[%dma_wait3A_59, %dma_wait3A_60] : memref<10112x64xf32, #tpu.memory_space<vmem_shared>> -> memref<10112x64xf32, #tpu.memory_space<vmem_shared>>
    tpu.wait_indirect_dma semaphore(%arg13 : memref<!tpu.dma_semaphore, #tpu.memory_space<semaphore_mem>>) src(%dma_wait3A_61 : memref<10112x64xf32, #tpu.memory_space<vmem_shared>>) dst(%arg9 : memref<128x64xf32, #tpu.memory_space<vmem>>)
    %barrier3A_62 = arith.constant 0 : index
    tpu.barrier barrier_id(%barrier3A_62)
    %mul3A_63 = arith.constant 632 : i32
    %mul3A_64 = arith.muli %arg1, %mul3A_63 : i32
    %mul3A_65 = arith.constant 632 : i32
    %mul3A_66 = arith.muli %arg1, %mul3A_65 : i32
    "tpu.region"() ({
      %run_scoped3A = tpu.sem_alloc : memref<!tpu.dma_semaphore, #tpu.memory_space<semaphore_mem>>
      %dma_start3A_67 = arith.constant 0 : i32
      %dma_start3A_68 = tpu.memref_slice %arg5[%arg0, %mul3A_66, %dma_start3A_67] : memref<2x10112x64xf32, #tpu.memory_space<hbm>> -> memref<1x632x64xf32, #tpu.memory_space<hbm>>
      %dma_start3A_69 = tpu.memref_squeeze %dma_start3A_68 : memref<1x632x64xf32, #tpu.memory_space<hbm>> -> memref<632x64xf32, #tpu.memory_space<hbm>>
      %dma_start3A_70 = arith.constant 0 : i32
      %dma_start3A_71 = tpu.memref_slice %arg11[%mul3A_64, %dma_start3A_70] : memref<10112x64xf32, #tpu.memory_space<vmem_shared>> -> memref<632x64xf32, #tpu.memory_space<vmem_shared>>
      tpu.enqueue_dma source(%dma_start3A_71 : memref<632x64xf32, #tpu.memory_space<vmem_shared>>) target(%dma_start3A_69 : memref<632x64xf32, #tpu.memory_space<hbm>>) target_semaphore(%run_scoped3A : memref<!tpu.dma_semaphore, #tpu.memory_space<semaphore_mem>>)
      %dma_wait3A_72 = arith.constant 0 : i32
      %dma_wait3A_73 = tpu.memref_slice %arg5[%arg0, %mul3A_66, %dma_wait3A_72] : memref<2x10112x64xf32, #tpu.memory_space<hbm>> -> memref<1x632x64xf32, #tpu.memory_space<hbm>>
      %dma_wait3A_74 = tpu.memref_squeeze %dma_wait3A_73 : memref<1x632x64xf32, #tpu.memory_space<hbm>> -> memref<632x64xf32, #tpu.memory_space<hbm>>
      %dma_wait3A_75 = arith.constant 0 : i32
      %dma_wait3A_76 = tpu.memref_slice %arg11[%mul3A_64, %dma_wait3A_75] : memref<10112x64xf32, #tpu.memory_space<vmem_shared>> -> memref<632x64xf32, #tpu.memory_space<vmem_shared>>
      tpu.wait_dma2 semaphore(%run_scoped3A : memref<!tpu.dma_semaphore, #tpu.memory_space<semaphore_mem>>) src(%dma_wait3A_76 : memref<632x64xf32, #tpu.memory_space<vmem_shared>>) dst(%dma_wait3A_74 : memref<632x64xf32, #tpu.memory_space<hbm>>)
      tpu.yield
    }) : () -> ()
    return
  }
}

#map = affine_map<(d0, d1) -> (0, 0)>
#map1 = affine_map<(d0, d1) -> (0, 0, 0)>
module attributes {stable_mosaic.version = 14 : i64} {
  func.func @_segsum64(%arg0: i32, %arg1: i32, %arg2: memref<10112x64xf32, #tpu.memory_space<hbm>>, %arg3: memref<32x80x128xi32, #tpu.memory_space<hbm>>, %arg4: memref<32x80x128xi32, #tpu.memory_space<hbm>>, %arg5: memref<2x10112x64xf32, #tpu.memory_space<hbm>>, %arg6: memref<80x128xi32, #tpu.memory_space<vmem>>, %arg7: memref<80x128xi32, #tpu.memory_space<vmem>>, %arg8: memref<128x64xf32, #tpu.memory_space<vmem>>, %arg9: memref<128x64xf32, #tpu.memory_space<vmem>>, %arg10: memref<10112x64xf32, #tpu.memory_space<vmem_shared>>, %arg11: memref<10112x64xf32, #tpu.memory_space<vmem_shared>>, %arg12: memref<!tpu.dma_semaphore, #tpu.memory_space<semaphore_mem>>, %arg13: memref<!tpu.dma_semaphore, #tpu.memory_space<semaphore_mem>>) attributes {dimension_semantics = [#tpu.dimension_semantics<core_parallel>, #tpu.dimension_semantics<subcore_parallel>], iteration_bounds = array<i64: 2, 16>, scalar_prefetch = 0 : i64, scratch_operands = 8 : i64, tpu.core_type = #tpu.core_type<sc_vector_subcore>, window_params = [{transform_indices = #map}, {transform_indices = #map1}, {transform_indices = #map1}, {transform_indices = #map1}]} {
    %mul3A = arith.constant 16 : i32
    %mul3A_0 = arith.muli %arg0, %mul3A : i32
    %add3A = arith.addi %mul3A_0, %arg1 : i32
    "tpu.region"() ({
      %run_scoped3A = tpu.sem_alloc : memref<!tpu.dma_semaphore, #tpu.memory_space<semaphore_mem>>
      %dma_start3A_67 = arith.constant 0 : i32
      %dma_start3A_68 = arith.constant 0 : i32
      %dma_start3A_69 = tpu.memref_slice %arg3[%add3A, %dma_start3A_67, %dma_start3A_68] : memref<32x80x128xi32, #tpu.memory_space<hbm>> -> memref<1x80x128xi32, #tpu.memory_space<hbm>>
      %dma_start3A_70 = tpu.memref_squeeze %dma_start3A_69 : memref<1x80x128xi32, #tpu.memory_space<hbm>> -> memref<80x128xi32, #tpu.memory_space<hbm>>
      %dma_start3A_71 = arith.constant 0 : i32
      %dma_start3A_72 = arith.constant 0 : i32
      %dma_start3A_73 = tpu.memref_slice %arg3[%add3A, %dma_start3A_71, %dma_start3A_72] : memref<32x80x128xi32, #tpu.memory_space<hbm>> -> memref<1x80x128xi32, #tpu.memory_space<hbm>>
      %dma_start3A_74 = tpu.memref_squeeze %dma_start3A_73 : memref<1x80x128xi32, #tpu.memory_space<hbm>> -> memref<80x128xi32, #tpu.memory_space<hbm>>
      tpu.enqueue_dma source(%dma_start3A_74 : memref<80x128xi32, #tpu.memory_space<hbm>>) target(%arg6 : memref<80x128xi32, #tpu.memory_space<vmem>>) target_semaphore(%run_scoped3A : memref<!tpu.dma_semaphore, #tpu.memory_space<semaphore_mem>>)
      %dma_wait3A_75 = arith.constant 0 : i32
      %dma_wait3A_76 = arith.constant 0 : i32
      %dma_wait3A_77 = tpu.memref_slice %arg3[%add3A, %dma_wait3A_75, %dma_wait3A_76] : memref<32x80x128xi32, #tpu.memory_space<hbm>> -> memref<1x80x128xi32, #tpu.memory_space<hbm>>
      %dma_wait3A_78 = tpu.memref_squeeze %dma_wait3A_77 : memref<1x80x128xi32, #tpu.memory_space<hbm>> -> memref<80x128xi32, #tpu.memory_space<hbm>>
      %dma_wait3A_79 = arith.constant 0 : i32
      %dma_wait3A_80 = arith.constant 0 : i32
      %dma_wait3A_81 = tpu.memref_slice %arg3[%add3A, %dma_wait3A_79, %dma_wait3A_80] : memref<32x80x128xi32, #tpu.memory_space<hbm>> -> memref<1x80x128xi32, #tpu.memory_space<hbm>>
      %dma_wait3A_82 = tpu.memref_squeeze %dma_wait3A_81 : memref<1x80x128xi32, #tpu.memory_space<hbm>> -> memref<80x128xi32, #tpu.memory_space<hbm>>
      tpu.wait_dma2 semaphore(%run_scoped3A : memref<!tpu.dma_semaphore, #tpu.memory_space<semaphore_mem>>) src(%dma_wait3A_82 : memref<80x128xi32, #tpu.memory_space<hbm>>) dst(%arg6 : memref<80x128xi32, #tpu.memory_space<vmem>>)
      tpu.yield
    }) : () -> ()
    "tpu.region"() ({
      %run_scoped3A = tpu.sem_alloc : memref<!tpu.dma_semaphore, #tpu.memory_space<semaphore_mem>>
      %dma_start3A_67 = arith.constant 0 : i32
      %dma_start3A_68 = arith.constant 0 : i32
      %dma_start3A_69 = tpu.memref_slice %arg4[%add3A, %dma_start3A_67, %dma_start3A_68] : memref<32x80x128xi32, #tpu.memory_space<hbm>> -> memref<1x80x128xi32, #tpu.memory_space<hbm>>
      %dma_start3A_70 = tpu.memref_squeeze %dma_start3A_69 : memref<1x80x128xi32, #tpu.memory_space<hbm>> -> memref<80x128xi32, #tpu.memory_space<hbm>>
      %dma_start3A_71 = arith.constant 0 : i32
      %dma_start3A_72 = arith.constant 0 : i32
      %dma_start3A_73 = tpu.memref_slice %arg4[%add3A, %dma_start3A_71, %dma_start3A_72] : memref<32x80x128xi32, #tpu.memory_space<hbm>> -> memref<1x80x128xi32, #tpu.memory_space<hbm>>
      %dma_start3A_74 = tpu.memref_squeeze %dma_start3A_73 : memref<1x80x128xi32, #tpu.memory_space<hbm>> -> memref<80x128xi32, #tpu.memory_space<hbm>>
      tpu.enqueue_dma source(%dma_start3A_74 : memref<80x128xi32, #tpu.memory_space<hbm>>) target(%arg7 : memref<80x128xi32, #tpu.memory_space<vmem>>) target_semaphore(%run_scoped3A : memref<!tpu.dma_semaphore, #tpu.memory_space<semaphore_mem>>)
      %dma_wait3A_75 = arith.constant 0 : i32
      %dma_wait3A_76 = arith.constant 0 : i32
      %dma_wait3A_77 = tpu.memref_slice %arg4[%add3A, %dma_wait3A_75, %dma_wait3A_76] : memref<32x80x128xi32, #tpu.memory_space<hbm>> -> memref<1x80x128xi32, #tpu.memory_space<hbm>>
      %dma_wait3A_78 = tpu.memref_squeeze %dma_wait3A_77 : memref<1x80x128xi32, #tpu.memory_space<hbm>> -> memref<80x128xi32, #tpu.memory_space<hbm>>
      %dma_wait3A_79 = arith.constant 0 : i32
      %dma_wait3A_80 = arith.constant 0 : i32
      %dma_wait3A_81 = tpu.memref_slice %arg4[%add3A, %dma_wait3A_79, %dma_wait3A_80] : memref<32x80x128xi32, #tpu.memory_space<hbm>> -> memref<1x80x128xi32, #tpu.memory_space<hbm>>
      %dma_wait3A_82 = tpu.memref_squeeze %dma_wait3A_81 : memref<1x80x128xi32, #tpu.memory_space<hbm>> -> memref<80x128xi32, #tpu.memory_space<hbm>>
      tpu.wait_dma2 semaphore(%run_scoped3A : memref<!tpu.dma_semaphore, #tpu.memory_space<semaphore_mem>>) src(%dma_wait3A_82 : memref<80x128xi32, #tpu.memory_space<hbm>>) dst(%arg7 : memref<80x128xi32, #tpu.memory_space<vmem>>)
      tpu.yield
    }) : () -> ()
    %mul3A_1 = arith.constant 632 : i32
    %mul3A_2 = arith.muli %arg1, %mul3A_1 : i32
    %mul3A_3 = arith.constant 632 : i32
    %mul3A_4 = arith.muli %arg1, %mul3A_3 : i32
    "tpu.region"() ({
      %run_scoped3A = tpu.sem_alloc : memref<!tpu.dma_semaphore, #tpu.memory_space<semaphore_mem>>
      %dma_start3A_67 = arith.constant 0 : i32
      %dma_start3A_68 = tpu.memref_slice %arg10[%mul3A_4, %dma_start3A_67] : memref<10112x64xf32, #tpu.memory_space<vmem_shared>> -> memref<632x64xf32, #tpu.memory_space<vmem_shared>>
      %dma_start3A_69 = arith.constant 0 : i32
      %dma_start3A_70 = tpu.memref_slice %arg2[%mul3A_2, %dma_start3A_69] : memref<10112x64xf32, #tpu.memory_space<hbm>> -> memref<632x64xf32, #tpu.memory_space<hbm>>
      tpu.enqueue_dma source(%dma_start3A_70 : memref<632x64xf32, #tpu.memory_space<hbm>>) target(%dma_start3A_68 : memref<632x64xf32, #tpu.memory_space<vmem_shared>>) target_semaphore(%run_scoped3A : memref<!tpu.dma_semaphore, #tpu.memory_space<semaphore_mem>>)
      %dma_wait3A_71 = arith.constant 0 : i32
      %dma_wait3A_72 = tpu.memref_slice %arg10[%mul3A_4, %dma_wait3A_71] : memref<10112x64xf32, #tpu.memory_space<vmem_shared>> -> memref<632x64xf32, #tpu.memory_space<vmem_shared>>
      %dma_wait3A_73 = arith.constant 0 : i32
      %dma_wait3A_74 = tpu.memref_slice %arg2[%mul3A_2, %dma_wait3A_73] : memref<10112x64xf32, #tpu.memory_space<hbm>> -> memref<632x64xf32, #tpu.memory_space<hbm>>
      tpu.wait_dma2 semaphore(%run_scoped3A : memref<!tpu.dma_semaphore, #tpu.memory_space<semaphore_mem>>) src(%dma_wait3A_74 : memref<632x64xf32, #tpu.memory_space<hbm>>) dst(%dma_wait3A_72 : memref<632x64xf32, #tpu.memory_space<vmem_shared>>)
      tpu.yield
    }) : () -> ()
    %scan3A = arith.constant 0 : i32
    %scan3A_5 = arith.constant 0 : i32
    %scan3A_6 = arith.constant 128 : i32
    %scan3A_7 = arith.addi %scan3A_5, %scan3A_6 : i32
    %scan3A_8 = arith.constant 1 : i32
    scf.for %scan3A_67 = %scan3A_5 to %scan3A_7 step %scan3A_8  : i32 {
      %broadcast_in_dim3A = arith.constant 0.000000e+00 : f32
      %broadcast_in_dim3A_68 = vector.broadcast %broadcast_in_dim3A : f32 to vector<16xf32>
      %swap3A = arith.index_cast %scan3A_67 : i32 to index
      %swap3A_69 = arith.constant 0 : index
      %swap3A_70 = tpu.vector_load %arg8[%swap3A, %swap3A_69] {strides = array<i32>} : memref<128x64xf32, #tpu.memory_space<vmem>>, vector<1x16xf32>,
      %swap3A_71 = vector.shape_cast %swap3A_70 : vector<1x16xf32> to vector<16xf32>
      %swap3A_72 = vector.shape_cast %broadcast_in_dim3A_68 : vector<16xf32> to vector<1x16xf32>
      tpu.vector_store %arg8[%swap3A, %swap3A_69], %swap3A_72 {strides = array<i32>} : memref<128x64xf32, #tpu.memory_space<vmem>>, vector<1x16xf32>,
      %broadcast_in_dim3A_73 = arith.constant 0.000000e+00 : f32
      %broadcast_in_dim3A_74 = vector.broadcast %broadcast_in_dim3A_73 : f32 to vector<16xf32>
      %swap3A_75 = arith.index_cast %scan3A_67 : i32 to index
      %swap3A_76 = arith.constant 16 : index
      %swap3A_77 = tpu.vector_load %arg8[%swap3A_75, %swap3A_76] {strides = array<i32>} : memref<128x64xf32, #tpu.memory_space<vmem>>, vector<1x16xf32>,
      %swap3A_78 = vector.shape_cast %swap3A_77 : vector<1x16xf32> to vector<16xf32>
      %swap3A_79 = vector.shape_cast %broadcast_in_dim3A_74 : vector<16xf32> to vector<1x16xf32>
      tpu.vector_store %arg8[%swap3A_75, %swap3A_76], %swap3A_79 {strides = array<i32>} : memref<128x64xf32, #tpu.memory_space<vmem>>, vector<1x16xf32>,
      %broadcast_in_dim3A_80 = arith.constant 0.000000e+00 : f32
      %broadcast_in_dim3A_81 = vector.broadcast %broadcast_in_dim3A_80 : f32 to vector<16xf32>
      %swap3A_82 = arith.index_cast %scan3A_67 : i32 to index
      %swap3A_83 = arith.constant 32 : index
      %swap3A_84 = tpu.vector_load %arg8[%swap3A_82, %swap3A_83] {strides = array<i32>} : memref<128x64xf32, #tpu.memory_space<vmem>>, vector<1x16xf32>,
      %swap3A_85 = vector.shape_cast %swap3A_84 : vector<1x16xf32> to vector<16xf32>
      %swap3A_86 = vector.shape_cast %broadcast_in_dim3A_81 : vector<16xf32> to vector<1x16xf32>
      tpu.vector_store %arg8[%swap3A_82, %swap3A_83], %swap3A_86 {strides = array<i32>} : memref<128x64xf32, #tpu.memory_space<vmem>>, vector<1x16xf32>,
      %broadcast_in_dim3A_87 = arith.constant 0.000000e+00 : f32
      %broadcast_in_dim3A_88 = vector.broadcast %broadcast_in_dim3A_87 : f32 to vector<16xf32>
      %swap3A_89 = arith.index_cast %scan3A_67 : i32 to index
      %swap3A_90 = arith.constant 48 : index
      %swap3A_91 = tpu.vector_load %arg8[%swap3A_89, %swap3A_90] {strides = array<i32>} : memref<128x64xf32, #tpu.memory_space<vmem>>, vector<1x16xf32>,
      %swap3A_92 = vector.shape_cast %swap3A_91 : vector<1x16xf32> to vector<16xf32>
      %swap3A_93 = vector.shape_cast %broadcast_in_dim3A_88 : vector<16xf32> to vector<1x16xf32>
      tpu.vector_store %arg8[%swap3A_89, %swap3A_90], %swap3A_93 {strides = array<i32>} : memref<128x64xf32, #tpu.memory_space<vmem>>, vector<1x16xf32>,
    }
    %scan3A_9 = arith.constant 128 : i32
    %mul3A_10 = arith.constant 632 : i32
    %mul3A_11 = arith.muli %arg1, %mul3A_10 : i32
    %add3A_12 = arith.constant 0 : i32
    %add3A_13 = arith.addi %mul3A_11, %add3A_12 : i32
    "tpu.region"() ({
      %run_scoped3A = tpu.sem_alloc : memref<!tpu.dma_semaphore, #tpu.memory_space<semaphore_mem>>
      %dma_start3A_67 = arith.constant 0 : i32
      %dma_start3A_68 = tpu.memref_slice %arg11[%add3A_13, %dma_start3A_67] : memref<10112x64xf32, #tpu.memory_space<vmem_shared>> -> memref<128x64xf32, #tpu.memory_space<vmem_shared>>
      %dma_start3A_69 = arith.constant 0 : i32
      %dma_start3A_70 = tpu.memref_slice %arg11[%add3A_13, %dma_start3A_69] : memref<10112x64xf32, #tpu.memory_space<vmem_shared>> -> memref<128x64xf32, #tpu.memory_space<vmem_shared>>
      tpu.enqueue_dma source(%arg8 : memref<128x64xf32, #tpu.memory_space<vmem>>) target(%dma_start3A_70 : memref<128x64xf32, #tpu.memory_space<vmem_shared>>) target_semaphore(%run_scoped3A : memref<!tpu.dma_semaphore, #tpu.memory_space<semaphore_mem>>)
      %dma_wait3A_71 = arith.constant 0 : i32
      %dma_wait3A_72 = tpu.memref_slice %arg11[%add3A_13, %dma_wait3A_71] : memref<10112x64xf32, #tpu.memory_space<vmem_shared>> -> memref<128x64xf32, #tpu.memory_space<vmem_shared>>
      %dma_wait3A_73 = arith.constant 0 : i32
      %dma_wait3A_74 = tpu.memref_slice %arg11[%add3A_13, %dma_wait3A_73] : memref<10112x64xf32, #tpu.memory_space<vmem_shared>> -> memref<128x64xf32, #tpu.memory_space<vmem_shared>>
      tpu.wait_dma2 semaphore(%run_scoped3A : memref<!tpu.dma_semaphore, #tpu.memory_space<semaphore_mem>>) src(%arg8 : memref<128x64xf32, #tpu.memory_space<vmem>>) dst(%dma_wait3A_74 : memref<128x64xf32, #tpu.memory_space<vmem_shared>>)
      tpu.yield
    }) : () -> ()
    %mul3A_14 = arith.constant 632 : i32
    %mul3A_15 = arith.muli %arg1, %mul3A_14 : i32
    %add3A_16 = arith.constant 128 : i32
    %add3A_17 = arith.addi %mul3A_15, %add3A_16 : i32
    "tpu.region"() ({
      %run_scoped3A = tpu.sem_alloc : memref<!tpu.dma_semaphore, #tpu.memory_space<semaphore_mem>>
      %dma_start3A_67 = arith.constant 0 : i32
      %dma_start3A_68 = tpu.memref_slice %arg11[%add3A_17, %dma_start3A_67] : memref<10112x64xf32, #tpu.memory_space<vmem_shared>> -> memref<128x64xf32, #tpu.memory_space<vmem_shared>>
      %dma_start3A_69 = arith.constant 0 : i32
      %dma_start3A_70 = tpu.memref_slice %arg11[%add3A_17, %dma_start3A_69] : memref<10112x64xf32, #tpu.memory_space<vmem_shared>> -> memref<128x64xf32, #tpu.memory_space<vmem_shared>>
      tpu.enqueue_dma source(%arg8 : memref<128x64xf32, #tpu.memory_space<vmem>>) target(%dma_start3A_70 : memref<128x64xf32, #tpu.memory_space<vmem_shared>>) target_semaphore(%run_scoped3A : memref<!tpu.dma_semaphore, #tpu.memory_space<semaphore_mem>>)
      %dma_wait3A_71 = arith.constant 0 : i32
      %dma_wait3A_72 = tpu.memref_slice %arg11[%add3A_17, %dma_wait3A_71] : memref<10112x64xf32, #tpu.memory_space<vmem_shared>> -> memref<128x64xf32, #tpu.memory_space<vmem_shared>>
      %dma_wait3A_73 = arith.constant 0 : i32
      %dma_wait3A_74 = tpu.memref_slice %arg11[%add3A_17, %dma_wait3A_73] : memref<10112x64xf32, #tpu.memory_space<vmem_shared>> -> memref<128x64xf32, #tpu.memory_space<vmem_shared>>
      tpu.wait_dma2 semaphore(%run_scoped3A : memref<!tpu.dma_semaphore, #tpu.memory_space<semaphore_mem>>) src(%arg8 : memref<128x64xf32, #tpu.memory_space<vmem>>) dst(%dma_wait3A_74 : memref<128x64xf32, #tpu.memory_space<vmem_shared>>)
      tpu.yield
    }) : () -> ()
    %mul3A_18 = arith.constant 632 : i32
    %mul3A_19 = arith.muli %arg1, %mul3A_18 : i32
    %add3A_20 = arith.constant 256 : i32
    %add3A_21 = arith.addi %mul3A_19, %add3A_20 : i32
    "tpu.region"() ({
      %run_scoped3A = tpu.sem_alloc : memref<!tpu.dma_semaphore, #tpu.memory_space<semaphore_mem>>
      %dma_start3A_67 = arith.constant 0 : i32
      %dma_start3A_68 = tpu.memref_slice %arg11[%add3A_21, %dma_start3A_67] : memref<10112x64xf32, #tpu.memory_space<vmem_shared>> -> memref<128x64xf32, #tpu.memory_space<vmem_shared>>
      %dma_start3A_69 = arith.constant 0 : i32
      %dma_start3A_70 = tpu.memref_slice %arg11[%add3A_21, %dma_start3A_69] : memref<10112x64xf32, #tpu.memory_space<vmem_shared>> -> memref<128x64xf32, #tpu.memory_space<vmem_shared>>
      tpu.enqueue_dma source(%arg8 : memref<128x64xf32, #tpu.memory_space<vmem>>) target(%dma_start3A_70 : memref<128x64xf32, #tpu.memory_space<vmem_shared>>) target_semaphore(%run_scoped3A : memref<!tpu.dma_semaphore, #tpu.memory_space<semaphore_mem>>)
      %dma_wait3A_71 = arith.constant 0 : i32
      %dma_wait3A_72 = tpu.memref_slice %arg11[%add3A_21, %dma_wait3A_71] : memref<10112x64xf32, #tpu.memory_space<vmem_shared>> -> memref<128x64xf32, #tpu.memory_space<vmem_shared>>
      %dma_wait3A_73 = arith.constant 0 : i32
      %dma_wait3A_74 = tpu.memref_slice %arg11[%add3A_21, %dma_wait3A_73] : memref<10112x64xf32, #tpu.memory_space<vmem_shared>> -> memref<128x64xf32, #tpu.memory_space<vmem_shared>>
      tpu.wait_dma2 semaphore(%run_scoped3A : memref<!tpu.dma_semaphore, #tpu.memory_space<semaphore_mem>>) src(%arg8 : memref<128x64xf32, #tpu.memory_space<vmem>>) dst(%dma_wait3A_74 : memref<128x64xf32, #tpu.memory_space<vmem_shared>>)
      tpu.yield
    }) : () -> ()
    %mul3A_22 = arith.constant 632 : i32
    %mul3A_23 = arith.muli %arg1, %mul3A_22 : i32
    %add3A_24 = arith.constant 384 : i32
    %add3A_25 = arith.addi %mul3A_23, %add3A_24 : i32
    "tpu.region"() ({
      %run_scoped3A = tpu.sem_alloc : memref<!tpu.dma_semaphore, #tpu.memory_space<semaphore_mem>>
      %dma_start3A_67 = arith.constant 0 : i32
      %dma_start3A_68 = tpu.memref_slice %arg11[%add3A_25, %dma_start3A_67] : memref<10112x64xf32, #tpu.memory_space<vmem_shared>> -> memref<128x64xf32, #tpu.memory_space<vmem_shared>>
      %dma_start3A_69 = arith.constant 0 : i32
      %dma_start3A_70 = tpu.memref_slice %arg11[%add3A_25, %dma_start3A_69] : memref<10112x64xf32, #tpu.memory_space<vmem_shared>> -> memref<128x64xf32, #tpu.memory_space<vmem_shared>>
      tpu.enqueue_dma source(%arg8 : memref<128x64xf32, #tpu.memory_space<vmem>>) target(%dma_start3A_70 : memref<128x64xf32, #tpu.memory_space<vmem_shared>>) target_semaphore(%run_scoped3A : memref<!tpu.dma_semaphore, #tpu.memory_space<semaphore_mem>>)
      %dma_wait3A_71 = arith.constant 0 : i32
      %dma_wait3A_72 = tpu.memref_slice %arg11[%add3A_25, %dma_wait3A_71] : memref<10112x64xf32, #tpu.memory_space<vmem_shared>> -> memref<128x64xf32, #tpu.memory_space<vmem_shared>>
      %dma_wait3A_73 = arith.constant 0 : i32
      %dma_wait3A_74 = tpu.memref_slice %arg11[%add3A_25, %dma_wait3A_73] : memref<10112x64xf32, #tpu.memory_space<vmem_shared>> -> memref<128x64xf32, #tpu.memory_space<vmem_shared>>
      tpu.wait_dma2 semaphore(%run_scoped3A : memref<!tpu.dma_semaphore, #tpu.memory_space<semaphore_mem>>) src(%arg8 : memref<128x64xf32, #tpu.memory_space<vmem>>) dst(%dma_wait3A_74 : memref<128x64xf32, #tpu.memory_space<vmem_shared>>)
      tpu.yield
    }) : () -> ()
    %mul3A_26 = arith.constant 632 : i32
    %mul3A_27 = arith.muli %arg1, %mul3A_26 : i32
    %add3A_28 = arith.constant 512 : i32
    %add3A_29 = arith.addi %mul3A_27, %add3A_28 : i32
    "tpu.region"() ({
      %run_scoped3A = tpu.sem_alloc : memref<!tpu.dma_semaphore, #tpu.memory_space<semaphore_mem>>
      %dma_start3A_67 = arith.constant 0 : i32
      %dma_start3A_68 = arith.constant 0 : i32
      %dma_start3A_69 = tpu.memref_slice %arg8[%dma_start3A_67, %dma_start3A_68] : memref<128x64xf32, #tpu.memory_space<vmem>> -> memref<120x64xf32, #tpu.memory_space<vmem>>
      %dma_start3A_70 = arith.constant 0 : i32
      %dma_start3A_71 = tpu.memref_slice %arg11[%add3A_29, %dma_start3A_70] : memref<10112x64xf32, #tpu.memory_space<vmem_shared>> -> memref<120x64xf32, #tpu.memory_space<vmem_shared>>
      %dma_start3A_72 = arith.constant 0 : i32
      %dma_start3A_73 = tpu.memref_slice %arg11[%add3A_29, %dma_start3A_72] : memref<10112x64xf32, #tpu.memory_space<vmem_shared>> -> memref<120x64xf32, #tpu.memory_space<vmem_shared>>
      %dma_start3A_74 = arith.constant 0 : i32
      %dma_start3A_75 = arith.constant 0 : i32
      %dma_start3A_76 = tpu.memref_slice %arg8[%dma_start3A_74, %dma_start3A_75] : memref<128x64xf32, #tpu.memory_space<vmem>> -> memref<120x64xf32, #tpu.memory_space<vmem>>
      tpu.enqueue_dma source(%dma_start3A_76 : memref<120x64xf32, #tpu.memory_space<vmem>>) target(%dma_start3A_73 : memref<120x64xf32, #tpu.memory_space<vmem_shared>>) target_semaphore(%run_scoped3A : memref<!tpu.dma_semaphore, #tpu.memory_space<semaphore_mem>>)
      %dma_wait3A_77 = arith.constant 0 : i32
      %dma_wait3A_78 = arith.constant 0 : i32
      %dma_wait3A_79 = tpu.memref_slice %arg8[%dma_wait3A_77, %dma_wait3A_78] : memref<128x64xf32, #tpu.memory_space<vmem>> -> memref<120x64xf32, #tpu.memory_space<vmem>>
      %dma_wait3A_80 = arith.constant 0 : i32
      %dma_wait3A_81 = tpu.memref_slice %arg11[%add3A_29, %dma_wait3A_80] : memref<10112x64xf32, #tpu.memory_space<vmem_shared>> -> memref<120x64xf32, #tpu.memory_space<vmem_shared>>
      %dma_wait3A_82 = arith.constant 0 : i32
      %dma_wait3A_83 = tpu.memref_slice %arg11[%add3A_29, %dma_wait3A_82] : memref<10112x64xf32, #tpu.memory_space<vmem_shared>> -> memref<120x64xf32, #tpu.memory_space<vmem_shared>>
      %dma_wait3A_84 = arith.constant 0 : i32
      %dma_wait3A_85 = arith.constant 0 : i32
      %dma_wait3A_86 = tpu.memref_slice %arg8[%dma_wait3A_84, %dma_wait3A_85] : memref<128x64xf32, #tpu.memory_space<vmem>> -> memref<120x64xf32, #tpu.memory_space<vmem>>
      tpu.wait_dma2 semaphore(%run_scoped3A : memref<!tpu.dma_semaphore, #tpu.memory_space<semaphore_mem>>) src(%dma_wait3A_86 : memref<120x64xf32, #tpu.memory_space<vmem>>) dst(%dma_wait3A_83 : memref<120x64xf32, #tpu.memory_space<vmem_shared>>)
      tpu.yield
    }) : () -> ()
    %barrier3A = arith.constant 0 : index
    tpu.barrier barrier_id(%barrier3A)
    %dma_start3A = arith.constant 0 : i32
    %dma_start3A_30 = arith.constant 0 : i32
    %dma_start3A_31 = tpu.memref_slice %arg6[%dma_start3A, %dma_start3A_30] : memref<80x128xi32, #tpu.memory_space<vmem>> -> memref<1x128xi32, #tpu.memory_space<vmem>>
    %dma_start3A_32 = tpu.memref_squeeze %dma_start3A_31 : memref<1x128xi32, #tpu.memory_space<vmem>> -> memref<128xi32, #tpu.memory_space<vmem>>
    %dma_start3A_33 = arith.constant 0 : i32
    %dma_start3A_34 = arith.constant 0 : i32
    %dma_start3A_35 = tpu.memref_slice %arg10[%dma_start3A_33, %dma_start3A_34] : memref<10112x64xf32, #tpu.memory_space<vmem_shared>> -> memref<10112x64xf32, #tpu.memory_space<vmem_shared>>
    tpu.enqueue_indirect_dma source(%dma_start3A_35 : memref<10112x64xf32, #tpu.memory_space<vmem_shared>>) target(%arg8 : memref<128x64xf32, #tpu.memory_space<vmem>>) offsets(%dma_start3A_32 : memref<128xi32, #tpu.memory_space<vmem>>) semaphore(%arg12 : memref<!tpu.dma_semaphore, #tpu.memory_space<semaphore_mem>>)
    %dma_start3A_36 = arith.constant 1 : i32
    %dma_start3A_37 = arith.constant 0 : i32
    %dma_start3A_38 = tpu.memref_slice %arg6[%dma_start3A_36, %dma_start3A_37] : memref<80x128xi32, #tpu.memory_space<vmem>> -> memref<1x128xi32, #tpu.memory_space<vmem>>
    %dma_start3A_39 = tpu.memref_squeeze %dma_start3A_38 : memref<1x128xi32, #tpu.memory_space<vmem>> -> memref<128xi32, #tpu.memory_space<vmem>>
    %dma_start3A_40 = arith.constant 0 : i32
    %dma_start3A_41 = arith.constant 0 : i32
    %dma_start3A_42 = tpu.memref_slice %arg10[%dma_start3A_40, %dma_start3A_41] : memref<10112x64xf32, #tpu.memory_space<vmem_shared>> -> memref<10112x64xf32, #tpu.memory_space<vmem_shared>>
    tpu.enqueue_indirect_dma source(%dma_start3A_42 : memref<10112x64xf32, #tpu.memory_space<vmem_shared>>) target(%arg9 : memref<128x64xf32, #tpu.memory_space<vmem>>) offsets(%dma_start3A_39 : memref<128xi32, #tpu.memory_space<vmem>>) semaphore(%arg13 : memref<!tpu.dma_semaphore, #tpu.memory_space<semaphore_mem>>)
    %scan3A_43 = arith.constant 0 : i32
    %scan3A_44 = arith.constant 0 : i32
    %scan3A_45 = arith.constant 40 : i32
    %scan3A_46 = arith.addi %scan3A_44, %scan3A_45 : i32
    %scan3A_47 = arith.constant 1 : i32
    scf.for %scan3A_67 = %scan3A_44 to %scan3A_46 step %scan3A_47  : i32 {
      %mul3A_68 = arith.constant 2 : i32
      %mul3A_69 = arith.muli %mul3A_68, %scan3A_67 : i32
      %mul3A_70 = arith.constant 2 : i32
      %mul3A_71 = arith.muli %mul3A_70, %scan3A_67 : i32
      %add3A_72 = arith.constant 1 : i32
      %add3A_73 = arith.addi %mul3A_71, %add3A_72 : i32
      %add3A_74 = arith.constant 2 : i32
      %add3A_75 = arith.addi %mul3A_69, %add3A_74 : i32
      %min3A = arith.constant 79 : i32
      %min3A_76 = arith.minsi %add3A_75, %min3A : i32
      %add3A_77 = arith.constant 2 : i32
      %add3A_78 = arith.addi %add3A_73, %add3A_77 : i32
      %min3A_79 = arith.constant 79 : i32
      %min3A_80 = arith.minsi %add3A_78, %min3A_79 : i32
      %dma_wait3A_81 = arith.constant 0 : i32
      %dma_wait3A_82 = tpu.memref_slice %arg6[%mul3A_69, %dma_wait3A_81] : memref<80x128xi32, #tpu.memory_space<vmem>> -> memref<1x128xi32, #tpu.memory_space<vmem>>
      %dma_wait3A_83 = tpu.memref_squeeze %dma_wait3A_82 : memref<1x128xi32, #tpu.memory_space<vmem>> -> memref<128xi32, #tpu.memory_space<vmem>>
      %dma_wait3A_84 = arith.constant 0 : i32
      %dma_wait3A_85 = arith.constant 0 : i32
      %dma_wait3A_86 = tpu.memref_slice %arg10[%dma_wait3A_84, %dma_wait3A_85] : memref<10112x64xf32, #tpu.memory_space<vmem_shared>> -> memref<10112x64xf32, #tpu.memory_space<vmem_shared>>
      tpu.wait_indirect_dma semaphore(%arg12 : memref<!tpu.dma_semaphore, #tpu.memory_space<semaphore_mem>>) src(%dma_wait3A_86 : memref<10112x64xf32, #tpu.memory_space<vmem_shared>>) dst(%arg8 : memref<128x64xf32, #tpu.memory_space<vmem>>)
      "tpu.region"() ({
        %run_scoped3A = tpu.sem_alloc : memref<!tpu.dma_semaphore, #tpu.memory_space<semaphore_mem>>
        %dma_start3A_105 = arith.constant 0 : i32
        %dma_start3A_106 = tpu.memref_slice %arg7[%mul3A_69, %dma_start3A_105] : memref<80x128xi32, #tpu.memory_space<vmem>> -> memref<1x128xi32, #tpu.memory_space<vmem>>
        %dma_start3A_107 = tpu.memref_squeeze %dma_start3A_106 : memref<1x128xi32, #tpu.memory_space<vmem>> -> memref<128xi32, #tpu.memory_space<vmem>>
        %dma_start3A_108 = arith.constant 0 : i32
        %dma_start3A_109 = arith.constant 0 : i32
        %dma_start3A_110 = tpu.memref_slice %arg11[%dma_start3A_108, %dma_start3A_109] : memref<10112x64xf32, #tpu.memory_space<vmem_shared>> -> memref<10112x64xf32, #tpu.memory_space<vmem_shared>>
        tpu.enqueue_indirect_dma source(%arg8 : memref<128x64xf32, #tpu.memory_space<vmem>>) target(%dma_start3A_110 : memref<10112x64xf32, #tpu.memory_space<vmem_shared>>) offsets(%dma_start3A_107 : memref<128xi32, #tpu.memory_space<vmem>>) semaphore(%run_scoped3A : memref<!tpu.dma_semaphore, #tpu.memory_space<semaphore_mem>>) {add = true}
        %dma_wait3A_111 = arith.constant 0 : i32
        %dma_wait3A_112 = tpu.memref_slice %arg7[%mul3A_69, %dma_wait3A_111] : memref<80x128xi32, #tpu.memory_space<vmem>> -> memref<1x128xi32, #tpu.memory_space<vmem>>
        %dma_wait3A_113 = tpu.memref_squeeze %dma_wait3A_112 : memref<1x128xi32, #tpu.memory_space<vmem>> -> memref<128xi32, #tpu.memory_space<vmem>>
        %dma_wait3A_114 = arith.constant 0 : i32
        %dma_wait3A_115 = arith.constant 0 : i32
        %dma_wait3A_116 = tpu.memref_slice %arg11[%dma_wait3A_114, %dma_wait3A_115] : memref<10112x64xf32, #tpu.memory_space<vmem_shared>> -> memref<10112x64xf32, #tpu.memory_space<vmem_shared>>
        tpu.wait_indirect_dma semaphore(%run_scoped3A : memref<!tpu.dma_semaphore, #tpu.memory_space<semaphore_mem>>) src(%arg8 : memref<128x64xf32, #tpu.memory_space<vmem>>) dst(%dma_wait3A_116 : memref<10112x64xf32, #tpu.memory_space<vmem_shared>>)
        tpu.yield
      }) : () -> ()
      %dma_start3A_87 = arith.constant 0 : i32
      %dma_start3A_88 = tpu.memref_slice %arg6[%min3A_76, %dma_start3A_87] : memref<80x128xi32, #tpu.memory_space<vmem>> -> memref<1x128xi32, #tpu.memory_space<vmem>>
      %dma_start3A_89 = tpu.memref_squeeze %dma_start3A_88 : memref<1x128xi32, #tpu.memory_space<vmem>> -> memref<128xi32, #tpu.memory_space<vmem>>
      %dma_start3A_90 = arith.constant 0 : i32
      %dma_start3A_91 = arith.constant 0 : i32
      %dma_start3A_92 = tpu.memref_slice %arg10[%dma_start3A_90, %dma_start3A_91] : memref<10112x64xf32, #tpu.memory_space<vmem_shared>> -> memref<10112x64xf32, #tpu.memory_space<vmem_shared>>
      tpu.enqueue_indirect_dma source(%dma_start3A_92 : memref<10112x64xf32, #tpu.memory_space<vmem_shared>>) target(%arg8 : memref<128x64xf32, #tpu.memory_space<vmem>>) offsets(%dma_start3A_89 : memref<128xi32, #tpu.memory_space<vmem>>) semaphore(%arg12 : memref<!tpu.dma_semaphore, #tpu.memory_space<semaphore_mem>>)
      %dma_wait3A_93 = arith.constant 0 : i32
      %dma_wait3A_94 = tpu.memref_slice %arg6[%add3A_73, %dma_wait3A_93] : memref<80x128xi32, #tpu.memory_space<vmem>> -> memref<1x128xi32, #tpu.memory_space<vmem>>
      %dma_wait3A_95 = tpu.memref_squeeze %dma_wait3A_94 : memref<1x128xi32, #tpu.memory_space<vmem>> -> memref<128xi32, #tpu.memory_space<vmem>>
      %dma_wait3A_96 = arith.constant 0 : i32
      %dma_wait3A_97 = arith.constant 0 : i32
      %dma_wait3A_98 = tpu.memref_slice %arg10[%dma_wait3A_96, %dma_wait3A_97] : memref<10112x64xf32, #tpu.memory_space<vmem_shared>> -> memref<10112x64xf32, #tpu.memory_space<vmem_shared>>
      tpu.wait_indirect_dma semaphore(%arg13 : memref<!tpu.dma_semaphore, #tpu.memory_space<semaphore_mem>>) src(%dma_wait3A_98 : memref<10112x64xf32, #tpu.memory_space<vmem_shared>>) dst(%arg9 : memref<128x64xf32, #tpu.memory_space<vmem>>)
      "tpu.region"() ({
        %run_scoped3A = tpu.sem_alloc : memref<!tpu.dma_semaphore, #tpu.memory_space<semaphore_mem>>
        %dma_start3A_105 = arith.constant 0 : i32
        %dma_start3A_106 = tpu.memref_slice %arg7[%add3A_73, %dma_start3A_105] : memref<80x128xi32, #tpu.memory_space<vmem>> -> memref<1x128xi32, #tpu.memory_space<vmem>>
        %dma_start3A_107 = tpu.memref_squeeze %dma_start3A_106 : memref<1x128xi32, #tpu.memory_space<vmem>> -> memref<128xi32, #tpu.memory_space<vmem>>
        %dma_start3A_108 = arith.constant 0 : i32
        %dma_start3A_109 = arith.constant 0 : i32
        %dma_start3A_110 = tpu.memref_slice %arg11[%dma_start3A_108, %dma_start3A_109] : memref<10112x64xf32, #tpu.memory_space<vmem_shared>> -> memref<10112x64xf32, #tpu.memory_space<vmem_shared>>
        tpu.enqueue_indirect_dma source(%arg9 : memref<128x64xf32, #tpu.memory_space<vmem>>) target(%dma_start3A_110 : memref<10112x64xf32, #tpu.memory_space<vmem_shared>>) offsets(%dma_start3A_107 : memref<128xi32, #tpu.memory_space<vmem>>) semaphore(%run_scoped3A : memref<!tpu.dma_semaphore, #tpu.memory_space<semaphore_mem>>) {add = true}
        %dma_wait3A_111 = arith.constant 0 : i32
        %dma_wait3A_112 = tpu.memref_slice %arg7[%add3A_73, %dma_wait3A_111] : memref<80x128xi32, #tpu.memory_space<vmem>> -> memref<1x128xi32, #tpu.memory_space<vmem>>
        %dma_wait3A_113 = tpu.memref_squeeze %dma_wait3A_112 : memref<1x128xi32, #tpu.memory_space<vmem>> -> memref<128xi32, #tpu.memory_space<vmem>>
        %dma_wait3A_114 = arith.constant 0 : i32
        %dma_wait3A_115 = arith.constant 0 : i32
        %dma_wait3A_116 = tpu.memref_slice %arg11[%dma_wait3A_114, %dma_wait3A_115] : memref<10112x64xf32, #tpu.memory_space<vmem_shared>> -> memref<10112x64xf32, #tpu.memory_space<vmem_shared>>
        tpu.wait_indirect_dma semaphore(%run_scoped3A : memref<!tpu.dma_semaphore, #tpu.memory_space<semaphore_mem>>) src(%arg9 : memref<128x64xf32, #tpu.memory_space<vmem>>) dst(%dma_wait3A_116 : memref<10112x64xf32, #tpu.memory_space<vmem_shared>>)
        tpu.yield
      }) : () -> ()
      %dma_start3A_99 = arith.constant 0 : i32
      %dma_start3A_100 = tpu.memref_slice %arg6[%min3A_80, %dma_start3A_99] : memref<80x128xi32, #tpu.memory_space<vmem>> -> memref<1x128xi32, #tpu.memory_space<vmem>>
      %dma_start3A_101 = tpu.memref_squeeze %dma_start3A_100 : memref<1x128xi32, #tpu.memory_space<vmem>> -> memref<128xi32, #tpu.memory_space<vmem>>
      %dma_start3A_102 = arith.constant 0 : i32
      %dma_start3A_103 = arith.constant 0 : i32
      %dma_start3A_104 = tpu.memref_slice %arg10[%dma_start3A_102, %dma_start3A_103] : memref<10112x64xf32, #tpu.memory_space<vmem_shared>> -> memref<10112x64xf32, #tpu.memory_space<vmem_shared>>
      tpu.enqueue_indirect_dma source(%dma_start3A_104 : memref<10112x64xf32, #tpu.memory_space<vmem_shared>>) target(%arg9 : memref<128x64xf32, #tpu.memory_space<vmem>>) offsets(%dma_start3A_101 : memref<128xi32, #tpu.memory_space<vmem>>) semaphore(%arg13 : memref<!tpu.dma_semaphore, #tpu.memory_space<semaphore_mem>>)
    }
    %scan3A_48 = arith.constant 40 : i32
    %dma_wait3A = arith.constant 79 : i32
    %dma_wait3A_49 = arith.constant 0 : i32
    %dma_wait3A_50 = tpu.memref_slice %arg6[%dma_wait3A, %dma_wait3A_49] : memref<80x128xi32, #tpu.memory_space<vmem>> -> memref<1x128xi32, #tpu.memory_space<vmem>>
    %dma_wait3A_51 = tpu.memref_squeeze %dma_wait3A_50 : memref<1x128xi32, #tpu.memory_space<vmem>> -> memref<128xi32, #tpu.memory_space<vmem>>
    %dma_wait3A_52 = arith.constant 0 : i32
    %dma_wait3A_53 = arith.constant 0 : i32
    %dma_wait3A_54 = tpu.memref_slice %arg10[%dma_wait3A_52, %dma_wait3A_53] : memref<10112x64xf32, #tpu.memory_space<vmem_shared>> -> memref<10112x64xf32, #tpu.memory_space<vmem_shared>>
    tpu.wait_indirect_dma semaphore(%arg12 : memref<!tpu.dma_semaphore, #tpu.memory_space<semaphore_mem>>) src(%dma_wait3A_54 : memref<10112x64xf32, #tpu.memory_space<vmem_shared>>) dst(%arg8 : memref<128x64xf32, #tpu.memory_space<vmem>>)
    %dma_wait3A_55 = arith.constant 79 : i32
    %dma_wait3A_56 = arith.constant 0 : i32
    %dma_wait3A_57 = tpu.memref_slice %arg6[%dma_wait3A_55, %dma_wait3A_56] : memref<80x128xi32, #tpu.memory_space<vmem>> -> memref<1x128xi32, #tpu.memory_space<vmem>>
    %dma_wait3A_58 = tpu.memref_squeeze %dma_wait3A_57 : memref<1x128xi32, #tpu.memory_space<vmem>> -> memref<128xi32, #tpu.memory_space<vmem>>
    %dma_wait3A_59 = arith.constant 0 : i32
    %dma_wait3A_60 = arith.constant 0 : i32
    %dma_wait3A_61 = tpu.memref_slice %arg10[%dma_wait3A_59, %dma_wait3A_60] : memref<10112x64xf32, #tpu.memory_space<vmem_shared>> -> memref<10112x64xf32, #tpu.memory_space<vmem_shared>>
    tpu.wait_indirect_dma semaphore(%arg13 : memref<!tpu.dma_semaphore, #tpu.memory_space<semaphore_mem>>) src(%dma_wait3A_61 : memref<10112x64xf32, #tpu.memory_space<vmem_shared>>) dst(%arg9 : memref<128x64xf32, #tpu.memory_space<vmem>>)
    %barrier3A_62 = arith.constant 0 : index
    tpu.barrier barrier_id(%barrier3A_62)
    %mul3A_63 = arith.constant 632 : i32
    %mul3A_64 = arith.muli %arg1, %mul3A_63 : i32
    %mul3A_65 = arith.constant 632 : i32
    %mul3A_66 = arith.muli %arg1, %mul3A_65 : i32
    "tpu.region"() ({
      %run_scoped3A = tpu.sem_alloc : memref<!tpu.dma_semaphore, #tpu.memory_space<semaphore_mem>>
      %dma_start3A_67 = arith.constant 0 : i32
      %dma_start3A_68 = tpu.memref_slice %arg5[%arg0, %mul3A_66, %dma_start3A_67] : memref<2x10112x64xf32, #tpu.memory_space<hbm>> -> memref<1x632x64xf32, #tpu.memory_space<hbm>>
      %dma_start3A_69 = tpu.memref_squeeze %dma_start3A_68 : memref<1x632x64xf32, #tpu.memory_space<hbm>> -> memref<632x64xf32, #tpu.memory_space<hbm>>
      %dma_start3A_70 = arith.constant 0 : i32
      %dma_start3A_71 = tpu.memref_slice %arg11[%mul3A_64, %dma_start3A_70] : memref<10112x64xf32, #tpu.memory_space<vmem_shared>> -> memref<632x64xf32, #tpu.memory_space<vmem_shared>>
      tpu.enqueue_dma source(%dma_start3A_71 : memref<632x64xf32, #tpu.memory_space<vmem_shared>>) target(%dma_start3A_69 : memref<632x64xf32, #tpu.memory_space<hbm>>) target_semaphore(%run_scoped3A : memref<!tpu.dma_semaphore, #tpu.memory_space<semaphore_mem>>)
      %dma_wait3A_72 = arith.constant 0 : i32
      %dma_wait3A_73 = tpu.memref_slice %arg5[%arg0, %mul3A_66, %dma_wait3A_72] : memref<2x10112x64xf32, #tpu.memory_space<hbm>> -> memref<1x632x64xf32, #tpu.memory_space<hbm>>
      %dma_wait3A_74 = tpu.memref_squeeze %dma_wait3A_73 : memref<1x632x64xf32, #tpu.memory_space<hbm>> -> memref<632x64xf32, #tpu.memory_space<hbm>>
      %dma_wait3A_75 = arith.constant 0 : i32
      %dma_wait3A_76 = tpu.memref_slice %arg11[%mul3A_64, %dma_wait3A_75] : memref<10112x64xf32, #tpu.memory_space<vmem_shared>> -> memref<632x64xf32, #tpu.memory_space<vmem_shared>>
      tpu.wait_dma2 semaphore(%run_scoped3A : memref<!tpu.dma_semaphore, #tpu.memory_space<semaphore_mem>>) src(%dma_wait3A_76 : memref<632x64xf32, #tpu.memory_space<vmem_shared>>) dst(%dma_wait3A_74 : memref<632x64xf32, #tpu.memory_space<hbm>>)
      tpu.yield
    }) : () -> ()
    return
  }
}

#map = affine_map<(d0, d1) -> (0, 0)>
#map1 = affine_map<(d0, d1) -> (0, 0, 0)>
module attributes {stable_mosaic.version = 14 : i64} {
  func.func @_segsum64(%arg0: i32, %arg1: i32, %arg2: memref<10112x64xf32, #tpu.memory_space<hbm>>, %arg3: memref<32x80x128xi32, #tpu.memory_space<hbm>>, %arg4: memref<32x80x128xi32, #tpu.memory_space<hbm>>, %arg5: memref<2x10112x64xf32, #tpu.memory_space<hbm>>, %arg6: memref<80x128xi32, #tpu.memory_space<vmem>>, %arg7: memref<80x128xi32, #tpu.memory_space<vmem>>, %arg8: memref<128x64xf32, #tpu.memory_space<vmem>>, %arg9: memref<128x64xf32, #tpu.memory_space<vmem>>, %arg10: memref<10112x64xf32, #tpu.memory_space<vmem_shared>>, %arg11: memref<10112x64xf32, #tpu.memory_space<vmem_shared>>, %arg12: memref<!tpu.dma_semaphore, #tpu.memory_space<semaphore_mem>>, %arg13: memref<!tpu.dma_semaphore, #tpu.memory_space<semaphore_mem>>) attributes {dimension_semantics = [#tpu.dimension_semantics<core_parallel>, #tpu.dimension_semantics<subcore_parallel>], iteration_bounds = array<i64: 2, 16>, scalar_prefetch = 0 : i64, scratch_operands = 8 : i64, tpu.core_type = #tpu.core_type<sc_vector_subcore>, window_params = [{transform_indices = #map}, {transform_indices = #map1}, {transform_indices = #map1}, {transform_indices = #map1}]} {
    %mul3A = arith.constant 16 : i32
    %mul3A_0 = arith.muli %arg0, %mul3A : i32
    %add3A = arith.addi %mul3A_0, %arg1 : i32
    "tpu.region"() ({
      %run_scoped3A = tpu.sem_alloc : memref<!tpu.dma_semaphore, #tpu.memory_space<semaphore_mem>>
      %dma_start3A_67 = arith.constant 0 : i32
      %dma_start3A_68 = arith.constant 0 : i32
      %dma_start3A_69 = tpu.memref_slice %arg3[%add3A, %dma_start3A_67, %dma_start3A_68] : memref<32x80x128xi32, #tpu.memory_space<hbm>> -> memref<1x80x128xi32, #tpu.memory_space<hbm>>
      %dma_start3A_70 = tpu.memref_squeeze %dma_start3A_69 : memref<1x80x128xi32, #tpu.memory_space<hbm>> -> memref<80x128xi32, #tpu.memory_space<hbm>>
      %dma_start3A_71 = arith.constant 0 : i32
      %dma_start3A_72 = arith.constant 0 : i32
      %dma_start3A_73 = tpu.memref_slice %arg3[%add3A, %dma_start3A_71, %dma_start3A_72] : memref<32x80x128xi32, #tpu.memory_space<hbm>> -> memref<1x80x128xi32, #tpu.memory_space<hbm>>
      %dma_start3A_74 = tpu.memref_squeeze %dma_start3A_73 : memref<1x80x128xi32, #tpu.memory_space<hbm>> -> memref<80x128xi32, #tpu.memory_space<hbm>>
      tpu.enqueue_dma source(%dma_start3A_74 : memref<80x128xi32, #tpu.memory_space<hbm>>) target(%arg6 : memref<80x128xi32, #tpu.memory_space<vmem>>) target_semaphore(%run_scoped3A : memref<!tpu.dma_semaphore, #tpu.memory_space<semaphore_mem>>)
      %dma_wait3A_75 = arith.constant 0 : i32
      %dma_wait3A_76 = arith.constant 0 : i32
      %dma_wait3A_77 = tpu.memref_slice %arg3[%add3A, %dma_wait3A_75, %dma_wait3A_76] : memref<32x80x128xi32, #tpu.memory_space<hbm>> -> memref<1x80x128xi32, #tpu.memory_space<hbm>>
      %dma_wait3A_78 = tpu.memref_squeeze %dma_wait3A_77 : memref<1x80x128xi32, #tpu.memory_space<hbm>> -> memref<80x128xi32, #tpu.memory_space<hbm>>
      %dma_wait3A_79 = arith.constant 0 : i32
      %dma_wait3A_80 = arith.constant 0 : i32
      %dma_wait3A_81 = tpu.memref_slice %arg3[%add3A, %dma_wait3A_79, %dma_wait3A_80] : memref<32x80x128xi32, #tpu.memory_space<hbm>> -> memref<1x80x128xi32, #tpu.memory_space<hbm>>
      %dma_wait3A_82 = tpu.memref_squeeze %dma_wait3A_81 : memref<1x80x128xi32, #tpu.memory_space<hbm>> -> memref<80x128xi32, #tpu.memory_space<hbm>>
      tpu.wait_dma2 semaphore(%run_scoped3A : memref<!tpu.dma_semaphore, #tpu.memory_space<semaphore_mem>>) src(%dma_wait3A_82 : memref<80x128xi32, #tpu.memory_space<hbm>>) dst(%arg6 : memref<80x128xi32, #tpu.memory_space<vmem>>)
      tpu.yield
    }) : () -> ()
    "tpu.region"() ({
      %run_scoped3A = tpu.sem_alloc : memref<!tpu.dma_semaphore, #tpu.memory_space<semaphore_mem>>
      %dma_start3A_67 = arith.constant 0 : i32
      %dma_start3A_68 = arith.constant 0 : i32
      %dma_start3A_69 = tpu.memref_slice %arg4[%add3A, %dma_start3A_67, %dma_start3A_68] : memref<32x80x128xi32, #tpu.memory_space<hbm>> -> memref<1x80x128xi32, #tpu.memory_space<hbm>>
      %dma_start3A_70 = tpu.memref_squeeze %dma_start3A_69 : memref<1x80x128xi32, #tpu.memory_space<hbm>> -> memref<80x128xi32, #tpu.memory_space<hbm>>
      %dma_start3A_71 = arith.constant 0 : i32
      %dma_start3A_72 = arith.constant 0 : i32
      %dma_start3A_73 = tpu.memref_slice %arg4[%add3A, %dma_start3A_71, %dma_start3A_72] : memref<32x80x128xi32, #tpu.memory_space<hbm>> -> memref<1x80x128xi32, #tpu.memory_space<hbm>>
      %dma_start3A_74 = tpu.memref_squeeze %dma_start3A_73 : memref<1x80x128xi32, #tpu.memory_space<hbm>> -> memref<80x128xi32, #tpu.memory_space<hbm>>
      tpu.enqueue_dma source(%dma_start3A_74 : memref<80x128xi32, #tpu.memory_space<hbm>>) target(%arg7 : memref<80x128xi32, #tpu.memory_space<vmem>>) target_semaphore(%run_scoped3A : memref<!tpu.dma_semaphore, #tpu.memory_space<semaphore_mem>>)
      %dma_wait3A_75 = arith.constant 0 : i32
      %dma_wait3A_76 = arith.constant 0 : i32
      %dma_wait3A_77 = tpu.memref_slice %arg4[%add3A, %dma_wait3A_75, %dma_wait3A_76] : memref<32x80x128xi32, #tpu.memory_space<hbm>> -> memref<1x80x128xi32, #tpu.memory_space<hbm>>
      %dma_wait3A_78 = tpu.memref_squeeze %dma_wait3A_77 : memref<1x80x128xi32, #tpu.memory_space<hbm>> -> memref<80x128xi32, #tpu.memory_space<hbm>>
      %dma_wait3A_79 = arith.constant 0 : i32
      %dma_wait3A_80 = arith.constant 0 : i32
      %dma_wait3A_81 = tpu.memref_slice %arg4[%add3A, %dma_wait3A_79, %dma_wait3A_80] : memref<32x80x128xi32, #tpu.memory_space<hbm>> -> memref<1x80x128xi32, #tpu.memory_space<hbm>>
      %dma_wait3A_82 = tpu.memref_squeeze %dma_wait3A_81 : memref<1x80x128xi32, #tpu.memory_space<hbm>> -> memref<80x128xi32, #tpu.memory_space<hbm>>
      tpu.wait_dma2 semaphore(%run_scoped3A : memref<!tpu.dma_semaphore, #tpu.memory_space<semaphore_mem>>) src(%dma_wait3A_82 : memref<80x128xi32, #tpu.memory_space<hbm>>) dst(%arg7 : memref<80x128xi32, #tpu.memory_space<vmem>>)
      tpu.yield
    }) : () -> ()
    %mul3A_1 = arith.constant 632 : i32
    %mul3A_2 = arith.muli %arg1, %mul3A_1 : i32
    %mul3A_3 = arith.constant 632 : i32
    %mul3A_4 = arith.muli %arg1, %mul3A_3 : i32
    "tpu.region"() ({
      %run_scoped3A = tpu.sem_alloc : memref<!tpu.dma_semaphore, #tpu.memory_space<semaphore_mem>>
      %dma_start3A_67 = arith.constant 0 : i32
      %dma_start3A_68 = tpu.memref_slice %arg10[%mul3A_4, %dma_start3A_67] : memref<10112x64xf32, #tpu.memory_space<vmem_shared>> -> memref<632x64xf32, #tpu.memory_space<vmem_shared>>
      %dma_start3A_69 = arith.constant 0 : i32
      %dma_start3A_70 = tpu.memref_slice %arg2[%mul3A_2, %dma_start3A_69] : memref<10112x64xf32, #tpu.memory_space<hbm>> -> memref<632x64xf32, #tpu.memory_space<hbm>>
      tpu.enqueue_dma source(%dma_start3A_70 : memref<632x64xf32, #tpu.memory_space<hbm>>) target(%dma_start3A_68 : memref<632x64xf32, #tpu.memory_space<vmem_shared>>) target_semaphore(%run_scoped3A : memref<!tpu.dma_semaphore, #tpu.memory_space<semaphore_mem>>)
      %dma_wait3A_71 = arith.constant 0 : i32
      %dma_wait3A_72 = tpu.memref_slice %arg10[%mul3A_4, %dma_wait3A_71] : memref<10112x64xf32, #tpu.memory_space<vmem_shared>> -> memref<632x64xf32, #tpu.memory_space<vmem_shared>>
      %dma_wait3A_73 = arith.constant 0 : i32
      %dma_wait3A_74 = tpu.memref_slice %arg2[%mul3A_2, %dma_wait3A_73] : memref<10112x64xf32, #tpu.memory_space<hbm>> -> memref<632x64xf32, #tpu.memory_space<hbm>>
      tpu.wait_dma2 semaphore(%run_scoped3A : memref<!tpu.dma_semaphore, #tpu.memory_space<semaphore_mem>>) src(%dma_wait3A_74 : memref<632x64xf32, #tpu.memory_space<hbm>>) dst(%dma_wait3A_72 : memref<632x64xf32, #tpu.memory_space<vmem_shared>>)
      tpu.yield
    }) : () -> ()
    %scan3A = arith.constant 0 : i32
    %scan3A_5 = arith.constant 0 : i32
    %scan3A_6 = arith.constant 128 : i32
    %scan3A_7 = arith.addi %scan3A_5, %scan3A_6 : i32
    %scan3A_8 = arith.constant 1 : i32
    scf.for %scan3A_67 = %scan3A_5 to %scan3A_7 step %scan3A_8  : i32 {
      %broadcast_in_dim3A = arith.constant 0.000000e+00 : f32
      %broadcast_in_dim3A_68 = vector.broadcast %broadcast_in_dim3A : f32 to vector<16xf32>
      %swap3A = arith.index_cast %scan3A_67 : i32 to index
      %swap3A_69 = arith.constant 0 : index
      %swap3A_70 = tpu.vector_load %arg8[%swap3A, %swap3A_69] {strides = array<i32>} : memref<128x64xf32, #tpu.memory_space<vmem>>, vector<1x16xf32>,
      %swap3A_71 = vector.shape_cast %swap3A_70 : vector<1x16xf32> to vector<16xf32>
      %swap3A_72 = vector.shape_cast %broadcast_in_dim3A_68 : vector<16xf32> to vector<1x16xf32>
      tpu.vector_store %arg8[%swap3A, %swap3A_69], %swap3A_72 {strides = array<i32>} : memref<128x64xf32, #tpu.memory_space<vmem>>, vector<1x16xf32>,
      %broadcast_in_dim3A_73 = arith.constant 0.000000e+00 : f32
      %broadcast_in_dim3A_74 = vector.broadcast %broadcast_in_dim3A_73 : f32 to vector<16xf32>
      %swap3A_75 = arith.index_cast %scan3A_67 : i32 to index
      %swap3A_76 = arith.constant 16 : index
      %swap3A_77 = tpu.vector_load %arg8[%swap3A_75, %swap3A_76] {strides = array<i32>} : memref<128x64xf32, #tpu.memory_space<vmem>>, vector<1x16xf32>,
      %swap3A_78 = vector.shape_cast %swap3A_77 : vector<1x16xf32> to vector<16xf32>
      %swap3A_79 = vector.shape_cast %broadcast_in_dim3A_74 : vector<16xf32> to vector<1x16xf32>
      tpu.vector_store %arg8[%swap3A_75, %swap3A_76], %swap3A_79 {strides = array<i32>} : memref<128x64xf32, #tpu.memory_space<vmem>>, vector<1x16xf32>,
      %broadcast_in_dim3A_80 = arith.constant 0.000000e+00 : f32
      %broadcast_in_dim3A_81 = vector.broadcast %broadcast_in_dim3A_80 : f32 to vector<16xf32>
      %swap3A_82 = arith.index_cast %scan3A_67 : i32 to index
      %swap3A_83 = arith.constant 32 : index
      %swap3A_84 = tpu.vector_load %arg8[%swap3A_82, %swap3A_83] {strides = array<i32>} : memref<128x64xf32, #tpu.memory_space<vmem>>, vector<1x16xf32>,
      %swap3A_85 = vector.shape_cast %swap3A_84 : vector<1x16xf32> to vector<16xf32>
      %swap3A_86 = vector.shape_cast %broadcast_in_dim3A_81 : vector<16xf32> to vector<1x16xf32>
      tpu.vector_store %arg8[%swap3A_82, %swap3A_83], %swap3A_86 {strides = array<i32>} : memref<128x64xf32, #tpu.memory_space<vmem>>, vector<1x16xf32>,
      %broadcast_in_dim3A_87 = arith.constant 0.000000e+00 : f32
      %broadcast_in_dim3A_88 = vector.broadcast %broadcast_in_dim3A_87 : f32 to vector<16xf32>
      %swap3A_89 = arith.index_cast %scan3A_67 : i32 to index
      %swap3A_90 = arith.constant 48 : index
      %swap3A_91 = tpu.vector_load %arg8[%swap3A_89, %swap3A_90] {strides = array<i32>} : memref<128x64xf32, #tpu.memory_space<vmem>>, vector<1x16xf32>,
      %swap3A_92 = vector.shape_cast %swap3A_91 : vector<1x16xf32> to vector<16xf32>
      %swap3A_93 = vector.shape_cast %broadcast_in_dim3A_88 : vector<16xf32> to vector<1x16xf32>
      tpu.vector_store %arg8[%swap3A_89, %swap3A_90], %swap3A_93 {strides = array<i32>} : memref<128x64xf32, #tpu.memory_space<vmem>>, vector<1x16xf32>,
    }
    %scan3A_9 = arith.constant 128 : i32
    %mul3A_10 = arith.constant 632 : i32
    %mul3A_11 = arith.muli %arg1, %mul3A_10 : i32
    %add3A_12 = arith.constant 0 : i32
    %add3A_13 = arith.addi %mul3A_11, %add3A_12 : i32
    "tpu.region"() ({
      %run_scoped3A = tpu.sem_alloc : memref<!tpu.dma_semaphore, #tpu.memory_space<semaphore_mem>>
      %dma_start3A_67 = arith.constant 0 : i32
      %dma_start3A_68 = tpu.memref_slice %arg11[%add3A_13, %dma_start3A_67] : memref<10112x64xf32, #tpu.memory_space<vmem_shared>> -> memref<128x64xf32, #tpu.memory_space<vmem_shared>>
      %dma_start3A_69 = arith.constant 0 : i32
      %dma_start3A_70 = tpu.memref_slice %arg11[%add3A_13, %dma_start3A_69] : memref<10112x64xf32, #tpu.memory_space<vmem_shared>> -> memref<128x64xf32, #tpu.memory_space<vmem_shared>>
      tpu.enqueue_dma source(%arg8 : memref<128x64xf32, #tpu.memory_space<vmem>>) target(%dma_start3A_70 : memref<128x64xf32, #tpu.memory_space<vmem_shared>>) target_semaphore(%run_scoped3A : memref<!tpu.dma_semaphore, #tpu.memory_space<semaphore_mem>>)
      %dma_wait3A_71 = arith.constant 0 : i32
      %dma_wait3A_72 = tpu.memref_slice %arg11[%add3A_13, %dma_wait3A_71] : memref<10112x64xf32, #tpu.memory_space<vmem_shared>> -> memref<128x64xf32, #tpu.memory_space<vmem_shared>>
      %dma_wait3A_73 = arith.constant 0 : i32
      %dma_wait3A_74 = tpu.memref_slice %arg11[%add3A_13, %dma_wait3A_73] : memref<10112x64xf32, #tpu.memory_space<vmem_shared>> -> memref<128x64xf32, #tpu.memory_space<vmem_shared>>
      tpu.wait_dma2 semaphore(%run_scoped3A : memref<!tpu.dma_semaphore, #tpu.memory_space<semaphore_mem>>) src(%arg8 : memref<128x64xf32, #tpu.memory_space<vmem>>) dst(%dma_wait3A_74 : memref<128x64xf32, #tpu.memory_space<vmem_shared>>)
      tpu.yield
    }) : () -> ()
    %mul3A_14 = arith.constant 632 : i32
    %mul3A_15 = arith.muli %arg1, %mul3A_14 : i32
    %add3A_16 = arith.constant 128 : i32
    %add3A_17 = arith.addi %mul3A_15, %add3A_16 : i32
    "tpu.region"() ({
      %run_scoped3A = tpu.sem_alloc : memref<!tpu.dma_semaphore, #tpu.memory_space<semaphore_mem>>
      %dma_start3A_67 = arith.constant 0 : i32
      %dma_start3A_68 = tpu.memref_slice %arg11[%add3A_17, %dma_start3A_67] : memref<10112x64xf32, #tpu.memory_space<vmem_shared>> -> memref<128x64xf32, #tpu.memory_space<vmem_shared>>
      %dma_start3A_69 = arith.constant 0 : i32
      %dma_start3A_70 = tpu.memref_slice %arg11[%add3A_17, %dma_start3A_69] : memref<10112x64xf32, #tpu.memory_space<vmem_shared>> -> memref<128x64xf32, #tpu.memory_space<vmem_shared>>
      tpu.enqueue_dma source(%arg8 : memref<128x64xf32, #tpu.memory_space<vmem>>) target(%dma_start3A_70 : memref<128x64xf32, #tpu.memory_space<vmem_shared>>) target_semaphore(%run_scoped3A : memref<!tpu.dma_semaphore, #tpu.memory_space<semaphore_mem>>)
      %dma_wait3A_71 = arith.constant 0 : i32
      %dma_wait3A_72 = tpu.memref_slice %arg11[%add3A_17, %dma_wait3A_71] : memref<10112x64xf32, #tpu.memory_space<vmem_shared>> -> memref<128x64xf32, #tpu.memory_space<vmem_shared>>
      %dma_wait3A_73 = arith.constant 0 : i32
      %dma_wait3A_74 = tpu.memref_slice %arg11[%add3A_17, %dma_wait3A_73] : memref<10112x64xf32, #tpu.memory_space<vmem_shared>> -> memref<128x64xf32, #tpu.memory_space<vmem_shared>>
      tpu.wait_dma2 semaphore(%run_scoped3A : memref<!tpu.dma_semaphore, #tpu.memory_space<semaphore_mem>>) src(%arg8 : memref<128x64xf32, #tpu.memory_space<vmem>>) dst(%dma_wait3A_74 : memref<128x64xf32, #tpu.memory_space<vmem_shared>>)
      tpu.yield
    }) : () -> ()
    %mul3A_18 = arith.constant 632 : i32
    %mul3A_19 = arith.muli %arg1, %mul3A_18 : i32
    %add3A_20 = arith.constant 256 : i32
    %add3A_21 = arith.addi %mul3A_19, %add3A_20 : i32
    "tpu.region"() ({
      %run_scoped3A = tpu.sem_alloc : memref<!tpu.dma_semaphore, #tpu.memory_space<semaphore_mem>>
      %dma_start3A_67 = arith.constant 0 : i32
      %dma_start3A_68 = tpu.memref_slice %arg11[%add3A_21, %dma_start3A_67] : memref<10112x64xf32, #tpu.memory_space<vmem_shared>> -> memref<128x64xf32, #tpu.memory_space<vmem_shared>>
      %dma_start3A_69 = arith.constant 0 : i32
      %dma_start3A_70 = tpu.memref_slice %arg11[%add3A_21, %dma_start3A_69] : memref<10112x64xf32, #tpu.memory_space<vmem_shared>> -> memref<128x64xf32, #tpu.memory_space<vmem_shared>>
      tpu.enqueue_dma source(%arg8 : memref<128x64xf32, #tpu.memory_space<vmem>>) target(%dma_start3A_70 : memref<128x64xf32, #tpu.memory_space<vmem_shared>>) target_semaphore(%run_scoped3A : memref<!tpu.dma_semaphore, #tpu.memory_space<semaphore_mem>>)
      %dma_wait3A_71 = arith.constant 0 : i32
      %dma_wait3A_72 = tpu.memref_slice %arg11[%add3A_21, %dma_wait3A_71] : memref<10112x64xf32, #tpu.memory_space<vmem_shared>> -> memref<128x64xf32, #tpu.memory_space<vmem_shared>>
      %dma_wait3A_73 = arith.constant 0 : i32
      %dma_wait3A_74 = tpu.memref_slice %arg11[%add3A_21, %dma_wait3A_73] : memref<10112x64xf32, #tpu.memory_space<vmem_shared>> -> memref<128x64xf32, #tpu.memory_space<vmem_shared>>
      tpu.wait_dma2 semaphore(%run_scoped3A : memref<!tpu.dma_semaphore, #tpu.memory_space<semaphore_mem>>) src(%arg8 : memref<128x64xf32, #tpu.memory_space<vmem>>) dst(%dma_wait3A_74 : memref<128x64xf32, #tpu.memory_space<vmem_shared>>)
      tpu.yield
    }) : () -> ()
    %mul3A_22 = arith.constant 632 : i32
    %mul3A_23 = arith.muli %arg1, %mul3A_22 : i32
    %add3A_24 = arith.constant 384 : i32
    %add3A_25 = arith.addi %mul3A_23, %add3A_24 : i32
    "tpu.region"() ({
      %run_scoped3A = tpu.sem_alloc : memref<!tpu.dma_semaphore, #tpu.memory_space<semaphore_mem>>
      %dma_start3A_67 = arith.constant 0 : i32
      %dma_start3A_68 = tpu.memref_slice %arg11[%add3A_25, %dma_start3A_67] : memref<10112x64xf32, #tpu.memory_space<vmem_shared>> -> memref<128x64xf32, #tpu.memory_space<vmem_shared>>
      %dma_start3A_69 = arith.constant 0 : i32
      %dma_start3A_70 = tpu.memref_slice %arg11[%add3A_25, %dma_start3A_69] : memref<10112x64xf32, #tpu.memory_space<vmem_shared>> -> memref<128x64xf32, #tpu.memory_space<vmem_shared>>
      tpu.enqueue_dma source(%arg8 : memref<128x64xf32, #tpu.memory_space<vmem>>) target(%dma_start3A_70 : memref<128x64xf32, #tpu.memory_space<vmem_shared>>) target_semaphore(%run_scoped3A : memref<!tpu.dma_semaphore, #tpu.memory_space<semaphore_mem>>)
      %dma_wait3A_71 = arith.constant 0 : i32
      %dma_wait3A_72 = tpu.memref_slice %arg11[%add3A_25, %dma_wait3A_71] : memref<10112x64xf32, #tpu.memory_space<vmem_shared>> -> memref<128x64xf32, #tpu.memory_space<vmem_shared>>
      %dma_wait3A_73 = arith.constant 0 : i32
      %dma_wait3A_74 = tpu.memref_slice %arg11[%add3A_25, %dma_wait3A_73] : memref<10112x64xf32, #tpu.memory_space<vmem_shared>> -> memref<128x64xf32, #tpu.memory_space<vmem_shared>>
      tpu.wait_dma2 semaphore(%run_scoped3A : memref<!tpu.dma_semaphore, #tpu.memory_space<semaphore_mem>>) src(%arg8 : memref<128x64xf32, #tpu.memory_space<vmem>>) dst(%dma_wait3A_74 : memref<128x64xf32, #tpu.memory_space<vmem_shared>>)
      tpu.yield
    }) : () -> ()
    %mul3A_26 = arith.constant 632 : i32
    %mul3A_27 = arith.muli %arg1, %mul3A_26 : i32
    %add3A_28 = arith.constant 512 : i32
    %add3A_29 = arith.addi %mul3A_27, %add3A_28 : i32
    "tpu.region"() ({
      %run_scoped3A = tpu.sem_alloc : memref<!tpu.dma_semaphore, #tpu.memory_space<semaphore_mem>>
      %dma_start3A_67 = arith.constant 0 : i32
      %dma_start3A_68 = arith.constant 0 : i32
      %dma_start3A_69 = tpu.memref_slice %arg8[%dma_start3A_67, %dma_start3A_68] : memref<128x64xf32, #tpu.memory_space<vmem>> -> memref<120x64xf32, #tpu.memory_space<vmem>>
      %dma_start3A_70 = arith.constant 0 : i32
      %dma_start3A_71 = tpu.memref_slice %arg11[%add3A_29, %dma_start3A_70] : memref<10112x64xf32, #tpu.memory_space<vmem_shared>> -> memref<120x64xf32, #tpu.memory_space<vmem_shared>>
      %dma_start3A_72 = arith.constant 0 : i32
      %dma_start3A_73 = tpu.memref_slice %arg11[%add3A_29, %dma_start3A_72] : memref<10112x64xf32, #tpu.memory_space<vmem_shared>> -> memref<120x64xf32, #tpu.memory_space<vmem_shared>>
      %dma_start3A_74 = arith.constant 0 : i32
      %dma_start3A_75 = arith.constant 0 : i32
      %dma_start3A_76 = tpu.memref_slice %arg8[%dma_start3A_74, %dma_start3A_75] : memref<128x64xf32, #tpu.memory_space<vmem>> -> memref<120x64xf32, #tpu.memory_space<vmem>>
      tpu.enqueue_dma source(%dma_start3A_76 : memref<120x64xf32, #tpu.memory_space<vmem>>) target(%dma_start3A_73 : memref<120x64xf32, #tpu.memory_space<vmem_shared>>) target_semaphore(%run_scoped3A : memref<!tpu.dma_semaphore, #tpu.memory_space<semaphore_mem>>)
      %dma_wait3A_77 = arith.constant 0 : i32
      %dma_wait3A_78 = arith.constant 0 : i32
      %dma_wait3A_79 = tpu.memref_slice %arg8[%dma_wait3A_77, %dma_wait3A_78] : memref<128x64xf32, #tpu.memory_space<vmem>> -> memref<120x64xf32, #tpu.memory_space<vmem>>
      %dma_wait3A_80 = arith.constant 0 : i32
      %dma_wait3A_81 = tpu.memref_slice %arg11[%add3A_29, %dma_wait3A_80] : memref<10112x64xf32, #tpu.memory_space<vmem_shared>> -> memref<120x64xf32, #tpu.memory_space<vmem_shared>>
      %dma_wait3A_82 = arith.constant 0 : i32
      %dma_wait3A_83 = tpu.memref_slice %arg11[%add3A_29, %dma_wait3A_82] : memref<10112x64xf32, #tpu.memory_space<vmem_shared>> -> memref<120x64xf32, #tpu.memory_space<vmem_shared>>
      %dma_wait3A_84 = arith.constant 0 : i32
      %dma_wait3A_85 = arith.constant 0 : i32
      %dma_wait3A_86 = tpu.memref_slice %arg8[%dma_wait3A_84, %dma_wait3A_85] : memref<128x64xf32, #tpu.memory_space<vmem>> -> memref<120x64xf32, #tpu.memory_space<vmem>>
      tpu.wait_dma2 semaphore(%run_scoped3A : memref<!tpu.dma_semaphore, #tpu.memory_space<semaphore_mem>>) src(%dma_wait3A_86 : memref<120x64xf32, #tpu.memory_space<vmem>>) dst(%dma_wait3A_83 : memref<120x64xf32, #tpu.memory_space<vmem_shared>>)
      tpu.yield
    }) : () -> ()
    %barrier3A = arith.constant 0 : index
    tpu.barrier barrier_id(%barrier3A)
    %dma_start3A = arith.constant 0 : i32
    %dma_start3A_30 = arith.constant 0 : i32
    %dma_start3A_31 = tpu.memref_slice %arg6[%dma_start3A, %dma_start3A_30] : memref<80x128xi32, #tpu.memory_space<vmem>> -> memref<1x128xi32, #tpu.memory_space<vmem>>
    %dma_start3A_32 = tpu.memref_squeeze %dma_start3A_31 : memref<1x128xi32, #tpu.memory_space<vmem>> -> memref<128xi32, #tpu.memory_space<vmem>>
    %dma_start3A_33 = arith.constant 0 : i32
    %dma_start3A_34 = arith.constant 0 : i32
    %dma_start3A_35 = tpu.memref_slice %arg10[%dma_start3A_33, %dma_start3A_34] : memref<10112x64xf32, #tpu.memory_space<vmem_shared>> -> memref<10112x64xf32, #tpu.memory_space<vmem_shared>>
    tpu.enqueue_indirect_dma source(%dma_start3A_35 : memref<10112x64xf32, #tpu.memory_space<vmem_shared>>) target(%arg8 : memref<128x64xf32, #tpu.memory_space<vmem>>) offsets(%dma_start3A_32 : memref<128xi32, #tpu.memory_space<vmem>>) semaphore(%arg12 : memref<!tpu.dma_semaphore, #tpu.memory_space<semaphore_mem>>)
    %dma_start3A_36 = arith.constant 1 : i32
    %dma_start3A_37 = arith.constant 0 : i32
    %dma_start3A_38 = tpu.memref_slice %arg6[%dma_start3A_36, %dma_start3A_37] : memref<80x128xi32, #tpu.memory_space<vmem>> -> memref<1x128xi32, #tpu.memory_space<vmem>>
    %dma_start3A_39 = tpu.memref_squeeze %dma_start3A_38 : memref<1x128xi32, #tpu.memory_space<vmem>> -> memref<128xi32, #tpu.memory_space<vmem>>
    %dma_start3A_40 = arith.constant 0 : i32
    %dma_start3A_41 = arith.constant 0 : i32
    %dma_start3A_42 = tpu.memref_slice %arg10[%dma_start3A_40, %dma_start3A_41] : memref<10112x64xf32, #tpu.memory_space<vmem_shared>> -> memref<10112x64xf32, #tpu.memory_space<vmem_shared>>
    tpu.enqueue_indirect_dma source(%dma_start3A_42 : memref<10112x64xf32, #tpu.memory_space<vmem_shared>>) target(%arg9 : memref<128x64xf32, #tpu.memory_space<vmem>>) offsets(%dma_start3A_39 : memref<128xi32, #tpu.memory_space<vmem>>) semaphore(%arg13 : memref<!tpu.dma_semaphore, #tpu.memory_space<semaphore_mem>>)
    %scan3A_43 = arith.constant 0 : i32
    %scan3A_44 = arith.constant 0 : i32
    %scan3A_45 = arith.constant 40 : i32
    %scan3A_46 = arith.addi %scan3A_44, %scan3A_45 : i32
    %scan3A_47 = arith.constant 1 : i32
    scf.for %scan3A_67 = %scan3A_44 to %scan3A_46 step %scan3A_47  : i32 {
      %mul3A_68 = arith.constant 2 : i32
      %mul3A_69 = arith.muli %mul3A_68, %scan3A_67 : i32
      %mul3A_70 = arith.constant 2 : i32
      %mul3A_71 = arith.muli %mul3A_70, %scan3A_67 : i32
      %add3A_72 = arith.constant 1 : i32
      %add3A_73 = arith.addi %mul3A_71, %add3A_72 : i32
      %add3A_74 = arith.constant 2 : i32
      %add3A_75 = arith.addi %mul3A_69, %add3A_74 : i32
      %min3A = arith.constant 79 : i32
      %min3A_76 = arith.minsi %add3A_75, %min3A : i32
      %add3A_77 = arith.constant 2 : i32
      %add3A_78 = arith.addi %add3A_73, %add3A_77 : i32
      %min3A_79 = arith.constant 79 : i32
      %min3A_80 = arith.minsi %add3A_78, %min3A_79 : i32
      %dma_wait3A_81 = arith.constant 0 : i32
      %dma_wait3A_82 = tpu.memref_slice %arg6[%mul3A_69, %dma_wait3A_81] : memref<80x128xi32, #tpu.memory_space<vmem>> -> memref<1x128xi32, #tpu.memory_space<vmem>>
      %dma_wait3A_83 = tpu.memref_squeeze %dma_wait3A_82 : memref<1x128xi32, #tpu.memory_space<vmem>> -> memref<128xi32, #tpu.memory_space<vmem>>
      %dma_wait3A_84 = arith.constant 0 : i32
      %dma_wait3A_85 = arith.constant 0 : i32
      %dma_wait3A_86 = tpu.memref_slice %arg10[%dma_wait3A_84, %dma_wait3A_85] : memref<10112x64xf32, #tpu.memory_space<vmem_shared>> -> memref<10112x64xf32, #tpu.memory_space<vmem_shared>>
      tpu.wait_indirect_dma semaphore(%arg12 : memref<!tpu.dma_semaphore, #tpu.memory_space<semaphore_mem>>) src(%dma_wait3A_86 : memref<10112x64xf32, #tpu.memory_space<vmem_shared>>) dst(%arg8 : memref<128x64xf32, #tpu.memory_space<vmem>>)
      "tpu.region"() ({
        %run_scoped3A = tpu.sem_alloc : memref<!tpu.dma_semaphore, #tpu.memory_space<semaphore_mem>>
        %dma_start3A_105 = arith.constant 0 : i32
        %dma_start3A_106 = tpu.memref_slice %arg7[%mul3A_69, %dma_start3A_105] : memref<80x128xi32, #tpu.memory_space<vmem>> -> memref<1x128xi32, #tpu.memory_space<vmem>>
        %dma_start3A_107 = tpu.memref_squeeze %dma_start3A_106 : memref<1x128xi32, #tpu.memory_space<vmem>> -> memref<128xi32, #tpu.memory_space<vmem>>
        %dma_start3A_108 = arith.constant 0 : i32
        %dma_start3A_109 = arith.constant 0 : i32
        %dma_start3A_110 = tpu.memref_slice %arg11[%dma_start3A_108, %dma_start3A_109] : memref<10112x64xf32, #tpu.memory_space<vmem_shared>> -> memref<10112x64xf32, #tpu.memory_space<vmem_shared>>
        tpu.enqueue_indirect_dma source(%arg8 : memref<128x64xf32, #tpu.memory_space<vmem>>) target(%dma_start3A_110 : memref<10112x64xf32, #tpu.memory_space<vmem_shared>>) offsets(%dma_start3A_107 : memref<128xi32, #tpu.memory_space<vmem>>) semaphore(%run_scoped3A : memref<!tpu.dma_semaphore, #tpu.memory_space<semaphore_mem>>) {add = true}
        %dma_wait3A_111 = arith.constant 0 : i32
        %dma_wait3A_112 = tpu.memref_slice %arg7[%mul3A_69, %dma_wait3A_111] : memref<80x128xi32, #tpu.memory_space<vmem>> -> memref<1x128xi32, #tpu.memory_space<vmem>>
        %dma_wait3A_113 = tpu.memref_squeeze %dma_wait3A_112 : memref<1x128xi32, #tpu.memory_space<vmem>> -> memref<128xi32, #tpu.memory_space<vmem>>
        %dma_wait3A_114 = arith.constant 0 : i32
        %dma_wait3A_115 = arith.constant 0 : i32
        %dma_wait3A_116 = tpu.memref_slice %arg11[%dma_wait3A_114, %dma_wait3A_115] : memref<10112x64xf32, #tpu.memory_space<vmem_shared>> -> memref<10112x64xf32, #tpu.memory_space<vmem_shared>>
        tpu.wait_indirect_dma semaphore(%run_scoped3A : memref<!tpu.dma_semaphore, #tpu.memory_space<semaphore_mem>>) src(%arg8 : memref<128x64xf32, #tpu.memory_space<vmem>>) dst(%dma_wait3A_116 : memref<10112x64xf32, #tpu.memory_space<vmem_shared>>)
        tpu.yield
      }) : () -> ()
      %dma_start3A_87 = arith.constant 0 : i32
      %dma_start3A_88 = tpu.memref_slice %arg6[%min3A_76, %dma_start3A_87] : memref<80x128xi32, #tpu.memory_space<vmem>> -> memref<1x128xi32, #tpu.memory_space<vmem>>
      %dma_start3A_89 = tpu.memref_squeeze %dma_start3A_88 : memref<1x128xi32, #tpu.memory_space<vmem>> -> memref<128xi32, #tpu.memory_space<vmem>>
      %dma_start3A_90 = arith.constant 0 : i32
      %dma_start3A_91 = arith.constant 0 : i32
      %dma_start3A_92 = tpu.memref_slice %arg10[%dma_start3A_90, %dma_start3A_91] : memref<10112x64xf32, #tpu.memory_space<vmem_shared>> -> memref<10112x64xf32, #tpu.memory_space<vmem_shared>>
      tpu.enqueue_indirect_dma source(%dma_start3A_92 : memref<10112x64xf32, #tpu.memory_space<vmem_shared>>) target(%arg8 : memref<128x64xf32, #tpu.memory_space<vmem>>) offsets(%dma_start3A_89 : memref<128xi32, #tpu.memory_space<vmem>>) semaphore(%arg12 : memref<!tpu.dma_semaphore, #tpu.memory_space<semaphore_mem>>)
      %dma_wait3A_93 = arith.constant 0 : i32
      %dma_wait3A_94 = tpu.memref_slice %arg6[%add3A_73, %dma_wait3A_93] : memref<80x128xi32, #tpu.memory_space<vmem>> -> memref<1x128xi32, #tpu.memory_space<vmem>>
      %dma_wait3A_95 = tpu.memref_squeeze %dma_wait3A_94 : memref<1x128xi32, #tpu.memory_space<vmem>> -> memref<128xi32, #tpu.memory_space<vmem>>
      %dma_wait3A_96 = arith.constant 0 : i32
      %dma_wait3A_97 = arith.constant 0 : i32
      %dma_wait3A_98 = tpu.memref_slice %arg10[%dma_wait3A_96, %dma_wait3A_97] : memref<10112x64xf32, #tpu.memory_space<vmem_shared>> -> memref<10112x64xf32, #tpu.memory_space<vmem_shared>>
      tpu.wait_indirect_dma semaphore(%arg13 : memref<!tpu.dma_semaphore, #tpu.memory_space<semaphore_mem>>) src(%dma_wait3A_98 : memref<10112x64xf32, #tpu.memory_space<vmem_shared>>) dst(%arg9 : memref<128x64xf32, #tpu.memory_space<vmem>>)
      "tpu.region"() ({
        %run_scoped3A = tpu.sem_alloc : memref<!tpu.dma_semaphore, #tpu.memory_space<semaphore_mem>>
        %dma_start3A_105 = arith.constant 0 : i32
        %dma_start3A_106 = tpu.memref_slice %arg7[%add3A_73, %dma_start3A_105] : memref<80x128xi32, #tpu.memory_space<vmem>> -> memref<1x128xi32, #tpu.memory_space<vmem>>
        %dma_start3A_107 = tpu.memref_squeeze %dma_start3A_106 : memref<1x128xi32, #tpu.memory_space<vmem>> -> memref<128xi32, #tpu.memory_space<vmem>>
        %dma_start3A_108 = arith.constant 0 : i32
        %dma_start3A_109 = arith.constant 0 : i32
        %dma_start3A_110 = tpu.memref_slice %arg11[%dma_start3A_108, %dma_start3A_109] : memref<10112x64xf32, #tpu.memory_space<vmem_shared>> -> memref<10112x64xf32, #tpu.memory_space<vmem_shared>>
        tpu.enqueue_indirect_dma source(%arg9 : memref<128x64xf32, #tpu.memory_space<vmem>>) target(%dma_start3A_110 : memref<10112x64xf32, #tpu.memory_space<vmem_shared>>) offsets(%dma_start3A_107 : memref<128xi32, #tpu.memory_space<vmem>>) semaphore(%run_scoped3A : memref<!tpu.dma_semaphore, #tpu.memory_space<semaphore_mem>>) {add = true}
        %dma_wait3A_111 = arith.constant 0 : i32
        %dma_wait3A_112 = tpu.memref_slice %arg7[%add3A_73, %dma_wait3A_111] : memref<80x128xi32, #tpu.memory_space<vmem>> -> memref<1x128xi32, #tpu.memory_space<vmem>>
        %dma_wait3A_113 = tpu.memref_squeeze %dma_wait3A_112 : memref<1x128xi32, #tpu.memory_space<vmem>> -> memref<128xi32, #tpu.memory_space<vmem>>
        %dma_wait3A_114 = arith.constant 0 : i32
        %dma_wait3A_115 = arith.constant 0 : i32
        %dma_wait3A_116 = tpu.memref_slice %arg11[%dma_wait3A_114, %dma_wait3A_115] : memref<10112x64xf32, #tpu.memory_space<vmem_shared>> -> memref<10112x64xf32, #tpu.memory_space<vmem_shared>>
        tpu.wait_indirect_dma semaphore(%run_scoped3A : memref<!tpu.dma_semaphore, #tpu.memory_space<semaphore_mem>>) src(%arg9 : memref<128x64xf32, #tpu.memory_space<vmem>>) dst(%dma_wait3A_116 : memref<10112x64xf32, #tpu.memory_space<vmem_shared>>)
        tpu.yield
      }) : () -> ()
      %dma_start3A_99 = arith.constant 0 : i32
      %dma_start3A_100 = tpu.memref_slice %arg6[%min3A_80, %dma_start3A_99] : memref<80x128xi32, #tpu.memory_space<vmem>> -> memref<1x128xi32, #tpu.memory_space<vmem>>
      %dma_start3A_101 = tpu.memref_squeeze %dma_start3A_100 : memref<1x128xi32, #tpu.memory_space<vmem>> -> memref<128xi32, #tpu.memory_space<vmem>>
      %dma_start3A_102 = arith.constant 0 : i32
      %dma_start3A_103 = arith.constant 0 : i32
      %dma_start3A_104 = tpu.memref_slice %arg10[%dma_start3A_102, %dma_start3A_103] : memref<10112x64xf32, #tpu.memory_space<vmem_shared>> -> memref<10112x64xf32, #tpu.memory_space<vmem_shared>>
      tpu.enqueue_indirect_dma source(%dma_start3A_104 : memref<10112x64xf32, #tpu.memory_space<vmem_shared>>) target(%arg9 : memref<128x64xf32, #tpu.memory_space<vmem>>) offsets(%dma_start3A_101 : memref<128xi32, #tpu.memory_space<vmem>>) semaphore(%arg13 : memref<!tpu.dma_semaphore, #tpu.memory_space<semaphore_mem>>)
    }
    %scan3A_48 = arith.constant 40 : i32
    %dma_wait3A = arith.constant 79 : i32
    %dma_wait3A_49 = arith.constant 0 : i32
    %dma_wait3A_50 = tpu.memref_slice %arg6[%dma_wait3A, %dma_wait3A_49] : memref<80x128xi32, #tpu.memory_space<vmem>> -> memref<1x128xi32, #tpu.memory_space<vmem>>
    %dma_wait3A_51 = tpu.memref_squeeze %dma_wait3A_50 : memref<1x128xi32, #tpu.memory_space<vmem>> -> memref<128xi32, #tpu.memory_space<vmem>>
    %dma_wait3A_52 = arith.constant 0 : i32
    %dma_wait3A_53 = arith.constant 0 : i32
    %dma_wait3A_54 = tpu.memref_slice %arg10[%dma_wait3A_52, %dma_wait3A_53] : memref<10112x64xf32, #tpu.memory_space<vmem_shared>> -> memref<10112x64xf32, #tpu.memory_space<vmem_shared>>
    tpu.wait_indirect_dma semaphore(%arg12 : memref<!tpu.dma_semaphore, #tpu.memory_space<semaphore_mem>>) src(%dma_wait3A_54 : memref<10112x64xf32, #tpu.memory_space<vmem_shared>>) dst(%arg8 : memref<128x64xf32, #tpu.memory_space<vmem>>)
    %dma_wait3A_55 = arith.constant 79 : i32
    %dma_wait3A_56 = arith.constant 0 : i32
    %dma_wait3A_57 = tpu.memref_slice %arg6[%dma_wait3A_55, %dma_wait3A_56] : memref<80x128xi32, #tpu.memory_space<vmem>> -> memref<1x128xi32, #tpu.memory_space<vmem>>
    %dma_wait3A_58 = tpu.memref_squeeze %dma_wait3A_57 : memref<1x128xi32, #tpu.memory_space<vmem>> -> memref<128xi32, #tpu.memory_space<vmem>>
    %dma_wait3A_59 = arith.constant 0 : i32
    %dma_wait3A_60 = arith.constant 0 : i32
    %dma_wait3A_61 = tpu.memref_slice %arg10[%dma_wait3A_59, %dma_wait3A_60] : memref<10112x64xf32, #tpu.memory_space<vmem_shared>> -> memref<10112x64xf32, #tpu.memory_space<vmem_shared>>
    tpu.wait_indirect_dma semaphore(%arg13 : memref<!tpu.dma_semaphore, #tpu.memory_space<semaphore_mem>>) src(%dma_wait3A_61 : memref<10112x64xf32, #tpu.memory_space<vmem_shared>>) dst(%arg9 : memref<128x64xf32, #tpu.memory_space<vmem>>)
    %barrier3A_62 = arith.constant 0 : index
    tpu.barrier barrier_id(%barrier3A_62)
    %mul3A_63 = arith.constant 632 : i32
    %mul3A_64 = arith.muli %arg1, %mul3A_63 : i32
    %mul3A_65 = arith.constant 632 : i32
    %mul3A_66 = arith.muli %arg1, %mul3A_65 : i32
    "tpu.region"() ({
      %run_scoped3A = tpu.sem_alloc : memref<!tpu.dma_semaphore, #tpu.memory_space<semaphore_mem>>
      %dma_start3A_67 = arith.constant 0 : i32
      %dma_start3A_68 = tpu.memref_slice %arg5[%arg0, %mul3A_66, %dma_start3A_67] : memref<2x10112x64xf32, #tpu.memory_space<hbm>> -> memref<1x632x64xf32, #tpu.memory_space<hbm>>
      %dma_start3A_69 = tpu.memref_squeeze %dma_start3A_68 : memref<1x632x64xf32, #tpu.memory_space<hbm>> -> memref<632x64xf32, #tpu.memory_space<hbm>>
      %dma_start3A_70 = arith.constant 0 : i32
      %dma_start3A_71 = tpu.memref_slice %arg11[%mul3A_64, %dma_start3A_70] : memref<10112x64xf32, #tpu.memory_space<vmem_shared>> -> memref<632x64xf32, #tpu.memory_space<vmem_shared>>
      tpu.enqueue_dma source(%dma_start3A_71 : memref<632x64xf32, #tpu.memory_space<vmem_shared>>) target(%dma_start3A_69 : memref<632x64xf32, #tpu.memory_space<hbm>>) target_semaphore(%run_scoped3A : memref<!tpu.dma_semaphore, #tpu.memory_space<semaphore_mem>>)
      %dma_wait3A_72 = arith.constant 0 : i32
      %dma_wait3A_73 = tpu.memref_slice %arg5[%arg0, %mul3A_66, %dma_wait3A_72] : memref<2x10112x64xf32, #tpu.memory_space<hbm>> -> memref<1x632x64xf32, #tpu.memory_space<hbm>>
      %dma_wait3A_74 = tpu.memref_squeeze %dma_wait3A_73 : memref<1x632x64xf32, #tpu.memory_space<hbm>> -> memref<632x64xf32, #tpu.memory_space<hbm>>
      %dma_wait3A_75 = arith.constant 0 : i32
      %dma_wait3A_76 = tpu.memref_slice %arg11[%mul3A_64, %dma_wait3A_75] : memref<10112x64xf32, #tpu.memory_space<vmem_shared>> -> memref<632x64xf32, #tpu.memory_space<vmem_shared>>
      tpu.wait_dma2 semaphore(%run_scoped3A : memref<!tpu.dma_semaphore, #tpu.memory_space<semaphore_mem>>) src(%dma_wait3A_76 : memref<632x64xf32, #tpu.memory_space<vmem_shared>>) dst(%dma_wait3A_74 : memref<632x64xf32, #tpu.memory_space<hbm>>)
      tpu.yield
    }) : () -> ()
    return
  }
}

#map = affine_map<(d0, d1) -> (0, 0)>
#map1 = affine_map<(d0, d1) -> (0)>
module attributes {stable_mosaic.version = 14 : i64} {
  func.func @_gather(%arg0: i32, %arg1: i32, %arg2: memref<10000x64xf32, #tpu.memory_space<hbm>>, %arg3: memref<1024xi32, #tpu.memory_space<hbm>>, %arg4: memref<1024x64xf32, #tpu.memory_space<hbm>>, %arg5: memref<32xi32, #tpu.memory_space<vmem>>, %arg6: memref<32x64xf32, #tpu.memory_space<vmem>>, %arg7: memref<!tpu.dma_semaphore, #tpu.memory_space<semaphore_mem>>) attributes {dimension_semantics = [#tpu.dimension_semantics<core_parallel>, #tpu.dimension_semantics<subcore_parallel>], iteration_bounds = array<i64: 2, 16>, scalar_prefetch = 0 : i64, scratch_operands = 3 : i64, tpu.core_type = #tpu.core_type<sc_vector_subcore>, window_params = [{transform_indices = #map}, {transform_indices = #map1}, {transform_indices = #map}]} {
    %mul3A = arith.constant 16 : i32
    %mul3A_0 = arith.muli %arg0, %mul3A : i32
    %add3A = arith.addi %mul3A_0, %arg1 : i32
    %mul3A_1 = arith.constant 32 : i32
    %mul3A_2 = arith.muli %add3A, %mul3A_1 : i32
    "tpu.region"() ({
      %run_scoped3A = tpu.sem_alloc : memref<!tpu.dma_semaphore, #tpu.memory_space<semaphore_mem>>
      %dma_start3A_7 = tpu.memref_slice %arg3[%mul3A_2] : memref<1024xi32, #tpu.memory_space<hbm>> -> memref<32xi32, #tpu.memory_space<hbm>>
      %dma_start3A_8 = tpu.memref_slice %arg3[%mul3A_2] : memref<1024xi32, #tpu.memory_space<hbm>> -> memref<32xi32, #tpu.memory_space<hbm>>
      tpu.enqueue_dma source(%dma_start3A_8 : memref<32xi32, #tpu.memory_space<hbm>>) target(%arg5 : memref<32xi32, #tpu.memory_space<vmem>>) target_semaphore(%run_scoped3A : memref<!tpu.dma_semaphore, #tpu.memory_space<semaphore_mem>>)
      %dma_wait3A_9 = tpu.memref_slice %arg3[%mul3A_2] : memref<1024xi32, #tpu.memory_space<hbm>> -> memref<32xi32, #tpu.memory_space<hbm>>
      %dma_wait3A_10 = tpu.memref_slice %arg3[%mul3A_2] : memref<1024xi32, #tpu.memory_space<hbm>> -> memref<32xi32, #tpu.memory_space<hbm>>
      tpu.wait_dma2 semaphore(%run_scoped3A : memref<!tpu.dma_semaphore, #tpu.memory_space<semaphore_mem>>) src(%dma_wait3A_10 : memref<32xi32, #tpu.memory_space<hbm>>) dst(%arg5 : memref<32xi32, #tpu.memory_space<vmem>>)
      tpu.yield
    }) : () -> ()
    %dma_start3A = arith.constant 0 : i32
    %dma_start3A_3 = arith.constant 0 : i32
    %dma_start3A_4 = tpu.memref_slice %arg2[%dma_start3A, %dma_start3A_3] : memref<10000x64xf32, #tpu.memory_space<hbm>> -> memref<10000x64xf32, #tpu.memory_space<hbm>>
    tpu.enqueue_indirect_dma source(%dma_start3A_4 : memref<10000x64xf32, #tpu.memory_space<hbm>>) target(%arg6 : memref<32x64xf32, #tpu.memory_space<vmem>>) offsets(%arg5 : memref<32xi32, #tpu.memory_space<vmem>>) semaphore(%arg7 : memref<!tpu.dma_semaphore, #tpu.memory_space<semaphore_mem>>)
    %dma_wait3A = arith.constant 0 : i32
    %dma_wait3A_5 = arith.constant 0 : i32
    %dma_wait3A_6 = tpu.memref_slice %arg2[%dma_wait3A, %dma_wait3A_5] : memref<10000x64xf32, #tpu.memory_space<hbm>> -> memref<10000x64xf32, #tpu.memory_space<hbm>>
    tpu.wait_indirect_dma semaphore(%arg7 : memref<!tpu.dma_semaphore, #tpu.memory_space<semaphore_mem>>) src(%dma_wait3A_6 : memref<10000x64xf32, #tpu.memory_space<hbm>>) dst(%arg6 : memref<32x64xf32, #tpu.memory_space<vmem>>)
    "tpu.region"() ({
      %run_scoped3A = tpu.sem_alloc : memref<!tpu.dma_semaphore, #tpu.memory_space<semaphore_mem>>
      %dma_start3A_7 = arith.constant 0 : i32
      %dma_start3A_8 = tpu.memref_slice %arg4[%mul3A_2, %dma_start3A_7] : memref<1024x64xf32, #tpu.memory_space<hbm>> -> memref<32x64xf32, #tpu.memory_space<hbm>>
      %dma_start3A_9 = arith.constant 0 : i32
      %dma_start3A_10 = tpu.memref_slice %arg4[%mul3A_2, %dma_start3A_9] : memref<1024x64xf32, #tpu.memory_space<hbm>> -> memref<32x64xf32, #tpu.memory_space<hbm>>
      tpu.enqueue_dma source(%arg6 : memref<32x64xf32, #tpu.memory_space<vmem>>) target(%dma_start3A_10 : memref<32x64xf32, #tpu.memory_space<hbm>>) target_semaphore(%run_scoped3A : memref<!tpu.dma_semaphore, #tpu.memory_space<semaphore_mem>>)
      %dma_wait3A_11 = arith.constant 0 : i32
      %dma_wait3A_12 = tpu.memref_slice %arg4[%mul3A_2, %dma_wait3A_11] : memref<1024x64xf32, #tpu.memory_space<hbm>> -> memref<32x64xf32, #tpu.memory_space<hbm>>
      %dma_wait3A_13 = arith.constant 0 : i32
      %dma_wait3A_14 = tpu.memref_slice %arg4[%mul3A_2, %dma_wait3A_13] : memref<1024x64xf32, #tpu.memory_space<hbm>> -> memref<32x64xf32, #tpu.memory_space<hbm>>
      tpu.wait_dma2 semaphore(%run_scoped3A : memref<!tpu.dma_semaphore, #tpu.memory_space<semaphore_mem>>) src(%arg6 : memref<32x64xf32, #tpu.memory_space<vmem>>) dst(%dma_wait3A_14 : memref<32x64xf32, #tpu.memory_space<hbm>>)
      tpu.yield
    }) : () -> ()
    return
  }
}

#map = affine_map<(d0, d1) -> (0, 0)>
#map1 = affine_map<(d0, d1) -> (0)>
module attributes {stable_mosaic.version = 14 : i64} {
  func.func @_gather(%arg0: i32, %arg1: i32, %arg2: memref<10000x128xf32, #tpu.memory_space<hbm>>, %arg3: memref<1024xi32, #tpu.memory_space<hbm>>, %arg4: memref<1024x128xf32, #tpu.memory_space<hbm>>, %arg5: memref<32xi32, #tpu.memory_space<vmem>>, %arg6: memref<32x128xf32, #tpu.memory_space<vmem>>, %arg7: memref<!tpu.dma_semaphore, #tpu.memory_space<semaphore_mem>>) attributes {dimension_semantics = [#tpu.dimension_semantics<core_parallel>, #tpu.dimension_semantics<subcore_parallel>], iteration_bounds = array<i64: 2, 16>, scalar_prefetch = 0 : i64, scratch_operands = 3 : i64, tpu.core_type = #tpu.core_type<sc_vector_subcore>, window_params = [{transform_indices = #map}, {transform_indices = #map1}, {transform_indices = #map}]} {
    %mul3A = arith.constant 16 : i32
    %mul3A_0 = arith.muli %arg0, %mul3A : i32
    %add3A = arith.addi %mul3A_0, %arg1 : i32
    %mul3A_1 = arith.constant 32 : i32
    %mul3A_2 = arith.muli %add3A, %mul3A_1 : i32
    "tpu.region"() ({
      %run_scoped3A = tpu.sem_alloc : memref<!tpu.dma_semaphore, #tpu.memory_space<semaphore_mem>>
      %dma_start3A_7 = tpu.memref_slice %arg3[%mul3A_2] : memref<1024xi32, #tpu.memory_space<hbm>> -> memref<32xi32, #tpu.memory_space<hbm>>
      %dma_start3A_8 = tpu.memref_slice %arg3[%mul3A_2] : memref<1024xi32, #tpu.memory_space<hbm>> -> memref<32xi32, #tpu.memory_space<hbm>>
      tpu.enqueue_dma source(%dma_start3A_8 : memref<32xi32, #tpu.memory_space<hbm>>) target(%arg5 : memref<32xi32, #tpu.memory_space<vmem>>) target_semaphore(%run_scoped3A : memref<!tpu.dma_semaphore, #tpu.memory_space<semaphore_mem>>)
      %dma_wait3A_9 = tpu.memref_slice %arg3[%mul3A_2] : memref<1024xi32, #tpu.memory_space<hbm>> -> memref<32xi32, #tpu.memory_space<hbm>>
      %dma_wait3A_10 = tpu.memref_slice %arg3[%mul3A_2] : memref<1024xi32, #tpu.memory_space<hbm>> -> memref<32xi32, #tpu.memory_space<hbm>>
      tpu.wait_dma2 semaphore(%run_scoped3A : memref<!tpu.dma_semaphore, #tpu.memory_space<semaphore_mem>>) src(%dma_wait3A_10 : memref<32xi32, #tpu.memory_space<hbm>>) dst(%arg5 : memref<32xi32, #tpu.memory_space<vmem>>)
      tpu.yield
    }) : () -> ()
    %dma_start3A = arith.constant 0 : i32
    %dma_start3A_3 = arith.constant 0 : i32
    %dma_start3A_4 = tpu.memref_slice %arg2[%dma_start3A, %dma_start3A_3] : memref<10000x128xf32, #tpu.memory_space<hbm>> -> memref<10000x128xf32, #tpu.memory_space<hbm>>
    tpu.enqueue_indirect_dma source(%dma_start3A_4 : memref<10000x128xf32, #tpu.memory_space<hbm>>) target(%arg6 : memref<32x128xf32, #tpu.memory_space<vmem>>) offsets(%arg5 : memref<32xi32, #tpu.memory_space<vmem>>) semaphore(%arg7 : memref<!tpu.dma_semaphore, #tpu.memory_space<semaphore_mem>>)
    %dma_wait3A = arith.constant 0 : i32
    %dma_wait3A_5 = arith.constant 0 : i32
    %dma_wait3A_6 = tpu.memref_slice %arg2[%dma_wait3A, %dma_wait3A_5] : memref<10000x128xf32, #tpu.memory_space<hbm>> -> memref<10000x128xf32, #tpu.memory_space<hbm>>
    tpu.wait_indirect_dma semaphore(%arg7 : memref<!tpu.dma_semaphore, #tpu.memory_space<semaphore_mem>>) src(%dma_wait3A_6 : memref<10000x128xf32, #tpu.memory_space<hbm>>) dst(%arg6 : memref<32x128xf32, #tpu.memory_space<vmem>>)
    "tpu.region"() ({
      %run_scoped3A = tpu.sem_alloc : memref<!tpu.dma_semaphore, #tpu.memory_space<semaphore_mem>>
      %dma_start3A_7 = arith.constant 0 : i32
      %dma_start3A_8 = tpu.memref_slice %arg4[%mul3A_2, %dma_start3A_7] : memref<1024x128xf32, #tpu.memory_space<hbm>> -> memref<32x128xf32, #tpu.memory_space<hbm>>
      %dma_start3A_9 = arith.constant 0 : i32
      %dma_start3A_10 = tpu.memref_slice %arg4[%mul3A_2, %dma_start3A_9] : memref<1024x128xf32, #tpu.memory_space<hbm>> -> memref<32x128xf32, #tpu.memory_space<hbm>>
      tpu.enqueue_dma source(%arg6 : memref<32x128xf32, #tpu.memory_space<vmem>>) target(%dma_start3A_10 : memref<32x128xf32, #tpu.memory_space<hbm>>) target_semaphore(%run_scoped3A : memref<!tpu.dma_semaphore, #tpu.memory_space<semaphore_mem>>)
      %dma_wait3A_11 = arith.constant 0 : i32
      %dma_wait3A_12 = tpu.memref_slice %arg4[%mul3A_2, %dma_wait3A_11] : memref<1024x128xf32, #tpu.memory_space<hbm>> -> memref<32x128xf32, #tpu.memory_space<hbm>>
      %dma_wait3A_13 = arith.constant 0 : i32
      %dma_wait3A_14 = tpu.memref_slice %arg4[%mul3A_2, %dma_wait3A_13] : memref<1024x128xf32, #tpu.memory_space<hbm>> -> memref<32x128xf32, #tpu.memory_space<hbm>>
      tpu.wait_dma2 semaphore(%run_scoped3A : memref<!tpu.dma_semaphore, #tpu.memory_space<semaphore_mem>>) src(%arg6 : memref<32x128xf32, #tpu.memory_space<vmem>>) dst(%dma_wait3A_14 : memref<32x128xf32, #tpu.memory_space<hbm>>)
      tpu.yield
    }) : () -> ()
    return
  }
}

module attributes {stable_mosaic.version = 14 : i64} {
  func.func @_mlp_body(%arg0: memref<10000x128xf32, #tpu.memory_space<vmem>>, %arg1: memref<128x64xf32, #tpu.memory_space<vmem>>, %arg2: memref<64xf32, #tpu.memory_space<vmem>>, %arg3: memref<64x64xf32, #tpu.memory_space<vmem>>, %arg4: memref<64xf32, #tpu.memory_space<vmem>>, %arg5: memref<2x10240xf32, #tpu.memory_space<vmem>>, %arg6: memref<10000x64xf32, #tpu.memory_space<vmem>>, %arg7: memref<10112x64xf32, #tpu.memory_space<vmem>>, %arg8: memref<10000x1xf32, #tpu.memory_space<vmem>>) attributes {dimension_semantics = [], scalar_prefetch = 0 : i64, scratch_operands = 0 : i64, tpu.core_type = #tpu.core_type<tc>} {
    %get3A = arith.constant 0 : index
    %get3A_0 = arith.constant 0 : index
    %get3A_1 = vector.load %arg0[%get3A, %get3A_0] : memref<10000x128xf32, #tpu.memory_space<vmem>>, vector<10000x128xf32>
    %get3A_2 = arith.constant 0 : index
    %get3A_3 = arith.constant 0 : index
    %get3A_4 = vector.load %arg1[%get3A_2, %get3A_3] : memref<128x64xf32, #tpu.memory_space<vmem>>, vector<128x64xf32>
    %dot_general3A = arith.constant dense<0.000000e+00> : vector<10000x64xf32>
    %dot_general3A_5 = tpu.matmul %get3A_1, %get3A_4, %dot_general3A {dimension_numbers = #tpu.dot_dimension_numbers<[1], [0], [0], [1], [0, 0, 1, 1], [], []>, transpose_lhs_hint = false} : vector<10000x128xf32>, vector<128x64xf32>, vector<10000x64xf32> -> vector<10000x64xf32>
    %get3A_6 = arith.constant 0 : index
    %get3A_7 = vector.load %arg2[%get3A_6] : memref<64xf32, #tpu.memory_space<vmem>>, vector<64xf32>
    %broadcast_in_dim3A = vector.shape_cast %get3A_7 : vector<64xf32> to vector<1x64xf32>
    %add3A = vector.broadcast %broadcast_in_dim3A : vector<1x64xf32> to vector<10000x64xf32>
    %add3A_8 = arith.addf %dot_general3A_5, %add3A : vector<10000x64xf32>
    %max3A = arith.constant 0.000000e+00 : f32
    %max3A_9 = vector.broadcast %max3A : f32 to vector<10000x64xf32>
    %max3A_10 = arith.maximumf %add3A_8, %max3A_9 : vector<10000x64xf32>
    %get3A_11 = arith.constant 0 : index
    %get3A_12 = arith.constant 0 : index
    %get3A_13 = vector.load %arg3[%get3A_11, %get3A_12] : memref<64x64xf32, #tpu.memory_space<vmem>>, vector<64x64xf32>
    %dot_general3A_14 = arith.constant dense<0.000000e+00> : vector<10000x64xf32>
    %dot_general3A_15 = tpu.matmul %max3A_10, %get3A_13, %dot_general3A_14 {dimension_numbers = #tpu.dot_dimension_numbers<[1], [0], [0], [1], [0, 0, 1, 1], [], []>, transpose_lhs_hint = false} : vector<10000x64xf32>, vector<64x64xf32>, vector<10000x64xf32> -> vector<10000x64xf32>
    %get3A_16 = arith.constant 0 : index
    %get3A_17 = vector.load %arg4[%get3A_16] : memref<64xf32, #tpu.memory_space<vmem>>, vector<64xf32>
    %broadcast_in_dim3A_18 = vector.shape_cast %get3A_17 : vector<64xf32> to vector<1x64xf32>
    %add3A_19 = vector.broadcast %broadcast_in_dim3A_18 : vector<1x64xf32> to vector<10000x64xf32>
    %add3A_20 = arith.addf %dot_general3A_15, %add3A_19 : vector<10000x64xf32>
    %max3A_21 = arith.constant 0.000000e+00 : f32
    %max3A_22 = vector.broadcast %max3A_21 : f32 to vector<10000x64xf32>
    %max3A_23 = arith.maximumf %add3A_20, %max3A_22 : vector<10000x64xf32>
    %get3A_24 = arith.constant 0 : index
    %get3A_25 = arith.constant 0 : index
    %get3A_26 = vector.load %arg5[%get3A_24, %get3A_25] : memref<2x10240xf32, #tpu.memory_space<vmem>>, vector<1x10000xf32>
    %get3A_27 = vector.shape_cast %get3A_26 : vector<1x10000xf32> to vector<10000xf32>
    %get3A_28 = arith.constant 1 : index
    %get3A_29 = arith.constant 0 : index
    %get3A_30 = vector.load %arg5[%get3A_28, %get3A_29] : memref<2x10240xf32, #tpu.memory_space<vmem>>, vector<1x10000xf32>
    %get3A_31 = vector.shape_cast %get3A_30 : vector<1x10000xf32> to vector<10000xf32>
    %add3A_32 = arith.addf %get3A_27, %get3A_31 : vector<10000xf32>
    %max3A_33 = arith.constant 1.000000e+00 : f32
    %max3A_34 = vector.broadcast %max3A_33 : f32 to vector<10000xf32>
    %max3A_35 = arith.maximumf %add3A_32, %max3A_34 : vector<10000xf32>
    %rsqrt3A = math.rsqrt %max3A_35 : vector<10000xf32>
    %swap3A = arith.constant 0 : index
    %swap3A_36 = arith.constant 0 : index
    %swap3A_37 = vector.load %arg6[%swap3A, %swap3A_36] : memref<10000x64xf32, #tpu.memory_space<vmem>>, vector<10000x64xf32>
    tpu.vector_store %arg6[%swap3A, %swap3A_36], %max3A_23 {strides = array<i32>} : memref<10000x64xf32, #tpu.memory_space<vmem>>, vector<10000x64xf32>,
    %broadcast_in_dim3A_38 = vector.shape_cast %rsqrt3A : vector<10000xf32> to vector<10000x1xf32>
    %mul3A = vector.broadcast %broadcast_in_dim3A_38 : vector<10000x1xf32> to vector<10000x64xf32>
    %mul3A_39 = arith.mulf %mul3A, %max3A_23 : vector<10000x64xf32>
    %swap3A_40 = arith.constant 0 : index
    %swap3A_41 = arith.constant 0 : index
    %swap3A_42 = vector.load %arg7[%swap3A_40, %swap3A_41] : memref<10112x64xf32, #tpu.memory_space<vmem>>, vector<10000x64xf32>
    tpu.vector_store %arg7[%swap3A_40, %swap3A_41], %mul3A_39 {strides = array<i32>} : memref<10112x64xf32, #tpu.memory_space<vmem>>, vector<10000x64xf32>,
    %broadcast_in_dim3A_43 = arith.constant 0.000000e+00 : f32
    %broadcast_in_dim3A_44 = vector.broadcast %broadcast_in_dim3A_43 : f32 to vector<112x64xf32>
    %swap3A_45 = arith.constant 10000 : index
    %swap3A_46 = arith.constant 0 : index
    %swap3A_47 = vector.load %arg7[%swap3A_45, %swap3A_46] : memref<10112x64xf32, #tpu.memory_space<vmem>>, vector<112x64xf32>
    tpu.vector_store %arg7[%swap3A_45, %swap3A_46], %broadcast_in_dim3A_44 {strides = array<i32>} : memref<10112x64xf32, #tpu.memory_space<vmem>>, vector<112x64xf32>,
    %broadcast_in_dim3A_48 = vector.shape_cast %rsqrt3A : vector<10000xf32> to vector<10000x1xf32>
    %swap3A_49 = arith.constant 0 : index
    %swap3A_50 = arith.constant 0 : index
    %swap3A_51 = vector.load %arg8[%swap3A_49, %swap3A_50] : memref<10000x1xf32, #tpu.memory_space<vmem>>, vector<10000x1xf32>
    tpu.vector_store %arg8[%swap3A_49, %swap3A_50], %broadcast_in_dim3A_48 {strides = array<i32>} : memref<10000x1xf32, #tpu.memory_space<vmem>>, vector<10000x1xf32>,
    return
  }
}

module attributes {stable_mosaic.version = 14 : i64} {
  func.func @_final_body(%arg0: memref<1024x128xf32, #tpu.memory_space<vmem>>, %arg1: memref<1024x64xf32, #tpu.memory_space<vmem>>, %arg2: memref<64x128xf32, #tpu.memory_space<vmem>>, %arg3: memref<128xf32, #tpu.memory_space<vmem>>, %arg4: memref<128x64xf32, #tpu.memory_space<vmem>>, %arg5: memref<128x2xf32, #tpu.memory_space<vmem>>, %arg6: memref<2xf32, #tpu.memory_space<vmem>>, %arg7: memref<1024x64xf32, #tpu.memory_space<vmem>>, %arg8: memref<1024x2xf32, #tpu.memory_space<vmem>>) attributes {dimension_semantics = [], scalar_prefetch = 0 : i64, scratch_operands = 0 : i64, tpu.core_type = #tpu.core_type<tc>} {
    %get3A = arith.constant 0 : index
    %get3A_0 = arith.constant 0 : index
    %get3A_1 = vector.load %arg0[%get3A, %get3A_0] : memref<1024x128xf32, #tpu.memory_space<vmem>>, vector<1024x128xf32>
    %get3A_2 = arith.constant 0 : index
    %get3A_3 = arith.constant 0 : index
    %get3A_4 = vector.load %arg1[%get3A_2, %get3A_3] : memref<1024x64xf32, #tpu.memory_space<vmem>>, vector<1024x64xf32>
    %get3A_5 = arith.constant 0 : index
    %get3A_6 = arith.constant 0 : index
    %get3A_7 = vector.load %arg2[%get3A_5, %get3A_6] : memref<64x128xf32, #tpu.memory_space<vmem>>, vector<64x128xf32>
    %dot_general3A = arith.constant dense<0.000000e+00> : vector<1024x128xf32>
    %dot_general3A_8 = tpu.matmul %get3A_4, %get3A_7, %dot_general3A {dimension_numbers = #tpu.dot_dimension_numbers<[1], [0], [0], [1], [0, 0, 1, 1], [], []>, transpose_lhs_hint = false} : vector<1024x64xf32>, vector<64x128xf32>, vector<1024x128xf32> -> vector<1024x128xf32>
    %get3A_9 = arith.constant 0 : index
    %get3A_10 = vector.load %arg3[%get3A_9] : memref<128xf32, #tpu.memory_space<vmem>>, vector<128xf32>
    %broadcast_in_dim3A = vector.shape_cast %get3A_10 : vector<128xf32> to vector<1x128xf32>
    %add3A = vector.broadcast %broadcast_in_dim3A : vector<1x128xf32> to vector<1024x128xf32>
    %add3A_11 = arith.addf %dot_general3A_8, %add3A : vector<1024x128xf32>
    %get3A_12 = arith.constant 0 : index
    %get3A_13 = arith.constant 0 : index
    %get3A_14 = vector.load %arg4[%get3A_12, %get3A_13] : memref<128x64xf32, #tpu.memory_space<vmem>>, vector<128x64xf32>
    %dot_general3A_15 = arith.constant dense<0.000000e+00> : vector<1024x64xf32>
    %dot_general3A_16 = tpu.matmul %get3A_1, %get3A_14, %dot_general3A_15 {dimension_numbers = #tpu.dot_dimension_numbers<[1], [0], [0], [1], [0, 0, 1, 1], [], []>, transpose_lhs_hint = false} : vector<1024x128xf32>, vector<128x64xf32>, vector<1024x64xf32> -> vector<1024x64xf32>
    %get3A_17 = arith.constant 0 : index
    %get3A_18 = arith.constant 0 : index
    %get3A_19 = vector.load %arg4[%get3A_17, %get3A_18] : memref<128x64xf32, #tpu.memory_space<vmem>>, vector<128x64xf32>
    %dot_general3A_20 = arith.constant dense<0.000000e+00> : vector<1024x64xf32>
    %dot_general3A_21 = tpu.matmul %add3A_11, %get3A_19, %dot_general3A_20 {dimension_numbers = #tpu.dot_dimension_numbers<[1], [0], [0], [1], [0, 0, 1, 1], [], []>, transpose_lhs_hint = false} : vector<1024x128xf32>, vector<128x64xf32>, vector<1024x64xf32> -> vector<1024x64xf32>
    %add3A_22 = arith.addf %dot_general3A_16, %dot_general3A_21 : vector<1024x64xf32>
    %max3A = arith.constant 0.000000e+00 : f32
    %max3A_23 = vector.broadcast %max3A : f32 to vector<1024x64xf32>
    %max3A_24 = arith.maximumf %add3A_22, %max3A_23 : vector<1024x64xf32>
    %swap3A = arith.constant 0 : index
    %swap3A_25 = arith.constant 0 : index
    %swap3A_26 = vector.load %arg7[%swap3A, %swap3A_25] : memref<1024x64xf32, #tpu.memory_space<vmem>>, vector<1024x64xf32>
    tpu.vector_store %arg7[%swap3A, %swap3A_25], %max3A_24 {strides = array<i32>} : memref<1024x64xf32, #tpu.memory_space<vmem>>, vector<1024x64xf32>,
    %get3A_27 = arith.constant 0 : index
    %get3A_28 = arith.constant 0 : index
    %get3A_29 = vector.load %arg5[%get3A_27, %get3A_28] : memref<128x2xf32, #tpu.memory_space<vmem>>, vector<128x2xf32>
    %dot_general3A_30 = arith.constant dense<0.000000e+00> : vector<1024x2xf32>
    %dot_general3A_31 = tpu.matmul %get3A_1, %get3A_29, %dot_general3A_30 {dimension_numbers = #tpu.dot_dimension_numbers<[1], [0], [0], [1], [0, 0, 1, 1], [], []>, transpose_lhs_hint = false} : vector<1024x128xf32>, vector<128x2xf32>, vector<1024x2xf32> -> vector<1024x2xf32>
    %get3A_32 = arith.constant 0 : index
    %get3A_33 = vector.load %arg6[%get3A_32] : memref<2xf32, #tpu.memory_space<vmem>>, vector<2xf32>
    %broadcast_in_dim3A_34 = vector.shape_cast %get3A_33 : vector<2xf32> to vector<1x2xf32>
    %add3A_35 = vector.broadcast %broadcast_in_dim3A_34 : vector<1x2xf32> to vector<1024x2xf32>
    %add3A_36 = arith.addf %dot_general3A_31, %add3A_35 : vector<1024x2xf32>
    %swap3A_37 = arith.constant 0 : index
    %swap3A_38 = arith.constant 0 : index
    %swap3A_39 = vector.load %arg8[%swap3A_37, %swap3A_38] : memref<1024x2xf32, #tpu.memory_space<vmem>>, vector<1024x2xf32>
    tpu.vector_store %arg8[%swap3A_37, %swap3A_38], %add3A_36 {strides = array<i32>} : memref<1024x2xf32, #tpu.memory_space<vmem>>, vector<1024x2xf32>,
    return
  }
}

</mosaic_0001>

<sc_bundles>
// kernel: kernel.13.cloned.1.call-start
scs
__scs_entry_jumppad:
0x0: {  	(pc) =	sbr.rel $0x88, $3  }
0x1: {  	(tag) =	ssettag $0x0;
	lr =	simm.s32 $0x1  }
0x2: {  	[smem:$0x3F95] =	sst lr;
	_ =	strace $0xD0000000  }
0x3: {  	_ = 	snop  }
0x4: {  	_ = 	snop  }
0x5: {  	_ = 	snop  }
0x6: {  	_ = 	snop  }
0x7: {  	_ = 	snop  }
__scs_overlays_trampoline_lowered:
0x8: {  	[smem:$0x3FA4] =	sst s0  }
0x9: {  	[smem:$0x3FA5] =	sst s1  }
0xa: {  	[smem:$0x3FA6] =	sst s2  }
0xb: {  	[smem:$0x3FA7] =	sst s3  }
0xc: {  	[smem:$0x3FA8] =	sst s4  }
0xd: {  	[smem:$0x3FA9] =	sst s5  }
0xe: {  	[smem:$0x3FAA] =	sst s6  }
0xf: {  	[smem:$0x3FAB] =	sst s7  }
0x10: {  	[smem:$0x3FAC] =	sst s8  }
0x11: {  	[smem:$0x3FAD] =	sst s9;
	s0 =	simm.s32 @!p0 $0x0  }
0x12: {  	s1 =	sld [smem:$0x3F93];
	s0 =	simm.s32 @p0 $0x1  }
0x13: {  	[smem:$0x3FAE] =	sst s0;
	s0 =	simm.s32 @!p1 $0x0  }
0x14: {  	s2 =	sld [smem:$0x3F92];
	s0 =	simm.s32 @p1 $0x1  }
0x15: {  	[smem:$0x3FAF] =	sst s0;
	s0 =	simm.s32 @!p2 $0x0  }
0x16: {  	s3 =	sld [smem:$0x3FDB];
	s0 =	simm.s32 @p2 $0x1  }
0x17: {  	s4 =	simm.s32 $0x1BF5;
	[smem:$0x3FB1] =	sst s0  }
0x18: {  	s0 =	sld [smem:$0x3F94];
	_ =	swait.ge [sflag:s4], $0x0  }
0x19: {  	s7 =	sld [smem:$0x3F95]  }
0x1a: {  	s8 =	sadd.s32 $0xFFFFE003, lr  }
0x1b: {  	s9 =	sadd.s32 $0xFFFFFEF7, lr;
	s5 =	simm.s32 $0xFFFFFFFF;
	p2 =	slt.u32 s8, $0xFFFFF086  }
0x1c: {  	p1 =	slt.u32 s9, $0xF7A;
	s5 =	simm.s32 @!p2 $0x0  }
0x1d: {  	s5 =	simm.s32 @p1 $0x1;
	p0 =	seq.s32 s7, s2  }
0x1e: {  	s7 =	smul.u32 @!p0 $0xF7A, s2;
	p2 =	seq.s32 @!p0 s5, $0x0  }
0x1f: {  	s9 =	smul.u32 $0xF7A, s1;
	s8 =	simm.s32 @!p0 $0x1BF5;
	p2 =	por !p2, p0  }
0x20: {  	[sflag:s8] =	ssyncset.s32 @!p0 $0xFFFFF086;
	s6 =	sadd.s32 @!p0 s3, s7;
	s7 =	simm.s32 @!p0 $0x108  }
0x21: {  	s3 =	sadd.s32 s3, s9;
	s6 =	sadd.s32 @!p0 $0x88, s6;
	s7 =	simm.s32 @p2 $0x1082  }
0x22: {  	[simem:s7], [sflag:s8] =	dma.local @!p0 [hbm:s6], $0xF7A  }
0x23: {  	s9 =	sor.u32 $0xD0000000, s2;
	s6 =	simm.s32 $0x108;
	_ =	swait.ge @!p0 [sflag:s8], $0x0  }
0x24: {  	s3 =	sadd.s32 $0x88, s3;
	s6 =	simm.s32 @!p1 $0x1082;
	[sflag:s4] =	ssyncset.s32 $0xFFFFF086  }
0x25: {  	[simem:s6], [sflag:s4] =	dma.local [hbm:s3], $0xF7A  }
0x26: {  	[smem:$0x3F95] =	sst s1;
	(tag) =	ssettag s2;
	_ =	strace s9  }
0x27: {  	s1 =	sld [smem:$0x3FA5]  }
0x28: {  	s2 =	sld [smem:$0x3FA6]  }
0x29: {  	s4 =	sld [smem:$0x3FA8]  }
0x2a: {  	p0 =	seq.s32 s5, $0x0;
	s5 =	sld [smem:$0x3FA9]  }
0x2b: {  	s6 =	sld [smem:$0x3FAA]  }
0x2c: {  	s7 =	sld [smem:$0x3FAB]  }
0x2d: {  	s3 =	simm.s32 $0x108;
	s8 =	sld [smem:$0x3FAC]  }
0x2e: {  	s3 =	simm.s32 @!p0 $0x1082;
	s9 =	sld [smem:$0x3FAD]  }
0x2f: {  	lr =	sadd.s32 s0, s3;
	s0 =	sld [smem:$0x3FA4]  }
0x30: {  	s3 =	sld [smem:$0x3FA7]  }
0x31: {  	[smem:$0x3FB0] =	sst s10  }
0x32: {  	s10 =	sld [smem:$0x3FAE];
	_ =	sdelay $0x3  }
0x33: {  	p0 =	seq.s32 s10, $0x1;
	s10 =	sld [smem:$0x3FB0];
	_ =	sdelay $0x3  }
0x34: {  	[smem:$0x3FB0] =	sst s10  }
0x35: {  	s10 =	sld [smem:$0x3FAF];
	_ =	sdelay $0x3  }
0x36: {  	p1 =	seq.s32 s10, $0x1;
	s10 =	sld [smem:$0x3FB0];
	_ =	sdelay $0x3  }
0x37: {  	[smem:$0x3FB0] =	sst s10  }
0x38: {  	s10 =	sld [smem:$0x3FB1]  }
0x39: {  	_ = 	snop;
	(pc) =	sbr.ind lr, $3  }
0x3a: {  	_ = 	snop  }
0x3b: {  	_ = 	snop  }
0x3c: {  	p2 =	seq.s32 s10, $0x1;
	s10 =	sld [smem:$0x3FB0]  }
0x3d: {  	_ =	shalt  }
0x3e: {  	_ =	shalt  }
0x3f: {  	_ =	shalt  }
0x40: {  	_ =	shalt  }
0x41: {  	_ =	shalt  }
0x42: {  	_ =	shalt  }
0x43: {  	_ =	shalt  }
0x44: {  	_ =	shalt  }
0x45: {  	_ =	shalt  }
0x46: {  	_ =	shalt  }
0x47: {  	_ =	shalt  }
0x48: {  	_ =	shalt  }
0x49: {  	_ =	shalt  }
0x4a: {  	_ =	shalt  }
0x4b: {  	_ =	shalt  }
0x4c: {  	_ =	shalt  }
0x4d: {  	_ =	shalt  }
0x4e: {  	_ =	shalt  }
0x4f: {  	_ =	shalt  }
0x50: {  	_ =	shalt  }
0x51: {  	_ =	shalt  }
0x52: {  	_ =	shalt  }
0x53: {  	_ =	shalt  }
0x54: {  	_ =	shalt  }
0x55: {  	_ =	shalt  }
0x56: {  	_ =	shalt  }
0x57: {  	_ =	shalt  }
0x58: {  	_ =	shalt  }
0x59: {  	_ =	shalt  }
0x5a: {  	_ =	shalt  }
0x5b: {  	_ =	shalt  }
0x5c: {  	_ =	shalt  }
0x5d: {  	_ =	shalt  }
0x5e: {  	_ =	shalt  }
0x5f: {  	_ =	shalt  }
0x60: {  	_ =	shalt  }
0x61: {  	_ =	shalt  }
0x62: {  	_ =	shalt  }
0x63: {  	_ =	shalt  }
0x64: {  	_ =	shalt  }
0x65: {  	_ =	shalt  }
0x66: {  	_ =	shalt  }
0x67: {  	_ =	shalt  }
0x68: {  	_ =	shalt  }
0x69: {  	_ =	shalt  }
0x6a: {  	_ =	shalt  }
0x6b: {  	_ =	shalt  }
0x6c: {  	_ =	shalt  }
0x6d: {  	_ =	shalt  }
0x6e: {  	_ =	shalt  }
0x6f: {  	_ =	shalt  }
0x70: {  	_ =	shalt  }
0x71: {  	_ =	shalt  }
0x72: {  	_ =	shalt  }
0x73: {  	_ =	shalt  }
0x74: {  	_ =	shalt  }
0x75: {  	_ =	shalt  }
0x76: {  	_ =	shalt  }
0x77: {  	_ =	shalt  }
0x78: {  	_ =	shalt  }
0x79: {  	_ =	shalt  }
0x7a: {  	_ =	shalt  }
0x7b: {  	_ =	shalt  }
0x7c: {  	_ =	shalt  }
0x7d: {  	_ =	shalt  }
0x7e: {  	_ =	shalt  }
0x7f: {  	_ =	shalt  }
0x80: {  	_ =	shalt  }
0x81: {  	_ =	shalt  }
0x82: {  	_ =	shalt  }
0x83: {  	_ =	shalt  }
0x84: {  	_ =	shalt  }
0x85: {  	_ =	shalt  }
0x86: {  	_ =	shalt  }
0x87: {  	_ =	shalt  }
.Lfunc_end0:
.L_simem_size_0:
called_computation_lowered:
.L_overlay_start_0:
0x88: {  	s2 =	sld [smem:$0x3FD9]  }
0x89: {  	s3 =	sld [smem:$0x3FFE];
	_ =	sdelay $0x1  }
0x8a: {  	s1 =	srdreg.scid  }
0x8b: {  	s0 =	sand.u32 $0x1, s1  }
0x8c: {  	s14 =	sshll.u32 s0, $0xA;
	s2 =	sadd.s32 s3, s2  }
0x8d: {  	s2 =	sadd.s32 s2, s14  }
0x8e: {  	[smem:$0x3FBC] =	sst s2  }
0x8f: {  	_ = 	snop  }
0x90: {  	s2 =	sld [smem:$0x3FD0];
	_ =	sdelay $0x2  }
0x91: {  	s15 =	simm.s32 $0xB;
	s4 =	simm.s32 $0x10  }
0x92: {  	[smem:s4], [sflag:s15] =	dma.local [hbm:s2], $0x1  }
0x93: {  	_ =	swait.eq [sflag:s15], $0x1  }
0x94: {  	[sflag:s15] =	ssyncset.done $0x0  }
0x95: {  	[sflag:s15] =	ssyncadd.s32 $0xFFFFFFFF  }
0x96: {  	s16 =	sld [smem:$0x10];
	(tm) =	ssettm $0x1  }
0x97: {  	s17 =	sld [smem:$0x3FFB];
	_ =	sdelay $0x3  }
0x98: {  	_ =	strace s17  }
0x99: {  	s3 =	sld [smem:$0x3FFC];
	_ =	sdelay $0x3  }
0x9a: {  	_ =	strace s3  }
0x9b: {  	s3 =	sld [smem:$0x3FFD];
	_ =	sdelay $0x3  }
0x9c: {  	_ =	strace s3  }
0x9d: {  	_ =	strace $0x8FFFFFFF  }
0x9e: {  	s18 =	sld [smem:$0x3FDB];
	_ =	sdelay $0x1  }
0x9f: {  	s19 =	simm.s32 $_scs_section_size  }
0xa0: {  	s5 =	simm.s32 $_size__tile_overlayer_lowered;
	s6 =	simm.s32 $_tile_overlayer_lowered  }
0xa1: {  	s22 =	simm.s32 $0x1BFF;
	s21 =	sshll.u32 s6, $0x1;
	s3 =	sadd.s32 s19, s18  }
0xa2: {  	s7 =	simm.s32 $0x0;
	s20 =	sshll.u32 s5, $0x1;
	s5 =	sadd.s32 s21, s3  }
0xa3: {  	[timem:s7], [sflag:s22] =	dma.local [hbm:s5], s20  }
0xa4: {  	_ =	swait.ge [sflag:s22], s20  }
0xa5: {  	s4 =	ssub.s32 $0x0, s20;
	[sflag:s22] =	ssyncset.done $0x0  }
0xa6: {  	[sflag:s22] =	ssyncadd.s32 s4;
	_ =	sdelay $0x1  }
0xa7: {  	s23 =	simm.s32 $0x1B8B  }
0xa8: {  	_ =	swait.ge [sflag:s23], $0x1  }
0xa9: {  	[sflag:s23] =	ssyncset.done $0x0  }
0xaa: {  	s25 =	simm.s32 $0x1B8E;
	s24 =	sld [smem:$0x3FFE];
	[sflag:s23] =	ssyncadd.s32 $0xFFFFFFFF  }
0xab: {  	s26 =	simm.s32 $execute0_lowered;
	[smem:$0x3FD2] =	sst s25  }
0xac: {  	s5 =	sshll.u32 s26, $0x1;
	_ =	strace $0x80000046;
	[dreg:$0x1] =	wrdreg $0xFFFFFFFF  }
0xad: {  	s28 =	simm.s32 $_size_execute0_lowered;
	s3 =	sadd.s32 s3, s5;
	[dreg:$0x0] =	wrdreg $0x0  }
0xae: {  	s5 =	sshll.u32 s28, $0x1;
	[dreg:$0x2] =	wrdreg s3  }
0xaf: {  	[dreg:$0x3] =	wrdreg s5  }
0xb0: {  	[dreg:$0x4] =	wrdreg $0xC0  }
0xb1: {  	_ =	task [dreg:s7], $0x5FFFF  }
0xb2: {  	[dreg:$0x1] =	wrdreg $0xFFFFFFFF  }
0xb3: {  	[dreg:$0x0] =	wrdreg $0x60  }
0xb4: {  	[dreg:$0x2] =	wrdreg s24  }
0xb5: {  	[dreg:$0x3] =	wrdreg s16  }
0xb6: {  	[dreg:$0x4] =	wrdreg $0x2B000  }
0xb7: {  	[dreg:$0x5] =	wrdreg $0x9  }
0xb8: {  	_ =	task.clear_ibuf [dreg:s7], $0x6FFFF;
	_ =	strace $0x90000046  }
0xb9: {  	s29 =	simm.s32 $0x9;
	_ =	strace $0x80000048  }
0xba: {  	_ =	swait.ge [sflag:s29], $0x1  }
0xbb: {  	[sflag:s29] =	ssyncadd.s32 $0xFFFFFFFF  }
0xbc: {  	_ =	strace $0x90000048  }
0xbd: {  	_ =	sfence  }
0xbe: {  	s30 =	sld [smem:$0x0];
	_ =	sdelay $0x2  }
0xbf: {  	s31 =	sshll.u32 s1, $0xD;
	s1 =	sshrl.u32 s1, $0x2  }
0xc0: {  	s3 =	sand.u32 $0x4000, s31;
	s1 =	sadd.s32 s1, s30  }
0xc1: {  	s0 =	sor.u32 s3, s0;
	s1 =	sshll.u32 s1, $0x11  }
0xc2: {  	s0 =	sor.u32 s1, s0  }
0xc3: {  	s0 =	sadd.s32 $0x8F2B, s0  }
0xc4: {  	[sflag:s0] =	ssyncadd.remote.s32 $0x1  }
0xc5: {  	_ =	sfence.sel $0xFFFF  }
0xc6: {  	[dreg:$0x0] =	wrdreg $0xFFFFFFFF;
	(pc) =	sbr.abs _section_cstart, $3  }
0xc7: {  	[dreg:$0x1] =	wrdreg $0xFFFFFFFF  }
0xc8: {  	_ =	task.clear_ibuf [dreg:s7], $0x2FFFF;
	_ =	strace $0x9FFFFFFF  }
0xc9: {  	(tm) =	ssettm $0x7FFFFFFF  }
tec
execute0_lowered:
.L_overlay_start_1:
0x0: {  	(tag) =	ssettag $0x1  }
0x1: {  	s4 =	rddreg [dreg:$0x0]  }
0x2: {  	s0 =	srdreg.scid;
	s7 =	rddreg [dreg:$0x1]  }
0x3: {  	s2 =	rddreg [dreg:$0x2];
	s3 =	simm.s32 $0x0;
	s12 =	simm.s32 $0x2800  }
0x4: {  	s13 =	simm.s32 $0x0;
	s5 =	sand.u32 $0x1, s0;
	s0 =	stileid.u32  }
0x5: {  	[smem:$0x7FF] =	sst s3;
	s1 =	sshll.u32 s5, $0x4;
	s8 =	smul.u32 $0x280, s0  }
0x6: {  	s9 =	smul.u32 $0x2800, s5;
	s5 =	ssub.s32 $0x2, s5;
	s6 =	sor.u32 s0, s1  }
0x7: {  	s1 =	rddreg [dreg:$0x3];
	_ =	strace $0x80000047;
	s31 =	sshrl.u32 s5, $0x1  }
0x8: {  	s6 =	smul.u32 $0x500, s6;
	s10 =	sshrl.u32 s8, $0x3;
	s9 =	sadd.s32 s8, s9  }
0x9: {  	s11 =	ssub.s32 s5, s31;
	s10 =	sadd.s32 s10, s4;
	s9 =	sshrl.u32 s9, $0x3  }
0xa: {  	s6 =	sadd.s32 s6, s4;
	s5 =	sadd.s32 $0xDA00, s10;
	s7 =	sadd.s32 s7, s9  }
0xb: {  	s9 =	simm.s32 $0x1;
	s10 =	simm.s32 $0x2880;
	s4 =	sadd.s32 $0x3A00, s6  }
0xc: {  	v0 =	vimm.f32 $1.000000000e+00;
	s6 =	sadd.s32 s8, s2;
	s8 =	smax.u32 s11, $0x1;
	s11 =	simm.s32 $0x80  }
.LBB2_1:
0xd: {  	[tilespmem:s3], [sflag:$0x1] =	stream.linear.gather [hbm4b:s4+s3], $0x2800, $0x38;
	[tilespmem:$0x2D80] =	vst v63  }
0xe: {  	_ =	swait.ge [sflag:s9], $0x2800  }
0xf: {  	[sflag:s9] =	ssyncset.done $0x0  }
0x10: {  	[sflag:s9] =	ssyncadd.s32 $0xFFFFD800  }
0x11: {  	[tilespmem:$0x2800] =	vst v0  }
0x12: {  	[tilespmem:$0x2810] =	vst v0  }
0x13: {  	[tilespmem:$0x2820] =	vst v0  }
0x14: {  	[tilespmem:$0x2830] =	vst v0  }
0x15: {  	[tilespmem:$0x2840] =	vst v0  }
0x16: {  	[tilespmem:$0x2850] =	vst v0  }
0x17: {  	[tilespmem:$0x2860] =	vst v0  }
0x18: {  	[tilespmem:$0x2870] =	vst v0  }
0x19: {  	[tilespmem:s10], [sflag:$0x1] =	stream.linear.gather [hbm4b:s5+s3], $0x280, $0x38;
	[tilespmem:$0x2D80] =	vst v63  }
0x1a: {  	_ =	swait.ge [sflag:s9], $0x280  }
0x1b: {  	[sflag:s9] =	ssyncset.done $0x0  }
0x1c: {  	[sflag:s9] =	ssyncadd.s32 $0xFFFFFD80  }
0x1d: {  	[spmem:s6] =	stream.linear.scatter [tilespmem:s10], [sflag:$0x1], $0x280, $0x38;
	[tilespmem:$0x2D80] =	vst v63  }
0x1e: {  	_ =	swait.ge [sflag:s9], $0x280  }
0x1f: {  	[sflag:s9] =	ssyncset.done $0x0  }
0x20: {  	[sflag:s9] =	ssyncadd.s32 $0xFFFFFD80  }
0x21: {  	s14 =	simm.s32 $0x0;
	[bflag:$0x0] =	sbarrier.arrive $0xFFFF  }
0x22: {  	[spmem:s2] =	stream.indirect.scatter.add.f32 [tilespmem:s12], [sflag:$0x1], $0x1, s14, s11, $0xb8;
	[tilespmem:$0x2D80] =	vst v63  }
0x23: {  	_ =	swait.ge [sflag:s9], $0x80  }
0x24: {  	s14 =	simm.s32 $0x200;
	[sflag:s9] =	ssyncset.done $0x0  }
.LBB2_2:
0x25: {  	s15 =	sshra.s32 s14, $0x2;
	[sflag:s9] =	ssyncadd.s32 $0xFFFFFF80;
	p0 =	sne.s32 s14, $0x9E00  }
0x26: {  	[spmem:s2] =	stream.indirect.scatter.add.f32 [tilespmem:s12], [sflag:$0x1], $0x1, s15, s11, $0xb8;
	[tilespmem:$0x2D80] =	vst v63  }
.Ltmp0:
0x27: {  	_ = 	snop;
	(pc) =	sbr.rel @p0 .LBB2_2-.Ltmp0, $4  }
0x28: {  	_ = 	snop  }
0x29: {  	s14 =	sadd.s32 $0x200, s14  }
0x2a: {  	_ =	swait.ge [sflag:s9], $0x80  }
0x2b: {  	[sflag:s9] =	ssyncset.done $0x0  }
0x2c: {  	[sflag:s9] =	ssyncadd.s32 $0xFFFFFF80  }
0x2d: {  	[bflag:$0x0] =	sbarrier.arrive $0xFFFF  }
0x2e: {  	[tilespmem:s10], [sflag:$0x1] =	stream.linear.gather [spmem:s6], $0x280, $0x38;
	[tilespmem:$0x2D80] =	vst v63  }
0x2f: {  	s13 =	sadd.s32 $0x1, s13;
	_ =	swait.ge [sflag:s9], $0x280  }
0x30: {  	p0 =	sne.s32 s13, s8;
	[sflag:s9] =	ssyncset.done $0x0  }
.Ltmp1:
0x31: {  	[sflag:s9] =	ssyncadd.s32 $0xFFFFFD80;
	(pc) =	sbr.rel @p0 .LBB2_1-.Ltmp1, $4  }
0x32: {  	[hbm4b:s7+s3] =	stream.linear.scatter [tilespmem:s10], [sflag:$0x1], $0x280, $0x38;
	[tilespmem:$0x2D80] =	vst v63  }
0x33: {  	_ =	swait.ge [sflag:s9], $0x280  }
0x34: {  	[sflag:s9] =	ssyncset.done $0x0  }
0x35: {  	[sflag:s9] =	ssyncadd.s32 $0xFFFFFD80  }
0x36: {  	_ =	sfence.sel $0x180000  }
0x37: {  	[bflag:$0x0] =	sbarrier.arrive $0xFFFF  }
0x38: {  	p0 =	sne.s32 s0, $0x0;
	_ =	strace $0x90000047  }
0x39: {  	s0 =	sadd.s32 @!p0 $0x100000, s1;
	[bflag:$0x2] =	sbarrier.arrive $0xFFFF  }
0x3a: {  	[sflag:s0] =	ssyncadd.tile.s32 @!p0 $0x1;
	_ =	shalt  }
.Lfunc_end2:
_tile_overlayer_lowered:
.L_overlay_start_2:
0x3b: {  	(tag) =	ssettag $0x2  }
0x3c: {  	s0 =	rddreg [dreg:$0x0];
	s2 =	stileid.u32  }
0x3d: {  	s1 =	rddreg [dreg:$0x1];
	p0 =	sne.s32 s2, $0x0  }
0x3e: {  	s3 =	rddreg [dreg:$0x2];
	[bflag:$0x3] =	sbarrier.arrive $0xFFFF;
	s2 =	simm.s32 @!p0 $0x1C01  }
0x3f: {  	[timem:s3], [sflag:s2] =	dma.local @!p0 [hbm:s0], s1  }
0x40: {  	s0 =	simm.s32 @!p0 $0x1  }
0x41: {  	_ =	swait.ge @!p0 [sflag:s0], s1  }
0x42: {  	s1 =	ssub.s32 @!p0 $0x0, s1;
	[sflag:s0] =	ssyncset.done @!p0 $0x0  }
0x43: {  	[sflag:s0] =	ssyncadd.s32 @!p0 s1  }
0x44: {  	[bflag:$0x3] =	sbarrier.arrive $0xFFFF  }
0x45: {  	_ =	shalt  }

// kernel: kernel.16.cloned.1.call-start
scs
__scs_entry_jumppad:
0x0: {  	(pc) =	sbr.rel $0x88, $3  }
0x1: {  	(tag) =	ssettag $0x0;
	lr =	simm.s32 $0x1  }
0x2: {  	[smem:$0x3F95] =	sst lr;
	_ =	strace $0xD0000000  }
0x3: {  	_ = 	snop  }
0x4: {  	_ = 	snop  }
0x5: {  	_ = 	snop  }
0x6: {  	_ = 	snop  }
0x7: {  	_ = 	snop  }
__scs_overlays_trampoline_lowered:
0x8: {  	[smem:$0x3FA4] =	sst s0  }
0x9: {  	[smem:$0x3FA5] =	sst s1  }
0xa: {  	[smem:$0x3FA6] =	sst s2  }
0xb: {  	[smem:$0x3FA7] =	sst s3  }
0xc: {  	[smem:$0x3FA8] =	sst s4  }
0xd: {  	[smem:$0x3FA9] =	sst s5  }
0xe: {  	[smem:$0x3FAA] =	sst s6  }
0xf: {  	[smem:$0x3FAB] =	sst s7  }
0x10: {  	[smem:$0x3FAC] =	sst s8  }
0x11: {  	[smem:$0x3FAD] =	sst s9;
	s0 =	simm.s32 @!p0 $0x0  }
0x12: {  	s1 =	sld [smem:$0x3F93];
	s0 =	simm.s32 @p0 $0x1  }
0x13: {  	[smem:$0x3FAE] =	sst s0;
	s0 =	simm.s32 @!p1 $0x0  }
0x14: {  	s2 =	sld [smem:$0x3F92];
	s0 =	simm.s32 @p1 $0x1  }
0x15: {  	[smem:$0x3FAF] =	sst s0;
	s0 =	simm.s32 @!p2 $0x0  }
0x16: {  	s3 =	sld [smem:$0x3FDB];
	s0 =	simm.s32 @p2 $0x1  }
0x17: {  	s4 =	simm.s32 $0x1BF5;
	[smem:$0x3FB1] =	sst s0  }
0x18: {  	s0 =	sld [smem:$0x3F94];
	_ =	swait.ge [sflag:s4], $0x0  }
0x19: {  	s7 =	sld [smem:$0x3F95]  }
0x1a: {  	s8 =	sadd.s32 $0xFFFFE003, lr  }
0x1b: {  	s9 =	sadd.s32 $0xFFFFFEF7, lr;
	s5 =	simm.s32 $0xFFFFFFFF;
	p2 =	slt.u32 s8, $0xFFFFF086  }
0x1c: {  	p1 =	slt.u32 s9, $0xF7A;
	s5 =	simm.s32 @!p2 $0x0  }
0x1d: {  	s5 =	simm.s32 @p1 $0x1;
	p0 =	seq.s32 s7, s2  }
0x1e: {  	s7 =	smul.u32 @!p0 $0xF7A, s2;
	p2 =	seq.s32 @!p0 s5, $0x0  }
0x1f: {  	s9 =	smul.u32 $0xF7A, s1;
	s8 =	simm.s32 @!p0 $0x1BF5;
	p2 =	por !p2, p0  }
0x20: {  	[sflag:s8] =	ssyncset.s32 @!p0 $0xFFFFF086;
	s6 =	sadd.s32 @!p0 s3, s7;
	s7 =	simm.s32 @!p0 $0x108  }
0x21: {  	s3 =	sadd.s32 s3, s9;
	s6 =	sadd.s32 @!p0 $0x88, s6;
	s7 =	simm.s32 @p2 $0x1082  }
0x22: {  	[simem:s7], [sflag:s8] =	dma.local @!p0 [hbm:s6], $0xF7A  }
0x23: {  	s9 =	sor.u32 $0xD0000000, s2;
	s6 =	simm.s32 $0x108;
	_ =	swait.ge @!p0 [sflag:s8], $0x0  }
0x24: {  	s3 =	sadd.s32 $0x88, s3;
	s6 =	simm.s32 @!p1 $0x1082;
	[sflag:s4] =	ssyncset.s32 $0xFFFFF086  }
0x25: {  	[simem:s6], [sflag:s4] =	dma.local [hbm:s3], $0xF7A  }
0x26: {  	[smem:$0x3F95] =	sst s1;
	(tag) =	ssettag s2;
	_ =	strace s9  }
0x27: {  	s1 =	sld [smem:$0x3FA5]  }
0x28: {  	s2 =	sld [smem:$0x3FA6]  }
0x29: {  	s4 =	sld [smem:$0x3FA8]  }
0x2a: {  	p0 =	seq.s32 s5, $0x0;
	s5 =	sld [smem:$0x3FA9]  }
0x2b: {  	s6 =	sld [smem:$0x3FAA]  }
0x2c: {  	s7 =	sld [smem:$0x3FAB]  }
0x2d: {  	s3 =	simm.s32 $0x108;
	s8 =	sld [smem:$0x3FAC]  }
0x2e: {  	s3 =	simm.s32 @!p0 $0x1082;
	s9 =	sld [smem:$0x3FAD]  }
0x2f: {  	lr =	sadd.s32 s0, s3;
	s0 =	sld [smem:$0x3FA4]  }
0x30: {  	s3 =	sld [smem:$0x3FA7]  }
0x31: {  	[smem:$0x3FB0] =	sst s10  }
0x32: {  	s10 =	sld [smem:$0x3FAE];
	_ =	sdelay $0x3  }
0x33: {  	p0 =	seq.s32 s10, $0x1;
	s10 =	sld [smem:$0x3FB0];
	_ =	sdelay $0x3  }
0x34: {  	[smem:$0x3FB0] =	sst s10  }
0x35: {  	s10 =	sld [smem:$0x3FAF];
	_ =	sdelay $0x3  }
0x36: {  	p1 =	seq.s32 s10, $0x1;
	s10 =	sld [smem:$0x3FB0];
	_ =	sdelay $0x3  }
0x37: {  	[smem:$0x3FB0] =	sst s10  }
0x38: {  	s10 =	sld [smem:$0x3FB1]  }
0x39: {  	_ = 	snop;
	(pc) =	sbr.ind lr, $3  }
0x3a: {  	_ = 	snop  }
0x3b: {  	_ = 	snop  }
0x3c: {  	p2 =	seq.s32 s10, $0x1;
	s10 =	sld [smem:$0x3FB0]  }
0x3d: {  	_ =	shalt  }
0x3e: {  	_ =	shalt  }
0x3f: {  	_ =	shalt  }
0x40: {  	_ =	shalt  }
0x41: {  	_ =	shalt  }
0x42: {  	_ =	shalt  }
0x43: {  	_ =	shalt  }
0x44: {  	_ =	shalt  }
0x45: {  	_ =	shalt  }
0x46: {  	_ =	shalt  }
0x47: {  	_ =	shalt  }
0x48: {  	_ =	shalt  }
0x49: {  	_ =	shalt  }
0x4a: {  	_ =	shalt  }
0x4b: {  	_ =	shalt  }
0x4c: {  	_ =	shalt  }
0x4d: {  	_ =	shalt  }
0x4e: {  	_ =	shalt  }
0x4f: {  	_ =	shalt  }
0x50: {  	_ =	shalt  }
0x51: {  	_ =	shalt  }
0x52: {  	_ =	shalt  }
0x53: {  	_ =	shalt  }
0x54: {  	_ =	shalt  }
0x55: {  	_ =	shalt  }
0x56: {  	_ =	shalt  }
0x57: {  	_ =	shalt  }
0x58: {  	_ =	shalt  }
0x59: {  	_ =	shalt  }
0x5a: {  	_ =	shalt  }
0x5b: {  	_ =	shalt  }
0x5c: {  	_ =	shalt  }
0x5d: {  	_ =	shalt  }
0x5e: {  	_ =	shalt  }
0x5f: {  	_ =	shalt  }
0x60: {  	_ =	shalt  }
0x61: {  	_ =	shalt  }
0x62: {  	_ =	shalt  }
0x63: {  	_ =	shalt  }
0x64: {  	_ =	shalt  }
0x65: {  	_ =	shalt  }
0x66: {  	_ =	shalt  }
0x67: {  	_ =	shalt  }
0x68: {  	_ =	shalt  }
0x69: {  	_ =	shalt  }
0x6a: {  	_ =	shalt  }
0x6b: {  	_ =	shalt  }
0x6c: {  	_ =	shalt  }
0x6d: {  	_ =	shalt  }
0x6e: {  	_ =	shalt  }
0x6f: {  	_ =	shalt  }
0x70: {  	_ =	shalt  }
0x71: {  	_ =	shalt  }
0x72: {  	_ =	shalt  }
0x73: {  	_ =	shalt  }
0x74: {  	_ =	shalt  }
0x75: {  	_ =	shalt  }
0x76: {  	_ =	shalt  }
0x77: {  	_ =	shalt  }
0x78: {  	_ =	shalt  }
0x79: {  	_ =	shalt  }
0x7a: {  	_ =	shalt  }
0x7b: {  	_ =	shalt  }
0x7c: {  	_ =	shalt  }
0x7d: {  	_ =	shalt  }
0x7e: {  	_ =	shalt  }
0x7f: {  	_ =	shalt  }
0x80: {  	_ =	shalt  }
0x81: {  	_ =	shalt  }
0x82: {  	_ =	shalt  }
0x83: {  	_ =	shalt  }
0x84: {  	_ =	shalt  }
0x85: {  	_ =	shalt  }
0x86: {  	_ =	shalt  }
0x87: {  	_ =	shalt  }
.Lfunc_end0:
.L_simem_size_0:
called_computation.1_lowered:
.L_overlay_start_0:
0x88: {  	s2 =	sld [smem:$0x3FD9]  }
0x89: {  	s3 =	sld [smem:$0x3FFE];
	_ =	sdelay $0x1  }
0x8a: {  	s1 =	srdreg.scid  }
0x8b: {  	s0 =	sand.u32 $0x1, s1  }
0x8c: {  	s16 =	sshll.u32 s0, $0xA;
	s2 =	sadd.s32 s3, s2  }
0x8d: {  	s2 =	sadd.s32 s2, s16  }
0x8e: {  	[smem:$0x3FBC] =	sst s2  }
0x8f: {  	_ = 	snop  }
0x90: {  	(tm) =	ssettm $0x1  }
0x91: {  	s17 =	sld [smem:$0x3FFB];
	_ =	sdelay $0x3  }
0x92: {  	_ =	strace s17  }
0x93: {  	s2 =	sld [smem:$0x3FFC];
	_ =	sdelay $0x3  }
0x94: {  	_ =	strace s2  }
0x95: {  	s2 =	sld [smem:$0x3FFD];
	_ =	sdelay $0x3  }
0x96: {  	_ =	strace s2  }
0x97: {  	_ =	strace $0x8FFFFFFF  }
0x98: {  	s18 =	sld [smem:$0x3FDB];
	_ =	sdelay $0x1  }
0x99: {  	s19 =	simm.s32 $_scs_section_size  }
0x9a: {  	s4 =	simm.s32 $_size__tile_overlayer_lowered;
	s5 =	simm.s32 $_tile_overlayer_lowered  }
0x9b: {  	s22 =	simm.s32 $0x1BFF;
	s21 =	sshll.u32 s5, $0x1;
	s2 =	sadd.s32 s19, s18  }
0x9c: {  	s6 =	simm.s32 $0x0;
	s20 =	sshll.u32 s4, $0x1;
	s4 =	sadd.s32 s21, s2  }
0x9d: {  	[timem:s6], [sflag:s22] =	dma.local [hbm:s4], s20  }
0x9e: {  	_ =	swait.ge [sflag:s22], s20  }
0x9f: {  	s3 =	ssub.s32 $0x0, s20;
	[sflag:s22] =	ssyncset.done $0x0  }
0xa0: {  	[sflag:s22] =	ssyncadd.s32 s3;
	_ =	sdelay $0x1  }
0xa1: {  	s23 =	simm.s32 $0x1B8B  }
0xa2: {  	_ =	swait.ge [sflag:s23], $0x1  }
0xa3: {  	[sflag:s23] =	ssyncset.done $0x0  }
0xa4: {  	s25 =	simm.s32 $0x1B8E;
	s24 =	sld [smem:$0x3FFE];
	[sflag:s23] =	ssyncadd.s32 $0xFFFFFFFF  }
0xa5: {  	s26 =	simm.s32 $execute0_lowered;
	[smem:$0x3FD2] =	sst s25  }
0xa6: {  	s4 =	sshll.u32 s26, $0x1;
	_ =	strace $0x80000049;
	[dreg:$0x1] =	wrdreg $0xFFFFFFFF  }
0xa7: {  	s28 =	simm.s32 $_size_execute0_lowered;
	s2 =	sadd.s32 s2, s4;
	[dreg:$0x0] =	wrdreg $0x0  }
0xa8: {  	s4 =	sshll.u32 s28, $0x1;
	[dreg:$0x2] =	wrdreg s2  }
0xa9: {  	[dreg:$0x3] =	wrdreg s4  }
0xaa: {  	[dreg:$0x4] =	wrdreg $0xC0  }
0xab: {  	_ =	task [dreg:s6], $0x5FFFF  }
0xac: {  	[dreg:$0x1] =	wrdreg $0xFFFFFFFF  }
0xad: {  	[dreg:$0x0] =	wrdreg $0x60  }
0xae: {  	[dreg:$0x2] =	wrdreg s24  }
0xaf: {  	[dreg:$0x3] =	wrdreg $0x90000  }
0xb0: {  	[dreg:$0x4] =	wrdreg $0x12E000  }
0xb1: {  	[dreg:$0x5] =	wrdreg $0x9  }
0xb2: {  	_ =	task.clear_ibuf [dreg:s6], $0x6FFFF;
	_ =	strace $0x90000049  }
0xb3: {  	s29 =	simm.s32 $0x9;
	_ =	strace $0x8000004B  }
0xb4: {  	_ =	swait.ge [sflag:s29], $0x1  }
0xb5: {  	[sflag:s29] =	ssyncadd.s32 $0xFFFFFFFF  }
0xb6: {  	_ =	strace $0x9000004B  }
0xb7: {  	_ =	sfence  }
0xb8: {  	s30 =	sld [smem:$0x0];
	_ =	sdelay $0x2  }
0xb9: {  	s31 =	sshll.u32 s1, $0xD;
	s1 =	sshrl.u32 s1, $0x2  }
0xba: {  	s3 =	sand.u32 $0x4000, s31;
	s1 =	sadd.s32 s1, s30  }
0xbb: {  	s0 =	sor.u32 s3, s0;
	s1 =	sshll.u32 s1, $0x11  }
0xbc: {  	s0 =	sor.u32 s1, s0  }
0xbd: {  	s0 =	sadd.s32 $0x8F2B, s0  }
0xbe: {  	[sflag:s0] =	ssyncadd.remote.s32 $0x1  }
0xbf: {  	_ =	sfence.sel $0xFFFF  }
0xc0: {  	[dreg:$0x0] =	wrdreg $0xFFFFFFFF;
	(pc) =	sbr.abs _section_cstart, $3  }
0xc1: {  	[dreg:$0x1] =	wrdreg $0xFFFFFFFF  }
0xc2: {  	_ =	task.clear_ibuf [dreg:s6], $0x2FFFF;
	_ =	strace $0x9FFFFFFF  }
0xc3: {  	(tm) =	ssettm $0x7FFFFFFF  }
tec
execute0_lowered:
.L_overlay_start_1:
0x0: {  	(tag) =	ssettag $0x1  }
0x1: {  	s0 =	rddreg [dreg:$0x0]  }
0x2: {  	s2 =	rddreg [dreg:$0x1]  }
0x3: {  	s3 =	rddreg [dreg:$0x2];
	s16 =	stileid.u32;
	s4 =	simm.s32 $0x0  }
0x4: {  	s5 =	srdreg.scid;
	s15 =	simm.s32 $0x3;
	s19 =	simm.s32 $0x5000  }
0x5: {  	s20 =	simm.s32 $0x80;
	s21 =	simm.s32 $0x7000;
	s28 =	simm.s32 $0x2780  }
0x6: {  	s29 =	simm.s32 $0x4F00;
	s30 =	simm.s32 $0x4F80;
	s31 =	simm.s32 $0x0  }
0x7: {  	s1 =	smul.u32 $0x9E00, s16;
	[smem:$0x7FF] =	sst s4;
	s5 =	sand.u32 $0x1, s5  }
0x8: {  	s10 =	smul.u32 $0x27800, s16;
	s26 =	sshll.u32 s16, $0x6;
	s7 =	sshll.u32 s5, $0x4  }
0x9: {  	s8 =	smul.u32 $0x9E000, s5;
	_ =	strace $0x8000004A;
	s5 =	ssub.s32 $0x2, s5  }
0xa: {  	s17 =	sor.u32 $0x1C03, s26;
	s26 =	simm.s32 $0x4E80;
	s6 =	sshrl.u32 s1, $0x3  }
0xb: {  	s22 =	sor.u32 s16, s7;
	s24 =	sshrl.u32 s5, $0x1;
	s25 =	sshrl.u32 s10, $0x2  }
0xc: {  	s18 =	sadd.s32 s1, s2;
	s9 =	sadd.s32 s6, s0;
	s6 =	smul.u32 $0x500, s22  }
0xd: {  	s23 =	sadd.s32 s1, s8;
	s14 =	ssub.s32 s5, s24;
	s12 =	sadd.s32 s25, s3  }
0xe: {  	s8 =	sadd.s32 s1, s3;
	s18 =	sshrl.u32 s18, $0x3;
	s22 =	simm.s32 $0x1  }
0xf: {  	s24 =	simm.s32 $0x4E00;
	s25 =	simm.s32 $0x2700;
	s7 =	sshrl.u32 s23, $0x3  }
0x10: {  	s10 =	sadd.s32 $0x4000, s12;
	s11 =	sadd.s32 $0x6000, s12;
	s14 =	smax.u32 s14, $0x1  }
0x11: {  	s23 =	simm.s32 $0x2;
	s6 =	sadd.s32 s6, s0;
	s0 =	sadd.s32 s7, s0  }
0x12: {  	s7 =	sadd.s32 $0x18000, s9;
	s9 =	sadd.s32 $0x2000, s12;
	s12 =	sadd.s32 $0x8000, s12  }
0x13: {  	v0 =	vimm.f32 $0.0e+00;
	s5 =	sadd.s32 $0xE000, s6;
	s6 =	sadd.s32 $0x3A00, s6;
	s13 =	sadd.s32 $0x2BC00, s0  }
.LBB2_1:
0x14: {  	[tilespmem:s4], [sflag:$0x3] =	stream.linear.gather [hbm4b:s5+s4], $0x2800, $0x38;
	[tilespmem:$0x1CC00] =	vst v63  }
0x15: {  	_ =	swait.ge [sflag:s15], $0x2800  }
0x16: {  	[sflag:s15] =	ssyncset.done $0x0  }
0x17: {  	s0 =	simm.s32 $0x2800;
	[sflag:s15] =	ssyncadd.s32 $0xFFFFD800  }
0x18: {  	[tilespmem:s0], [sflag:$0x3] =	stream.linear.gather [hbm4b:s6+s4], $0x2800, $0x38;
	[tilespmem:$0x1CC00] =	vst v63  }
0x19: {  	_ =	swait.ge [sflag:s15], $0x2800  }
0x1a: {  	[sflag:s15] =	ssyncset.done $0x0  }
0x1b: {  	[sflag:s15] =	ssyncadd.s32 $0xFFFFD800  }
0x1c: {  	[spmem:s18], [sflag:s17] =	dma.local [hbm:s7], $0x13C0  }
0x1d: {  	_ =	swait.ge [sflag:s15], $0x13C0  }
0x1e: {  	[sflag:s15] =	ssyncset.done $0x0  }
0x1f: {  	s1 =	simm.s32 $0x100;
	s0 =	simm.s32 $0x0;
	[sflag:s15] =	ssyncadd.s32 $0xFFFFEC40  }
.LBB2_2:
0x20: {  	p0 =	sne.s32 s1, $0x7F00;
	[tilespmem:s0+$0x5030] =	vst v0;
	s16 =	smov.u32 s1;
	s1 =	sadd.s32 $0x100, s1  }
.Ltmp0:
0x21: {  	[tilespmem:s0+$0x5020] =	vst v0;
	(pc) =	sbr.rel @p0 .LBB2_2-.Ltmp0, $3  }
0x22: {  	[tilespmem:s0+$0x5000] =	vst v0  }
0x23: {  	[tilespmem:s0+$0x5010] =	vst v0;
	_ =	sdelay $0x1  }
0x24: {  	s0 =	sshra.s32 s16, $0x2  }
0x25: {  	[tilespmem:s0+$0x5030] =	vst v0  }
0x26: {  	[tilespmem:s0+$0x5020] =	vst v0  }
0x27: {  	[tilespmem:s0+$0x5000] =	vst v0  }
0x28: {  	[tilespmem:s0+$0x5010] =	vst v0  }
0x29: {  	[spmem:s8] =	stream.linear.scatter [tilespmem:s19], [sflag:$0x3], $0x2000, $0x38;
	[tilespmem:$0x1CC00] =	vst v63  }
0x2a: {  	_ =	swait.ge [sflag:s15], $0x2000  }
0x2b: {  	[sflag:s15] =	ssyncset.done $0x0  }
0x2c: {  	[sflag:s15] =	ssyncadd.s32 $0xFFFFE000  }
0x2d: {  	[spmem:s9] =	stream.linear.scatter [tilespmem:s19], [sflag:$0x3], $0x2000, $0x38;
	[tilespmem:$0x1CC00] =	vst v63  }
0x2e: {  	_ =	swait.ge [sflag:s15], $0x2000  }
0x2f: {  	[sflag:s15] =	ssyncset.done $0x0  }
0x30: {  	[sflag:s15] =	ssyncadd.s32 $0xFFFFE000  }
0x31: {  	[spmem:s10] =	stream.linear.scatter [tilespmem:s19], [sflag:$0x3], $0x2000, $0x38;
	[tilespmem:$0x1CC00] =	vst v63  }
0x32: {  	_ =	swait.ge [sflag:s15], $0x2000  }
0x33: {  	[sflag:s15] =	ssyncset.done $0x0  }
0x34: {  	[sflag:s15] =	ssyncadd.s32 $0xFFFFE000  }
0x35: {  	[spmem:s11] =	stream.linear.scatter [tilespmem:s19], [sflag:$0x3], $0x2000, $0x38;
	[tilespmem:$0x1CC00] =	vst v63  }
0x36: {  	_ =	swait.ge [sflag:s15], $0x2000  }
0x37: {  	[sflag:s15] =	ssyncset.done $0x0  }
0x38: {  	[sflag:s15] =	ssyncadd.s32 $0xFFFFE000  }
0x39: {  	[spmem:s12] =	stream.linear.scatter [tilespmem:s19], [sflag:$0x3], $0x1E00, $0x38;
	[tilespmem:$0x1CC00] =	vst v63  }
0x3a: {  	_ =	swait.ge [sflag:s15], $0x1E00  }
0x3b: {  	[sflag:s15] =	ssyncset.done $0x0  }
0x3c: {  	[sflag:s15] =	ssyncadd.s32 $0xFFFFE200  }
0x3d: {  	s1 =	simm.s32 $0x0;
	[bflag:$0x0] =	sbarrier.arrive $0xFFFF  }
0x3e: {  	[tilespmem:s19], [sflag:$0x1] =	stream.indirect.gather [spmem:s2], $0x40, s1, s20, $0xb8;
	[tilespmem:$0x1CC00] =	vst v63  }
0x3f: {  	_ = 	snop  }
0x40: {  	[tilespmem:s21], [sflag:$0x2] =	stream.indirect.gather [spmem:s2], $0x40, s20, s20, $0xb8;
	[tilespmem:$0x1CC00] =	vst v63  }
0x41: {  	_ =	swait.ge [sflag:s22], $0x2000  }
0x42: {  	[sflag:s22] =	ssyncset.done $0x0  }
0x43: {  	s16 =	simm.s32 $0x2800;
	[sflag:s22] =	ssyncadd.s32 $0xFFFFE000  }
0x44: {  	[spmem:s3] =	stream.indirect.scatter.add.f32 [tilespmem:s19], [sflag:$0x3], $0x40, s16, s20, $0xb8;
	[tilespmem:$0x1CC00] =	vst v63  }
0x45: {  	_ =	swait.ge [sflag:s15], $0x2000  }
0x46: {  	[sflag:s15] =	ssyncset.done $0x0  }
0x47: {  	s1 =	simm.s32 $0x100;
	[sflag:s15] =	ssyncadd.s32 $0xFFFFE000  }
0x48: {  	[tilespmem:s19], [sflag:$0x1] =	stream.indirect.gather [spmem:s2], $0x40, s1, s20, $0xb8;
	[tilespmem:$0x1CC00] =	vst v63  }
0x49: {  	_ =	swait.ge [sflag:s23], $0x2000  }
0x4a: {  	[sflag:s23] =	ssyncset.done $0x0  }
0x4b: {  	s16 =	simm.s32 $0x2880;
	[sflag:s23] =	ssyncadd.s32 $0xFFFFE000  }
0x4c: {  	[spmem:s3] =	stream.indirect.scatter.add.f32 [tilespmem:s21], [sflag:$0x3], $0x40, s16, s20, $0xb8;
	[tilespmem:$0x1CC00] =	vst v63  }
0x4d: {  	_ =	swait.ge [sflag:s15], $0x2000  }
0x4e: {  	[sflag:s15] =	ssyncset.done $0x0  }
0x4f: {  	s0 =	simm.s32 $0x400;
	s1 =	simm.s32 $0x180;
	[sflag:s15] =	ssyncadd.s32 $0xFFFFE000  }
.LBB2_4:
0x50: {  	[tilespmem:s21], [sflag:$0x2] =	stream.indirect.gather [spmem:s2], $0x40, s1, s20, $0xb8;
	[tilespmem:$0x1CC00] =	vst v63  }
0x51: {  	s1 =	smov.u32 s0  }
0x52: {  	p0 =	sne.s32 s0, $0x9400;
	s0 =	sadd.s32 $0x400, s0;
	_ =	swait.ge [sflag:s22], $0x2000  }
0x53: {  	s1 =	sshra.s32 s1, $0x2;
	[sflag:s22] =	ssyncset.done $0x0  }
0x54: {  	s16 =	sadd.s32 $0x2800, s1;
	[sflag:s22] =	ssyncadd.s32 $0xFFFFE000  }
0x55: {  	[spmem:s3] =	stream.indirect.scatter.add.f32 [tilespmem:s19], [sflag:$0x3], $0x40, s16, s20, $0xb8;
	[tilespmem:$0x1CC00] =	vst v63  }
0x56: {  	_ =	swait.ge [sflag:s15], $0x2000  }
0x57: {  	[sflag:s15] =	ssyncset.done $0x0  }
0x58: {  	s16 =	sadd.s32 $0x100, s1;
	[sflag:s15] =	ssyncadd.s32 $0xFFFFE000  }
0x59: {  	[tilespmem:s19], [sflag:$0x1] =	stream.indirect.gather [spmem:s2], $0x40, s16, s20, $0xb8;
	[tilespmem:$0x1CC00] =	vst v63  }
0x5a: {  	_ =	swait.ge [sflag:s23], $0x2000  }
0x5b: {  	[sflag:s23] =	ssyncset.done $0x0  }
.Ltmp1:
0x5c: {  	s16 =	sadd.s32 $0x2880, s1;
	[sflag:s23] =	ssyncadd.s32 $0xFFFFE000;
	(pc) =	sbr.rel @p0 .LBB2_4-.Ltmp1, $4  }
0x5d: {  	[spmem:s3] =	stream.indirect.scatter.add.f32 [tilespmem:s21], [sflag:$0x3], $0x40, s16, s20, $0xb8;
	[tilespmem:$0x1CC00] =	vst v63  }
0x5e: {  	_ =	swait.ge [sflag:s15], $0x2000  }
0x5f: {  	[sflag:s15] =	ssyncset.done $0x0  }
0x60: {  	s1 =	sadd.s32 $0x180, s1;
	[sflag:s15] =	ssyncadd.s32 $0xFFFFE000  }
0x61: {  	[tilespmem:s21], [sflag:$0x2] =	stream.indirect.gather [spmem:s2], $0x40, s1, s20, $0xb8;
	[tilespmem:$0x1CC00] =	vst v63  }
0x62: {  	_ =	swait.ge [sflag:s22], $0x2000  }
0x63: {  	[sflag:s22] =	ssyncset.done $0x0  }
0x64: {  	[sflag:s22] =	ssyncadd.s32 $0xFFFFE000  }
0x65: {  	[spmem:s3] =	stream.indirect.scatter.add.f32 [tilespmem:s19], [sflag:$0x3], $0x40, s24, s20, $0xb8;
	[tilespmem:$0x1CC00] =	vst v63  }
0x66: {  	_ =	swait.ge [sflag:s15], $0x2000  }
0x67: {  	[sflag:s15] =	ssyncset.done $0x0  }
0x68: {  	[sflag:s15] =	ssyncadd.s32 $0xFFFFE000  }
0x69: {  	[tilespmem:s19], [sflag:$0x1] =	stream.indirect.gather [spmem:s2], $0x40, s25, s20, $0xb8;
	[tilespmem:$0x1CC00] =	vst v63  }
0x6a: {  	_ =	swait.ge [sflag:s23], $0x2000  }
0x6b: {  	[sflag:s23] =	ssyncset.done $0x0  }
0x6c: {  	[sflag:s23] =	ssyncadd.s32 $0xFFFFE000  }
0x6d: {  	[spmem:s3] =	stream.indirect.scatter.add.f32 [tilespmem:s21], [sflag:$0x3], $0x40, s26, s20, $0xb8;
	[tilespmem:$0x1CC00] =	vst v63  }
0x6e: {  	_ =	swait.ge [sflag:s15], $0x2000  }
0x6f: {  	[sflag:s15] =	ssyncset.done $0x0  }
0x70: {  	[sflag:s15] =	ssyncadd.s32 $0xFFFFE000  }
0x71: {  	[tilespmem:s21], [sflag:$0x2] =	stream.indirect.gather [spmem:s2], $0x40, s28, s20, $0xb8;
	[tilespmem:$0x1CC00] =	vst v63  }
0x72: {  	_ =	swait.ge [sflag:s22], $0x2000  }
0x73: {  	[sflag:s22] =	ssyncset.done $0x0  }
0x74: {  	[sflag:s22] =	ssyncadd.s32 $0xFFFFE000  }
0x75: {  	[spmem:s3] =	stream.indirect.scatter.add.f32 [tilespmem:s19], [sflag:$0x3], $0x40, s29, s20, $0xb8;
	[tilespmem:$0x1CC00] =	vst v63  }
0x76: {  	_ =	swait.ge [sflag:s15], $0x2000  }
0x77: {  	[sflag:s15] =	ssyncset.done $0x0  }
0x78: {  	[sflag:s15] =	ssyncadd.s32 $0xFFFFE000  }
0x79: {  	[tilespmem:s19], [sflag:$0x1] =	stream.indirect.gather [spmem:s2], $0x40, s28, s20, $0xb8;
	[tilespmem:$0x1CC00] =	vst v63  }
0x7a: {  	_ =	swait.ge [sflag:s23], $0x2000  }
0x7b: {  	[sflag:s23] =	ssyncset.done $0x0  }
0x7c: {  	[sflag:s23] =	ssyncadd.s32 $0xFFFFE000  }
0x7d: {  	[spmem:s3] =	stream.indirect.scatter.add.f32 [tilespmem:s21], [sflag:$0x3], $0x40, s30, s20, $0xb8;
	[tilespmem:$0x1CC00] =	vst v63  }
0x7e: {  	_ =	swait.ge [sflag:s15], $0x2000  }
0x7f: {  	[sflag:s15] =	ssyncset.done $0x0  }
0x80: {  	[sflag:s15] =	ssyncadd.s32 $0xFFFFE000  }
0x81: {  	[tilespmem:s21], [sflag:$0x2] =	stream.indirect.gather [spmem:s2], $0x40, s28, s20, $0xb8;
	[tilespmem:$0x1CC00] =	vst v63  }
0x82: {  	_ =	swait.ge [sflag:s22], $0x2000  }
0x83: {  	[sflag:s22] =	ssyncset.done $0x0  }
0x84: {  	[sflag:s22] =	ssyncadd.s32 $0xFFFFE000  }
0x85: {  	_ =	swait.ge [sflag:s23], $0x2000  }
0x86: {  	s31 =	sadd.s32 $0x1, s31;
	[sflag:s23] =	ssyncset.done $0x0  }
0x87: {  	p0 =	sne.s32 s31, s14;
	[sflag:s23] =	ssyncadd.s32 $0xFFFFE000  }
.Ltmp2:
0x88: {  	s0 =	sshrl.u32 s8, $0x3;
	[bflag:$0x0] =	sbarrier.arrive $0xFFFF;
	(pc) =	sbr.rel @p0 .LBB2_1-.Ltmp2, $4  }
0x89: {  	[hbm:s13], [sflag:s17] =	dma.local [spmem:s0], $0x13C0  }
0x8a: {  	_ =	swait.ge [sflag:s15], $0x13C0  }
0x8b: {  	[sflag:s15] =	ssyncset.done $0x0  }
0x8c: {  	[sflag:s15] =	ssyncadd.s32 $0xFFFFEC40  }
0x8d: {  	_ =	sfence.sel $0x180000  }
0x8e: {  	[bflag:$0x0] =	sbarrier.arrive $0xFFFF  }
0x8f: {  	_ =	strace $0x9000004A  }
0x90: {  	s0 =	stileid.u32;
	[bflag:$0x2] =	sbarrier.arrive $0xFFFF  }
0x91: {  	p0 =	sne.s32 s0, $0x0;
	s0 =	rddreg [dreg:$0x3]  }
0x92: {  	s0 =	sadd.s32 @!p0 $0x100000, s0  }
0x93: {  	[sflag:s0] =	ssyncadd.tile.s32 @!p0 $0x1;
	_ =	shalt  }
.Lfunc_end2:
_tile_overlayer_lowered:
.L_overlay_start_2:
0x94: {  	(tag) =	ssettag $0x2  }
0x95: {  	s0 =	rddreg [dreg:$0x0];
	s2 =	stileid.u32  }
0x96: {  	s1 =	rddreg [dreg:$0x1];
	p0 =	sne.s32 s2, $0x0  }
0x97: {  	s3 =	rddreg [dreg:$0x2];
	[bflag:$0x3] =	sbarrier.arrive $0xFFFF;
	s2 =	simm.s32 @!p0 $0x1C03  }
0x98: {  	[timem:s3], [sflag:s2] =	dma.local @!p0 [hbm:s0], s1  }
0x99: {  	s0 =	simm.s32 @!p0 $0x3  }
0x9a: {  	_ =	swait.ge @!p0 [sflag:s0], s1  }
0x9b: {  	s1 =	ssub.s32 @!p0 $0x0, s1;
	[sflag:s0] =	ssyncset.done @!p0 $0x0  }
0x9c: {  	[sflag:s0] =	ssyncadd.s32 @!p0 s1  }
0x9d: {  	[bflag:$0x3] =	sbarrier.arrive $0xFFFF  }
0x9e: {  	_ =	shalt  }

// kernel: kernel.19.cloned.1.call-start
scs
__scs_entry_jumppad:
0x0: {  	(pc) =	sbr.rel $0x88, $3  }
0x1: {  	(tag) =	ssettag $0x0;
	lr =	simm.s32 $0x1  }
0x2: {  	[smem:$0x3F95] =	sst lr;
	_ =	strace $0xD0000000  }
0x3: {  	_ = 	snop  }
0x4: {  	_ = 	snop  }
0x5: {  	_ = 	snop  }
0x6: {  	_ = 	snop  }
0x7: {  	_ = 	snop  }
__scs_overlays_trampoline_lowered:
0x8: {  	[smem:$0x3FA4] =	sst s0  }
0x9: {  	[smem:$0x3FA5] =	sst s1  }
0xa: {  	[smem:$0x3FA6] =	sst s2  }
0xb: {  	[smem:$0x3FA7] =	sst s3  }
0xc: {  	[smem:$0x3FA8] =	sst s4  }
0xd: {  	[smem:$0x3FA9] =	sst s5  }
0xe: {  	[smem:$0x3FAA] =	sst s6  }
0xf: {  	[smem:$0x3FAB] =	sst s7  }
0x10: {  	[smem:$0x3FAC] =	sst s8  }
0x11: {  	[smem:$0x3FAD] =	sst s9;
	s0 =	simm.s32 @!p0 $0x0  }
0x12: {  	s1 =	sld [smem:$0x3F93];
	s0 =	simm.s32 @p0 $0x1  }
0x13: {  	[smem:$0x3FAE] =	sst s0;
	s0 =	simm.s32 @!p1 $0x0  }
0x14: {  	s2 =	sld [smem:$0x3F92];
	s0 =	simm.s32 @p1 $0x1  }
0x15: {  	[smem:$0x3FAF] =	sst s0;
	s0 =	simm.s32 @!p2 $0x0  }
0x16: {  	s3 =	sld [smem:$0x3FDB];
	s0 =	simm.s32 @p2 $0x1  }
0x17: {  	s4 =	simm.s32 $0x1BF5;
	[smem:$0x3FB1] =	sst s0  }
0x18: {  	s0 =	sld [smem:$0x3F94];
	_ =	swait.ge [sflag:s4], $0x0  }
0x19: {  	s7 =	sld [smem:$0x3F95]  }
0x1a: {  	s8 =	sadd.s32 $0xFFFFE003, lr  }
0x1b: {  	s9 =	sadd.s32 $0xFFFFFEF7, lr;
	s5 =	simm.s32 $0xFFFFFFFF;
	p2 =	slt.u32 s8, $0xFFFFF086  }
0x1c: {  	p1 =	slt.u32 s9, $0xF7A;
	s5 =	simm.s32 @!p2 $0x0  }
0x1d: {  	s5 =	simm.s32 @p1 $0x1;
	p0 =	seq.s32 s7, s2  }
0x1e: {  	s7 =	smul.u32 @!p0 $0xF7A, s2;
	p2 =	seq.s32 @!p0 s5, $0x0  }
0x1f: {  	s9 =	smul.u32 $0xF7A, s1;
	s8 =	simm.s32 @!p0 $0x1BF5;
	p2 =	por !p2, p0  }
0x20: {  	[sflag:s8] =	ssyncset.s32 @!p0 $0xFFFFF086;
	s6 =	sadd.s32 @!p0 s3, s7;
	s7 =	simm.s32 @!p0 $0x108  }
0x21: {  	s3 =	sadd.s32 s3, s9;
	s6 =	sadd.s32 @!p0 $0x88, s6;
	s7 =	simm.s32 @p2 $0x1082  }
0x22: {  	[simem:s7], [sflag:s8] =	dma.local @!p0 [hbm:s6], $0xF7A  }
0x23: {  	s9 =	sor.u32 $0xD0000000, s2;
	s6 =	simm.s32 $0x108;
	_ =	swait.ge @!p0 [sflag:s8], $0x0  }
0x24: {  	s3 =	sadd.s32 $0x88, s3;
	s6 =	simm.s32 @!p1 $0x1082;
	[sflag:s4] =	ssyncset.s32 $0xFFFFF086  }
0x25: {  	[simem:s6], [sflag:s4] =	dma.local [hbm:s3], $0xF7A  }
0x26: {  	[smem:$0x3F95] =	sst s1;
	(tag) =	ssettag s2;
	_ =	strace s9  }
0x27: {  	s1 =	sld [smem:$0x3FA5]  }
0x28: {  	s2 =	sld [smem:$0x3FA6]  }
0x29: {  	s4 =	sld [smem:$0x3FA8]  }
0x2a: {  	p0 =	seq.s32 s5, $0x0;
	s5 =	sld [smem:$0x3FA9]  }
0x2b: {  	s6 =	sld [smem:$0x3FAA]  }
0x2c: {  	s7 =	sld [smem:$0x3FAB]  }
0x2d: {  	s3 =	simm.s32 $0x108;
	s8 =	sld [smem:$0x3FAC]  }
0x2e: {  	s3 =	simm.s32 @!p0 $0x1082;
	s9 =	sld [smem:$0x3FAD]  }
0x2f: {  	lr =	sadd.s32 s0, s3;
	s0 =	sld [smem:$0x3FA4]  }
0x30: {  	s3 =	sld [smem:$0x3FA7]  }
0x31: {  	[smem:$0x3FB0] =	sst s10  }
0x32: {  	s10 =	sld [smem:$0x3FAE];
	_ =	sdelay $0x3  }
0x33: {  	p0 =	seq.s32 s10, $0x1;
	s10 =	sld [smem:$0x3FB0];
	_ =	sdelay $0x3  }
0x34: {  	[smem:$0x3FB0] =	sst s10  }
0x35: {  	s10 =	sld [smem:$0x3FAF];
	_ =	sdelay $0x3  }
0x36: {  	p1 =	seq.s32 s10, $0x1;
	s10 =	sld [smem:$0x3FB0];
	_ =	sdelay $0x3  }
0x37: {  	[smem:$0x3FB0] =	sst s10  }
0x38: {  	s10 =	sld [smem:$0x3FB1]  }
0x39: {  	_ = 	snop;
	(pc) =	sbr.ind lr, $3  }
0x3a: {  	_ = 	snop  }
0x3b: {  	_ = 	snop  }
0x3c: {  	p2 =	seq.s32 s10, $0x1;
	s10 =	sld [smem:$0x3FB0]  }
0x3d: {  	_ =	shalt  }
0x3e: {  	_ =	shalt  }
0x3f: {  	_ =	shalt  }
0x40: {  	_ =	shalt  }
0x41: {  	_ =	shalt  }
0x42: {  	_ =	shalt  }
0x43: {  	_ =	shalt  }
0x44: {  	_ =	shalt  }
0x45: {  	_ =	shalt  }
0x46: {  	_ =	shalt  }
0x47: {  	_ =	shalt  }
0x48: {  	_ =	shalt  }
0x49: {  	_ =	shalt  }
0x4a: {  	_ =	shalt  }
0x4b: {  	_ =	shalt  }
0x4c: {  	_ =	shalt  }
0x4d: {  	_ =	shalt  }
0x4e: {  	_ =	shalt  }
0x4f: {  	_ =	shalt  }
0x50: {  	_ =	shalt  }
0x51: {  	_ =	shalt  }
0x52: {  	_ =	shalt  }
0x53: {  	_ =	shalt  }
0x54: {  	_ =	shalt  }
0x55: {  	_ =	shalt  }
0x56: {  	_ =	shalt  }
0x57: {  	_ =	shalt  }
0x58: {  	_ =	shalt  }
0x59: {  	_ =	shalt  }
0x5a: {  	_ =	shalt  }
0x5b: {  	_ =	shalt  }
0x5c: {  	_ =	shalt  }
0x5d: {  	_ =	shalt  }
0x5e: {  	_ =	shalt  }
0x5f: {  	_ =	shalt  }
0x60: {  	_ =	shalt  }
0x61: {  	_ =	shalt  }
0x62: {  	_ =	shalt  }
0x63: {  	_ =	shalt  }
0x64: {  	_ =	shalt  }
0x65: {  	_ =	shalt  }
0x66: {  	_ =	shalt  }
0x67: {  	_ =	shalt  }
0x68: {  	_ =	shalt  }
0x69: {  	_ =	shalt  }
0x6a: {  	_ =	shalt  }
0x6b: {  	_ =	shalt  }
0x6c: {  	_ =	shalt  }
0x6d: {  	_ =	shalt  }
0x6e: {  	_ =	shalt  }
0x6f: {  	_ =	shalt  }
0x70: {  	_ =	shalt  }
0x71: {  	_ =	shalt  }
0x72: {  	_ =	shalt  }
0x73: {  	_ =	shalt  }
0x74: {  	_ =	shalt  }
0x75: {  	_ =	shalt  }
0x76: {  	_ =	shalt  }
0x77: {  	_ =	shalt  }
0x78: {  	_ =	shalt  }
0x79: {  	_ =	shalt  }
0x7a: {  	_ =	shalt  }
0x7b: {  	_ =	shalt  }
0x7c: {  	_ =	shalt  }
0x7d: {  	_ =	shalt  }
0x7e: {  	_ =	shalt  }
0x7f: {  	_ =	shalt  }
0x80: {  	_ =	shalt  }
0x81: {  	_ =	shalt  }
0x82: {  	_ =	shalt  }
0x83: {  	_ =	shalt  }
0x84: {  	_ =	shalt  }
0x85: {  	_ =	shalt  }
0x86: {  	_ =	shalt  }
0x87: {  	_ =	shalt  }
.Lfunc_end0:
.L_simem_size_0:
called_computation.2_lowered:
.L_overlay_start_0:
0x88: {  	s2 =	sld [smem:$0x3FD9]  }
0x89: {  	s3 =	sld [smem:$0x3FFE];
	_ =	sdelay $0x1  }
0x8a: {  	s1 =	srdreg.scid  }
0x8b: {  	s0 =	sand.u32 $0x1, s1  }
0x8c: {  	s16 =	sshll.u32 s0, $0xA;
	s2 =	sadd.s32 s3, s2  }
0x8d: {  	s2 =	sadd.s32 s2, s16  }
0x8e: {  	[smem:$0x3FBC] =	sst s2  }
0x8f: {  	_ = 	snop  }
0x90: {  	(tm) =	ssettm $0x1  }
0x91: {  	s17 =	sld [smem:$0x3FFB];
	_ =	sdelay $0x3  }
0x92: {  	_ =	strace s17  }
0x93: {  	s2 =	sld [smem:$0x3FFC];
	_ =	sdelay $0x3  }
0x94: {  	_ =	strace s2  }
0x95: {  	s2 =	sld [smem:$0x3FFD];
	_ =	sdelay $0x3  }
0x96: {  	_ =	strace s2  }
0x97: {  	_ =	strace $0x8FFFFFFF  }
0x98: {  	s18 =	sld [smem:$0x3FDB];
	_ =	sdelay $0x1  }
0x99: {  	s19 =	simm.s32 $_scs_section_size  }
0x9a: {  	s4 =	simm.s32 $_size__tile_overlayer_lowered;
	s5 =	simm.s32 $_tile_overlayer_lowered  }
0x9b: {  	s22 =	simm.s32 $0x1BFF;
	s21 =	sshll.u32 s5, $0x1;
	s2 =	sadd.s32 s19, s18  }
0x9c: {  	s6 =	simm.s32 $0x0;
	s20 =	sshll.u32 s4, $0x1;
	s4 =	sadd.s32 s21, s2  }
0x9d: {  	[timem:s6], [sflag:s22] =	dma.local [hbm:s4], s20  }
0x9e: {  	_ =	swait.ge [sflag:s22], s20  }
0x9f: {  	s3 =	ssub.s32 $0x0, s20;
	[sflag:s22] =	ssyncset.done $0x0  }
0xa0: {  	[sflag:s22] =	ssyncadd.s32 s3;
	_ =	sdelay $0x1  }
0xa1: {  	s23 =	simm.s32 $0x1B8B  }
0xa2: {  	_ =	swait.ge [sflag:s23], $0x1  }
0xa3: {  	[sflag:s23] =	ssyncset.done $0x0  }
0xa4: {  	s25 =	simm.s32 $0x1B8E;
	s24 =	sld [smem:$0x3FFE];
	[sflag:s23] =	ssyncadd.s32 $0xFFFFFFFF  }
0xa5: {  	s26 =	simm.s32 $execute0_lowered;
	[smem:$0x3FD2] =	sst s25  }
0xa6: {  	s4 =	sshll.u32 s26, $0x1;
	_ =	strace $0x8000004C;
	[dreg:$0x1] =	wrdreg $0xFFFFFFFF  }
0xa7: {  	s28 =	simm.s32 $_size_execute0_lowered;
	s2 =	sadd.s32 s2, s4;
	[dreg:$0x0] =	wrdreg $0x0  }
0xa8: {  	s4 =	sshll.u32 s28, $0x1;
	[dreg:$0x2] =	wrdreg s2  }
0xa9: {  	[dreg:$0x3] =	wrdreg s4  }
0xaa: {  	[dreg:$0x4] =	wrdreg $0xC0  }
0xab: {  	_ =	task [dreg:s6], $0x5FFFF  }
0xac: {  	[dreg:$0x1] =	wrdreg $0xFFFFFFFF  }
0xad: {  	[dreg:$0x0] =	wrdreg $0x60  }
0xae: {  	[dreg:$0x2] =	wrdreg s24  }
0xaf: {  	[dreg:$0x3] =	wrdreg $0x90000  }
0xb0: {  	[dreg:$0x4] =	wrdreg $0x12E000  }
0xb1: {  	[dreg:$0x5] =	wrdreg $0x9  }
0xb2: {  	_ =	task.clear_ibuf [dreg:s6], $0x6FFFF;
	_ =	strace $0x9000004C  }
0xb3: {  	s29 =	simm.s32 $0x9;
	_ =	strace $0x8000004E  }
0xb4: {  	_ =	swait.ge [sflag:s29], $0x1  }
0xb5: {  	[sflag:s29] =	ssyncadd.s32 $0xFFFFFFFF  }
0xb6: {  	_ =	strace $0x9000004E  }
0xb7: {  	_ =	sfence  }
0xb8: {  	s30 =	sld [smem:$0x0];
	_ =	sdelay $0x2  }
0xb9: {  	s31 =	sshll.u32 s1, $0xD;
	s1 =	sshrl.u32 s1, $0x2  }
0xba: {  	s3 =	sand.u32 $0x4000, s31;
	s1 =	sadd.s32 s1, s30  }
0xbb: {  	s0 =	sor.u32 s3, s0;
	s1 =	sshll.u32 s1, $0x11  }
0xbc: {  	s0 =	sor.u32 s1, s0  }
0xbd: {  	s0 =	sadd.s32 $0x8F2B, s0  }
0xbe: {  	[sflag:s0] =	ssyncadd.remote.s32 $0x1  }
0xbf: {  	_ =	sfence.sel $0xFFFF  }
0xc0: {  	[dreg:$0x0] =	wrdreg $0xFFFFFFFF;
	(pc) =	sbr.abs _section_cstart, $3  }
0xc1: {  	[dreg:$0x1] =	wrdreg $0xFFFFFFFF  }
0xc2: {  	_ =	task.clear_ibuf [dreg:s6], $0x2FFFF;
	_ =	strace $0x9FFFFFFF  }
0xc3: {  	(tm) =	ssettm $0x7FFFFFFF  }
tec
execute0_lowered:
.L_overlay_start_1:
0x0: {  	(tag) =	ssettag $0x1  }
0x1: {  	s0 =	rddreg [dreg:$0x0]  }
0x2: {  	s2 =	rddreg [dreg:$0x1]  }
0x3: {  	s3 =	rddreg [dreg:$0x2];
	s16 =	stileid.u32;
	s4 =	simm.s32 $0x0  }
0x4: {  	s5 =	srdreg.scid;
	s15 =	simm.s32 $0x3;
	s19 =	simm.s32 $0x5000  }
0x5: {  	s20 =	simm.s32 $0x80;
	s21 =	simm.s32 $0x7000;
	s28 =	simm.s32 $0x2780  }
0x6: {  	s29 =	simm.s32 $0x4F00;
	s30 =	simm.s32 $0x4F80;
	s31 =	simm.s32 $0x0  }
0x7: {  	s1 =	smul.u32 $0x9E00, s16;
	[smem:$0x7FF] =	sst s4;
	s5 =	sand.u32 $0x1, s5  }
0x8: {  	s10 =	smul.u32 $0x27800, s16;
	s26 =	sshll.u32 s16, $0x6;
	s7 =	sshll.u32 s5, $0x4  }
0x9: {  	s8 =	smul.u32 $0x9E000, s5;
	_ =	strace $0x8000004D;
	s5 =	ssub.s32 $0x2, s5  }
0xa: {  	s17 =	sor.u32 $0x1C03, s26;
	s26 =	simm.s32 $0x4E80;
	s6 =	sshrl.u32 s1, $0x3  }
0xb: {  	s22 =	sor.u32 s16, s7;
	s24 =	sshrl.u32 s5, $0x1;
	s25 =	sshrl.u32 s10, $0x2  }
0xc: {  	s18 =	sadd.s32 s1, s2;
	s9 =	sadd.s32 s6, s0;
	s6 =	smul.u32 $0x500, s22  }
0xd: {  	s23 =	sadd.s32 s1, s8;
	s14 =	ssub.s32 s5, s24;
	s12 =	sadd.s32 s25, s3  }
0xe: {  	s8 =	sadd.s32 s1, s3;
	s18 =	sshrl.u32 s18, $0x3;
	s22 =	simm.s32 $0x1  }
0xf: {  	s24 =	simm.s32 $0x4E00;
	s25 =	simm.s32 $0x2700;
	s7 =	sshrl.u32 s23, $0x3  }
0x10: {  	s10 =	sadd.s32 $0x4000, s12;
	s11 =	sadd.s32 $0x6000, s12;
	s14 =	smax.u32 s14, $0x1  }
0x11: {  	s23 =	simm.s32 $0x2;
	s6 =	sadd.s32 s6, s0;
	s0 =	sadd.s32 s7, s0  }
0x12: {  	s7 =	sadd.s32 $0x18000, s9;
	s9 =	sadd.s32 $0x2000, s12;
	s12 =	sadd.s32 $0x8000, s12  }
0x13: {  	v0 =	vimm.f32 $0.0e+00;
	s5 =	sadd.s32 $0xE000, s6;
	s6 =	sadd.s32 $0x3A00, s6;
	s13 =	sadd.s32 $0x2BC00, s0  }
.LBB2_1:
0x14: {  	[tilespmem:s4], [sflag:$0x3] =	stream.linear.gather [hbm4b:s5+s4], $0x2800, $0x38;
	[tilespmem:$0x1CC00] =	vst v63  }
0x15: {  	_ =	swait.ge [sflag:s15], $0x2800  }
0x16: {  	[sflag:s15] =	ssyncset.done $0x0  }
0x17: {  	s0 =	simm.s32 $0x2800;
	[sflag:s15] =	ssyncadd.s32 $0xFFFFD800  }
0x18: {  	[tilespmem:s0], [sflag:$0x3] =	stream.linear.gather [hbm4b:s6+s4], $0x2800, $0x38;
	[tilespmem:$0x1CC00] =	vst v63  }
0x19: {  	_ =	swait.ge [sflag:s15], $0x2800  }
0x1a: {  	[sflag:s15] =	ssyncset.done $0x0  }
0x1b: {  	[sflag:s15] =	ssyncadd.s32 $0xFFFFD800  }
0x1c: {  	[spmem:s18], [sflag:s17] =	dma.local [hbm:s7], $0x13C0  }
0x1d: {  	_ =	swait.ge [sflag:s15], $0x13C0  }
0x1e: {  	[sflag:s15] =	ssyncset.done $0x0  }
0x1f: {  	s1 =	simm.s32 $0x100;
	s0 =	simm.s32 $0x0;
	[sflag:s15] =	ssyncadd.s32 $0xFFFFEC40  }
.LBB2_2:
0x20: {  	p0 =	sne.s32 s1, $0x7F00;
	[tilespmem:s0+$0x5030] =	vst v0;
	s16 =	smov.u32 s1;
	s1 =	sadd.s32 $0x100, s1  }
.Ltmp0:
0x21: {  	[tilespmem:s0+$0x5020] =	vst v0;
	(pc) =	sbr.rel @p0 .LBB2_2-.Ltmp0, $3  }
0x22: {  	[tilespmem:s0+$0x5000] =	vst v0  }
0x23: {  	[tilespmem:s0+$0x5010] =	vst v0;
	_ =	sdelay $0x1  }
0x24: {  	s0 =	sshra.s32 s16, $0x2  }
0x25: {  	[tilespmem:s0+$0x5030] =	vst v0  }
0x26: {  	[tilespmem:s0+$0x5020] =	vst v0  }
0x27: {  	[tilespmem:s0+$0x5000] =	vst v0  }
0x28: {  	[tilespmem:s0+$0x5010] =	vst v0  }
0x29: {  	[spmem:s8] =	stream.linear.scatter [tilespmem:s19], [sflag:$0x3], $0x2000, $0x38;
	[tilespmem:$0x1CC00] =	vst v63  }
0x2a: {  	_ =	swait.ge [sflag:s15], $0x2000  }
0x2b: {  	[sflag:s15] =	ssyncset.done $0x0  }
0x2c: {  	[sflag:s15] =	ssyncadd.s32 $0xFFFFE000  }
0x2d: {  	[spmem:s9] =	stream.linear.scatter [tilespmem:s19], [sflag:$0x3], $0x2000, $0x38;
	[tilespmem:$0x1CC00] =	vst v63  }
0x2e: {  	_ =	swait.ge [sflag:s15], $0x2000  }
0x2f: {  	[sflag:s15] =	ssyncset.done $0x0  }
0x30: {  	[sflag:s15] =	ssyncadd.s32 $0xFFFFE000  }
0x31: {  	[spmem:s10] =	stream.linear.scatter [tilespmem:s19], [sflag:$0x3], $0x2000, $0x38;
	[tilespmem:$0x1CC00] =	vst v63  }
0x32: {  	_ =	swait.ge [sflag:s15], $0x2000  }
0x33: {  	[sflag:s15] =	ssyncset.done $0x0  }
0x34: {  	[sflag:s15] =	ssyncadd.s32 $0xFFFFE000  }
0x35: {  	[spmem:s11] =	stream.linear.scatter [tilespmem:s19], [sflag:$0x3], $0x2000, $0x38;
	[tilespmem:$0x1CC00] =	vst v63  }
0x36: {  	_ =	swait.ge [sflag:s15], $0x2000  }
0x37: {  	[sflag:s15] =	ssyncset.done $0x0  }
0x38: {  	[sflag:s15] =	ssyncadd.s32 $0xFFFFE000  }
0x39: {  	[spmem:s12] =	stream.linear.scatter [tilespmem:s19], [sflag:$0x3], $0x1E00, $0x38;
	[tilespmem:$0x1CC00] =	vst v63  }
0x3a: {  	_ =	swait.ge [sflag:s15], $0x1E00  }
0x3b: {  	[sflag:s15] =	ssyncset.done $0x0  }
0x3c: {  	[sflag:s15] =	ssyncadd.s32 $0xFFFFE200  }
0x3d: {  	s1 =	simm.s32 $0x0;
	[bflag:$0x0] =	sbarrier.arrive $0xFFFF  }
0x3e: {  	[tilespmem:s19], [sflag:$0x1] =	stream.indirect.gather [spmem:s2], $0x40, s1, s20, $0xb8;
	[tilespmem:$0x1CC00] =	vst v63  }
0x3f: {  	_ = 	snop  }
0x40: {  	[tilespmem:s21], [sflag:$0x2] =	stream.indirect.gather [spmem:s2], $0x40, s20, s20, $0xb8;
	[tilespmem:$0x1CC00] =	vst v63  }
0x41: {  	_ =	swait.ge [sflag:s22], $0x2000  }
0x42: {  	[sflag:s22] =	ssyncset.done $0x0  }
0x43: {  	s16 =	simm.s32 $0x2800;
	[sflag:s22] =	ssyncadd.s32 $0xFFFFE000  }
0x44: {  	[spmem:s3] =	stream.indirect.scatter.add.f32 [tilespmem:s19], [sflag:$0x3], $0x40, s16, s20, $0xb8;
	[tilespmem:$0x1CC00] =	vst v63  }
0x45: {  	_ =	swait.ge [sflag:s15], $0x2000  }
0x46: {  	[sflag:s15] =	ssyncset.done $0x0  }
0x47: {  	s1 =	simm.s32 $0x100;
	[sflag:s15] =	ssyncadd.s32 $0xFFFFE000  }
0x48: {  	[tilespmem:s19], [sflag:$0x1] =	stream.indirect.gather [spmem:s2], $0x40, s1, s20, $0xb8;
	[tilespmem:$0x1CC00] =	vst v63  }
0x49: {  	_ =	swait.ge [sflag:s23], $0x2000  }
0x4a: {  	[sflag:s23] =	ssyncset.done $0x0  }
0x4b: {  	s16 =	simm.s32 $0x2880;
	[sflag:s23] =	ssyncadd.s32 $0xFFFFE000  }
0x4c: {  	[spmem:s3] =	stream.indirect.scatter.add.f32 [tilespmem:s21], [sflag:$0x3], $0x40, s16, s20, $0xb8;
	[tilespmem:$0x1CC00] =	vst v63  }
0x4d: {  	_ =	swait.ge [sflag:s15], $0x2000  }
0x4e: {  	[sflag:s15] =	ssyncset.done $0x0  }
0x4f: {  	s0 =	simm.s32 $0x400;
	s1 =	simm.s32 $0x180;
	[sflag:s15] =	ssyncadd.s32 $0xFFFFE000  }
.LBB2_4:
0x50: {  	[tilespmem:s21], [sflag:$0x2] =	stream.indirect.gather [spmem:s2], $0x40, s1, s20, $0xb8;
	[tilespmem:$0x1CC00] =	vst v63  }
0x51: {  	s1 =	smov.u32 s0  }
0x52: {  	p0 =	sne.s32 s0, $0x9400;
	s0 =	sadd.s32 $0x400, s0;
	_ =	swait.ge [sflag:s22], $0x2000  }
0x53: {  	s1 =	sshra.s32 s1, $0x2;
	[sflag:s22] =	ssyncset.done $0x0  }
0x54: {  	s16 =	sadd.s32 $0x2800, s1;
	[sflag:s22] =	ssyncadd.s32 $0xFFFFE000  }
0x55: {  	[spmem:s3] =	stream.indirect.scatter.add.f32 [tilespmem:s19], [sflag:$0x3], $0x40, s16, s20, $0xb8;
	[tilespmem:$0x1CC00] =	vst v63  }
0x56: {  	_ =	swait.ge [sflag:s15], $0x2000  }
0x57: {  	[sflag:s15] =	ssyncset.done $0x0  }
0x58: {  	s16 =	sadd.s32 $0x100, s1;
	[sflag:s15] =	ssyncadd.s32 $0xFFFFE000  }
0x59: {  	[tilespmem:s19], [sflag:$0x1] =	stream.indirect.gather [spmem:s2], $0x40, s16, s20, $0xb8;
	[tilespmem:$0x1CC00] =	vst v63  }
0x5a: {  	_ =	swait.ge [sflag:s23], $0x2000  }
0x5b: {  	[sflag:s23] =	ssyncset.done $0x0  }
.Ltmp1:
0x5c: {  	s16 =	sadd.s32 $0x2880, s1;
	[sflag:s23] =	ssyncadd.s32 $0xFFFFE000;
	(pc) =	sbr.rel @p0 .LBB2_4-.Ltmp1, $4  }
0x5d: {  	[spmem:s3] =	stream.indirect.scatter.add.f32 [tilespmem:s21], [sflag:$0x3], $0x40, s16, s20, $0xb8;
	[tilespmem:$0x1CC00] =	vst v63  }
0x5e: {  	_ =	swait.ge [sflag:s15], $0x2000  }
0x5f: {  	[sflag:s15] =	ssyncset.done $0x0  }
0x60: {  	s1 =	sadd.s32 $0x180, s1;
	[sflag:s15] =	ssyncadd.s32 $0xFFFFE000  }
0x61: {  	[tilespmem:s21], [sflag:$0x2] =	stream.indirect.gather [spmem:s2], $0x40, s1, s20, $0xb8;
	[tilespmem:$0x1CC00] =	vst v63  }
0x62: {  	_ =	swait.ge [sflag:s22], $0x2000  }
0x63: {  	[sflag:s22] =	ssyncset.done $0x0  }
0x64: {  	[sflag:s22] =	ssyncadd.s32 $0xFFFFE000  }
0x65: {  	[spmem:s3] =	stream.indirect.scatter.add.f32 [tilespmem:s19], [sflag:$0x3], $0x40, s24, s20, $0xb8;
	[tilespmem:$0x1CC00] =	vst v63  }
0x66: {  	_ =	swait.ge [sflag:s15], $0x2000  }
0x67: {  	[sflag:s15] =	ssyncset.done $0x0  }
0x68: {  	[sflag:s15] =	ssyncadd.s32 $0xFFFFE000  }
0x69: {  	[tilespmem:s19], [sflag:$0x1] =	stream.indirect.gather [spmem:s2], $0x40, s25, s20, $0xb8;
	[tilespmem:$0x1CC00] =	vst v63  }
0x6a: {  	_ =	swait.ge [sflag:s23], $0x2000  }
0x6b: {  	[sflag:s23] =	ssyncset.done $0x0  }
0x6c: {  	[sflag:s23] =	ssyncadd.s32 $0xFFFFE000  }
0x6d: {  	[spmem:s3] =	stream.indirect.scatter.add.f32 [tilespmem:s21], [sflag:$0x3], $0x40, s26, s20, $0xb8;
	[tilespmem:$0x1CC00] =	vst v63  }
0x6e: {  	_ =	swait.ge [sflag:s15], $0x2000  }
0x6f: {  	[sflag:s15] =	ssyncset.done $0x0  }
0x70: {  	[sflag:s15] =	ssyncadd.s32 $0xFFFFE000  }
0x71: {  	[tilespmem:s21], [sflag:$0x2] =	stream.indirect.gather [spmem:s2], $0x40, s28, s20, $0xb8;
	[tilespmem:$0x1CC00] =	vst v63  }
0x72: {  	_ =	swait.ge [sflag:s22], $0x2000  }
0x73: {  	[sflag:s22] =	ssyncset.done $0x0  }
0x74: {  	[sflag:s22] =	ssyncadd.s32 $0xFFFFE000  }
0x75: {  	[spmem:s3] =	stream.indirect.scatter.add.f32 [tilespmem:s19], [sflag:$0x3], $0x40, s29, s20, $0xb8;
	[tilespmem:$0x1CC00] =	vst v63  }
0x76: {  	_ =	swait.ge [sflag:s15], $0x2000  }
0x77: {  	[sflag:s15] =	ssyncset.done $0x0  }
0x78: {  	[sflag:s15] =	ssyncadd.s32 $0xFFFFE000  }
0x79: {  	[tilespmem:s19], [sflag:$0x1] =	stream.indirect.gather [spmem:s2], $0x40, s28, s20, $0xb8;
	[tilespmem:$0x1CC00] =	vst v63  }
0x7a: {  	_ =	swait.ge [sflag:s23], $0x2000  }
0x7b: {  	[sflag:s23] =	ssyncset.done $0x0  }
0x7c: {  	[sflag:s23] =	ssyncadd.s32 $0xFFFFE000  }
0x7d: {  	[spmem:s3] =	stream.indirect.scatter.add.f32 [tilespmem:s21], [sflag:$0x3], $0x40, s30, s20, $0xb8;
	[tilespmem:$0x1CC00] =	vst v63  }
0x7e: {  	_ =	swait.ge [sflag:s15], $0x2000  }
0x7f: {  	[sflag:s15] =	ssyncset.done $0x0  }
0x80: {  	[sflag:s15] =	ssyncadd.s32 $0xFFFFE000  }
0x81: {  	[tilespmem:s21], [sflag:$0x2] =	stream.indirect.gather [spmem:s2], $0x40, s28, s20, $0xb8;
	[tilespmem:$0x1CC00] =	vst v63  }
0x82: {  	_ =	swait.ge [sflag:s22], $0x2000  }
0x83: {  	[sflag:s22] =	ssyncset.done $0x0  }
0x84: {  	[sflag:s22] =	ssyncadd.s32 $0xFFFFE000  }
0x85: {  	_ =	swait.ge [sflag:s23], $0x2000  }
0x86: {  	s31 =	sadd.s32 $0x1, s31;
	[sflag:s23] =	ssyncset.done $0x0  }
0x87: {  	p0 =	sne.s32 s31, s14;
	[sflag:s23] =	ssyncadd.s32 $0xFFFFE000  }
.Ltmp2:
0x88: {  	s0 =	sshrl.u32 s8, $0x3;
	[bflag:$0x0] =	sbarrier.arrive $0xFFFF;
	(pc) =	sbr.rel @p0 .LBB2_1-.Ltmp2, $4  }
0x89: {  	[hbm:s13], [sflag:s17] =	dma.local [spmem:s0], $0x13C0  }
0x8a: {  	_ =	swait.ge [sflag:s15], $0x13C0  }
0x8b: {  	[sflag:s15] =	ssyncset.done $0x0  }
0x8c: {  	[sflag:s15] =	ssyncadd.s32 $0xFFFFEC40  }
0x8d: {  	_ =	sfence.sel $0x180000  }
0x8e: {  	[bflag:$0x0] =	sbarrier.arrive $0xFFFF  }
0x8f: {  	_ =	strace $0x9000004D  }
0x90: {  	s0 =	stileid.u32;
	[bflag:$0x2] =	sbarrier.arrive $0xFFFF  }
0x91: {  	p0 =	sne.s32 s0, $0x0;
	s0 =	rddreg [dreg:$0x3]  }
0x92: {  	s0 =	sadd.s32 @!p0 $0x100000, s0  }
0x93: {  	[sflag:s0] =	ssyncadd.tile.s32 @!p0 $0x1;
	_ =	shalt  }
.Lfunc_end2:
_tile_overlayer_lowered:
.L_overlay_start_2:
0x94: {  	(tag) =	ssettag $0x2  }
0x95: {  	s0 =	rddreg [dreg:$0x0];
	s2 =	stileid.u32  }
0x96: {  	s1 =	rddreg [dreg:$0x1];
	p0 =	sne.s32 s2, $0x0  }
0x97: {  	s3 =	rddreg [dreg:$0x2];
	[bflag:$0x3] =	sbarrier.arrive $0xFFFF;
	s2 =	simm.s32 @!p0 $0x1C03  }
0x98: {  	[timem:s3], [sflag:s2] =	dma.local @!p0 [hbm:s0], s1  }
0x99: {  	s0 =	simm.s32 @!p0 $0x3  }
0x9a: {  	_ =	swait.ge @!p0 [sflag:s0], s1  }
0x9b: {  	s1 =	ssub.s32 @!p0 $0x0, s1;
	[sflag:s0] =	ssyncset.done @!p0 $0x0  }
0x9c: {  	[sflag:s0] =	ssyncadd.s32 @!p0 s1  }
0x9d: {  	[bflag:$0x3] =	sbarrier.arrive $0xFFFF  }
0x9e: {  	_ =	shalt  }

// kernel: kernel.22.cloned.1.call-start
scs
__scs_entry_jumppad:
0x0: {  	(pc) =	sbr.rel $0x88, $3  }
0x1: {  	(tag) =	ssettag $0x0;
	lr =	simm.s32 $0x1  }
0x2: {  	[smem:$0x3F95] =	sst lr;
	_ =	strace $0xD0000000  }
0x3: {  	_ = 	snop  }
0x4: {  	_ = 	snop  }
0x5: {  	_ = 	snop  }
0x6: {  	_ = 	snop  }
0x7: {  	_ = 	snop  }
__scs_overlays_trampoline_lowered:
0x8: {  	[smem:$0x3FA4] =	sst s0  }
0x9: {  	[smem:$0x3FA5] =	sst s1  }
0xa: {  	[smem:$0x3FA6] =	sst s2  }
0xb: {  	[smem:$0x3FA7] =	sst s3  }
0xc: {  	[smem:$0x3FA8] =	sst s4  }
0xd: {  	[smem:$0x3FA9] =	sst s5  }
0xe: {  	[smem:$0x3FAA] =	sst s6  }
0xf: {  	[smem:$0x3FAB] =	sst s7  }
0x10: {  	[smem:$0x3FAC] =	sst s8  }
0x11: {  	[smem:$0x3FAD] =	sst s9;
	s0 =	simm.s32 @!p0 $0x0  }
0x12: {  	s1 =	sld [smem:$0x3F93];
	s0 =	simm.s32 @p0 $0x1  }
0x13: {  	[smem:$0x3FAE] =	sst s0;
	s0 =	simm.s32 @!p1 $0x0  }
0x14: {  	s2 =	sld [smem:$0x3F92];
	s0 =	simm.s32 @p1 $0x1  }
0x15: {  	[smem:$0x3FAF] =	sst s0;
	s0 =	simm.s32 @!p2 $0x0  }
0x16: {  	s3 =	sld [smem:$0x3FDB];
	s0 =	simm.s32 @p2 $0x1  }
0x17: {  	s4 =	simm.s32 $0x1BF5;
	[smem:$0x3FB1] =	sst s0  }
0x18: {  	s0 =	sld [smem:$0x3F94];
	_ =	swait.ge [sflag:s4], $0x0  }
0x19: {  	s7 =	sld [smem:$0x3F95]  }
0x1a: {  	s8 =	sadd.s32 $0xFFFFE003, lr  }
0x1b: {  	s9 =	sadd.s32 $0xFFFFFEF7, lr;
	s5 =	simm.s32 $0xFFFFFFFF;
	p2 =	slt.u32 s8, $0xFFFFF086  }
0x1c: {  	p1 =	slt.u32 s9, $0xF7A;
	s5 =	simm.s32 @!p2 $0x0  }
0x1d: {  	s5 =	simm.s32 @p1 $0x1;
	p0 =	seq.s32 s7, s2  }
0x1e: {  	s7 =	smul.u32 @!p0 $0xF7A, s2;
	p2 =	seq.s32 @!p0 s5, $0x0  }
0x1f: {  	s9 =	smul.u32 $0xF7A, s1;
	s8 =	simm.s32 @!p0 $0x1BF5;
	p2 =	por !p2, p0  }
0x20: {  	[sflag:s8] =	ssyncset.s32 @!p0 $0xFFFFF086;
	s6 =	sadd.s32 @!p0 s3, s7;
	s7 =	simm.s32 @!p0 $0x108  }
0x21: {  	s3 =	sadd.s32 s3, s9;
	s6 =	sadd.s32 @!p0 $0x88, s6;
	s7 =	simm.s32 @p2 $0x1082  }
0x22: {  	[simem:s7], [sflag:s8] =	dma.local @!p0 [hbm:s6], $0xF7A  }
0x23: {  	s9 =	sor.u32 $0xD0000000, s2;
	s6 =	simm.s32 $0x108;
	_ =	swait.ge @!p0 [sflag:s8], $0x0  }
0x24: {  	s3 =	sadd.s32 $0x88, s3;
	s6 =	simm.s32 @!p1 $0x1082;
	[sflag:s4] =	ssyncset.s32 $0xFFFFF086  }
0x25: {  	[simem:s6], [sflag:s4] =	dma.local [hbm:s3], $0xF7A  }
0x26: {  	[smem:$0x3F95] =	sst s1;
	(tag) =	ssettag s2;
	_ =	strace s9  }
0x27: {  	s1 =	sld [smem:$0x3FA5]  }
0x28: {  	s2 =	sld [smem:$0x3FA6]  }
0x29: {  	s4 =	sld [smem:$0x3FA8]  }
0x2a: {  	p0 =	seq.s32 s5, $0x0;
	s5 =	sld [smem:$0x3FA9]  }
0x2b: {  	s6 =	sld [smem:$0x3FAA]  }
0x2c: {  	s7 =	sld [smem:$0x3FAB]  }
0x2d: {  	s3 =	simm.s32 $0x108;
	s8 =	sld [smem:$0x3FAC]  }
0x2e: {  	s3 =	simm.s32 @!p0 $0x1082;
	s9 =	sld [smem:$0x3FAD]  }
0x2f: {  	lr =	sadd.s32 s0, s3;
	s0 =	sld [smem:$0x3FA4]  }
0x30: {  	s3 =	sld [smem:$0x3FA7]  }
0x31: {  	[smem:$0x3FB0] =	sst s10  }
0x32: {  	s10 =	sld [smem:$0x3FAE];
	_ =	sdelay $0x3  }
0x33: {  	p0 =	seq.s32 s10, $0x1;
	s10 =	sld [smem:$0x3FB0];
	_ =	sdelay $0x3  }
0x34: {  	[smem:$0x3FB0] =	sst s10  }
0x35: {  	s10 =	sld [smem:$0x3FAF];
	_ =	sdelay $0x3  }
0x36: {  	p1 =	seq.s32 s10, $0x1;
	s10 =	sld [smem:$0x3FB0];
	_ =	sdelay $0x3  }
0x37: {  	[smem:$0x3FB0] =	sst s10  }
0x38: {  	s10 =	sld [smem:$0x3FB1]  }
0x39: {  	_ = 	snop;
	(pc) =	sbr.ind lr, $3  }
0x3a: {  	_ = 	snop  }
0x3b: {  	_ = 	snop  }
0x3c: {  	p2 =	seq.s32 s10, $0x1;
	s10 =	sld [smem:$0x3FB0]  }
0x3d: {  	_ =	shalt  }
0x3e: {  	_ =	shalt  }
0x3f: {  	_ =	shalt  }
0x40: {  	_ =	shalt  }
0x41: {  	_ =	shalt  }
0x42: {  	_ =	shalt  }
0x43: {  	_ =	shalt  }
0x44: {  	_ =	shalt  }
0x45: {  	_ =	shalt  }
0x46: {  	_ =	shalt  }
0x47: {  	_ =	shalt  }
0x48: {  	_ =	shalt  }
0x49: {  	_ =	shalt  }
0x4a: {  	_ =	shalt  }
0x4b: {  	_ =	shalt  }
0x4c: {  	_ =	shalt  }
0x4d: {  	_ =	shalt  }
0x4e: {  	_ =	shalt  }
0x4f: {  	_ =	shalt  }
0x50: {  	_ =	shalt  }
0x51: {  	_ =	shalt  }
0x52: {  	_ =	shalt  }
0x53: {  	_ =	shalt  }
0x54: {  	_ =	shalt  }
0x55: {  	_ =	shalt  }
0x56: {  	_ =	shalt  }
0x57: {  	_ =	shalt  }
0x58: {  	_ =	shalt  }
0x59: {  	_ =	shalt  }
0x5a: {  	_ =	shalt  }
0x5b: {  	_ =	shalt  }
0x5c: {  	_ =	shalt  }
0x5d: {  	_ =	shalt  }
0x5e: {  	_ =	shalt  }
0x5f: {  	_ =	shalt  }
0x60: {  	_ =	shalt  }
0x61: {  	_ =	shalt  }
0x62: {  	_ =	shalt  }
0x63: {  	_ =	shalt  }
0x64: {  	_ =	shalt  }
0x65: {  	_ =	shalt  }
0x66: {  	_ =	shalt  }
0x67: {  	_ =	shalt  }
0x68: {  	_ =	shalt  }
0x69: {  	_ =	shalt  }
0x6a: {  	_ =	shalt  }
0x6b: {  	_ =	shalt  }
0x6c: {  	_ =	shalt  }
0x6d: {  	_ =	shalt  }
0x6e: {  	_ =	shalt  }
0x6f: {  	_ =	shalt  }
0x70: {  	_ =	shalt  }
0x71: {  	_ =	shalt  }
0x72: {  	_ =	shalt  }
0x73: {  	_ =	shalt  }
0x74: {  	_ =	shalt  }
0x75: {  	_ =	shalt  }
0x76: {  	_ =	shalt  }
0x77: {  	_ =	shalt  }
0x78: {  	_ =	shalt  }
0x79: {  	_ =	shalt  }
0x7a: {  	_ =	shalt  }
0x7b: {  	_ =	shalt  }
0x7c: {  	_ =	shalt  }
0x7d: {  	_ =	shalt  }
0x7e: {  	_ =	shalt  }
0x7f: {  	_ =	shalt  }
0x80: {  	_ =	shalt  }
0x81: {  	_ =	shalt  }
0x82: {  	_ =	shalt  }
0x83: {  	_ =	shalt  }
0x84: {  	_ =	shalt  }
0x85: {  	_ =	shalt  }
0x86: {  	_ =	shalt  }
0x87: {  	_ =	shalt  }
.Lfunc_end0:
.L_simem_size_0:
called_computation.3_lowered:
.L_overlay_start_0:
0x88: {  	s2 =	sld [smem:$0x3FD9]  }
0x89: {  	s3 =	sld [smem:$0x3FFE];
	_ =	sdelay $0x1  }
0x8a: {  	s1 =	srdreg.scid  }
0x8b: {  	s0 =	sand.u32 $0x1, s1  }
0x8c: {  	s16 =	sshll.u32 s0, $0xA;
	s2 =	sadd.s32 s3, s2  }
0x8d: {  	s2 =	sadd.s32 s2, s16  }
0x8e: {  	[smem:$0x3FBC] =	sst s2  }
0x8f: {  	_ = 	snop  }
0x90: {  	(tm) =	ssettm $0x1  }
0x91: {  	s17 =	sld [smem:$0x3FFB];
	_ =	sdelay $0x3  }
0x92: {  	_ =	strace s17  }
0x93: {  	s2 =	sld [smem:$0x3FFC];
	_ =	sdelay $0x3  }
0x94: {  	_ =	strace s2  }
0x95: {  	s2 =	sld [smem:$0x3FFD];
	_ =	sdelay $0x3  }
0x96: {  	_ =	strace s2  }
0x97: {  	_ =	strace $0x8FFFFFFF  }
0x98: {  	s18 =	sld [smem:$0x3FDB];
	_ =	sdelay $0x1  }
0x99: {  	s19 =	simm.s32 $_scs_section_size  }
0x9a: {  	s4 =	simm.s32 $_size__tile_overlayer_lowered;
	s5 =	simm.s32 $_tile_overlayer_lowered  }
0x9b: {  	s22 =	simm.s32 $0x1BFF;
	s21 =	sshll.u32 s5, $0x1;
	s2 =	sadd.s32 s19, s18  }
0x9c: {  	s6 =	simm.s32 $0x0;
	s20 =	sshll.u32 s4, $0x1;
	s4 =	sadd.s32 s21, s2  }
0x9d: {  	[timem:s6], [sflag:s22] =	dma.local [hbm:s4], s20  }
0x9e: {  	_ =	swait.ge [sflag:s22], s20  }
0x9f: {  	s3 =	ssub.s32 $0x0, s20;
	[sflag:s22] =	ssyncset.done $0x0  }
0xa0: {  	[sflag:s22] =	ssyncadd.s32 s3;
	_ =	sdelay $0x1  }
0xa1: {  	s23 =	simm.s32 $0x1B8B  }
0xa2: {  	_ =	swait.ge [sflag:s23], $0x1  }
0xa3: {  	[sflag:s23] =	ssyncset.done $0x0  }
0xa4: {  	s25 =	simm.s32 $0x1B8E;
	s24 =	sld [smem:$0x3FFE];
	[sflag:s23] =	ssyncadd.s32 $0xFFFFFFFF  }
0xa5: {  	s26 =	simm.s32 $execute0_lowered;
	[smem:$0x3FD2] =	sst s25  }
0xa6: {  	s4 =	sshll.u32 s26, $0x1;
	_ =	strace $0x8000004F;
	[dreg:$0x1] =	wrdreg $0xFFFFFFFF  }
0xa7: {  	s28 =	simm.s32 $_size_execute0_lowered;
	s2 =	sadd.s32 s2, s4;
	[dreg:$0x0] =	wrdreg $0x0  }
0xa8: {  	s4 =	sshll.u32 s28, $0x1;
	[dreg:$0x2] =	wrdreg s2  }
0xa9: {  	[dreg:$0x3] =	wrdreg s4  }
0xaa: {  	[dreg:$0x4] =	wrdreg $0xC0  }
0xab: {  	_ =	task [dreg:s6], $0x5FFFF  }
0xac: {  	[dreg:$0x1] =	wrdreg $0xFFFFFFFF  }
0xad: {  	[dreg:$0x0] =	wrdreg $0x60  }
0xae: {  	[dreg:$0x2] =	wrdreg s24  }
0xaf: {  	[dreg:$0x3] =	wrdreg $0x90000  }
0xb0: {  	[dreg:$0x4] =	wrdreg $0x12E000  }
0xb1: {  	[dreg:$0x5] =	wrdreg $0x9  }
0xb2: {  	_ =	task.clear_ibuf [dreg:s6], $0x6FFFF;
	_ =	strace $0x9000004F  }
0xb3: {  	s29 =	simm.s32 $0x9;
	_ =	strace $0x80000051  }
0xb4: {  	_ =	swait.ge [sflag:s29], $0x1  }
0xb5: {  	[sflag:s29] =	ssyncadd.s32 $0xFFFFFFFF  }
0xb6: {  	_ =	strace $0x90000051  }
0xb7: {  	_ =	sfence  }
0xb8: {  	s30 =	sld [smem:$0x0];
	_ =	sdelay $0x2  }
0xb9: {  	s31 =	sshll.u32 s1, $0xD;
	s1 =	sshrl.u32 s1, $0x2  }
0xba: {  	s3 =	sand.u32 $0x4000, s31;
	s1 =	sadd.s32 s1, s30  }
0xbb: {  	s0 =	sor.u32 s3, s0;
	s1 =	sshll.u32 s1, $0x11  }
0xbc: {  	s0 =	sor.u32 s1, s0  }
0xbd: {  	s0 =	sadd.s32 $0x8F2B, s0  }
0xbe: {  	[sflag:s0] =	ssyncadd.remote.s32 $0x1  }
0xbf: {  	_ =	sfence.sel $0xFFFF  }
0xc0: {  	[dreg:$0x0] =	wrdreg $0xFFFFFFFF;
	(pc) =	sbr.abs _section_cstart, $3  }
0xc1: {  	[dreg:$0x1] =	wrdreg $0xFFFFFFFF  }
0xc2: {  	_ =	task.clear_ibuf [dreg:s6], $0x2FFFF;
	_ =	strace $0x9FFFFFFF  }
0xc3: {  	(tm) =	ssettm $0x7FFFFFFF  }
tec
execute0_lowered:
.L_overlay_start_1:
0x0: {  	(tag) =	ssettag $0x1  }
0x1: {  	s0 =	rddreg [dreg:$0x0]  }
0x2: {  	s2 =	rddreg [dreg:$0x1]  }
0x3: {  	s3 =	rddreg [dreg:$0x2];
	s16 =	stileid.u32;
	s4 =	simm.s32 $0x0  }
0x4: {  	s5 =	srdreg.scid;
	s15 =	simm.s32 $0x3;
	s19 =	simm.s32 $0x5000  }
0x5: {  	s20 =	simm.s32 $0x80;
	s21 =	simm.s32 $0x7000;
	s28 =	simm.s32 $0x2780  }
0x6: {  	s29 =	simm.s32 $0x4F00;
	s30 =	simm.s32 $0x4F80;
	s31 =	simm.s32 $0x0  }
0x7: {  	s1 =	smul.u32 $0x9E00, s16;
	[smem:$0x7FF] =	sst s4;
	s5 =	sand.u32 $0x1, s5  }
0x8: {  	s10 =	smul.u32 $0x27800, s16;
	s26 =	sshll.u32 s16, $0x6;
	s7 =	sshll.u32 s5, $0x4  }
0x9: {  	s8 =	smul.u32 $0x9E000, s5;
	_ =	strace $0x80000050;
	s5 =	ssub.s32 $0x2, s5  }
0xa: {  	s17 =	sor.u32 $0x1C03, s26;
	s26 =	simm.s32 $0x4E80;
	s6 =	sshrl.u32 s1, $0x3  }
0xb: {  	s22 =	sor.u32 s16, s7;
	s24 =	sshrl.u32 s5, $0x1;
	s25 =	sshrl.u32 s10, $0x2  }
0xc: {  	s18 =	sadd.s32 s1, s2;
	s9 =	sadd.s32 s6, s0;
	s6 =	smul.u32 $0x500, s22  }
0xd: {  	s23 =	sadd.s32 s1, s8;
	s14 =	ssub.s32 s5, s24;
	s12 =	sadd.s32 s25, s3  }
0xe: {  	s8 =	sadd.s32 s1, s3;
	s18 =	sshrl.u32 s18, $0x3;
	s22 =	simm.s32 $0x1  }
0xf: {  	s24 =	simm.s32 $0x4E00;
	s25 =	simm.s32 $0x2700;
	s7 =	sshrl.u32 s23, $0x3  }
0x10: {  	s10 =	sadd.s32 $0x4000, s12;
	s11 =	sadd.s32 $0x6000, s12;
	s14 =	smax.u32 s14, $0x1  }
0x11: {  	s23 =	simm.s32 $0x2;
	s6 =	sadd.s32 s6, s0;
	s0 =	sadd.s32 s7, s0  }
0x12: {  	s7 =	sadd.s32 $0x18000, s9;
	s9 =	sadd.s32 $0x2000, s12;
	s12 =	sadd.s32 $0x8000, s12  }
0x13: {  	v0 =	vimm.f32 $0.0e+00;
	s5 =	sadd.s32 $0xE000, s6;
	s6 =	sadd.s32 $0x3A00, s6;
	s13 =	sadd.s32 $0x2BC00, s0  }
.LBB2_1:
0x14: {  	[tilespmem:s4], [sflag:$0x3] =	stream.linear.gather [hbm4b:s5+s4], $0x2800, $0x38;
	[tilespmem:$0x1CC00] =	vst v63  }
0x15: {  	_ =	swait.ge [sflag:s15], $0x2800  }
0x16: {  	[sflag:s15] =	ssyncset.done $0x0  }
0x17: {  	s0 =	simm.s32 $0x2800;
	[sflag:s15] =	ssyncadd.s32 $0xFFFFD800  }
0x18: {  	[tilespmem:s0], [sflag:$0x3] =	stream.linear.gather [hbm4b:s6+s4], $0x2800, $0x38;
	[tilespmem:$0x1CC00] =	vst v63  }
0x19: {  	_ =	swait.ge [sflag:s15], $0x2800  }
0x1a: {  	[sflag:s15] =	ssyncset.done $0x0  }
0x1b: {  	[sflag:s15] =	ssyncadd.s32 $0xFFFFD800  }
0x1c: {  	[spmem:s18], [sflag:s17] =	dma.local [hbm:s7], $0x13C0  }
0x1d: {  	_ =	swait.ge [sflag:s15], $0x13C0  }
0x1e: {  	[sflag:s15] =	ssyncset.done $0x0  }
0x1f: {  	s1 =	simm.s32 $0x100;
	s0 =	simm.s32 $0x0;
	[sflag:s15] =	ssyncadd.s32 $0xFFFFEC40  }
.LBB2_2:
0x20: {  	p0 =	sne.s32 s1, $0x7F00;
	[tilespmem:s0+$0x5030] =	vst v0;
	s16 =	smov.u32 s1;
	s1 =	sadd.s32 $0x100, s1  }
.Ltmp0:
0x21: {  	[tilespmem:s0+$0x5020] =	vst v0;
	(pc) =	sbr.rel @p0 .LBB2_2-.Ltmp0, $3  }
0x22: {  	[tilespmem:s0+$0x5000] =	vst v0  }
0x23: {  	[tilespmem:s0+$0x5010] =	vst v0;
	_ =	sdelay $0x1  }
0x24: {  	s0 =	sshra.s32 s16, $0x2  }
0x25: {  	[tilespmem:s0+$0x5030] =	vst v0  }
0x26: {  	[tilespmem:s0+$0x5020] =	vst v0  }
0x27: {  	[tilespmem:s0+$0x5000] =	vst v0  }
0x28: {  	[tilespmem:s0+$0x5010] =	vst v0  }
0x29: {  	[spmem:s8] =	stream.linear.scatter [tilespmem:s19], [sflag:$0x3], $0x2000, $0x38;
	[tilespmem:$0x1CC00] =	vst v63  }
0x2a: {  	_ =	swait.ge [sflag:s15], $0x2000  }
0x2b: {  	[sflag:s15] =	ssyncset.done $0x0  }
0x2c: {  	[sflag:s15] =	ssyncadd.s32 $0xFFFFE000  }
0x2d: {  	[spmem:s9] =	stream.linear.scatter [tilespmem:s19], [sflag:$0x3], $0x2000, $0x38;
	[tilespmem:$0x1CC00] =	vst v63  }
0x2e: {  	_ =	swait.ge [sflag:s15], $0x2000  }
0x2f: {  	[sflag:s15] =	ssyncset.done $0x0  }
0x30: {  	[sflag:s15] =	ssyncadd.s32 $0xFFFFE000  }
0x31: {  	[spmem:s10] =	stream.linear.scatter [tilespmem:s19], [sflag:$0x3], $0x2000, $0x38;
	[tilespmem:$0x1CC00] =	vst v63  }
0x32: {  	_ =	swait.ge [sflag:s15], $0x2000  }
0x33: {  	[sflag:s15] =	ssyncset.done $0x0  }
0x34: {  	[sflag:s15] =	ssyncadd.s32 $0xFFFFE000  }
0x35: {  	[spmem:s11] =	stream.linear.scatter [tilespmem:s19], [sflag:$0x3], $0x2000, $0x38;
	[tilespmem:$0x1CC00] =	vst v63  }
0x36: {  	_ =	swait.ge [sflag:s15], $0x2000  }
0x37: {  	[sflag:s15] =	ssyncset.done $0x0  }
0x38: {  	[sflag:s15] =	ssyncadd.s32 $0xFFFFE000  }
0x39: {  	[spmem:s12] =	stream.linear.scatter [tilespmem:s19], [sflag:$0x3], $0x1E00, $0x38;
	[tilespmem:$0x1CC00] =	vst v63  }
0x3a: {  	_ =	swait.ge [sflag:s15], $0x1E00  }
0x3b: {  	[sflag:s15] =	ssyncset.done $0x0  }
0x3c: {  	[sflag:s15] =	ssyncadd.s32 $0xFFFFE200  }
0x3d: {  	s1 =	simm.s32 $0x0;
	[bflag:$0x0] =	sbarrier.arrive $0xFFFF  }
0x3e: {  	[tilespmem:s19], [sflag:$0x1] =	stream.indirect.gather [spmem:s2], $0x40, s1, s20, $0xb8;
	[tilespmem:$0x1CC00] =	vst v63  }
0x3f: {  	_ = 	snop  }
0x40: {  	[tilespmem:s21], [sflag:$0x2] =	stream.indirect.gather [spmem:s2], $0x40, s20, s20, $0xb8;
	[tilespmem:$0x1CC00] =	vst v63  }
0x41: {  	_ =	swait.ge [sflag:s22], $0x2000  }
0x42: {  	[sflag:s22] =	ssyncset.done $0x0  }
0x43: {  	s16 =	simm.s32 $0x2800;
	[sflag:s22] =	ssyncadd.s32 $0xFFFFE000  }
0x44: {  	[spmem:s3] =	stream.indirect.scatter.add.f32 [tilespmem:s19], [sflag:$0x3], $0x40, s16, s20, $0xb8;
	[tilespmem:$0x1CC00] =	vst v63  }
0x45: {  	_ =	swait.ge [sflag:s15], $0x2000  }
0x46: {  	[sflag:s15] =	ssyncset.done $0x0  }
0x47: {  	s1 =	simm.s32 $0x100;
	[sflag:s15] =	ssyncadd.s32 $0xFFFFE000  }
0x48: {  	[tilespmem:s19], [sflag:$0x1] =	stream.indirect.gather [spmem:s2], $0x40, s1, s20, $0xb8;
	[tilespmem:$0x1CC00] =	vst v63  }
0x49: {  	_ =	swait.ge [sflag:s23], $0x2000  }
0x4a: {  	[sflag:s23] =	ssyncset.done $0x0  }
0x4b: {  	s16 =	simm.s32 $0x2880;
	[sflag:s23] =	ssyncadd.s32 $0xFFFFE000  }
0x4c: {  	[spmem:s3] =	stream.indirect.scatter.add.f32 [tilespmem:s21], [sflag:$0x3], $0x40, s16, s20, $0xb8;
	[tilespmem:$0x1CC00] =	vst v63  }
0x4d: {  	_ =	swait.ge [sflag:s15], $0x2000  }
0x4e: {  	[sflag:s15] =	ssyncset.done $0x0  }
0x4f: {  	s0 =	simm.s32 $0x400;
	s1 =	simm.s32 $0x180;
	[sflag:s15] =	ssyncadd.s32 $0xFFFFE000  }
.LBB2_4:
0x50: {  	[tilespmem:s21], [sflag:$0x2] =	stream.indirect.gather [spmem:s2], $0x40, s1, s20, $0xb8;
	[tilespmem:$0x1CC00] =	vst v63  }
0x51: {  	s1 =	smov.u32 s0  }
0x52: {  	p0 =	sne.s32 s0, $0x9400;
	s0 =	sadd.s32 $0x400, s0;
	_ =	swait.ge [sflag:s22], $0x2000  }
0x53: {  	s1 =	sshra.s32 s1, $0x2;
	[sflag:s22] =	ssyncset.done $0x0  }
0x54: {  	s16 =	sadd.s32 $0x2800, s1;
	[sflag:s22] =	ssyncadd.s32 $0xFFFFE000  }
0x55: {  	[spmem:s3] =	stream.indirect.scatter.add.f32 [tilespmem:s19], [sflag:$0x3], $0x40, s16, s20, $0xb8;
	[tilespmem:$0x1CC00] =	vst v63  }
0x56: {  	_ =	swait.ge [sflag:s15], $0x2000  }
0x57: {  	[sflag:s15] =	ssyncset.done $0x0  }
0x58: {  	s16 =	sadd.s32 $0x100, s1;
	[sflag:s15] =	ssyncadd.s32 $0xFFFFE000  }
0x59: {  	[tilespmem:s19], [sflag:$0x1] =	stream.indirect.gather [spmem:s2], $0x40, s16, s20, $0xb8;
	[tilespmem:$0x1CC00] =	vst v63  }
0x5a: {  	_ =	swait.ge [sflag:s23], $0x2000  }
0x5b: {  	[sflag:s23] =	ssyncset.done $0x0  }
.Ltmp1:
0x5c: {  	s16 =	sadd.s32 $0x2880, s1;
	[sflag:s23] =	ssyncadd.s32 $0xFFFFE000;
	(pc) =	sbr.rel @p0 .LBB2_4-.Ltmp1, $4  }
0x5d: {  	[spmem:s3] =	stream.indirect.scatter.add.f32 [tilespmem:s21], [sflag:$0x3], $0x40, s16, s20, $0xb8;
	[tilespmem:$0x1CC00] =	vst v63  }
0x5e: {  	_ =	swait.ge [sflag:s15], $0x2000  }
0x5f: {  	[sflag:s15] =	ssyncset.done $0x0  }
0x60: {  	s1 =	sadd.s32 $0x180, s1;
	[sflag:s15] =	ssyncadd.s32 $0xFFFFE000  }
0x61: {  	[tilespmem:s21], [sflag:$0x2] =	stream.indirect.gather [spmem:s2], $0x40, s1, s20, $0xb8;
	[tilespmem:$0x1CC00] =	vst v63  }
0x62: {  	_ =	swait.ge [sflag:s22], $0x2000  }
0x63: {  	[sflag:s22] =	ssyncset.done $0x0  }
0x64: {  	[sflag:s22] =	ssyncadd.s32 $0xFFFFE000  }
0x65: {  	[spmem:s3] =	stream.indirect.scatter.add.f32 [tilespmem:s19], [sflag:$0x3], $0x40, s24, s20, $0xb8;
	[tilespmem:$0x1CC00] =	vst v63  }
0x66: {  	_ =	swait.ge [sflag:s15], $0x2000  }
0x67: {  	[sflag:s15] =	ssyncset.done $0x0  }
0x68: {  	[sflag:s15] =	ssyncadd.s32 $0xFFFFE000  }
0x69: {  	[tilespmem:s19], [sflag:$0x1] =	stream.indirect.gather [spmem:s2], $0x40, s25, s20, $0xb8;
	[tilespmem:$0x1CC00] =	vst v63  }
0x6a: {  	_ =	swait.ge [sflag:s23], $0x2000  }
0x6b: {  	[sflag:s23] =	ssyncset.done $0x0  }
0x6c: {  	[sflag:s23] =	ssyncadd.s32 $0xFFFFE000  }
0x6d: {  	[spmem:s3] =	stream.indirect.scatter.add.f32 [tilespmem:s21], [sflag:$0x3], $0x40, s26, s20, $0xb8;
	[tilespmem:$0x1CC00] =	vst v63  }
0x6e: {  	_ =	swait.ge [sflag:s15], $0x2000  }
0x6f: {  	[sflag:s15] =	ssyncset.done $0x0  }
0x70: {  	[sflag:s15] =	ssyncadd.s32 $0xFFFFE000  }
0x71: {  	[tilespmem:s21], [sflag:$0x2] =	stream.indirect.gather [spmem:s2], $0x40, s28, s20, $0xb8;
	[tilespmem:$0x1CC00] =	vst v63  }
0x72: {  	_ =	swait.ge [sflag:s22], $0x2000  }
0x73: {  	[sflag:s22] =	ssyncset.done $0x0  }
0x74: {  	[sflag:s22] =	ssyncadd.s32 $0xFFFFE000  }
0x75: {  	[spmem:s3] =	stream.indirect.scatter.add.f32 [tilespmem:s19], [sflag:$0x3], $0x40, s29, s20, $0xb8;
	[tilespmem:$0x1CC00] =	vst v63  }
0x76: {  	_ =	swait.ge [sflag:s15], $0x2000  }
0x77: {  	[sflag:s15] =	ssyncset.done $0x0  }
0x78: {  	[sflag:s15] =	ssyncadd.s32 $0xFFFFE000  }
0x79: {  	[tilespmem:s19], [sflag:$0x1] =	stream.indirect.gather [spmem:s2], $0x40, s28, s20, $0xb8;
	[tilespmem:$0x1CC00] =	vst v63  }
0x7a: {  	_ =	swait.ge [sflag:s23], $0x2000  }
0x7b: {  	[sflag:s23] =	ssyncset.done $0x0  }
0x7c: {  	[sflag:s23] =	ssyncadd.s32 $0xFFFFE000  }
0x7d: {  	[spmem:s3] =	stream.indirect.scatter.add.f32 [tilespmem:s21], [sflag:$0x3], $0x40, s30, s20, $0xb8;
	[tilespmem:$0x1CC00] =	vst v63  }
0x7e: {  	_ =	swait.ge [sflag:s15], $0x2000  }
0x7f: {  	[sflag:s15] =	ssyncset.done $0x0  }
0x80: {  	[sflag:s15] =	ssyncadd.s32 $0xFFFFE000  }
0x81: {  	[tilespmem:s21], [sflag:$0x2] =	stream.indirect.gather [spmem:s2], $0x40, s28, s20, $0xb8;
	[tilespmem:$0x1CC00] =	vst v63  }
0x82: {  	_ =	swait.ge [sflag:s22], $0x2000  }
0x83: {  	[sflag:s22] =	ssyncset.done $0x0  }
0x84: {  	[sflag:s22] =	ssyncadd.s32 $0xFFFFE000  }
0x85: {  	_ =	swait.ge [sflag:s23], $0x2000  }
0x86: {  	s31 =	sadd.s32 $0x1, s31;
	[sflag:s23] =	ssyncset.done $0x0  }
0x87: {  	p0 =	sne.s32 s31, s14;
	[sflag:s23] =	ssyncadd.s32 $0xFFFFE000  }
.Ltmp2:
0x88: {  	s0 =	sshrl.u32 s8, $0x3;
	[bflag:$0x0] =	sbarrier.arrive $0xFFFF;
	(pc) =	sbr.rel @p0 .LBB2_1-.Ltmp2, $4  }
0x89: {  	[hbm:s13], [sflag:s17] =	dma.local [spmem:s0], $0x13C0  }
0x8a: {  	_ =	swait.ge [sflag:s15], $0x13C0  }
0x8b: {  	[sflag:s15] =	ssyncset.done $0x0  }
0x8c: {  	[sflag:s15] =	ssyncadd.s32 $0xFFFFEC40  }
0x8d: {  	_ =	sfence.sel $0x180000  }
0x8e: {  	[bflag:$0x0] =	sbarrier.arrive $0xFFFF  }
0x8f: {  	_ =	strace $0x90000050  }
0x90: {  	s0 =	stileid.u32;
	[bflag:$0x2] =	sbarrier.arrive $0xFFFF  }
0x91: {  	p0 =	sne.s32 s0, $0x0;
	s0 =	rddreg [dreg:$0x3]  }
0x92: {  	s0 =	sadd.s32 @!p0 $0x100000, s0  }
0x93: {  	[sflag:s0] =	ssyncadd.tile.s32 @!p0 $0x1;
	_ =	shalt  }
.Lfunc_end2:
_tile_overlayer_lowered:
.L_overlay_start_2:
0x94: {  	(tag) =	ssettag $0x2  }
0x95: {  	s0 =	rddreg [dreg:$0x0];
	s2 =	stileid.u32  }
0x96: {  	s1 =	rddreg [dreg:$0x1];
	p0 =	sne.s32 s2, $0x0  }
0x97: {  	s3 =	rddreg [dreg:$0x2];
	[bflag:$0x3] =	sbarrier.arrive $0xFFFF;
	s2 =	simm.s32 @!p0 $0x1C03  }
0x98: {  	[timem:s3], [sflag:s2] =	dma.local @!p0 [hbm:s0], s1  }
0x99: {  	s0 =	simm.s32 @!p0 $0x3  }
0x9a: {  	_ =	swait.ge @!p0 [sflag:s0], s1  }
0x9b: {  	s1 =	ssub.s32 @!p0 $0x0, s1;
	[sflag:s0] =	ssyncset.done @!p0 $0x0  }
0x9c: {  	[sflag:s0] =	ssyncadd.s32 @!p0 s1  }
0x9d: {  	[bflag:$0x3] =	sbarrier.arrive $0xFFFF  }
0x9e: {  	_ =	shalt  }

// kernel: kernel.25.cloned.1.call-start
scs
__scs_entry_jumppad:
0x0: {  	(pc) =	sbr.rel $0x88, $3  }
0x1: {  	(tag) =	ssettag $0x0;
	lr =	simm.s32 $0x1  }
0x2: {  	[smem:$0x3F95] =	sst lr;
	_ =	strace $0xD0000000  }
0x3: {  	_ = 	snop  }
0x4: {  	_ = 	snop  }
0x5: {  	_ = 	snop  }
0x6: {  	_ = 	snop  }
0x7: {  	_ = 	snop  }
__scs_overlays_trampoline_lowered:
0x8: {  	[smem:$0x3FA4] =	sst s0  }
0x9: {  	[smem:$0x3FA5] =	sst s1  }
0xa: {  	[smem:$0x3FA6] =	sst s2  }
0xb: {  	[smem:$0x3FA7] =	sst s3  }
0xc: {  	[smem:$0x3FA8] =	sst s4  }
0xd: {  	[smem:$0x3FA9] =	sst s5  }
0xe: {  	[smem:$0x3FAA] =	sst s6  }
0xf: {  	[smem:$0x3FAB] =	sst s7  }
0x10: {  	[smem:$0x3FAC] =	sst s8  }
0x11: {  	[smem:$0x3FAD] =	sst s9;
	s0 =	simm.s32 @!p0 $0x0  }
0x12: {  	s1 =	sld [smem:$0x3F93];
	s0 =	simm.s32 @p0 $0x1  }
0x13: {  	[smem:$0x3FAE] =	sst s0;
	s0 =	simm.s32 @!p1 $0x0  }
0x14: {  	s2 =	sld [smem:$0x3F92];
	s0 =	simm.s32 @p1 $0x1  }
0x15: {  	[smem:$0x3FAF] =	sst s0;
	s0 =	simm.s32 @!p2 $0x0  }
0x16: {  	s3 =	sld [smem:$0x3FDB];
	s0 =	simm.s32 @p2 $0x1  }
0x17: {  	s4 =	simm.s32 $0x1BF5;
	[smem:$0x3FB1] =	sst s0  }
0x18: {  	s0 =	sld [smem:$0x3F94];
	_ =	swait.ge [sflag:s4], $0x0  }
0x19: {  	s7 =	sld [smem:$0x3F95]  }
0x1a: {  	s8 =	sadd.s32 $0xFFFFE003, lr  }
0x1b: {  	s9 =	sadd.s32 $0xFFFFFEF7, lr;
	s5 =	simm.s32 $0xFFFFFFFF;
	p2 =	slt.u32 s8, $0xFFFFF086  }
0x1c: {  	p1 =	slt.u32 s9, $0xF7A;
	s5 =	simm.s32 @!p2 $0x0  }
0x1d: {  	s5 =	simm.s32 @p1 $0x1;
	p0 =	seq.s32 s7, s2  }
0x1e: {  	s7 =	smul.u32 @!p0 $0xF7A, s2;
	p2 =	seq.s32 @!p0 s5, $0x0  }
0x1f: {  	s9 =	smul.u32 $0xF7A, s1;
	s8 =	simm.s32 @!p0 $0x1BF5;
	p2 =	por !p2, p0  }
0x20: {  	[sflag:s8] =	ssyncset.s32 @!p0 $0xFFFFF086;
	s6 =	sadd.s32 @!p0 s3, s7;
	s7 =	simm.s32 @!p0 $0x108  }
0x21: {  	s3 =	sadd.s32 s3, s9;
	s6 =	sadd.s32 @!p0 $0x88, s6;
	s7 =	simm.s32 @p2 $0x1082  }
0x22: {  	[simem:s7], [sflag:s8] =	dma.local @!p0 [hbm:s6], $0xF7A  }
0x23: {  	s9 =	sor.u32 $0xD0000000, s2;
	s6 =	simm.s32 $0x108;
	_ =	swait.ge @!p0 [sflag:s8], $0x0  }
0x24: {  	s3 =	sadd.s32 $0x88, s3;
	s6 =	simm.s32 @!p1 $0x1082;
	[sflag:s4] =	ssyncset.s32 $0xFFFFF086  }
0x25: {  	[simem:s6], [sflag:s4] =	dma.local [hbm:s3], $0xF7A  }
0x26: {  	[smem:$0x3F95] =	sst s1;
	(tag) =	ssettag s2;
	_ =	strace s9  }
0x27: {  	s1 =	sld [smem:$0x3FA5]  }
0x28: {  	s2 =	sld [smem:$0x3FA6]  }
0x29: {  	s4 =	sld [smem:$0x3FA8]  }
0x2a: {  	p0 =	seq.s32 s5, $0x0;
	s5 =	sld [smem:$0x3FA9]  }
0x2b: {  	s6 =	sld [smem:$0x3FAA]  }
0x2c: {  	s7 =	sld [smem:$0x3FAB]  }
0x2d: {  	s3 =	simm.s32 $0x108;
	s8 =	sld [smem:$0x3FAC]  }
0x2e: {  	s3 =	simm.s32 @!p0 $0x1082;
	s9 =	sld [smem:$0x3FAD]  }
0x2f: {  	lr =	sadd.s32 s0, s3;
	s0 =	sld [smem:$0x3FA4]  }
0x30: {  	s3 =	sld [smem:$0x3FA7]  }
0x31: {  	[smem:$0x3FB0] =	sst s10  }
0x32: {  	s10 =	sld [smem:$0x3FAE];
	_ =	sdelay $0x3  }
0x33: {  	p0 =	seq.s32 s10, $0x1;
	s10 =	sld [smem:$0x3FB0];
	_ =	sdelay $0x3  }
0x34: {  	[smem:$0x3FB0] =	sst s10  }
0x35: {  	s10 =	sld [smem:$0x3FAF];
	_ =	sdelay $0x3  }
0x36: {  	p1 =	seq.s32 s10, $0x1;
	s10 =	sld [smem:$0x3FB0];
	_ =	sdelay $0x3  }
0x37: {  	[smem:$0x3FB0] =	sst s10  }
0x38: {  	s10 =	sld [smem:$0x3FB1]  }
0x39: {  	_ = 	snop;
	(pc) =	sbr.ind lr, $3  }
0x3a: {  	_ = 	snop  }
0x3b: {  	_ = 	snop  }
0x3c: {  	p2 =	seq.s32 s10, $0x1;
	s10 =	sld [smem:$0x3FB0]  }
0x3d: {  	_ =	shalt  }
0x3e: {  	_ =	shalt  }
0x3f: {  	_ =	shalt  }
0x40: {  	_ =	shalt  }
0x41: {  	_ =	shalt  }
0x42: {  	_ =	shalt  }
0x43: {  	_ =	shalt  }
0x44: {  	_ =	shalt  }
0x45: {  	_ =	shalt  }
0x46: {  	_ =	shalt  }
0x47: {  	_ =	shalt  }
0x48: {  	_ =	shalt  }
0x49: {  	_ =	shalt  }
0x4a: {  	_ =	shalt  }
0x4b: {  	_ =	shalt  }
0x4c: {  	_ =	shalt  }
0x4d: {  	_ =	shalt  }
0x4e: {  	_ =	shalt  }
0x4f: {  	_ =	shalt  }
0x50: {  	_ =	shalt  }
0x51: {  	_ =	shalt  }
0x52: {  	_ =	shalt  }
0x53: {  	_ =	shalt  }
0x54: {  	_ =	shalt  }
0x55: {  	_ =	shalt  }
0x56: {  	_ =	shalt  }
0x57: {  	_ =	shalt  }
0x58: {  	_ =	shalt  }
0x59: {  	_ =	shalt  }
0x5a: {  	_ =	shalt  }
0x5b: {  	_ =	shalt  }
0x5c: {  	_ =	shalt  }
0x5d: {  	_ =	shalt  }
0x5e: {  	_ =	shalt  }
0x5f: {  	_ =	shalt  }
0x60: {  	_ =	shalt  }
0x61: {  	_ =	shalt  }
0x62: {  	_ =	shalt  }
0x63: {  	_ =	shalt  }
0x64: {  	_ =	shalt  }
0x65: {  	_ =	shalt  }
0x66: {  	_ =	shalt  }
0x67: {  	_ =	shalt  }
0x68: {  	_ =	shalt  }
0x69: {  	_ =	shalt  }
0x6a: {  	_ =	shalt  }
0x6b: {  	_ =	shalt  }
0x6c: {  	_ =	shalt  }
0x6d: {  	_ =	shalt  }
0x6e: {  	_ =	shalt  }
0x6f: {  	_ =	shalt  }
0x70: {  	_ =	shalt  }
0x71: {  	_ =	shalt  }
0x72: {  	_ =	shalt  }
0x73: {  	_ =	shalt  }
0x74: {  	_ =	shalt  }
0x75: {  	_ =	shalt  }
0x76: {  	_ =	shalt  }
0x77: {  	_ =	shalt  }
0x78: {  	_ =	shalt  }
0x79: {  	_ =	shalt  }
0x7a: {  	_ =	shalt  }
0x7b: {  	_ =	shalt  }
0x7c: {  	_ =	shalt  }
0x7d: {  	_ =	shalt  }
0x7e: {  	_ =	shalt  }
0x7f: {  	_ =	shalt  }
0x80: {  	_ =	shalt  }
0x81: {  	_ =	shalt  }
0x82: {  	_ =	shalt  }
0x83: {  	_ =	shalt  }
0x84: {  	_ =	shalt  }
0x85: {  	_ =	shalt  }
0x86: {  	_ =	shalt  }
0x87: {  	_ =	shalt  }
.Lfunc_end0:
.L_simem_size_0:
called_computation.4_lowered:
.L_overlay_start_0:
0x88: {  	s2 =	sld [smem:$0x3FD9]  }
0x89: {  	s3 =	sld [smem:$0x3FFE];
	_ =	sdelay $0x1  }
0x8a: {  	s1 =	srdreg.scid  }
0x8b: {  	s0 =	sand.u32 $0x1, s1  }
0x8c: {  	s16 =	sshll.u32 s0, $0xA;
	s2 =	sadd.s32 s3, s2  }
0x8d: {  	s2 =	sadd.s32 s2, s16  }
0x8e: {  	[smem:$0x3FBC] =	sst s2  }
0x8f: {  	_ = 	snop  }
0x90: {  	(tm) =	ssettm $0x1  }
0x91: {  	s17 =	sld [smem:$0x3FFB];
	_ =	sdelay $0x3  }
0x92: {  	_ =	strace s17  }
0x93: {  	s2 =	sld [smem:$0x3FFC];
	_ =	sdelay $0x3  }
0x94: {  	_ =	strace s2  }
0x95: {  	s2 =	sld [smem:$0x3FFD];
	_ =	sdelay $0x3  }
0x96: {  	_ =	strace s2  }
0x97: {  	_ =	strace $0x8FFFFFFF  }
0x98: {  	s18 =	sld [smem:$0x3FDB];
	_ =	sdelay $0x1  }
0x99: {  	s19 =	simm.s32 $_scs_section_size  }
0x9a: {  	s4 =	simm.s32 $_size__tile_overlayer_lowered;
	s5 =	simm.s32 $_tile_overlayer_lowered  }
0x9b: {  	s22 =	simm.s32 $0x1BFF;
	s21 =	sshll.u32 s5, $0x1;
	s2 =	sadd.s32 s19, s18  }
0x9c: {  	s6 =	simm.s32 $0x0;
	s20 =	sshll.u32 s4, $0x1;
	s4 =	sadd.s32 s21, s2  }
0x9d: {  	[timem:s6], [sflag:s22] =	dma.local [hbm:s4], s20  }
0x9e: {  	_ =	swait.ge [sflag:s22], s20  }
0x9f: {  	s3 =	ssub.s32 $0x0, s20;
	[sflag:s22] =	ssyncset.done $0x0  }
0xa0: {  	[sflag:s22] =	ssyncadd.s32 s3;
	_ =	sdelay $0x1  }
0xa1: {  	s23 =	simm.s32 $0x1B8B  }
0xa2: {  	_ =	swait.ge [sflag:s23], $0x1  }
0xa3: {  	[sflag:s23] =	ssyncset.done $0x0  }
0xa4: {  	s25 =	simm.s32 $0x1B8E;
	s24 =	sld [smem:$0x3FFE];
	[sflag:s23] =	ssyncadd.s32 $0xFFFFFFFF  }
0xa5: {  	s26 =	simm.s32 $execute0_lowered;
	[smem:$0x3FD2] =	sst s25  }
0xa6: {  	s4 =	sshll.u32 s26, $0x1;
	_ =	strace $0x80000052;
	[dreg:$0x1] =	wrdreg $0xFFFFFFFF  }
0xa7: {  	s28 =	simm.s32 $_size_execute0_lowered;
	s2 =	sadd.s32 s2, s4;
	[dreg:$0x0] =	wrdreg $0x0  }
0xa8: {  	s4 =	sshll.u32 s28, $0x1;
	[dreg:$0x2] =	wrdreg s2  }
0xa9: {  	[dreg:$0x3] =	wrdreg s4  }
0xaa: {  	[dreg:$0x4] =	wrdreg $0xC0  }
0xab: {  	_ =	task [dreg:s6], $0x5FFFF  }
0xac: {  	[dreg:$0x1] =	wrdreg $0xFFFFFFFF  }
0xad: {  	[dreg:$0x0] =	wrdreg $0x60  }
0xae: {  	[dreg:$0x2] =	wrdreg s24  }
0xaf: {  	[dreg:$0x3] =	wrdreg $0x90000  }
0xb0: {  	[dreg:$0x4] =	wrdreg $0x12E000  }
0xb1: {  	[dreg:$0x5] =	wrdreg $0x9  }
0xb2: {  	_ =	task.clear_ibuf [dreg:s6], $0x6FFFF;
	_ =	strace $0x90000052  }
0xb3: {  	s29 =	simm.s32 $0x9;
	_ =	strace $0x80000054  }
0xb4: {  	_ =	swait.ge [sflag:s29], $0x1  }
0xb5: {  	[sflag:s29] =	ssyncadd.s32 $0xFFFFFFFF  }
0xb6: {  	_ =	strace $0x90000054  }
0xb7: {  	_ =	sfence  }
0xb8: {  	s30 =	sld [smem:$0x0];
	_ =	sdelay $0x2  }
0xb9: {  	s31 =	sshll.u32 s1, $0xD;
	s1 =	sshrl.u32 s1, $0x2  }
0xba: {  	s3 =	sand.u32 $0x4000, s31;
	s1 =	sadd.s32 s1, s30  }
0xbb: {  	s0 =	sor.u32 s3, s0;
	s1 =	sshll.u32 s1, $0x11  }
0xbc: {  	s0 =	sor.u32 s1, s0  }
0xbd: {  	s0 =	sadd.s32 $0x8F2B, s0  }
0xbe: {  	[sflag:s0] =	ssyncadd.remote.s32 $0x1  }
0xbf: {  	_ =	sfence.sel $0xFFFF  }
0xc0: {  	[dreg:$0x0] =	wrdreg $0xFFFFFFFF;
	(pc) =	sbr.abs _section_cstart, $3  }
0xc1: {  	[dreg:$0x1] =	wrdreg $0xFFFFFFFF  }
0xc2: {  	_ =	task.clear_ibuf [dreg:s6], $0x2FFFF;
	_ =	strace $0x9FFFFFFF  }
0xc3: {  	(tm) =	ssettm $0x7FFFFFFF  }
tec
execute0_lowered:
.L_overlay_start_1:
0x0: {  	(tag) =	ssettag $0x1  }
0x1: {  	s0 =	rddreg [dreg:$0x0]  }
0x2: {  	s2 =	rddreg [dreg:$0x1]  }
0x3: {  	s3 =	rddreg [dreg:$0x2];
	s16 =	stileid.u32;
	s4 =	simm.s32 $0x0  }
0x4: {  	s5 =	srdreg.scid;
	s15 =	simm.s32 $0x3;
	s19 =	simm.s32 $0x5000  }
0x5: {  	s20 =	simm.s32 $0x80;
	s21 =	simm.s32 $0x7000;
	s28 =	simm.s32 $0x2780  }
0x6: {  	s29 =	simm.s32 $0x4F00;
	s30 =	simm.s32 $0x4F80;
	s31 =	simm.s32 $0x0  }
0x7: {  	s1 =	smul.u32 $0x9E00, s16;
	[smem:$0x7FF] =	sst s4;
	s5 =	sand.u32 $0x1, s5  }
0x8: {  	s10 =	smul.u32 $0x27800, s16;
	s26 =	sshll.u32 s16, $0x6;
	s7 =	sshll.u32 s5, $0x4  }
0x9: {  	s8 =	smul.u32 $0x9E000, s5;
	_ =	strace $0x80000053;
	s5 =	ssub.s32 $0x2, s5  }
0xa: {  	s17 =	sor.u32 $0x1C03, s26;
	s26 =	simm.s32 $0x4E80;
	s6 =	sshrl.u32 s1, $0x3  }
0xb: {  	s22 =	sor.u32 s16, s7;
	s24 =	sshrl.u32 s5, $0x1;
	s25 =	sshrl.u32 s10, $0x2  }
0xc: {  	s18 =	sadd.s32 s1, s2;
	s9 =	sadd.s32 s6, s0;
	s6 =	smul.u32 $0x500, s22  }
0xd: {  	s23 =	sadd.s32 s1, s8;
	s14 =	ssub.s32 s5, s24;
	s12 =	sadd.s32 s25, s3  }
0xe: {  	s8 =	sadd.s32 s1, s3;
	s18 =	sshrl.u32 s18, $0x3;
	s22 =	simm.s32 $0x1  }
0xf: {  	s24 =	simm.s32 $0x4E00;
	s25 =	simm.s32 $0x2700;
	s7 =	sshrl.u32 s23, $0x3  }
0x10: {  	s10 =	sadd.s32 $0x4000, s12;
	s11 =	sadd.s32 $0x6000, s12;
	s14 =	smax.u32 s14, $0x1  }
0x11: {  	s23 =	simm.s32 $0x2;
	s6 =	sadd.s32 s6, s0;
	s0 =	sadd.s32 s7, s0  }
0x12: {  	s7 =	sadd.s32 $0x18000, s9;
	s9 =	sadd.s32 $0x2000, s12;
	s12 =	sadd.s32 $0x8000, s12  }
0x13: {  	v0 =	vimm.f32 $0.0e+00;
	s5 =	sadd.s32 $0xE000, s6;
	s6 =	sadd.s32 $0x3A00, s6;
	s13 =	sadd.s32 $0x2BC00, s0  }
.LBB2_1:
0x14: {  	[tilespmem:s4], [sflag:$0x3] =	stream.linear.gather [hbm4b:s5+s4], $0x2800, $0x38;
	[tilespmem:$0x1CC00] =	vst v63  }
0x15: {  	_ =	swait.ge [sflag:s15], $0x2800  }
0x16: {  	[sflag:s15] =	ssyncset.done $0x0  }
0x17: {  	s0 =	simm.s32 $0x2800;
	[sflag:s15] =	ssyncadd.s32 $0xFFFFD800  }
0x18: {  	[tilespmem:s0], [sflag:$0x3] =	stream.linear.gather [hbm4b:s6+s4], $0x2800, $0x38;
	[tilespmem:$0x1CC00] =	vst v63  }
0x19: {  	_ =	swait.ge [sflag:s15], $0x2800  }
0x1a: {  	[sflag:s15] =	ssyncset.done $0x0  }
0x1b: {  	[sflag:s15] =	ssyncadd.s32 $0xFFFFD800  }
0x1c: {  	[spmem:s18], [sflag:s17] =	dma.local [hbm:s7], $0x13C0  }
0x1d: {  	_ =	swait.ge [sflag:s15], $0x13C0  }
0x1e: {  	[sflag:s15] =	ssyncset.done $0x0  }
0x1f: {  	s1 =	simm.s32 $0x100;
	s0 =	simm.s32 $0x0;
	[sflag:s15] =	ssyncadd.s32 $0xFFFFEC40  }
.LBB2_2:
0x20: {  	p0 =	sne.s32 s1, $0x7F00;
	[tilespmem:s0+$0x5030] =	vst v0;
	s16 =	smov.u32 s1;
	s1 =	sadd.s32 $0x100, s1  }
.Ltmp0:
0x21: {  	[tilespmem:s0+$0x5020] =	vst v0;
	(pc) =	sbr.rel @p0 .LBB2_2-.Ltmp0, $3  }
0x22: {  	[tilespmem:s0+$0x5000] =	vst v0  }
0x23: {  	[tilespmem:s0+$0x5010] =	vst v0;
	_ =	sdelay $0x1  }
0x24: {  	s0 =	sshra.s32 s16, $0x2  }
0x25: {  	[tilespmem:s0+$0x5030] =	vst v0  }
0x26: {  	[tilespmem:s0+$0x5020] =	vst v0  }
0x27: {  	[tilespmem:s0+$0x5000] =	vst v0  }
0x28: {  	[tilespmem:s0+$0x5010] =	vst v0  }
0x29: {  	[spmem:s8] =	stream.linear.scatter [tilespmem:s19], [sflag:$0x3], $0x2000, $0x38;
	[tilespmem:$0x1CC00] =	vst v63  }
0x2a: {  	_ =	swait.ge [sflag:s15], $0x2000  }
0x2b: {  	[sflag:s15] =	ssyncset.done $0x0  }
0x2c: {  	[sflag:s15] =	ssyncadd.s32 $0xFFFFE000  }
0x2d: {  	[spmem:s9] =	stream.linear.scatter [tilespmem:s19], [sflag:$0x3], $0x2000, $0x38;
	[tilespmem:$0x1CC00] =	vst v63  }
0x2e: {  	_ =	swait.ge [sflag:s15], $0x2000  }
0x2f: {  	[sflag:s15] =	ssyncset.done $0x0  }
0x30: {  	[sflag:s15] =	ssyncadd.s32 $0xFFFFE000  }
0x31: {  	[spmem:s10] =	stream.linear.scatter [tilespmem:s19], [sflag:$0x3], $0x2000, $0x38;
	[tilespmem:$0x1CC00] =	vst v63  }
0x32: {  	_ =	swait.ge [sflag:s15], $0x2000  }
0x33: {  	[sflag:s15] =	ssyncset.done $0x0  }
0x34: {  	[sflag:s15] =	ssyncadd.s32 $0xFFFFE000  }
0x35: {  	[spmem:s11] =	stream.linear.scatter [tilespmem:s19], [sflag:$0x3], $0x2000, $0x38;
	[tilespmem:$0x1CC00] =	vst v63  }
0x36: {  	_ =	swait.ge [sflag:s15], $0x2000  }
0x37: {  	[sflag:s15] =	ssyncset.done $0x0  }
0x38: {  	[sflag:s15] =	ssyncadd.s32 $0xFFFFE000  }
0x39: {  	[spmem:s12] =	stream.linear.scatter [tilespmem:s19], [sflag:$0x3], $0x1E00, $0x38;
	[tilespmem:$0x1CC00] =	vst v63  }
0x3a: {  	_ =	swait.ge [sflag:s15], $0x1E00  }
0x3b: {  	[sflag:s15] =	ssyncset.done $0x0  }
0x3c: {  	[sflag:s15] =	ssyncadd.s32 $0xFFFFE200  }
0x3d: {  	s1 =	simm.s32 $0x0;
	[bflag:$0x0] =	sbarrier.arrive $0xFFFF  }
0x3e: {  	[tilespmem:s19], [sflag:$0x1] =	stream.indirect.gather [spmem:s2], $0x40, s1, s20, $0xb8;
	[tilespmem:$0x1CC00] =	vst v63  }
0x3f: {  	_ = 	snop  }
0x40: {  	[tilespmem:s21], [sflag:$0x2] =	stream.indirect.gather [spmem:s2], $0x40, s20, s20, $0xb8;
	[tilespmem:$0x1CC00] =	vst v63  }
0x41: {  	_ =	swait.ge [sflag:s22], $0x2000  }
0x42: {  	[sflag:s22] =	ssyncset.done $0x0  }
0x43: {  	s16 =	simm.s32 $0x2800;
	[sflag:s22] =	ssyncadd.s32 $0xFFFFE000  }
0x44: {  	[spmem:s3] =	stream.indirect.scatter.add.f32 [tilespmem:s19], [sflag:$0x3], $0x40, s16, s20, $0xb8;
	[tilespmem:$0x1CC00] =	vst v63  }
0x45: {  	_ =	swait.ge [sflag:s15], $0x2000  }
0x46: {  	[sflag:s15] =	ssyncset.done $0x0  }
0x47: {  	s1 =	simm.s32 $0x100;
	[sflag:s15] =	ssyncadd.s32 $0xFFFFE000  }
0x48: {  	[tilespmem:s19], [sflag:$0x1] =	stream.indirect.gather [spmem:s2], $0x40, s1, s20, $0xb8;
	[tilespmem:$0x1CC00] =	vst v63  }
0x49: {  	_ =	swait.ge [sflag:s23], $0x2000  }
0x4a: {  	[sflag:s23] =	ssyncset.done $0x0  }
0x4b: {  	s16 =	simm.s32 $0x2880;
	[sflag:s23] =	ssyncadd.s32 $0xFFFFE000  }
0x4c: {  	[spmem:s3] =	stream.indirect.scatter.add.f32 [tilespmem:s21], [sflag:$0x3], $0x40, s16, s20, $0xb8;
	[tilespmem:$0x1CC00] =	vst v63  }
0x4d: {  	_ =	swait.ge [sflag:s15], $0x2000  }
0x4e: {  	[sflag:s15] =	ssyncset.done $0x0  }
0x4f: {  	s0 =	simm.s32 $0x400;
	s1 =	simm.s32 $0x180;
	[sflag:s15] =	ssyncadd.s32 $0xFFFFE000  }
.LBB2_4:
0x50: {  	[tilespmem:s21], [sflag:$0x2] =	stream.indirect.gather [spmem:s2], $0x40, s1, s20, $0xb8;
	[tilespmem:$0x1CC00] =	vst v63  }
0x51: {  	s1 =	smov.u32 s0  }
0x52: {  	p0 =	sne.s32 s0, $0x9400;
	s0 =	sadd.s32 $0x400, s0;
	_ =	swait.ge [sflag:s22], $0x2000  }
0x53: {  	s1 =	sshra.s32 s1, $0x2;
	[sflag:s22] =	ssyncset.done $0x0  }
0x54: {  	s16 =	sadd.s32 $0x2800, s1;
	[sflag:s22] =	ssyncadd.s32 $0xFFFFE000  }
0x55: {  	[spmem:s3] =	stream.indirect.scatter.add.f32 [tilespmem:s19], [sflag:$0x3], $0x40, s16, s20, $0xb8;
	[tilespmem:$0x1CC00] =	vst v63  }
0x56: {  	_ =	swait.ge [sflag:s15], $0x2000  }
0x57: {  	[sflag:s15] =	ssyncset.done $0x0  }
0x58: {  	s16 =	sadd.s32 $0x100, s1;
	[sflag:s15] =	ssyncadd.s32 $0xFFFFE000  }
0x59: {  	[tilespmem:s19], [sflag:$0x1] =	stream.indirect.gather [spmem:s2], $0x40, s16, s20, $0xb8;
	[tilespmem:$0x1CC00] =	vst v63  }
0x5a: {  	_ =	swait.ge [sflag:s23], $0x2000  }
0x5b: {  	[sflag:s23] =	ssyncset.done $0x0  }
.Ltmp1:
0x5c: {  	s16 =	sadd.s32 $0x2880, s1;
	[sflag:s23] =	ssyncadd.s32 $0xFFFFE000;
	(pc) =	sbr.rel @p0 .LBB2_4-.Ltmp1, $4  }
0x5d: {  	[spmem:s3] =	stream.indirect.scatter.add.f32 [tilespmem:s21], [sflag:$0x3], $0x40, s16, s20, $0xb8;
	[tilespmem:$0x1CC00] =	vst v63  }
0x5e: {  	_ =	swait.ge [sflag:s15], $0x2000  }
0x5f: {  	[sflag:s15] =	ssyncset.done $0x0  }
0x60: {  	s1 =	sadd.s32 $0x180, s1;
	[sflag:s15] =	ssyncadd.s32 $0xFFFFE000  }
0x61: {  	[tilespmem:s21], [sflag:$0x2] =	stream.indirect.gather [spmem:s2], $0x40, s1, s20, $0xb8;
	[tilespmem:$0x1CC00] =	vst v63  }
0x62: {  	_ =	swait.ge [sflag:s22], $0x2000  }
0x63: {  	[sflag:s22] =	ssyncset.done $0x0  }
0x64: {  	[sflag:s22] =	ssyncadd.s32 $0xFFFFE000  }
0x65: {  	[spmem:s3] =	stream.indirect.scatter.add.f32 [tilespmem:s19], [sflag:$0x3], $0x40, s24, s20, $0xb8;
	[tilespmem:$0x1CC00] =	vst v63  }
0x66: {  	_ =	swait.ge [sflag:s15], $0x2000  }
0x67: {  	[sflag:s15] =	ssyncset.done $0x0  }
0x68: {  	[sflag:s15] =	ssyncadd.s32 $0xFFFFE000  }
0x69: {  	[tilespmem:s19], [sflag:$0x1] =	stream.indirect.gather [spmem:s2], $0x40, s25, s20, $0xb8;
	[tilespmem:$0x1CC00] =	vst v63  }
0x6a: {  	_ =	swait.ge [sflag:s23], $0x2000  }
0x6b: {  	[sflag:s23] =	ssyncset.done $0x0  }
0x6c: {  	[sflag:s23] =	ssyncadd.s32 $0xFFFFE000  }
0x6d: {  	[spmem:s3] =	stream.indirect.scatter.add.f32 [tilespmem:s21], [sflag:$0x3], $0x40, s26, s20, $0xb8;
	[tilespmem:$0x1CC00] =	vst v63  }
0x6e: {  	_ =	swait.ge [sflag:s15], $0x2000  }
0x6f: {  	[sflag:s15] =	ssyncset.done $0x0  }
0x70: {  	[sflag:s15] =	ssyncadd.s32 $0xFFFFE000  }
0x71: {  	[tilespmem:s21], [sflag:$0x2] =	stream.indirect.gather [spmem:s2], $0x40, s28, s20, $0xb8;
	[tilespmem:$0x1CC00] =	vst v63  }
0x72: {  	_ =	swait.ge [sflag:s22], $0x2000  }
0x73: {  	[sflag:s22] =	ssyncset.done $0x0  }
0x74: {  	[sflag:s22] =	ssyncadd.s32 $0xFFFFE000  }
0x75: {  	[spmem:s3] =	stream.indirect.scatter.add.f32 [tilespmem:s19], [sflag:$0x3], $0x40, s29, s20, $0xb8;
	[tilespmem:$0x1CC00] =	vst v63  }
0x76: {  	_ =	swait.ge [sflag:s15], $0x2000  }
0x77: {  	[sflag:s15] =	ssyncset.done $0x0  }
0x78: {  	[sflag:s15] =	ssyncadd.s32 $0xFFFFE000  }
0x79: {  	[tilespmem:s19], [sflag:$0x1] =	stream.indirect.gather [spmem:s2], $0x40, s28, s20, $0xb8;
	[tilespmem:$0x1CC00] =	vst v63  }
0x7a: {  	_ =	swait.ge [sflag:s23], $0x2000  }
0x7b: {  	[sflag:s23] =	ssyncset.done $0x0  }
0x7c: {  	[sflag:s23] =	ssyncadd.s32 $0xFFFFE000  }
0x7d: {  	[spmem:s3] =	stream.indirect.scatter.add.f32 [tilespmem:s21], [sflag:$0x3], $0x40, s30, s20, $0xb8;
	[tilespmem:$0x1CC00] =	vst v63  }
0x7e: {  	_ =	swait.ge [sflag:s15], $0x2000  }
0x7f: {  	[sflag:s15] =	ssyncset.done $0x0  }
0x80: {  	[sflag:s15] =	ssyncadd.s32 $0xFFFFE000  }
0x81: {  	[tilespmem:s21], [sflag:$0x2] =	stream.indirect.gather [spmem:s2], $0x40, s28, s20, $0xb8;
	[tilespmem:$0x1CC00] =	vst v63  }
0x82: {  	_ =	swait.ge [sflag:s22], $0x2000  }
0x83: {  	[sflag:s22] =	ssyncset.done $0x0  }
0x84: {  	[sflag:s22] =	ssyncadd.s32 $0xFFFFE000  }
0x85: {  	_ =	swait.ge [sflag:s23], $0x2000  }
0x86: {  	s31 =	sadd.s32 $0x1, s31;
	[sflag:s23] =	ssyncset.done $0x0  }
0x87: {  	p0 =	sne.s32 s31, s14;
	[sflag:s23] =	ssyncadd.s32 $0xFFFFE000  }
.Ltmp2:
0x88: {  	s0 =	sshrl.u32 s8, $0x3;
	[bflag:$0x0] =	sbarrier.arrive $0xFFFF;
	(pc) =	sbr.rel @p0 .LBB2_1-.Ltmp2, $4  }
0x89: {  	[hbm:s13], [sflag:s17] =	dma.local [spmem:s0], $0x13C0  }
0x8a: {  	_ =	swait.ge [sflag:s15], $0x13C0  }
0x8b: {  	[sflag:s15] =	ssyncset.done $0x0  }
0x8c: {  	[sflag:s15] =	ssyncadd.s32 $0xFFFFEC40  }
0x8d: {  	_ =	sfence.sel $0x180000  }
0x8e: {  	[bflag:$0x0] =	sbarrier.arrive $0xFFFF  }
0x8f: {  	_ =	strace $0x90000053  }
0x90: {  	s0 =	stileid.u32;
	[bflag:$0x2] =	sbarrier.arrive $0xFFFF  }
0x91: {  	p0 =	sne.s32 s0, $0x0;
	s0 =	rddreg [dreg:$0x3]  }
0x92: {  	s0 =	sadd.s32 @!p0 $0x100000, s0  }
0x93: {  	[sflag:s0] =	ssyncadd.tile.s32 @!p0 $0x1;
	_ =	shalt  }
.Lfunc_end2:
_tile_overlayer_lowered:
.L_overlay_start_2:
0x94: {  	(tag) =	ssettag $0x2  }
0x95: {  	s0 =	rddreg [dreg:$0x0];
	s2 =	stileid.u32  }
0x96: {  	s1 =	rddreg [dreg:$0x1];
	p0 =	sne.s32 s2, $0x0  }
0x97: {  	s3 =	rddreg [dreg:$0x2];
	[bflag:$0x3] =	sbarrier.arrive $0xFFFF;
	s2 =	simm.s32 @!p0 $0x1C03  }
0x98: {  	[timem:s3], [sflag:s2] =	dma.local @!p0 [hbm:s0], s1  }
0x99: {  	s0 =	simm.s32 @!p0 $0x3  }
0x9a: {  	_ =	swait.ge @!p0 [sflag:s0], s1  }
0x9b: {  	s1 =	ssub.s32 @!p0 $0x0, s1;
	[sflag:s0] =	ssyncset.done @!p0 $0x0  }
0x9c: {  	[sflag:s0] =	ssyncadd.s32 @!p0 s1  }
0x9d: {  	[bflag:$0x3] =	sbarrier.arrive $0xFFFF  }
0x9e: {  	_ =	shalt  }

// kernel: kernel.28.cloned.1.call-start
scs
__scs_entry_jumppad:
0x0: {  	(pc) =	sbr.rel $0x88, $3  }
0x1: {  	(tag) =	ssettag $0x0;
	lr =	simm.s32 $0x1  }
0x2: {  	[smem:$0x3F95] =	sst lr;
	_ =	strace $0xD0000000  }
0x3: {  	_ = 	snop  }
0x4: {  	_ = 	snop  }
0x5: {  	_ = 	snop  }
0x6: {  	_ = 	snop  }
0x7: {  	_ = 	snop  }
__scs_overlays_trampoline_lowered:
0x8: {  	[smem:$0x3FA4] =	sst s0  }
0x9: {  	[smem:$0x3FA5] =	sst s1  }
0xa: {  	[smem:$0x3FA6] =	sst s2  }
0xb: {  	[smem:$0x3FA7] =	sst s3  }
0xc: {  	[smem:$0x3FA8] =	sst s4  }
0xd: {  	[smem:$0x3FA9] =	sst s5  }
0xe: {  	[smem:$0x3FAA] =	sst s6  }
0xf: {  	[smem:$0x3FAB] =	sst s7  }
0x10: {  	[smem:$0x3FAC] =	sst s8  }
0x11: {  	[smem:$0x3FAD] =	sst s9;
	s0 =	simm.s32 @!p0 $0x0  }
0x12: {  	s1 =	sld [smem:$0x3F93];
	s0 =	simm.s32 @p0 $0x1  }
0x13: {  	[smem:$0x3FAE] =	sst s0;
	s0 =	simm.s32 @!p1 $0x0  }
0x14: {  	s2 =	sld [smem:$0x3F92];
	s0 =	simm.s32 @p1 $0x1  }
0x15: {  	[smem:$0x3FAF] =	sst s0;
	s0 =	simm.s32 @!p2 $0x0  }
0x16: {  	s3 =	sld [smem:$0x3FDB];
	s0 =	simm.s32 @p2 $0x1  }
0x17: {  	s4 =	simm.s32 $0x1BF5;
	[smem:$0x3FB1] =	sst s0  }
0x18: {  	s0 =	sld [smem:$0x3F94];
	_ =	swait.ge [sflag:s4], $0x0  }
0x19: {  	s7 =	sld [smem:$0x3F95]  }
0x1a: {  	s8 =	sadd.s32 $0xFFFFE003, lr  }
0x1b: {  	s9 =	sadd.s32 $0xFFFFFEF7, lr;
	s5 =	simm.s32 $0xFFFFFFFF;
	p2 =	slt.u32 s8, $0xFFFFF086  }
0x1c: {  	p1 =	slt.u32 s9, $0xF7A;
	s5 =	simm.s32 @!p2 $0x0  }
0x1d: {  	s5 =	simm.s32 @p1 $0x1;
	p0 =	seq.s32 s7, s2  }
0x1e: {  	s7 =	smul.u32 @!p0 $0xF7A, s2;
	p2 =	seq.s32 @!p0 s5, $0x0  }
0x1f: {  	s9 =	smul.u32 $0xF7A, s1;
	s8 =	simm.s32 @!p0 $0x1BF5;
	p2 =	por !p2, p0  }
0x20: {  	[sflag:s8] =	ssyncset.s32 @!p0 $0xFFFFF086;
	s6 =	sadd.s32 @!p0 s3, s7;
	s7 =	simm.s32 @!p0 $0x108  }
0x21: {  	s3 =	sadd.s32 s3, s9;
	s6 =	sadd.s32 @!p0 $0x88, s6;
	s7 =	simm.s32 @p2 $0x1082  }
0x22: {  	[simem:s7], [sflag:s8] =	dma.local @!p0 [hbm:s6], $0xF7A  }
0x23: {  	s9 =	sor.u32 $0xD0000000, s2;
	s6 =	simm.s32 $0x108;
	_ =	swait.ge @!p0 [sflag:s8], $0x0  }
0x24: {  	s3 =	sadd.s32 $0x88, s3;
	s6 =	simm.s32 @!p1 $0x1082;
	[sflag:s4] =	ssyncset.s32 $0xFFFFF086  }
0x25: {  	[simem:s6], [sflag:s4] =	dma.local [hbm:s3], $0xF7A  }
0x26: {  	[smem:$0x3F95] =	sst s1;
	(tag) =	ssettag s2;
	_ =	strace s9  }
0x27: {  	s1 =	sld [smem:$0x3FA5]  }
0x28: {  	s2 =	sld [smem:$0x3FA6]  }
0x29: {  	s4 =	sld [smem:$0x3FA8]  }
0x2a: {  	p0 =	seq.s32 s5, $0x0;
	s5 =	sld [smem:$0x3FA9]  }
0x2b: {  	s6 =	sld [smem:$0x3FAA]  }
0x2c: {  	s7 =	sld [smem:$0x3FAB]  }
0x2d: {  	s3 =	simm.s32 $0x108;
	s8 =	sld [smem:$0x3FAC]  }
0x2e: {  	s3 =	simm.s32 @!p0 $0x1082;
	s9 =	sld [smem:$0x3FAD]  }
0x2f: {  	lr =	sadd.s32 s0, s3;
	s0 =	sld [smem:$0x3FA4]  }
0x30: {  	s3 =	sld [smem:$0x3FA7]  }
0x31: {  	[smem:$0x3FB0] =	sst s10  }
0x32: {  	s10 =	sld [smem:$0x3FAE];
	_ =	sdelay $0x3  }
0x33: {  	p0 =	seq.s32 s10, $0x1;
	s10 =	sld [smem:$0x3FB0];
	_ =	sdelay $0x3  }
0x34: {  	[smem:$0x3FB0] =	sst s10  }
0x35: {  	s10 =	sld [smem:$0x3FAF];
	_ =	sdelay $0x3  }
0x36: {  	p1 =	seq.s32 s10, $0x1;
	s10 =	sld [smem:$0x3FB0];
	_ =	sdelay $0x3  }
0x37: {  	[smem:$0x3FB0] =	sst s10  }
0x38: {  	s10 =	sld [smem:$0x3FB1]  }
0x39: {  	_ = 	snop;
	(pc) =	sbr.ind lr, $3  }
0x3a: {  	_ = 	snop  }
0x3b: {  	_ = 	snop  }
0x3c: {  	p2 =	seq.s32 s10, $0x1;
	s10 =	sld [smem:$0x3FB0]  }
0x3d: {  	_ =	shalt  }
0x3e: {  	_ =	shalt  }
0x3f: {  	_ =	shalt  }
0x40: {  	_ =	shalt  }
0x41: {  	_ =	shalt  }
0x42: {  	_ =	shalt  }
0x43: {  	_ =	shalt  }
0x44: {  	_ =	shalt  }
0x45: {  	_ =	shalt  }
0x46: {  	_ =	shalt  }
0x47: {  	_ =	shalt  }
0x48: {  	_ =	shalt  }
0x49: {  	_ =	shalt  }
0x4a: {  	_ =	shalt  }
0x4b: {  	_ =	shalt  }
0x4c: {  	_ =	shalt  }
0x4d: {  	_ =	shalt  }
0x4e: {  	_ =	shalt  }
0x4f: {  	_ =	shalt  }
0x50: {  	_ =	shalt  }
0x51: {  	_ =	shalt  }
0x52: {  	_ =	shalt  }
0x53: {  	_ =	shalt  }
0x54: {  	_ =	shalt  }
0x55: {  	_ =	shalt  }
0x56: {  	_ =	shalt  }
0x57: {  	_ =	shalt  }
0x58: {  	_ =	shalt  }
0x59: {  	_ =	shalt  }
0x5a: {  	_ =	shalt  }
0x5b: {  	_ =	shalt  }
0x5c: {  	_ =	shalt  }
0x5d: {  	_ =	shalt  }
0x5e: {  	_ =	shalt  }
0x5f: {  	_ =	shalt  }
0x60: {  	_ =	shalt  }
0x61: {  	_ =	shalt  }
0x62: {  	_ =	shalt  }
0x63: {  	_ =	shalt  }
0x64: {  	_ =	shalt  }
0x65: {  	_ =	shalt  }
0x66: {  	_ =	shalt  }
0x67: {  	_ =	shalt  }
0x68: {  	_ =	shalt  }
0x69: {  	_ =	shalt  }
0x6a: {  	_ =	shalt  }
0x6b: {  	_ =	shalt  }
0x6c: {  	_ =	shalt  }
0x6d: {  	_ =	shalt  }
0x6e: {  	_ =	shalt  }
0x6f: {  	_ =	shalt  }
0x70: {  	_ =	shalt  }
0x71: {  	_ =	shalt  }
0x72: {  	_ =	shalt  }
0x73: {  	_ =	shalt  }
0x74: {  	_ =	shalt  }
0x75: {  	_ =	shalt  }
0x76: {  	_ =	shalt  }
0x77: {  	_ =	shalt  }
0x78: {  	_ =	shalt  }
0x79: {  	_ =	shalt  }
0x7a: {  	_ =	shalt  }
0x7b: {  	_ =	shalt  }
0x7c: {  	_ =	shalt  }
0x7d: {  	_ =	shalt  }
0x7e: {  	_ =	shalt  }
0x7f: {  	_ =	shalt  }
0x80: {  	_ =	shalt  }
0x81: {  	_ =	shalt  }
0x82: {  	_ =	shalt  }
0x83: {  	_ =	shalt  }
0x84: {  	_ =	shalt  }
0x85: {  	_ =	shalt  }
0x86: {  	_ =	shalt  }
0x87: {  	_ =	shalt  }
.Lfunc_end0:
.L_simem_size_0:
called_computation.5_lowered:
.L_overlay_start_0:
0x88: {  	s2 =	sld [smem:$0x3FD9]  }
0x89: {  	s3 =	sld [smem:$0x3FFE];
	_ =	sdelay $0x1  }
0x8a: {  	s1 =	srdreg.scid  }
0x8b: {  	s0 =	sand.u32 $0x1, s1  }
0x8c: {  	s16 =	sshll.u32 s0, $0xA;
	s2 =	sadd.s32 s3, s2  }
0x8d: {  	s2 =	sadd.s32 s2, s16  }
0x8e: {  	[smem:$0x3FBC] =	sst s2  }
0x8f: {  	_ = 	snop  }
0x90: {  	(tm) =	ssettm $0x1  }
0x91: {  	s17 =	sld [smem:$0x3FFB];
	_ =	sdelay $0x3  }
0x92: {  	_ =	strace s17  }
0x93: {  	s2 =	sld [smem:$0x3FFC];
	_ =	sdelay $0x3  }
0x94: {  	_ =	strace s2  }
0x95: {  	s2 =	sld [smem:$0x3FFD];
	_ =	sdelay $0x3  }
0x96: {  	_ =	strace s2  }
0x97: {  	_ =	strace $0x8FFFFFFF  }
0x98: {  	s18 =	sld [smem:$0x3FDB];
	_ =	sdelay $0x1  }
0x99: {  	s19 =	simm.s32 $_scs_section_size  }
0x9a: {  	s4 =	simm.s32 $_size__tile_overlayer_lowered;
	s5 =	simm.s32 $_tile_overlayer_lowered  }
0x9b: {  	s22 =	simm.s32 $0x1BFF;
	s21 =	sshll.u32 s5, $0x1;
	s2 =	sadd.s32 s19, s18  }
0x9c: {  	s6 =	simm.s32 $0x0;
	s20 =	sshll.u32 s4, $0x1;
	s4 =	sadd.s32 s21, s2  }
0x9d: {  	[timem:s6], [sflag:s22] =	dma.local [hbm:s4], s20  }
0x9e: {  	_ =	swait.ge [sflag:s22], s20  }
0x9f: {  	s3 =	ssub.s32 $0x0, s20;
	[sflag:s22] =	ssyncset.done $0x0  }
0xa0: {  	[sflag:s22] =	ssyncadd.s32 s3;
	_ =	sdelay $0x1  }
0xa1: {  	s23 =	simm.s32 $0x1B8B  }
0xa2: {  	_ =	swait.ge [sflag:s23], $0x1  }
0xa3: {  	[sflag:s23] =	ssyncset.done $0x0  }
0xa4: {  	s25 =	simm.s32 $0x1B8E;
	s24 =	sld [smem:$0x3FFE];
	[sflag:s23] =	ssyncadd.s32 $0xFFFFFFFF  }
0xa5: {  	s26 =	simm.s32 $execute0_lowered;
	[smem:$0x3FD2] =	sst s25  }
0xa6: {  	s4 =	sshll.u32 s26, $0x1;
	_ =	strace $0x80000055;
	[dreg:$0x1] =	wrdreg $0xFFFFFFFF  }
0xa7: {  	s28 =	simm.s32 $_size_execute0_lowered;
	s2 =	sadd.s32 s2, s4;
	[dreg:$0x0] =	wrdreg $0x0  }
0xa8: {  	s4 =	sshll.u32 s28, $0x1;
	[dreg:$0x2] =	wrdreg s2  }
0xa9: {  	[dreg:$0x3] =	wrdreg s4  }
0xaa: {  	[dreg:$0x4] =	wrdreg $0xC0  }
0xab: {  	_ =	task [dreg:s6], $0x5FFFF  }
0xac: {  	[dreg:$0x1] =	wrdreg $0xFFFFFFFF  }
0xad: {  	[dreg:$0x0] =	wrdreg $0x60  }
0xae: {  	[dreg:$0x2] =	wrdreg s24  }
0xaf: {  	[dreg:$0x3] =	wrdreg $0x90000  }
0xb0: {  	[dreg:$0x4] =	wrdreg $0x12E000  }
0xb1: {  	[dreg:$0x5] =	wrdreg $0x9  }
0xb2: {  	_ =	task.clear_ibuf [dreg:s6], $0x6FFFF;
	_ =	strace $0x90000055  }
0xb3: {  	s29 =	simm.s32 $0x9;
	_ =	strace $0x80000057  }
0xb4: {  	_ =	swait.ge [sflag:s29], $0x1  }
0xb5: {  	[sflag:s29] =	ssyncadd.s32 $0xFFFFFFFF  }
0xb6: {  	_ =	strace $0x90000057  }
0xb7: {  	_ =	sfence  }
0xb8: {  	s30 =	sld [smem:$0x0];
	_ =	sdelay $0x2  }
0xb9: {  	s31 =	sshll.u32 s1, $0xD;
	s1 =	sshrl.u32 s1, $0x2  }
0xba: {  	s3 =	sand.u32 $0x4000, s31;
	s1 =	sadd.s32 s1, s30  }
0xbb: {  	s0 =	sor.u32 s3, s0;
	s1 =	sshll.u32 s1, $0x11  }
0xbc: {  	s0 =	sor.u32 s1, s0  }
0xbd: {  	s0 =	sadd.s32 $0x8F2B, s0  }
0xbe: {  	[sflag:s0] =	ssyncadd.remote.s32 $0x1  }
0xbf: {  	_ =	sfence.sel $0xFFFF  }
0xc0: {  	[dreg:$0x0] =	wrdreg $0xFFFFFFFF;
	(pc) =	sbr.abs _section_cstart, $3  }
0xc1: {  	[dreg:$0x1] =	wrdreg $0xFFFFFFFF  }
0xc2: {  	_ =	task.clear_ibuf [dreg:s6], $0x2FFFF;
	_ =	strace $0x9FFFFFFF  }
0xc3: {  	(tm) =	ssettm $0x7FFFFFFF  }
tec
execute0_lowered:
.L_overlay_start_1:
0x0: {  	(tag) =	ssettag $0x1  }
0x1: {  	s0 =	rddreg [dreg:$0x0]  }
0x2: {  	s2 =	rddreg [dreg:$0x1]  }
0x3: {  	s3 =	rddreg [dreg:$0x2];
	s16 =	stileid.u32;
	s4 =	simm.s32 $0x0  }
0x4: {  	s5 =	srdreg.scid;
	s15 =	simm.s32 $0x3;
	s19 =	simm.s32 $0x5000  }
0x5: {  	s20 =	simm.s32 $0x80;
	s21 =	simm.s32 $0x7000;
	s28 =	simm.s32 $0x2780  }
0x6: {  	s29 =	simm.s32 $0x4F00;
	s30 =	simm.s32 $0x4F80;
	s31 =	simm.s32 $0x0  }
0x7: {  	s1 =	smul.u32 $0x9E00, s16;
	[smem:$0x7FF] =	sst s4;
	s5 =	sand.u32 $0x1, s5  }
0x8: {  	s10 =	smul.u32 $0x27800, s16;
	s26 =	sshll.u32 s16, $0x6;
	s7 =	sshll.u32 s5, $0x4  }
0x9: {  	s8 =	smul.u32 $0x9E000, s5;
	_ =	strace $0x80000056;
	s5 =	ssub.s32 $0x2, s5  }
0xa: {  	s17 =	sor.u32 $0x1C03, s26;
	s26 =	simm.s32 $0x4E80;
	s6 =	sshrl.u32 s1, $0x3  }
0xb: {  	s22 =	sor.u32 s16, s7;
	s24 =	sshrl.u32 s5, $0x1;
	s25 =	sshrl.u32 s10, $0x2  }
0xc: {  	s18 =	sadd.s32 s1, s2;
	s9 =	sadd.s32 s6, s0;
	s6 =	smul.u32 $0x500, s22  }
0xd: {  	s23 =	sadd.s32 s1, s8;
	s14 =	ssub.s32 s5, s24;
	s12 =	sadd.s32 s25, s3  }
0xe: {  	s8 =	sadd.s32 s1, s3;
	s18 =	sshrl.u32 s18, $0x3;
	s22 =	simm.s32 $0x1  }
0xf: {  	s24 =	simm.s32 $0x4E00;
	s25 =	simm.s32 $0x2700;
	s7 =	sshrl.u32 s23, $0x3  }
0x10: {  	s10 =	sadd.s32 $0x4000, s12;
	s11 =	sadd.s32 $0x6000, s12;
	s14 =	smax.u32 s14, $0x1  }
0x11: {  	s23 =	simm.s32 $0x2;
	s6 =	sadd.s32 s6, s0;
	s0 =	sadd.s32 s7, s0  }
0x12: {  	s7 =	sadd.s32 $0x18000, s9;
	s9 =	sadd.s32 $0x2000, s12;
	s12 =	sadd.s32 $0x8000, s12  }
0x13: {  	v0 =	vimm.f32 $0.0e+00;
	s5 =	sadd.s32 $0xE000, s6;
	s6 =	sadd.s32 $0x3A00, s6;
	s13 =	sadd.s32 $0x2BC00, s0  }
.LBB2_1:
0x14: {  	[tilespmem:s4], [sflag:$0x3] =	stream.linear.gather [hbm4b:s5+s4], $0x2800, $0x38;
	[tilespmem:$0x1CC00] =	vst v63  }
0x15: {  	_ =	swait.ge [sflag:s15], $0x2800  }
0x16: {  	[sflag:s15] =	ssyncset.done $0x0  }
0x17: {  	s0 =	simm.s32 $0x2800;
	[sflag:s15] =	ssyncadd.s32 $0xFFFFD800  }
0x18: {  	[tilespmem:s0], [sflag:$0x3] =	stream.linear.gather [hbm4b:s6+s4], $0x2800, $0x38;
	[tilespmem:$0x1CC00] =	vst v63  }
0x19: {  	_ =	swait.ge [sflag:s15], $0x2800  }
0x1a: {  	[sflag:s15] =	ssyncset.done $0x0  }
0x1b: {  	[sflag:s15] =	ssyncadd.s32 $0xFFFFD800  }
0x1c: {  	[spmem:s18], [sflag:s17] =	dma.local [hbm:s7], $0x13C0  }
0x1d: {  	_ =	swait.ge [sflag:s15], $0x13C0  }
0x1e: {  	[sflag:s15] =	ssyncset.done $0x0  }
0x1f: {  	s1 =	simm.s32 $0x100;
	s0 =	simm.s32 $0x0;
	[sflag:s15] =	ssyncadd.s32 $0xFFFFEC40  }
.LBB2_2:
0x20: {  	p0 =	sne.s32 s1, $0x7F00;
	[tilespmem:s0+$0x5030] =	vst v0;
	s16 =	smov.u32 s1;
	s1 =	sadd.s32 $0x100, s1  }
.Ltmp0:
0x21: {  	[tilespmem:s0+$0x5020] =	vst v0;
	(pc) =	sbr.rel @p0 .LBB2_2-.Ltmp0, $3  }
0x22: {  	[tilespmem:s0+$0x5000] =	vst v0  }
0x23: {  	[tilespmem:s0+$0x5010] =	vst v0;
	_ =	sdelay $0x1  }
0x24: {  	s0 =	sshra.s32 s16, $0x2  }
0x25: {  	[tilespmem:s0+$0x5030] =	vst v0  }
0x26: {  	[tilespmem:s0+$0x5020] =	vst v0  }
0x27: {  	[tilespmem:s0+$0x5000] =	vst v0  }
0x28: {  	[tilespmem:s0+$0x5010] =	vst v0  }
0x29: {  	[spmem:s8] =	stream.linear.scatter [tilespmem:s19], [sflag:$0x3], $0x2000, $0x38;
	[tilespmem:$0x1CC00] =	vst v63  }
0x2a: {  	_ =	swait.ge [sflag:s15], $0x2000  }
0x2b: {  	[sflag:s15] =	ssyncset.done $0x0  }
0x2c: {  	[sflag:s15] =	ssyncadd.s32 $0xFFFFE000  }
0x2d: {  	[spmem:s9] =	stream.linear.scatter [tilespmem:s19], [sflag:$0x3], $0x2000, $0x38;
	[tilespmem:$0x1CC00] =	vst v63  }
0x2e: {  	_ =	swait.ge [sflag:s15], $0x2000  }
0x2f: {  	[sflag:s15] =	ssyncset.done $0x0  }
0x30: {  	[sflag:s15] =	ssyncadd.s32 $0xFFFFE000  }
0x31: {  	[spmem:s10] =	stream.linear.scatter [tilespmem:s19], [sflag:$0x3], $0x2000, $0x38;
	[tilespmem:$0x1CC00] =	vst v63  }
0x32: {  	_ =	swait.ge [sflag:s15], $0x2000  }
0x33: {  	[sflag:s15] =	ssyncset.done $0x0  }
0x34: {  	[sflag:s15] =	ssyncadd.s32 $0xFFFFE000  }
0x35: {  	[spmem:s11] =	stream.linear.scatter [tilespmem:s19], [sflag:$0x3], $0x2000, $0x38;
	[tilespmem:$0x1CC00] =	vst v63  }
0x36: {  	_ =	swait.ge [sflag:s15], $0x2000  }
0x37: {  	[sflag:s15] =	ssyncset.done $0x0  }
0x38: {  	[sflag:s15] =	ssyncadd.s32 $0xFFFFE000  }
0x39: {  	[spmem:s12] =	stream.linear.scatter [tilespmem:s19], [sflag:$0x3], $0x1E00, $0x38;
	[tilespmem:$0x1CC00] =	vst v63  }
0x3a: {  	_ =	swait.ge [sflag:s15], $0x1E00  }
0x3b: {  	[sflag:s15] =	ssyncset.done $0x0  }
0x3c: {  	[sflag:s15] =	ssyncadd.s32 $0xFFFFE200  }
0x3d: {  	s1 =	simm.s32 $0x0;
	[bflag:$0x0] =	sbarrier.arrive $0xFFFF  }
0x3e: {  	[tilespmem:s19], [sflag:$0x1] =	stream.indirect.gather [spmem:s2], $0x40, s1, s20, $0xb8;
	[tilespmem:$0x1CC00] =	vst v63  }
0x3f: {  	_ = 	snop  }
0x40: {  	[tilespmem:s21], [sflag:$0x2] =	stream.indirect.gather [spmem:s2], $0x40, s20, s20, $0xb8;
	[tilespmem:$0x1CC00] =	vst v63  }
0x41: {  	_ =	swait.ge [sflag:s22], $0x2000  }
0x42: {  	[sflag:s22] =	ssyncset.done $0x0  }
0x43: {  	s16 =	simm.s32 $0x2800;
	[sflag:s22] =	ssyncadd.s32 $0xFFFFE000  }
0x44: {  	[spmem:s3] =	stream.indirect.scatter.add.f32 [tilespmem:s19], [sflag:$0x3], $0x40, s16, s20, $0xb8;
	[tilespmem:$0x1CC00] =	vst v63  }
0x45: {  	_ =	swait.ge [sflag:s15], $0x2000  }
0x46: {  	[sflag:s15] =	ssyncset.done $0x0  }
0x47: {  	s1 =	simm.s32 $0x100;
	[sflag:s15] =	ssyncadd.s32 $0xFFFFE000  }
0x48: {  	[tilespmem:s19], [sflag:$0x1] =	stream.indirect.gather [spmem:s2], $0x40, s1, s20, $0xb8;
	[tilespmem:$0x1CC00] =	vst v63  }
0x49: {  	_ =	swait.ge [sflag:s23], $0x2000  }
0x4a: {  	[sflag:s23] =	ssyncset.done $0x0  }
0x4b: {  	s16 =	simm.s32 $0x2880;
	[sflag:s23] =	ssyncadd.s32 $0xFFFFE000  }
0x4c: {  	[spmem:s3] =	stream.indirect.scatter.add.f32 [tilespmem:s21], [sflag:$0x3], $0x40, s16, s20, $0xb8;
	[tilespmem:$0x1CC00] =	vst v63  }
0x4d: {  	_ =	swait.ge [sflag:s15], $0x2000  }
0x4e: {  	[sflag:s15] =	ssyncset.done $0x0  }
0x4f: {  	s0 =	simm.s32 $0x400;
	s1 =	simm.s32 $0x180;
	[sflag:s15] =	ssyncadd.s32 $0xFFFFE000  }
.LBB2_4:
0x50: {  	[tilespmem:s21], [sflag:$0x2] =	stream.indirect.gather [spmem:s2], $0x40, s1, s20, $0xb8;
	[tilespmem:$0x1CC00] =	vst v63  }
0x51: {  	s1 =	smov.u32 s0  }
0x52: {  	p0 =	sne.s32 s0, $0x9400;
	s0 =	sadd.s32 $0x400, s0;
	_ =	swait.ge [sflag:s22], $0x2000  }
0x53: {  	s1 =	sshra.s32 s1, $0x2;
	[sflag:s22] =	ssyncset.done $0x0  }
0x54: {  	s16 =	sadd.s32 $0x2800, s1;
	[sflag:s22] =	ssyncadd.s32 $0xFFFFE000  }
0x55: {  	[spmem:s3] =	stream.indirect.scatter.add.f32 [tilespmem:s19], [sflag:$0x3], $0x40, s16, s20, $0xb8;
	[tilespmem:$0x1CC00] =	vst v63  }
0x56: {  	_ =	swait.ge [sflag:s15], $0x2000  }
0x57: {  	[sflag:s15] =	ssyncset.done $0x0  }
0x58: {  	s16 =	sadd.s32 $0x100, s1;
	[sflag:s15] =	ssyncadd.s32 $0xFFFFE000  }
0x59: {  	[tilespmem:s19], [sflag:$0x1] =	stream.indirect.gather [spmem:s2], $0x40, s16, s20, $0xb8;
	[tilespmem:$0x1CC00] =	vst v63  }
0x5a: {  	_ =	swait.ge [sflag:s23], $0x2000  }
0x5b: {  	[sflag:s23] =	ssyncset.done $0x0  }
.Ltmp1:
0x5c: {  	s16 =	sadd.s32 $0x2880, s1;
	[sflag:s23] =	ssyncadd.s32 $0xFFFFE000;
	(pc) =	sbr.rel @p0 .LBB2_4-.Ltmp1, $4  }
0x5d: {  	[spmem:s3] =	stream.indirect.scatter.add.f32 [tilespmem:s21], [sflag:$0x3], $0x40, s16, s20, $0xb8;
	[tilespmem:$0x1CC00] =	vst v63  }
0x5e: {  	_ =	swait.ge [sflag:s15], $0x2000  }
0x5f: {  	[sflag:s15] =	ssyncset.done $0x0  }
0x60: {  	s1 =	sadd.s32 $0x180, s1;
	[sflag:s15] =	ssyncadd.s32 $0xFFFFE000  }
0x61: {  	[tilespmem:s21], [sflag:$0x2] =	stream.indirect.gather [spmem:s2], $0x40, s1, s20, $0xb8;
	[tilespmem:$0x1CC00] =	vst v63  }
0x62: {  	_ =	swait.ge [sflag:s22], $0x2000  }
0x63: {  	[sflag:s22] =	ssyncset.done $0x0  }
0x64: {  	[sflag:s22] =	ssyncadd.s32 $0xFFFFE000  }
0x65: {  	[spmem:s3] =	stream.indirect.scatter.add.f32 [tilespmem:s19], [sflag:$0x3], $0x40, s24, s20, $0xb8;
	[tilespmem:$0x1CC00] =	vst v63  }
0x66: {  	_ =	swait.ge [sflag:s15], $0x2000  }
0x67: {  	[sflag:s15] =	ssyncset.done $0x0  }
0x68: {  	[sflag:s15] =	ssyncadd.s32 $0xFFFFE000  }
0x69: {  	[tilespmem:s19], [sflag:$0x1] =	stream.indirect.gather [spmem:s2], $0x40, s25, s20, $0xb8;
	[tilespmem:$0x1CC00] =	vst v63  }
0x6a: {  	_ =	swait.ge [sflag:s23], $0x2000  }
0x6b: {  	[sflag:s23] =	ssyncset.done $0x0  }
0x6c: {  	[sflag:s23] =	ssyncadd.s32 $0xFFFFE000  }
0x6d: {  	[spmem:s3] =	stream.indirect.scatter.add.f32 [tilespmem:s21], [sflag:$0x3], $0x40, s26, s20, $0xb8;
	[tilespmem:$0x1CC00] =	vst v63  }
0x6e: {  	_ =	swait.ge [sflag:s15], $0x2000  }
0x6f: {  	[sflag:s15] =	ssyncset.done $0x0  }
0x70: {  	[sflag:s15] =	ssyncadd.s32 $0xFFFFE000  }
0x71: {  	[tilespmem:s21], [sflag:$0x2] =	stream.indirect.gather [spmem:s2], $0x40, s28, s20, $0xb8;
	[tilespmem:$0x1CC00] =	vst v63  }
0x72: {  	_ =	swait.ge [sflag:s22], $0x2000  }
0x73: {  	[sflag:s22] =	ssyncset.done $0x0  }
0x74: {  	[sflag:s22] =	ssyncadd.s32 $0xFFFFE000  }
0x75: {  	[spmem:s3] =	stream.indirect.scatter.add.f32 [tilespmem:s19], [sflag:$0x3], $0x40, s29, s20, $0xb8;
	[tilespmem:$0x1CC00] =	vst v63  }
0x76: {  	_ =	swait.ge [sflag:s15], $0x2000  }
0x77: {  	[sflag:s15] =	ssyncset.done $0x0  }
0x78: {  	[sflag:s15] =	ssyncadd.s32 $0xFFFFE000  }
0x79: {  	[tilespmem:s19], [sflag:$0x1] =	stream.indirect.gather [spmem:s2], $0x40, s28, s20, $0xb8;
	[tilespmem:$0x1CC00] =	vst v63  }
0x7a: {  	_ =	swait.ge [sflag:s23], $0x2000  }
0x7b: {  	[sflag:s23] =	ssyncset.done $0x0  }
0x7c: {  	[sflag:s23] =	ssyncadd.s32 $0xFFFFE000  }
0x7d: {  	[spmem:s3] =	stream.indirect.scatter.add.f32 [tilespmem:s21], [sflag:$0x3], $0x40, s30, s20, $0xb8;
	[tilespmem:$0x1CC00] =	vst v63  }
0x7e: {  	_ =	swait.ge [sflag:s15], $0x2000  }
0x7f: {  	[sflag:s15] =	ssyncset.done $0x0  }
0x80: {  	[sflag:s15] =	ssyncadd.s32 $0xFFFFE000  }
0x81: {  	[tilespmem:s21], [sflag:$0x2] =	stream.indirect.gather [spmem:s2], $0x40, s28, s20, $0xb8;
	[tilespmem:$0x1CC00] =	vst v63  }
0x82: {  	_ =	swait.ge [sflag:s22], $0x2000  }
0x83: {  	[sflag:s22] =	ssyncset.done $0x0  }
0x84: {  	[sflag:s22] =	ssyncadd.s32 $0xFFFFE000  }
0x85: {  	_ =	swait.ge [sflag:s23], $0x2000  }
0x86: {  	s31 =	sadd.s32 $0x1, s31;
	[sflag:s23] =	ssyncset.done $0x0  }
0x87: {  	p0 =	sne.s32 s31, s14;
	[sflag:s23] =	ssyncadd.s32 $0xFFFFE000  }
.Ltmp2:
0x88: {  	s0 =	sshrl.u32 s8, $0x3;
	[bflag:$0x0] =	sbarrier.arrive $0xFFFF;
	(pc) =	sbr.rel @p0 .LBB2_1-.Ltmp2, $4  }
0x89: {  	[hbm:s13], [sflag:s17] =	dma.local [spmem:s0], $0x13C0  }
0x8a: {  	_ =	swait.ge [sflag:s15], $0x13C0  }
0x8b: {  	[sflag:s15] =	ssyncset.done $0x0  }
0x8c: {  	[sflag:s15] =	ssyncadd.s32 $0xFFFFEC40  }
0x8d: {  	_ =	sfence.sel $0x180000  }
0x8e: {  	[bflag:$0x0] =	sbarrier.arrive $0xFFFF  }
0x8f: {  	_ =	strace $0x90000056  }
0x90: {  	s0 =	stileid.u32;
	[bflag:$0x2] =	sbarrier.arrive $0xFFFF  }
0x91: {  	p0 =	sne.s32 s0, $0x0;
	s0 =	rddreg [dreg:$0x3]  }
0x92: {  	s0 =	sadd.s32 @!p0 $0x100000, s0  }
0x93: {  	[sflag:s0] =	ssyncadd.tile.s32 @!p0 $0x1;
	_ =	shalt  }
.Lfunc_end2:
_tile_overlayer_lowered:
.L_overlay_start_2:
0x94: {  	(tag) =	ssettag $0x2  }
0x95: {  	s0 =	rddreg [dreg:$0x0];
	s2 =	stileid.u32  }
0x96: {  	s1 =	rddreg [dreg:$0x1];
	p0 =	sne.s32 s2, $0x0  }
0x97: {  	s3 =	rddreg [dreg:$0x2];
	[bflag:$0x3] =	sbarrier.arrive $0xFFFF;
	s2 =	simm.s32 @!p0 $0x1C03  }
0x98: {  	[timem:s3], [sflag:s2] =	dma.local @!p0 [hbm:s0], s1  }
0x99: {  	s0 =	simm.s32 @!p0 $0x3  }
0x9a: {  	_ =	swait.ge @!p0 [sflag:s0], s1  }
0x9b: {  	s1 =	ssub.s32 @!p0 $0x0, s1;
	[sflag:s0] =	ssyncset.done @!p0 $0x0  }
0x9c: {  	[sflag:s0] =	ssyncadd.s32 @!p0 s1  }
0x9d: {  	[bflag:$0x3] =	sbarrier.arrive $0xFFFF  }
0x9e: {  	_ =	shalt  }

// kernel: kernel.31.cloned.1.call-start
scs
__scs_entry_jumppad:
0x0: {  	(pc) =	sbr.rel $0x88, $3  }
0x1: {  	(tag) =	ssettag $0x0;
	lr =	simm.s32 $0x1  }
0x2: {  	[smem:$0x3F95] =	sst lr;
	_ =	strace $0xD0000000  }
0x3: {  	_ = 	snop  }
0x4: {  	_ = 	snop  }
0x5: {  	_ = 	snop  }
0x6: {  	_ = 	snop  }
0x7: {  	_ = 	snop  }
__scs_overlays_trampoline_lowered:
0x8: {  	[smem:$0x3FA4] =	sst s0  }
0x9: {  	[smem:$0x3FA5] =	sst s1  }
0xa: {  	[smem:$0x3FA6] =	sst s2  }
0xb: {  	[smem:$0x3FA7] =	sst s3  }
0xc: {  	[smem:$0x3FA8] =	sst s4  }
0xd: {  	[smem:$0x3FA9] =	sst s5  }
0xe: {  	[smem:$0x3FAA] =	sst s6  }
0xf: {  	[smem:$0x3FAB] =	sst s7  }
0x10: {  	[smem:$0x3FAC] =	sst s8  }
0x11: {  	[smem:$0x3FAD] =	sst s9;
	s0 =	simm.s32 @!p0 $0x0  }
0x12: {  	s1 =	sld [smem:$0x3F93];
	s0 =	simm.s32 @p0 $0x1  }
0x13: {  	[smem:$0x3FAE] =	sst s0;
	s0 =	simm.s32 @!p1 $0x0  }
0x14: {  	s2 =	sld [smem:$0x3F92];
	s0 =	simm.s32 @p1 $0x1  }
0x15: {  	[smem:$0x3FAF] =	sst s0;
	s0 =	simm.s32 @!p2 $0x0  }
0x16: {  	s3 =	sld [smem:$0x3FDB];
	s0 =	simm.s32 @p2 $0x1  }
0x17: {  	s4 =	simm.s32 $0x1BF5;
	[smem:$0x3FB1] =	sst s0  }
0x18: {  	s0 =	sld [smem:$0x3F94];
	_ =	swait.ge [sflag:s4], $0x0  }
0x19: {  	s7 =	sld [smem:$0x3F95]  }
0x1a: {  	s8 =	sadd.s32 $0xFFFFE003, lr  }
0x1b: {  	s9 =	sadd.s32 $0xFFFFFEF7, lr;
	s5 =	simm.s32 $0xFFFFFFFF;
	p2 =	slt.u32 s8, $0xFFFFF086  }
0x1c: {  	p1 =	slt.u32 s9, $0xF7A;
	s5 =	simm.s32 @!p2 $0x0  }
0x1d: {  	s5 =	simm.s32 @p1 $0x1;
	p0 =	seq.s32 s7, s2  }
0x1e: {  	s7 =	smul.u32 @!p0 $0xF7A, s2;
	p2 =	seq.s32 @!p0 s5, $0x0  }
0x1f: {  	s9 =	smul.u32 $0xF7A, s1;
	s8 =	simm.s32 @!p0 $0x1BF5;
	p2 =	por !p2, p0  }
0x20: {  	[sflag:s8] =	ssyncset.s32 @!p0 $0xFFFFF086;
	s6 =	sadd.s32 @!p0 s3, s7;
	s7 =	simm.s32 @!p0 $0x108  }
0x21: {  	s3 =	sadd.s32 s3, s9;
	s6 =	sadd.s32 @!p0 $0x88, s6;
	s7 =	simm.s32 @p2 $0x1082  }
0x22: {  	[simem:s7], [sflag:s8] =	dma.local @!p0 [hbm:s6], $0xF7A  }
0x23: {  	s9 =	sor.u32 $0xD0000000, s2;
	s6 =	simm.s32 $0x108;
	_ =	swait.ge @!p0 [sflag:s8], $0x0  }
0x24: {  	s3 =	sadd.s32 $0x88, s3;
	s6 =	simm.s32 @!p1 $0x1082;
	[sflag:s4] =	ssyncset.s32 $0xFFFFF086  }
0x25: {  	[simem:s6], [sflag:s4] =	dma.local [hbm:s3], $0xF7A  }
0x26: {  	[smem:$0x3F95] =	sst s1;
	(tag) =	ssettag s2;
	_ =	strace s9  }
0x27: {  	s1 =	sld [smem:$0x3FA5]  }
0x28: {  	s2 =	sld [smem:$0x3FA6]  }
0x29: {  	s4 =	sld [smem:$0x3FA8]  }
0x2a: {  	p0 =	seq.s32 s5, $0x0;
	s5 =	sld [smem:$0x3FA9]  }
0x2b: {  	s6 =	sld [smem:$0x3FAA]  }
0x2c: {  	s7 =	sld [smem:$0x3FAB]  }
0x2d: {  	s3 =	simm.s32 $0x108;
	s8 =	sld [smem:$0x3FAC]  }
0x2e: {  	s3 =	simm.s32 @!p0 $0x1082;
	s9 =	sld [smem:$0x3FAD]  }
0x2f: {  	lr =	sadd.s32 s0, s3;
	s0 =	sld [smem:$0x3FA4]  }
0x30: {  	s3 =	sld [smem:$0x3FA7]  }
0x31: {  	[smem:$0x3FB0] =	sst s10  }
0x32: {  	s10 =	sld [smem:$0x3FAE];
	_ =	sdelay $0x3  }
0x33: {  	p0 =	seq.s32 s10, $0x1;
	s10 =	sld [smem:$0x3FB0];
	_ =	sdelay $0x3  }
0x34: {  	[smem:$0x3FB0] =	sst s10  }
0x35: {  	s10 =	sld [smem:$0x3FAF];
	_ =	sdelay $0x3  }
0x36: {  	p1 =	seq.s32 s10, $0x1;
	s10 =	sld [smem:$0x3FB0];
	_ =	sdelay $0x3  }
0x37: {  	[smem:$0x3FB0] =	sst s10  }
0x38: {  	s10 =	sld [smem:$0x3FB1]  }
0x39: {  	_ = 	snop;
	(pc) =	sbr.ind lr, $3  }
0x3a: {  	_ = 	snop  }
0x3b: {  	_ = 	snop  }
0x3c: {  	p2 =	seq.s32 s10, $0x1;
	s10 =	sld [smem:$0x3FB0]  }
0x3d: {  	_ =	shalt  }
0x3e: {  	_ =	shalt  }
0x3f: {  	_ =	shalt  }
0x40: {  	_ =	shalt  }
0x41: {  	_ =	shalt  }
0x42: {  	_ =	shalt  }
0x43: {  	_ =	shalt  }
0x44: {  	_ =	shalt  }
0x45: {  	_ =	shalt  }
0x46: {  	_ =	shalt  }
0x47: {  	_ =	shalt  }
0x48: {  	_ =	shalt  }
0x49: {  	_ =	shalt  }
0x4a: {  	_ =	shalt  }
0x4b: {  	_ =	shalt  }
0x4c: {  	_ =	shalt  }
0x4d: {  	_ =	shalt  }
0x4e: {  	_ =	shalt  }
0x4f: {  	_ =	shalt  }
0x50: {  	_ =	shalt  }
0x51: {  	_ =	shalt  }
0x52: {  	_ =	shalt  }
0x53: {  	_ =	shalt  }
0x54: {  	_ =	shalt  }
0x55: {  	_ =	shalt  }
0x56: {  	_ =	shalt  }
0x57: {  	_ =	shalt  }
0x58: {  	_ =	shalt  }
0x59: {  	_ =	shalt  }
0x5a: {  	_ =	shalt  }
0x5b: {  	_ =	shalt  }
0x5c: {  	_ =	shalt  }
0x5d: {  	_ =	shalt  }
0x5e: {  	_ =	shalt  }
0x5f: {  	_ =	shalt  }
0x60: {  	_ =	shalt  }
0x61: {  	_ =	shalt  }
0x62: {  	_ =	shalt  }
0x63: {  	_ =	shalt  }
0x64: {  	_ =	shalt  }
0x65: {  	_ =	shalt  }
0x66: {  	_ =	shalt  }
0x67: {  	_ =	shalt  }
0x68: {  	_ =	shalt  }
0x69: {  	_ =	shalt  }
0x6a: {  	_ =	shalt  }
0x6b: {  	_ =	shalt  }
0x6c: {  	_ =	shalt  }
0x6d: {  	_ =	shalt  }
0x6e: {  	_ =	shalt  }
0x6f: {  	_ =	shalt  }
0x70: {  	_ =	shalt  }
0x71: {  	_ =	shalt  }
0x72: {  	_ =	shalt  }
0x73: {  	_ =	shalt  }
0x74: {  	_ =	shalt  }
0x75: {  	_ =	shalt  }
0x76: {  	_ =	shalt  }
0x77: {  	_ =	shalt  }
0x78: {  	_ =	shalt  }
0x79: {  	_ =	shalt  }
0x7a: {  	_ =	shalt  }
0x7b: {  	_ =	shalt  }
0x7c: {  	_ =	shalt  }
0x7d: {  	_ =	shalt  }
0x7e: {  	_ =	shalt  }
0x7f: {  	_ =	shalt  }
0x80: {  	_ =	shalt  }
0x81: {  	_ =	shalt  }
0x82: {  	_ =	shalt  }
0x83: {  	_ =	shalt  }
0x84: {  	_ =	shalt  }
0x85: {  	_ =	shalt  }
0x86: {  	_ =	shalt  }
0x87: {  	_ =	shalt  }
.Lfunc_end0:
.L_simem_size_0:
called_computation.6_lowered:
.L_overlay_start_0:
0x88: {  	s2 =	sld [smem:$0x3FD9]  }
0x89: {  	s3 =	sld [smem:$0x3FFE];
	_ =	sdelay $0x1  }
0x8a: {  	s1 =	srdreg.scid  }
0x8b: {  	s0 =	sand.u32 $0x1, s1  }
0x8c: {  	s16 =	sshll.u32 s0, $0xA;
	s2 =	sadd.s32 s3, s2  }
0x8d: {  	s2 =	sadd.s32 s2, s16  }
0x8e: {  	[smem:$0x3FBC] =	sst s2  }
0x8f: {  	_ = 	snop  }
0x90: {  	(tm) =	ssettm $0x1  }
0x91: {  	s17 =	sld [smem:$0x3FFB];
	_ =	sdelay $0x3  }
0x92: {  	_ =	strace s17  }
0x93: {  	s2 =	sld [smem:$0x3FFC];
	_ =	sdelay $0x3  }
0x94: {  	_ =	strace s2  }
0x95: {  	s2 =	sld [smem:$0x3FFD];
	_ =	sdelay $0x3  }
0x96: {  	_ =	strace s2  }
0x97: {  	_ =	strace $0x8FFFFFFF  }
0x98: {  	s18 =	sld [smem:$0x3FDB];
	_ =	sdelay $0x1  }
0x99: {  	s19 =	simm.s32 $_scs_section_size  }
0x9a: {  	s4 =	simm.s32 $_size__tile_overlayer_lowered;
	s5 =	simm.s32 $_tile_overlayer_lowered  }
0x9b: {  	s22 =	simm.s32 $0x1BFF;
	s21 =	sshll.u32 s5, $0x1;
	s2 =	sadd.s32 s19, s18  }
0x9c: {  	s6 =	simm.s32 $0x0;
	s20 =	sshll.u32 s4, $0x1;
	s4 =	sadd.s32 s21, s2  }
0x9d: {  	[timem:s6], [sflag:s22] =	dma.local [hbm:s4], s20  }
0x9e: {  	_ =	swait.ge [sflag:s22], s20  }
0x9f: {  	s3 =	ssub.s32 $0x0, s20;
	[sflag:s22] =	ssyncset.done $0x0  }
0xa0: {  	[sflag:s22] =	ssyncadd.s32 s3;
	_ =	sdelay $0x1  }
0xa1: {  	s23 =	simm.s32 $0x1B8B  }
0xa2: {  	_ =	swait.ge [sflag:s23], $0x1  }
0xa3: {  	[sflag:s23] =	ssyncset.done $0x0  }
0xa4: {  	s25 =	simm.s32 $0x1B8E;
	s24 =	sld [smem:$0x3FFE];
	[sflag:s23] =	ssyncadd.s32 $0xFFFFFFFF  }
0xa5: {  	s26 =	simm.s32 $execute0_lowered;
	[smem:$0x3FD2] =	sst s25  }
0xa6: {  	s4 =	sshll.u32 s26, $0x1;
	_ =	strace $0x80000058;
	[dreg:$0x1] =	wrdreg $0xFFFFFFFF  }
0xa7: {  	s28 =	simm.s32 $_size_execute0_lowered;
	s2 =	sadd.s32 s2, s4;
	[dreg:$0x0] =	wrdreg $0x0  }
0xa8: {  	s4 =	sshll.u32 s28, $0x1;
	[dreg:$0x2] =	wrdreg s2  }
0xa9: {  	[dreg:$0x3] =	wrdreg s4  }
0xaa: {  	[dreg:$0x4] =	wrdreg $0xC0  }
0xab: {  	_ =	task [dreg:s6], $0x5FFFF  }
0xac: {  	[dreg:$0x1] =	wrdreg $0xFFFFFFFF  }
0xad: {  	[dreg:$0x0] =	wrdreg $0x60  }
0xae: {  	[dreg:$0x2] =	wrdreg s24  }
0xaf: {  	[dreg:$0x3] =	wrdreg $0x90000  }
0xb0: {  	[dreg:$0x4] =	wrdreg $0x12E000  }
0xb1: {  	[dreg:$0x5] =	wrdreg $0x9  }
0xb2: {  	_ =	task.clear_ibuf [dreg:s6], $0x6FFFF;
	_ =	strace $0x90000058  }
0xb3: {  	s29 =	simm.s32 $0x9;
	_ =	strace $0x8000005A  }
0xb4: {  	_ =	swait.ge [sflag:s29], $0x1  }
0xb5: {  	[sflag:s29] =	ssyncadd.s32 $0xFFFFFFFF  }
0xb6: {  	_ =	strace $0x9000005A  }
0xb7: {  	_ =	sfence  }
0xb8: {  	s30 =	sld [smem:$0x0];
	_ =	sdelay $0x2  }
0xb9: {  	s31 =	sshll.u32 s1, $0xD;
	s1 =	sshrl.u32 s1, $0x2  }
0xba: {  	s3 =	sand.u32 $0x4000, s31;
	s1 =	sadd.s32 s1, s30  }
0xbb: {  	s0 =	sor.u32 s3, s0;
	s1 =	sshll.u32 s1, $0x11  }
0xbc: {  	s0 =	sor.u32 s1, s0  }
0xbd: {  	s0 =	sadd.s32 $0x8F2B, s0  }
0xbe: {  	[sflag:s0] =	ssyncadd.remote.s32 $0x1  }
0xbf: {  	_ =	sfence.sel $0xFFFF  }
0xc0: {  	[dreg:$0x0] =	wrdreg $0xFFFFFFFF;
	(pc) =	sbr.abs _section_cstart, $3  }
0xc1: {  	[dreg:$0x1] =	wrdreg $0xFFFFFFFF  }
0xc2: {  	_ =	task.clear_ibuf [dreg:s6], $0x2FFFF;
	_ =	strace $0x9FFFFFFF  }
0xc3: {  	(tm) =	ssettm $0x7FFFFFFF  }
tec
execute0_lowered:
.L_overlay_start_1:
0x0: {  	(tag) =	ssettag $0x1  }
0x1: {  	s0 =	rddreg [dreg:$0x0]  }
0x2: {  	s2 =	rddreg [dreg:$0x1]  }
0x3: {  	s3 =	rddreg [dreg:$0x2];
	s16 =	stileid.u32;
	s4 =	simm.s32 $0x0  }
0x4: {  	s5 =	srdreg.scid;
	s15 =	simm.s32 $0x3;
	s19 =	simm.s32 $0x5000  }
0x5: {  	s20 =	simm.s32 $0x80;
	s21 =	simm.s32 $0x7000;
	s28 =	simm.s32 $0x2780  }
0x6: {  	s29 =	simm.s32 $0x4F00;
	s30 =	simm.s32 $0x4F80;
	s31 =	simm.s32 $0x0  }
0x7: {  	s1 =	smul.u32 $0x9E00, s16;
	[smem:$0x7FF] =	sst s4;
	s5 =	sand.u32 $0x1, s5  }
0x8: {  	s10 =	smul.u32 $0x27800, s16;
	s26 =	sshll.u32 s16, $0x6;
	s7 =	sshll.u32 s5, $0x4  }
0x9: {  	s8 =	smul.u32 $0x9E000, s5;
	_ =	strace $0x80000059;
	s5 =	ssub.s32 $0x2, s5  }
0xa: {  	s17 =	sor.u32 $0x1C03, s26;
	s26 =	simm.s32 $0x4E80;
	s6 =	sshrl.u32 s1, $0x3  }
0xb: {  	s22 =	sor.u32 s16, s7;
	s24 =	sshrl.u32 s5, $0x1;
	s25 =	sshrl.u32 s10, $0x2  }
0xc: {  	s18 =	sadd.s32 s1, s2;
	s9 =	sadd.s32 s6, s0;
	s6 =	smul.u32 $0x500, s22  }
0xd: {  	s23 =	sadd.s32 s1, s8;
	s14 =	ssub.s32 s5, s24;
	s12 =	sadd.s32 s25, s3  }
0xe: {  	s8 =	sadd.s32 s1, s3;
	s18 =	sshrl.u32 s18, $0x3;
	s22 =	simm.s32 $0x1  }
0xf: {  	s24 =	simm.s32 $0x4E00;
	s25 =	simm.s32 $0x2700;
	s7 =	sshrl.u32 s23, $0x3  }
0x10: {  	s10 =	sadd.s32 $0x4000, s12;
	s11 =	sadd.s32 $0x6000, s12;
	s14 =	smax.u32 s14, $0x1  }
0x11: {  	s23 =	simm.s32 $0x2;
	s6 =	sadd.s32 s6, s0;
	s0 =	sadd.s32 s7, s0  }
0x12: {  	s7 =	sadd.s32 $0x18000, s9;
	s9 =	sadd.s32 $0x2000, s12;
	s12 =	sadd.s32 $0x8000, s12  }
0x13: {  	v0 =	vimm.f32 $0.0e+00;
	s5 =	sadd.s32 $0xE000, s6;
	s6 =	sadd.s32 $0x3A00, s6;
	s13 =	sadd.s32 $0x2BC00, s0  }
.LBB2_1:
0x14: {  	[tilespmem:s4], [sflag:$0x3] =	stream.linear.gather [hbm4b:s5+s4], $0x2800, $0x38;
	[tilespmem:$0x1CC00] =	vst v63  }
0x15: {  	_ =	swait.ge [sflag:s15], $0x2800  }
0x16: {  	[sflag:s15] =	ssyncset.done $0x0  }
0x17: {  	s0 =	simm.s32 $0x2800;
	[sflag:s15] =	ssyncadd.s32 $0xFFFFD800  }
0x18: {  	[tilespmem:s0], [sflag:$0x3] =	stream.linear.gather [hbm4b:s6+s4], $0x2800, $0x38;
	[tilespmem:$0x1CC00] =	vst v63  }
0x19: {  	_ =	swait.ge [sflag:s15], $0x2800  }
0x1a: {  	[sflag:s15] =	ssyncset.done $0x0  }
0x1b: {  	[sflag:s15] =	ssyncadd.s32 $0xFFFFD800  }
0x1c: {  	[spmem:s18], [sflag:s17] =	dma.local [hbm:s7], $0x13C0  }
0x1d: {  	_ =	swait.ge [sflag:s15], $0x13C0  }
0x1e: {  	[sflag:s15] =	ssyncset.done $0x0  }
0x1f: {  	s1 =	simm.s32 $0x100;
	s0 =	simm.s32 $0x0;
	[sflag:s15] =	ssyncadd.s32 $0xFFFFEC40  }
.LBB2_2:
0x20: {  	p0 =	sne.s32 s1, $0x7F00;
	[tilespmem:s0+$0x5030] =	vst v0;
	s16 =	smov.u32 s1;
	s1 =	sadd.s32 $0x100, s1  }
.Ltmp0:
0x21: {  	[tilespmem:s0+$0x5020] =	vst v0;
	(pc) =	sbr.rel @p0 .LBB2_2-.Ltmp0, $3  }
0x22: {  	[tilespmem:s0+$0x5000] =	vst v0  }
0x23: {  	[tilespmem:s0+$0x5010] =	vst v0;
	_ =	sdelay $0x1  }
0x24: {  	s0 =	sshra.s32 s16, $0x2  }
0x25: {  	[tilespmem:s0+$0x5030] =	vst v0  }
0x26: {  	[tilespmem:s0+$0x5020] =	vst v0  }
0x27: {  	[tilespmem:s0+$0x5000] =	vst v0  }
0x28: {  	[tilespmem:s0+$0x5010] =	vst v0  }
0x29: {  	[spmem:s8] =	stream.linear.scatter [tilespmem:s19], [sflag:$0x3], $0x2000, $0x38;
	[tilespmem:$0x1CC00] =	vst v63  }
0x2a: {  	_ =	swait.ge [sflag:s15], $0x2000  }
0x2b: {  	[sflag:s15] =	ssyncset.done $0x0  }
0x2c: {  	[sflag:s15] =	ssyncadd.s32 $0xFFFFE000  }
0x2d: {  	[spmem:s9] =	stream.linear.scatter [tilespmem:s19], [sflag:$0x3], $0x2000, $0x38;
	[tilespmem:$0x1CC00] =	vst v63  }
0x2e: {  	_ =	swait.ge [sflag:s15], $0x2000  }
0x2f: {  	[sflag:s15] =	ssyncset.done $0x0  }
0x30: {  	[sflag:s15] =	ssyncadd.s32 $0xFFFFE000  }
0x31: {  	[spmem:s10] =	stream.linear.scatter [tilespmem:s19], [sflag:$0x3], $0x2000, $0x38;
	[tilespmem:$0x1CC00] =	vst v63  }
0x32: {  	_ =	swait.ge [sflag:s15], $0x2000  }
0x33: {  	[sflag:s15] =	ssyncset.done $0x0  }
0x34: {  	[sflag:s15] =	ssyncadd.s32 $0xFFFFE000  }
0x35: {  	[spmem:s11] =	stream.linear.scatter [tilespmem:s19], [sflag:$0x3], $0x2000, $0x38;
	[tilespmem:$0x1CC00] =	vst v63  }
0x36: {  	_ =	swait.ge [sflag:s15], $0x2000  }
0x37: {  	[sflag:s15] =	ssyncset.done $0x0  }
0x38: {  	[sflag:s15] =	ssyncadd.s32 $0xFFFFE000  }
0x39: {  	[spmem:s12] =	stream.linear.scatter [tilespmem:s19], [sflag:$0x3], $0x1E00, $0x38;
	[tilespmem:$0x1CC00] =	vst v63  }
0x3a: {  	_ =	swait.ge [sflag:s15], $0x1E00  }
0x3b: {  	[sflag:s15] =	ssyncset.done $0x0  }
0x3c: {  	[sflag:s15] =	ssyncadd.s32 $0xFFFFE200  }
0x3d: {  	s1 =	simm.s32 $0x0;
	[bflag:$0x0] =	sbarrier.arrive $0xFFFF  }
0x3e: {  	[tilespmem:s19], [sflag:$0x1] =	stream.indirect.gather [spmem:s2], $0x40, s1, s20, $0xb8;
	[tilespmem:$0x1CC00] =	vst v63  }
0x3f: {  	_ = 	snop  }
0x40: {  	[tilespmem:s21], [sflag:$0x2] =	stream.indirect.gather [spmem:s2], $0x40, s20, s20, $0xb8;
	[tilespmem:$0x1CC00] =	vst v63  }
0x41: {  	_ =	swait.ge [sflag:s22], $0x2000  }
0x42: {  	[sflag:s22] =	ssyncset.done $0x0  }
0x43: {  	s16 =	simm.s32 $0x2800;
	[sflag:s22] =	ssyncadd.s32 $0xFFFFE000  }
0x44: {  	[spmem:s3] =	stream.indirect.scatter.add.f32 [tilespmem:s19], [sflag:$0x3], $0x40, s16, s20, $0xb8;
	[tilespmem:$0x1CC00] =	vst v63  }
0x45: {  	_ =	swait.ge [sflag:s15], $0x2000  }
0x46: {  	[sflag:s15] =	ssyncset.done $0x0  }
0x47: {  	s1 =	simm.s32 $0x100;
	[sflag:s15] =	ssyncadd.s32 $0xFFFFE000  }
0x48: {  	[tilespmem:s19], [sflag:$0x1] =	stream.indirect.gather [spmem:s2], $0x40, s1, s20, $0xb8;
	[tilespmem:$0x1CC00] =	vst v63  }
0x49: {  	_ =	swait.ge [sflag:s23], $0x2000  }
0x4a: {  	[sflag:s23] =	ssyncset.done $0x0  }
0x4b: {  	s16 =	simm.s32 $0x2880;
	[sflag:s23] =	ssyncadd.s32 $0xFFFFE000  }
0x4c: {  	[spmem:s3] =	stream.indirect.scatter.add.f32 [tilespmem:s21], [sflag:$0x3], $0x40, s16, s20, $0xb8;
	[tilespmem:$0x1CC00] =	vst v63  }
0x4d: {  	_ =	swait.ge [sflag:s15], $0x2000  }
0x4e: {  	[sflag:s15] =	ssyncset.done $0x0  }
0x4f: {  	s0 =	simm.s32 $0x400;
	s1 =	simm.s32 $0x180;
	[sflag:s15] =	ssyncadd.s32 $0xFFFFE000  }
.LBB2_4:
0x50: {  	[tilespmem:s21], [sflag:$0x2] =	stream.indirect.gather [spmem:s2], $0x40, s1, s20, $0xb8;
	[tilespmem:$0x1CC00] =	vst v63  }
0x51: {  	s1 =	smov.u32 s0  }
0x52: {  	p0 =	sne.s32 s0, $0x9400;
	s0 =	sadd.s32 $0x400, s0;
	_ =	swait.ge [sflag:s22], $0x2000  }
0x53: {  	s1 =	sshra.s32 s1, $0x2;
	[sflag:s22] =	ssyncset.done $0x0  }
0x54: {  	s16 =	sadd.s32 $0x2800, s1;
	[sflag:s22] =	ssyncadd.s32 $0xFFFFE000  }
0x55: {  	[spmem:s3] =	stream.indirect.scatter.add.f32 [tilespmem:s19], [sflag:$0x3], $0x40, s16, s20, $0xb8;
	[tilespmem:$0x1CC00] =	vst v63  }
0x56: {  	_ =	swait.ge [sflag:s15], $0x2000  }
0x57: {  	[sflag:s15] =	ssyncset.done $0x0  }
0x58: {  	s16 =	sadd.s32 $0x100, s1;
	[sflag:s15] =	ssyncadd.s32 $0xFFFFE000  }
0x59: {  	[tilespmem:s19], [sflag:$0x1] =	stream.indirect.gather [spmem:s2], $0x40, s16, s20, $0xb8;
	[tilespmem:$0x1CC00] =	vst v63  }
0x5a: {  	_ =	swait.ge [sflag:s23], $0x2000  }
0x5b: {  	[sflag:s23] =	ssyncset.done $0x0  }
.Ltmp1:
0x5c: {  	s16 =	sadd.s32 $0x2880, s1;
	[sflag:s23] =	ssyncadd.s32 $0xFFFFE000;
	(pc) =	sbr.rel @p0 .LBB2_4-.Ltmp1, $4  }
0x5d: {  	[spmem:s3] =	stream.indirect.scatter.add.f32 [tilespmem:s21], [sflag:$0x3], $0x40, s16, s20, $0xb8;
	[tilespmem:$0x1CC00] =	vst v63  }
0x5e: {  	_ =	swait.ge [sflag:s15], $0x2000  }
0x5f: {  	[sflag:s15] =	ssyncset.done $0x0  }
0x60: {  	s1 =	sadd.s32 $0x180, s1;
	[sflag:s15] =	ssyncadd.s32 $0xFFFFE000  }
0x61: {  	[tilespmem:s21], [sflag:$0x2] =	stream.indirect.gather [spmem:s2], $0x40, s1, s20, $0xb8;
	[tilespmem:$0x1CC00] =	vst v63  }
0x62: {  	_ =	swait.ge [sflag:s22], $0x2000  }
0x63: {  	[sflag:s22] =	ssyncset.done $0x0  }
0x64: {  	[sflag:s22] =	ssyncadd.s32 $0xFFFFE000  }
0x65: {  	[spmem:s3] =	stream.indirect.scatter.add.f32 [tilespmem:s19], [sflag:$0x3], $0x40, s24, s20, $0xb8;
	[tilespmem:$0x1CC00] =	vst v63  }
0x66: {  	_ =	swait.ge [sflag:s15], $0x2000  }
0x67: {  	[sflag:s15] =	ssyncset.done $0x0  }
0x68: {  	[sflag:s15] =	ssyncadd.s32 $0xFFFFE000  }
0x69: {  	[tilespmem:s19], [sflag:$0x1] =	stream.indirect.gather [spmem:s2], $0x40, s25, s20, $0xb8;
	[tilespmem:$0x1CC00] =	vst v63  }
0x6a: {  	_ =	swait.ge [sflag:s23], $0x2000  }
0x6b: {  	[sflag:s23] =	ssyncset.done $0x0  }
0x6c: {  	[sflag:s23] =	ssyncadd.s32 $0xFFFFE000  }
0x6d: {  	[spmem:s3] =	stream.indirect.scatter.add.f32 [tilespmem:s21], [sflag:$0x3], $0x40, s26, s20, $0xb8;
	[tilespmem:$0x1CC00] =	vst v63  }
0x6e: {  	_ =	swait.ge [sflag:s15], $0x2000  }
0x6f: {  	[sflag:s15] =	ssyncset.done $0x0  }
0x70: {  	[sflag:s15] =	ssyncadd.s32 $0xFFFFE000  }
0x71: {  	[tilespmem:s21], [sflag:$0x2] =	stream.indirect.gather [spmem:s2], $0x40, s28, s20, $0xb8;
	[tilespmem:$0x1CC00] =	vst v63  }
0x72: {  	_ =	swait.ge [sflag:s22], $0x2000  }
0x73: {  	[sflag:s22] =	ssyncset.done $0x0  }
0x74: {  	[sflag:s22] =	ssyncadd.s32 $0xFFFFE000  }
0x75: {  	[spmem:s3] =	stream.indirect.scatter.add.f32 [tilespmem:s19], [sflag:$0x3], $0x40, s29, s20, $0xb8;
	[tilespmem:$0x1CC00] =	vst v63  }
0x76: {  	_ =	swait.ge [sflag:s15], $0x2000  }
0x77: {  	[sflag:s15] =	ssyncset.done $0x0  }
0x78: {  	[sflag:s15] =	ssyncadd.s32 $0xFFFFE000  }
0x79: {  	[tilespmem:s19], [sflag:$0x1] =	stream.indirect.gather [spmem:s2], $0x40, s28, s20, $0xb8;
	[tilespmem:$0x1CC00] =	vst v63  }
0x7a: {  	_ =	swait.ge [sflag:s23], $0x2000  }
0x7b: {  	[sflag:s23] =	ssyncset.done $0x0  }
0x7c: {  	[sflag:s23] =	ssyncadd.s32 $0xFFFFE000  }
0x7d: {  	[spmem:s3] =	stream.indirect.scatter.add.f32 [tilespmem:s21], [sflag:$0x3], $0x40, s30, s20, $0xb8;
	[tilespmem:$0x1CC00] =	vst v63  }
0x7e: {  	_ =	swait.ge [sflag:s15], $0x2000  }
0x7f: {  	[sflag:s15] =	ssyncset.done $0x0  }
0x80: {  	[sflag:s15] =	ssyncadd.s32 $0xFFFFE000  }
0x81: {  	[tilespmem:s21], [sflag:$0x2] =	stream.indirect.gather [spmem:s2], $0x40, s28, s20, $0xb8;
	[tilespmem:$0x1CC00] =	vst v63  }
0x82: {  	_ =	swait.ge [sflag:s22], $0x2000  }
0x83: {  	[sflag:s22] =	ssyncset.done $0x0  }
0x84: {  	[sflag:s22] =	ssyncadd.s32 $0xFFFFE000  }
0x85: {  	_ =	swait.ge [sflag:s23], $0x2000  }
0x86: {  	s31 =	sadd.s32 $0x1, s31;
	[sflag:s23] =	ssyncset.done $0x0  }
0x87: {  	p0 =	sne.s32 s31, s14;
	[sflag:s23] =	ssyncadd.s32 $0xFFFFE000  }
.Ltmp2:
0x88: {  	s0 =	sshrl.u32 s8, $0x3;
	[bflag:$0x0] =	sbarrier.arrive $0xFFFF;
	(pc) =	sbr.rel @p0 .LBB2_1-.Ltmp2, $4  }
0x89: {  	[hbm:s13], [sflag:s17] =	dma.local [spmem:s0], $0x13C0  }
0x8a: {  	_ =	swait.ge [sflag:s15], $0x13C0  }
0x8b: {  	[sflag:s15] =	ssyncset.done $0x0  }
0x8c: {  	[sflag:s15] =	ssyncadd.s32 $0xFFFFEC40  }
0x8d: {  	_ =	sfence.sel $0x180000  }
0x8e: {  	[bflag:$0x0] =	sbarrier.arrive $0xFFFF  }
0x8f: {  	_ =	strace $0x90000059  }
0x90: {  	s0 =	stileid.u32;
	[bflag:$0x2] =	sbarrier.arrive $0xFFFF  }
0x91: {  	p0 =	sne.s32 s0, $0x0;
	s0 =	rddreg [dreg:$0x3]  }
0x92: {  	s0 =	sadd.s32 @!p0 $0x100000, s0  }
0x93: {  	[sflag:s0] =	ssyncadd.tile.s32 @!p0 $0x1;
	_ =	shalt  }
.Lfunc_end2:
_tile_overlayer_lowered:
.L_overlay_start_2:
0x94: {  	(tag) =	ssettag $0x2  }
0x95: {  	s0 =	rddreg [dreg:$0x0];
	s2 =	stileid.u32  }
0x96: {  	s1 =	rddreg [dreg:$0x1];
	p0 =	sne.s32 s2, $0x0  }
0x97: {  	s3 =	rddreg [dreg:$0x2];
	[bflag:$0x3] =	sbarrier.arrive $0xFFFF;
	s2 =	simm.s32 @!p0 $0x1C03  }
0x98: {  	[timem:s3], [sflag:s2] =	dma.local @!p0 [hbm:s0], s1  }
0x99: {  	s0 =	simm.s32 @!p0 $0x3  }
0x9a: {  	_ =	swait.ge @!p0 [sflag:s0], s1  }
0x9b: {  	s1 =	ssub.s32 @!p0 $0x0, s1;
	[sflag:s0] =	ssyncset.done @!p0 $0x0  }
0x9c: {  	[sflag:s0] =	ssyncadd.s32 @!p0 s1  }
0x9d: {  	[bflag:$0x3] =	sbarrier.arrive $0xFFFF  }
0x9e: {  	_ =	shalt  }

// kernel: kernel.34.cloned.1.call-start
scs
__scs_entry_jumppad:
0x0: {  	(pc) =	sbr.rel $0x88, $3  }
0x1: {  	(tag) =	ssettag $0x0;
	lr =	simm.s32 $0x1  }
0x2: {  	[smem:$0x3F95] =	sst lr;
	_ =	strace $0xD0000000  }
0x3: {  	_ = 	snop  }
0x4: {  	_ = 	snop  }
0x5: {  	_ = 	snop  }
0x6: {  	_ = 	snop  }
0x7: {  	_ = 	snop  }
__scs_overlays_trampoline_lowered:
0x8: {  	[smem:$0x3FA4] =	sst s0  }
0x9: {  	[smem:$0x3FA5] =	sst s1  }
0xa: {  	[smem:$0x3FA6] =	sst s2  }
0xb: {  	[smem:$0x3FA7] =	sst s3  }
0xc: {  	[smem:$0x3FA8] =	sst s4  }
0xd: {  	[smem:$0x3FA9] =	sst s5  }
0xe: {  	[smem:$0x3FAA] =	sst s6  }
0xf: {  	[smem:$0x3FAB] =	sst s7  }
0x10: {  	[smem:$0x3FAC] =	sst s8  }
0x11: {  	[smem:$0x3FAD] =	sst s9;
	s0 =	simm.s32 @!p0 $0x0  }
0x12: {  	s1 =	sld [smem:$0x3F93];
	s0 =	simm.s32 @p0 $0x1  }
0x13: {  	[smem:$0x3FAE] =	sst s0;
	s0 =	simm.s32 @!p1 $0x0  }
0x14: {  	s2 =	sld [smem:$0x3F92];
	s0 =	simm.s32 @p1 $0x1  }
0x15: {  	[smem:$0x3FAF] =	sst s0;
	s0 =	simm.s32 @!p2 $0x0  }
0x16: {  	s3 =	sld [smem:$0x3FDB];
	s0 =	simm.s32 @p2 $0x1  }
0x17: {  	s4 =	simm.s32 $0x1BF5;
	[smem:$0x3FB1] =	sst s0  }
0x18: {  	s0 =	sld [smem:$0x3F94];
	_ =	swait.ge [sflag:s4], $0x0  }
0x19: {  	s7 =	sld [smem:$0x3F95]  }
0x1a: {  	s8 =	sadd.s32 $0xFFFFE003, lr  }
0x1b: {  	s9 =	sadd.s32 $0xFFFFFEF7, lr;
	s5 =	simm.s32 $0xFFFFFFFF;
	p2 =	slt.u32 s8, $0xFFFFF086  }
0x1c: {  	p1 =	slt.u32 s9, $0xF7A;
	s5 =	simm.s32 @!p2 $0x0  }
0x1d: {  	s5 =	simm.s32 @p1 $0x1;
	p0 =	seq.s32 s7, s2  }
0x1e: {  	s7 =	smul.u32 @!p0 $0xF7A, s2;
	p2 =	seq.s32 @!p0 s5, $0x0  }
0x1f: {  	s9 =	smul.u32 $0xF7A, s1;
	s8 =	simm.s32 @!p0 $0x1BF5;
	p2 =	por !p2, p0  }
0x20: {  	[sflag:s8] =	ssyncset.s32 @!p0 $0xFFFFF086;
	s6 =	sadd.s32 @!p0 s3, s7;
	s7 =	simm.s32 @!p0 $0x108  }
0x21: {  	s3 =	sadd.s32 s3, s9;
	s6 =	sadd.s32 @!p0 $0x88, s6;
	s7 =	simm.s32 @p2 $0x1082  }
0x22: {  	[simem:s7], [sflag:s8] =	dma.local @!p0 [hbm:s6], $0xF7A  }
0x23: {  	s9 =	sor.u32 $0xD0000000, s2;
	s6 =	simm.s32 $0x108;
	_ =	swait.ge @!p0 [sflag:s8], $0x0  }
0x24: {  	s3 =	sadd.s32 $0x88, s3;
	s6 =	simm.s32 @!p1 $0x1082;
	[sflag:s4] =	ssyncset.s32 $0xFFFFF086  }
0x25: {  	[simem:s6], [sflag:s4] =	dma.local [hbm:s3], $0xF7A  }
0x26: {  	[smem:$0x3F95] =	sst s1;
	(tag) =	ssettag s2;
	_ =	strace s9  }
0x27: {  	s1 =	sld [smem:$0x3FA5]  }
0x28: {  	s2 =	sld [smem:$0x3FA6]  }
0x29: {  	s4 =	sld [smem:$0x3FA8]  }
0x2a: {  	p0 =	seq.s32 s5, $0x0;
	s5 =	sld [smem:$0x3FA9]  }
0x2b: {  	s6 =	sld [smem:$0x3FAA]  }
0x2c: {  	s7 =	sld [smem:$0x3FAB]  }
0x2d: {  	s3 =	simm.s32 $0x108;
	s8 =	sld [smem:$0x3FAC]  }
0x2e: {  	s3 =	simm.s32 @!p0 $0x1082;
	s9 =	sld [smem:$0x3FAD]  }
0x2f: {  	lr =	sadd.s32 s0, s3;
	s0 =	sld [smem:$0x3FA4]  }
0x30: {  	s3 =	sld [smem:$0x3FA7]  }
0x31: {  	[smem:$0x3FB0] =	sst s10  }
0x32: {  	s10 =	sld [smem:$0x3FAE];
	_ =	sdelay $0x3  }
0x33: {  	p0 =	seq.s32 s10, $0x1;
	s10 =	sld [smem:$0x3FB0];
	_ =	sdelay $0x3  }
0x34: {  	[smem:$0x3FB0] =	sst s10  }
0x35: {  	s10 =	sld [smem:$0x3FAF];
	_ =	sdelay $0x3  }
0x36: {  	p1 =	seq.s32 s10, $0x1;
	s10 =	sld [smem:$0x3FB0];
	_ =	sdelay $0x3  }
0x37: {  	[smem:$0x3FB0] =	sst s10  }
0x38: {  	s10 =	sld [smem:$0x3FB1]  }
0x39: {  	_ = 	snop;
	(pc) =	sbr.ind lr, $3  }
0x3a: {  	_ = 	snop  }
0x3b: {  	_ = 	snop  }
0x3c: {  	p2 =	seq.s32 s10, $0x1;
	s10 =	sld [smem:$0x3FB0]  }
0x3d: {  	_ =	shalt  }
0x3e: {  	_ =	shalt  }
0x3f: {  	_ =	shalt  }
0x40: {  	_ =	shalt  }
0x41: {  	_ =	shalt  }
0x42: {  	_ =	shalt  }
0x43: {  	_ =	shalt  }
0x44: {  	_ =	shalt  }
0x45: {  	_ =	shalt  }
0x46: {  	_ =	shalt  }
0x47: {  	_ =	shalt  }
0x48: {  	_ =	shalt  }
0x49: {  	_ =	shalt  }
0x4a: {  	_ =	shalt  }
0x4b: {  	_ =	shalt  }
0x4c: {  	_ =	shalt  }
0x4d: {  	_ =	shalt  }
0x4e: {  	_ =	shalt  }
0x4f: {  	_ =	shalt  }
0x50: {  	_ =	shalt  }
0x51: {  	_ =	shalt  }
0x52: {  	_ =	shalt  }
0x53: {  	_ =	shalt  }
0x54: {  	_ =	shalt  }
0x55: {  	_ =	shalt  }
0x56: {  	_ =	shalt  }
0x57: {  	_ =	shalt  }
0x58: {  	_ =	shalt  }
0x59: {  	_ =	shalt  }
0x5a: {  	_ =	shalt  }
0x5b: {  	_ =	shalt  }
0x5c: {  	_ =	shalt  }
0x5d: {  	_ =	shalt  }
0x5e: {  	_ =	shalt  }
0x5f: {  	_ =	shalt  }
0x60: {  	_ =	shalt  }
0x61: {  	_ =	shalt  }
0x62: {  	_ =	shalt  }
0x63: {  	_ =	shalt  }
0x64: {  	_ =	shalt  }
0x65: {  	_ =	shalt  }
0x66: {  	_ =	shalt  }
0x67: {  	_ =	shalt  }
0x68: {  	_ =	shalt  }
0x69: {  	_ =	shalt  }
0x6a: {  	_ =	shalt  }
0x6b: {  	_ =	shalt  }
0x6c: {  	_ =	shalt  }
0x6d: {  	_ =	shalt  }
0x6e: {  	_ =	shalt  }
0x6f: {  	_ =	shalt  }
0x70: {  	_ =	shalt  }
0x71: {  	_ =	shalt  }
0x72: {  	_ =	shalt  }
0x73: {  	_ =	shalt  }
0x74: {  	_ =	shalt  }
0x75: {  	_ =	shalt  }
0x76: {  	_ =	shalt  }
0x77: {  	_ =	shalt  }
0x78: {  	_ =	shalt  }
0x79: {  	_ =	shalt  }
0x7a: {  	_ =	shalt  }
0x7b: {  	_ =	shalt  }
0x7c: {  	_ =	shalt  }
0x7d: {  	_ =	shalt  }
0x7e: {  	_ =	shalt  }
0x7f: {  	_ =	shalt  }
0x80: {  	_ =	shalt  }
0x81: {  	_ =	shalt  }
0x82: {  	_ =	shalt  }
0x83: {  	_ =	shalt  }
0x84: {  	_ =	shalt  }
0x85: {  	_ =	shalt  }
0x86: {  	_ =	shalt  }
0x87: {  	_ =	shalt  }
.Lfunc_end0:
.L_simem_size_0:
called_computation.7_lowered:
.L_overlay_start_0:
0x88: {  	s2 =	sld [smem:$0x3FD9]  }
0x89: {  	s3 =	sld [smem:$0x3FFE];
	_ =	sdelay $0x1  }
0x8a: {  	s1 =	srdreg.scid  }
0x8b: {  	s0 =	sand.u32 $0x1, s1  }
0x8c: {  	s17 =	sshll.u32 s0, $0xA;
	s2 =	sadd.s32 s3, s2  }
0x8d: {  	s2 =	sadd.s32 s2, s17  }
0x8e: {  	[smem:$0x3FBC] =	sst s2  }
0x8f: {  	_ = 	snop  }
0x90: {  	s18 =	sld [smem:$0x3FC9]  }
0x91: {  	s4 =	sld [smem:$0x3FC7];
	(tm) =	ssettm $0x1  }
0x92: {  	s19 =	sld [smem:$0x3FFB];
	_ =	sdelay $0x3  }
0x93: {  	_ =	strace s19  }
0x94: {  	s2 =	sld [smem:$0x3FFC];
	_ =	sdelay $0x3  }
0x95: {  	_ =	strace s2  }
0x96: {  	s2 =	sld [smem:$0x3FFD];
	_ =	sdelay $0x3  }
0x97: {  	_ =	strace s2  }
0x98: {  	_ =	strace $0x8FFFFFFF  }
0x99: {  	s20 =	sld [smem:$0x3FDB];
	_ =	sdelay $0x1  }
0x9a: {  	s5 =	simm.s32 $_scs_section_size  }
0x9b: {  	s6 =	simm.s32 $_size__tile_overlayer_lowered;
	s7 =	simm.s32 $_tile_overlayer_lowered  }
0x9c: {  	s8 =	simm.s32 $0x1BFF;
	s21 =	sshll.u32 s7, $0x1;
	s5 =	sadd.s32 s5, s20  }
0x9d: {  	s22 =	simm.s32 $0x0;
	s6 =	sshll.u32 s6, $0x1;
	s7 =	sadd.s32 s21, s5  }
0x9e: {  	[timem:s22], [sflag:s8] =	dma.local [hbm:s7], s6  }
0x9f: {  	_ =	swait.ge [sflag:s8], s6  }
0xa0: {  	s6 =	ssub.s32 $0x0, s6;
	[sflag:s8] =	ssyncset.done $0x0  }
0xa1: {  	[sflag:s8] =	ssyncadd.s32 s6;
	_ =	sdelay $0x1  }
0xa2: {  	s23 =	simm.s32 $0x1B8B  }
0xa3: {  	_ =	swait.ge [sflag:s23], $0x1  }
0xa4: {  	[sflag:s23] =	ssyncset.done $0x0  }
0xa5: {  	[sflag:s23] =	ssyncadd.s32 $0xFFFFFFFF  }
0xa6: {  	s6 =	sld [smem:$0x0]  }
0xa7: {  	s7 =	sand.u32 $0xFFFFFFFE, s1  }
0xa8: {  	p0 =	sne.s32 s1, s7  }
0xa9: {  	s7 =	sshll.u32 @p0 s7, $0xE  }
0xaa: {  	s7 =	sadd.s32 @p0 $0x11B8D, s7;
	s8 =	sshll.u32 @p0 s6, $0x11  }
0xab: {  	s7 =	sor.u32 @p0 s8, s7  }
0xac: {  	[sflag:s7] =	ssyncadd.remote.s32 @p0 $0x1;
	_ =	sdelay $0x1  }
0xad: {  	s7 =	simm.s32 @p0 $0x1B8D  }
0xae: {  	_ =	swait.eq @p0 [sflag:s7], $0x1  }
0xaf: {  	[sflag:s7] =	ssyncadd.s32 @p0 $0xFFFFFFFF  }
0xb0: {  	s8 =	sshll.u32 @!p0 s1, $0xE  }
0xb1: {  	s8 =	sor.u32 @!p0 $0x4000, s8;
	s7 =	simm.s32 @!p0 $0x1B8D  }
0xb2: {  	s6 =	sshll.u32 @!p0 s6, $0x11;
	s8 =	sadd.s32 @!p0 $0x11B8D, s8;
	_ =	swait.eq @!p0 [sflag:s7], $0x1  }
0xb3: {  	s6 =	sor.u32 @!p0 s6, s8;
	[sflag:s7] =	ssyncadd.s32 @!p0 $0xFFFFFFFF  }
0xb4: {  	s25 =	simm.s32 $0x1B8E;
	s24 =	sld [smem:$0x3FFE];
	[sflag:s6] =	ssyncadd.remote.s32 @!p0 $0x1  }
0xb5: {  	s26 =	simm.s32 $execute0_lowered;
	[smem:$0x3FD2] =	sst s25  }
0xb6: {  	s7 =	sshll.u32 s26, $0x1;
	_ =	strace $0x8000005E;
	[dreg:$0x1] =	wrdreg $0xFFFFFFFF  }
0xb7: {  	s28 =	simm.s32 $_size_execute0_lowered;
	s5 =	sadd.s32 s5, s7;
	[dreg:$0x0] =	wrdreg $0x0  }
0xb8: {  	s7 =	sshll.u32 s28, $0x1;
	[dreg:$0x2] =	wrdreg s5  }
0xb9: {  	[dreg:$0x3] =	wrdreg s7  }
0xba: {  	[dreg:$0x4] =	wrdreg $0xC0  }
0xbb: {  	_ =	task [dreg:s22], $0x5FFFF  }
0xbc: {  	[dreg:$0x1] =	wrdreg $0xFFFFFFFF  }
0xbd: {  	[dreg:$0x0] =	wrdreg $0x60  }
0xbe: {  	[dreg:$0x2] =	wrdreg s4  }
0xbf: {  	[dreg:$0x3] =	wrdreg s18  }
0xc0: {  	[dreg:$0x4] =	wrdreg s24  }
0xc1: {  	[dreg:$0x5] =	wrdreg $0x9  }
0xc2: {  	_ =	task.clear_ibuf [dreg:s22], $0x6FFFF;
	_ =	strace $0x9000005E  }
0xc3: {  	s29 =	simm.s32 $0x9;
	_ =	strace $0x80000060  }
0xc4: {  	_ =	swait.ge [sflag:s29], $0x1  }
0xc5: {  	[sflag:s29] =	ssyncadd.s32 $0xFFFFFFFF  }
0xc6: {  	_ =	strace $0x90000060  }
0xc7: {  	_ =	sfence  }
0xc8: {  	s30 =	sld [smem:$0x0];
	_ =	sdelay $0x2  }
0xc9: {  	s31 =	sshll.u32 s1, $0xD;
	s1 =	sshrl.u32 s1, $0x2  }
0xca: {  	s4 =	sand.u32 $0x4000, s31;
	s1 =	sadd.s32 s1, s30  }
0xcb: {  	s0 =	sor.u32 s4, s0;
	s1 =	sshll.u32 s1, $0x11  }
0xcc: {  	s0 =	sor.u32 s1, s0  }
0xcd: {  	s0 =	sadd.s32 $0x8F2B, s0  }
0xce: {  	[sflag:s0] =	ssyncadd.remote.s32 $0x1  }
0xcf: {  	_ =	sfence.sel $0xFFFF  }
0xd0: {  	[dreg:$0x0] =	wrdreg $0xFFFFFFFF;
	(pc) =	sbr.abs _section_cstart, $3  }
0xd1: {  	[dreg:$0x1] =	wrdreg $0xFFFFFFFF  }
0xd2: {  	_ =	task.clear_ibuf [dreg:s22], $0x2FFFF;
	_ =	strace $0x9FFFFFFF  }
0xd3: {  	(tm) =	ssettm $0x7FFFFFFF  }
tec
execute0_lowered:
.L_overlay_start_1:
0x0: {  	(tag) =	ssettag $0x1  }
0x1: {  	s1 =	rddreg [dreg:$0x0];
	s2 =	srdreg.scid  }
0x2: {  	s4 =	rddreg [dreg:$0x1];
	s0 =	stileid.u32  }
0x3: {  	s8 =	rddreg [dreg:$0x2];
	s3 =	simm.s32 $0x0;
	s6 =	sand.u32 $0x1, s2  }
0x4: {  	s7 =	sshll.u32 s0, $0x5;
	s2 =	rddreg [dreg:$0x3];
	s5 =	sshll.u32 s6, $0x9  }
0x5: {  	[smem:$0x7FF] =	sst s3;
	s9 =	sor.u32 s7, s5  }
0x6: {  	_ =	strace $0x8000005F;
	s10 =	ssub.s32 $0x2, s6;
	s5 =	sshrl.u32 s9, $0x3  }
0x7: {  	s6 =	simm.s32 $0x20;
	s5 =	sadd.s32 s4, s5;
	s4 =	simm.s32 $0x2  }
0x8: {  	[tilespmem:s3], [sflag:$0x2] =	stream.linear.gather [hbm4b:s5+s3], $0x20, $0x38;
	[tilespmem:$0x1020] =	vst v63  }
0x9: {  	s7 =	simm.s32 $0x1;
	s11 =	sshrl.u32 s10, $0x1;
	_ =	swait.ge [sflag:s4], $0x20  }
0xa: {  	s9 =	sshll.u32 s9, $0x4;
	s31 =	ssub.s32 s10, s11;
	[sflag:s4] =	ssyncset.done $0x0  }
0xb: {  	s8 =	sadd.s32 s9, s8;
	s9 =	smax.u32 s31, $0x1;
	[sflag:s4] =	ssyncadd.s32 $0xFFFFFFE0  }
0xc: {  	[tilespmem:s6], [sflag:$0x1] =	stream.indirect.gather [hbm4b:s1+s6], $0x80, s3, s6, $0xb8;
	[tilespmem:$0x1020] =	vst v63  }
0xd: {  	p0 =	sne.s32 s9, $0x1;
	_ =	swait.ge [sflag:s7], $0x1000  }
.Ltmp0:
0xe: {  	[sflag:s7] =	ssyncset.done $0x0;
	(pc) =	sbr.rel @!p0 .LBB2_2-.Ltmp0, $4  }
0xf: {  	s8 =	sadd.s32 $0x17400, s8;
	[sflag:s7] =	ssyncadd.s32 $0xFFFFF000  }
0x10: {  	[hbm4b:s8+s3] =	stream.linear.scatter [tilespmem:s6], [sflag:$0x2], $0x1000, $0x38;
	[tilespmem:$0x1020] =	vst v63  }
0x11: {  	_ =	swait.ge [sflag:s4], $0x1000  }
0x12: {  	s9 =	sadd.s32 $0xFFFFFFFF, s9;
	[sflag:s4] =	ssyncset.done $0x0  }
.LBB2_1:
0x13: {  	p0 =	sne.s32 s9, $0x1;
	s9 =	sadd.s32 $0xFFFFFFFF, s9;
	[sflag:s4] =	ssyncadd.s32 $0xFFFFF000  }
0x14: {  	[tilespmem:s3], [sflag:$0x2] =	stream.linear.gather [hbm4b:s5+s3], $0x20, $0x38;
	[tilespmem:$0x1020] =	vst v63  }
0x15: {  	_ =	swait.ge [sflag:s4], $0x20  }
0x16: {  	[sflag:s4] =	ssyncset.done $0x0  }
0x17: {  	[sflag:s4] =	ssyncadd.s32 $0xFFFFFFE0  }
0x18: {  	[tilespmem:s6], [sflag:$0x1] =	stream.indirect.gather [hbm4b:s1+s6], $0x80, s3, s6, $0xb8;
	[tilespmem:$0x1020] =	vst v63  }
0x19: {  	_ =	swait.ge [sflag:s7], $0x1000  }
.Ltmp1:
0x1a: {  	[sflag:s7] =	ssyncset.done $0x0;
	(pc) =	sbr.rel @p0 .LBB2_1-.Ltmp1, $4  }
0x1b: {  	[sflag:s7] =	ssyncadd.s32 $0xFFFFF000  }
0x1c: {  	[hbm4b:s8+s3] =	stream.linear.scatter [tilespmem:s6], [sflag:$0x2], $0x1000, $0x38;
	[tilespmem:$0x1020] =	vst v63  }
0x1d: {  	_ =	swait.ge [sflag:s4], $0x1000  }
0x1e: {  	[sflag:s4] =	ssyncset.done $0x0  }
.LBB2_2:
0x1f: {  	[sflag:s4] =	ssyncadd.s32 $0xFFFFF000  }
0x20: {  	_ =	sfence.sel $0x180000  }
0x21: {  	[bflag:$0x0] =	sbarrier.arrive $0xFFFF  }
0x22: {  	p0 =	sne.s32 s0, $0x0;
	_ =	strace $0x9000005F  }
0x23: {  	s0 =	sadd.s32 @!p0 $0x100000, s2;
	[bflag:$0x2] =	sbarrier.arrive $0xFFFF  }
0x24: {  	[sflag:s0] =	ssyncadd.tile.s32 @!p0 $0x1;
	_ =	shalt  }
.Lfunc_end2:
_tile_overlayer_lowered:
.L_overlay_start_2:
0x25: {  	(tag) =	ssettag $0x2  }
0x26: {  	s0 =	rddreg [dreg:$0x0];
	s2 =	stileid.u32  }
0x27: {  	s1 =	rddreg [dreg:$0x1];
	p0 =	sne.s32 s2, $0x0  }
0x28: {  	s3 =	rddreg [dreg:$0x2];
	[bflag:$0x3] =	sbarrier.arrive $0xFFFF;
	s2 =	simm.s32 @!p0 $0x1C02  }
0x29: {  	[timem:s3], [sflag:s2] =	dma.local @!p0 [hbm:s0], s1  }
0x2a: {  	s0 =	simm.s32 @!p0 $0x2  }
0x2b: {  	_ =	swait.ge @!p0 [sflag:s0], s1  }
0x2c: {  	s1 =	ssub.s32 @!p0 $0x0, s1;
	[sflag:s0] =	ssyncset.done @!p0 $0x0  }
0x2d: {  	[sflag:s0] =	ssyncadd.s32 @!p0 s1  }
0x2e: {  	[bflag:$0x3] =	sbarrier.arrive $0xFFFF  }
0x2f: {  	_ =	shalt  }

// kernel: kernel.37.cloned.1.call-start
scs
__scs_entry_jumppad:
0x0: {  	(pc) =	sbr.rel $0x88, $3  }
0x1: {  	(tag) =	ssettag $0x0;
	lr =	simm.s32 $0x1  }
0x2: {  	[smem:$0x3F95] =	sst lr;
	_ =	strace $0xD0000000  }
0x3: {  	_ = 	snop  }
0x4: {  	_ = 	snop  }
0x5: {  	_ = 	snop  }
0x6: {  	_ = 	snop  }
0x7: {  	_ = 	snop  }
__scs_overlays_trampoline_lowered:
0x8: {  	[smem:$0x3FA4] =	sst s0  }
0x9: {  	[smem:$0x3FA5] =	sst s1  }
0xa: {  	[smem:$0x3FA6] =	sst s2  }
0xb: {  	[smem:$0x3FA7] =	sst s3  }
0xc: {  	[smem:$0x3FA8] =	sst s4  }
0xd: {  	[smem:$0x3FA9] =	sst s5  }
0xe: {  	[smem:$0x3FAA] =	sst s6  }
0xf: {  	[smem:$0x3FAB] =	sst s7  }
0x10: {  	[smem:$0x3FAC] =	sst s8  }
0x11: {  	[smem:$0x3FAD] =	sst s9;
	s0 =	simm.s32 @!p0 $0x0  }
0x12: {  	s1 =	sld [smem:$0x3F93];
	s0 =	simm.s32 @p0 $0x1  }
0x13: {  	[smem:$0x3FAE] =	sst s0;
	s0 =	simm.s32 @!p1 $0x0  }
0x14: {  	s2 =	sld [smem:$0x3F92];
	s0 =	simm.s32 @p1 $0x1  }
0x15: {  	[smem:$0x3FAF] =	sst s0;
	s0 =	simm.s32 @!p2 $0x0  }
0x16: {  	s3 =	sld [smem:$0x3FDB];
	s0 =	simm.s32 @p2 $0x1  }
0x17: {  	s4 =	simm.s32 $0x1BF5;
	[smem:$0x3FB1] =	sst s0  }
0x18: {  	s0 =	sld [smem:$0x3F94];
	_ =	swait.ge [sflag:s4], $0x0  }
0x19: {  	s7 =	sld [smem:$0x3F95]  }
0x1a: {  	s8 =	sadd.s32 $0xFFFFE003, lr  }
0x1b: {  	s9 =	sadd.s32 $0xFFFFFEF7, lr;
	s5 =	simm.s32 $0xFFFFFFFF;
	p2 =	slt.u32 s8, $0xFFFFF086  }
0x1c: {  	p1 =	slt.u32 s9, $0xF7A;
	s5 =	simm.s32 @!p2 $0x0  }
0x1d: {  	s5 =	simm.s32 @p1 $0x1;
	p0 =	seq.s32 s7, s2  }
0x1e: {  	s7 =	smul.u32 @!p0 $0xF7A, s2;
	p2 =	seq.s32 @!p0 s5, $0x0  }
0x1f: {  	s9 =	smul.u32 $0xF7A, s1;
	s8 =	simm.s32 @!p0 $0x1BF5;
	p2 =	por !p2, p0  }
0x20: {  	[sflag:s8] =	ssyncset.s32 @!p0 $0xFFFFF086;
	s6 =	sadd.s32 @!p0 s3, s7;
	s7 =	simm.s32 @!p0 $0x108  }
0x21: {  	s3 =	sadd.s32 s3, s9;
	s6 =	sadd.s32 @!p0 $0x88, s6;
	s7 =	simm.s32 @p2 $0x1082  }
0x22: {  	[simem:s7], [sflag:s8] =	dma.local @!p0 [hbm:s6], $0xF7A  }
0x23: {  	s9 =	sor.u32 $0xD0000000, s2;
	s6 =	simm.s32 $0x108;
	_ =	swait.ge @!p0 [sflag:s8], $0x0  }
0x24: {  	s3 =	sadd.s32 $0x88, s3;
	s6 =	simm.s32 @!p1 $0x1082;
	[sflag:s4] =	ssyncset.s32 $0xFFFFF086  }
0x25: {  	[simem:s6], [sflag:s4] =	dma.local [hbm:s3], $0xF7A  }
0x26: {  	[smem:$0x3F95] =	sst s1;
	(tag) =	ssettag s2;
	_ =	strace s9  }
0x27: {  	s1 =	sld [smem:$0x3FA5]  }
0x28: {  	s2 =	sld [smem:$0x3FA6]  }
0x29: {  	s4 =	sld [smem:$0x3FA8]  }
0x2a: {  	p0 =	seq.s32 s5, $0x0;
	s5 =	sld [smem:$0x3FA9]  }
0x2b: {  	s6 =	sld [smem:$0x3FAA]  }
0x2c: {  	s7 =	sld [smem:$0x3FAB]  }
0x2d: {  	s3 =	simm.s32 $0x108;
	s8 =	sld [smem:$0x3FAC]  }
0x2e: {  	s3 =	simm.s32 @!p0 $0x1082;
	s9 =	sld [smem:$0x3FAD]  }
0x2f: {  	lr =	sadd.s32 s0, s3;
	s0 =	sld [smem:$0x3FA4]  }
0x30: {  	s3 =	sld [smem:$0x3FA7]  }
0x31: {  	[smem:$0x3FB0] =	sst s10  }
0x32: {  	s10 =	sld [smem:$0x3FAE];
	_ =	sdelay $0x3  }
0x33: {  	p0 =	seq.s32 s10, $0x1;
	s10 =	sld [smem:$0x3FB0];
	_ =	sdelay $0x3  }
0x34: {  	[smem:$0x3FB0] =	sst s10  }
0x35: {  	s10 =	sld [smem:$0x3FAF];
	_ =	sdelay $0x3  }
0x36: {  	p1 =	seq.s32 s10, $0x1;
	s10 =	sld [smem:$0x3FB0];
	_ =	sdelay $0x3  }
0x37: {  	[smem:$0x3FB0] =	sst s10  }
0x38: {  	s10 =	sld [smem:$0x3FB1]  }
0x39: {  	_ = 	snop;
	(pc) =	sbr.ind lr, $3  }
0x3a: {  	_ = 	snop  }
0x3b: {  	_ = 	snop  }
0x3c: {  	p2 =	seq.s32 s10, $0x1;
	s10 =	sld [smem:$0x3FB0]  }
0x3d: {  	_ =	shalt  }
0x3e: {  	_ =	shalt  }
0x3f: {  	_ =	shalt  }
0x40: {  	_ =	shalt  }
0x41: {  	_ =	shalt  }
0x42: {  	_ =	shalt  }
0x43: {  	_ =	shalt  }
0x44: {  	_ =	shalt  }
0x45: {  	_ =	shalt  }
0x46: {  	_ =	shalt  }
0x47: {  	_ =	shalt  }
0x48: {  	_ =	shalt  }
0x49: {  	_ =	shalt  }
0x4a: {  	_ =	shalt  }
0x4b: {  	_ =	shalt  }
0x4c: {  	_ =	shalt  }
0x4d: {  	_ =	shalt  }
0x4e: {  	_ =	shalt  }
0x4f: {  	_ =	shalt  }
0x50: {  	_ =	shalt  }
0x51: {  	_ =	shalt  }
0x52: {  	_ =	shalt  }
0x53: {  	_ =	shalt  }
0x54: {  	_ =	shalt  }
0x55: {  	_ =	shalt  }
0x56: {  	_ =	shalt  }
0x57: {  	_ =	shalt  }
0x58: {  	_ =	shalt  }
0x59: {  	_ =	shalt  }
0x5a: {  	_ =	shalt  }
0x5b: {  	_ =	shalt  }
0x5c: {  	_ =	shalt  }
0x5d: {  	_ =	shalt  }
0x5e: {  	_ =	shalt  }
0x5f: {  	_ =	shalt  }
0x60: {  	_ =	shalt  }
0x61: {  	_ =	shalt  }
0x62: {  	_ =	shalt  }
0x63: {  	_ =	shalt  }
0x64: {  	_ =	shalt  }
0x65: {  	_ =	shalt  }
0x66: {  	_ =	shalt  }
0x67: {  	_ =	shalt  }
0x68: {  	_ =	shalt  }
0x69: {  	_ =	shalt  }
0x6a: {  	_ =	shalt  }
0x6b: {  	_ =	shalt  }
0x6c: {  	_ =	shalt  }
0x6d: {  	_ =	shalt  }
0x6e: {  	_ =	shalt  }
0x6f: {  	_ =	shalt  }
0x70: {  	_ =	shalt  }
0x71: {  	_ =	shalt  }
0x72: {  	_ =	shalt  }
0x73: {  	_ =	shalt  }
0x74: {  	_ =	shalt  }
0x75: {  	_ =	shalt  }
0x76: {  	_ =	shalt  }
0x77: {  	_ =	shalt  }
0x78: {  	_ =	shalt  }
0x79: {  	_ =	shalt  }
0x7a: {  	_ =	shalt  }
0x7b: {  	_ =	shalt  }
0x7c: {  	_ =	shalt  }
0x7d: {  	_ =	shalt  }
0x7e: {  	_ =	shalt  }
0x7f: {  	_ =	shalt  }
0x80: {  	_ =	shalt  }
0x81: {  	_ =	shalt  }
0x82: {  	_ =	shalt  }
0x83: {  	_ =	shalt  }
0x84: {  	_ =	shalt  }
0x85: {  	_ =	shalt  }
0x86: {  	_ =	shalt  }
0x87: {  	_ =	shalt  }
.Lfunc_end0:
.L_simem_size_0:
called_computation.8_lowered:
.L_overlay_start_0:
0x88: {  	s2 =	sld [smem:$0x3FD9]  }
0x89: {  	s3 =	sld [smem:$0x3FFE];
	_ =	sdelay $0x1  }
0x8a: {  	s1 =	srdreg.scid  }
0x8b: {  	s0 =	sand.u32 $0x1, s1  }
0x8c: {  	s14 =	sshll.u32 s0, $0xA;
	s2 =	sadd.s32 s3, s2  }
0x8d: {  	s2 =	sadd.s32 s2, s14  }
0x8e: {  	[smem:$0x3FBC] =	sst s2  }
0x8f: {  	_ = 	snop  }
0x90: {  	s2 =	sld [smem:$0x3FD0];
	_ =	sdelay $0x2  }
0x91: {  	s4 =	simm.s32 $0xB;
	s5 =	simm.s32 $0x10;
	s15 =	sld [smem:$0x3FC9]  }
0x92: {  	[smem:s5], [sflag:s4] =	dma.local [hbm:s2], $0x1  }
0x93: {  	_ =	swait.eq [sflag:s4], $0x1  }
0x94: {  	[sflag:s4] =	ssyncset.done $0x0  }
0x95: {  	[sflag:s4] =	ssyncadd.s32 $0xFFFFFFFF  }
0x96: {  	s16 =	sld [smem:$0x10];
	(tm) =	ssettm $0x1  }
0x97: {  	s17 =	sld [smem:$0x3FFB];
	_ =	sdelay $0x3  }
0x98: {  	_ =	strace s17  }
0x99: {  	s4 =	sld [smem:$0x3FFC];
	_ =	sdelay $0x3  }
0x9a: {  	_ =	strace s4  }
0x9b: {  	s4 =	sld [smem:$0x3FFD];
	_ =	sdelay $0x3  }
0x9c: {  	_ =	strace s4  }
0x9d: {  	_ =	strace $0x8FFFFFFF  }
0x9e: {  	s18 =	sld [smem:$0x3FDB];
	_ =	sdelay $0x1  }
0x9f: {  	s19 =	simm.s32 $_scs_section_size  }
0xa0: {  	s6 =	simm.s32 $_size__tile_overlayer_lowered;
	s7 =	simm.s32 $_tile_overlayer_lowered  }
0xa1: {  	s22 =	simm.s32 $0x1BFF;
	s21 =	sshll.u32 s7, $0x1;
	s4 =	sadd.s32 s19, s18  }
0xa2: {  	s8 =	simm.s32 $0x0;
	s20 =	sshll.u32 s6, $0x1;
	s6 =	sadd.s32 s21, s4  }
0xa3: {  	[timem:s8], [sflag:s22] =	dma.local [hbm:s6], s20  }
0xa4: {  	_ =	swait.ge [sflag:s22], s20  }
0xa5: {  	s5 =	ssub.s32 $0x0, s20;
	[sflag:s22] =	ssyncset.done $0x0  }
0xa6: {  	[sflag:s22] =	ssyncadd.s32 s5;
	_ =	sdelay $0x1  }
0xa7: {  	s23 =	simm.s32 $0x1B8B  }
0xa8: {  	_ =	swait.ge [sflag:s23], $0x1  }
0xa9: {  	[sflag:s23] =	ssyncset.done $0x0  }
0xaa: {  	s25 =	simm.s32 $0x1B8E;
	s24 =	sld [smem:$0x3FFE];
	[sflag:s23] =	ssyncadd.s32 $0xFFFFFFFF  }
0xab: {  	s26 =	simm.s32 $execute0_lowered;
	[smem:$0x3FD2] =	sst s25  }
0xac: {  	s6 =	sshll.u32 s26, $0x1;
	_ =	strace $0x8000005B;
	[dreg:$0x1] =	wrdreg $0xFFFFFFFF  }
0xad: {  	s28 =	simm.s32 $_size_execute0_lowered;
	s4 =	sadd.s32 s4, s6;
	[dreg:$0x0] =	wrdreg $0x0  }
0xae: {  	s6 =	sshll.u32 s28, $0x1;
	[dreg:$0x2] =	wrdreg s4  }
0xaf: {  	[dreg:$0x3] =	wrdreg s6  }
0xb0: {  	[dreg:$0x4] =	wrdreg $0xC0  }
0xb1: {  	_ =	task [dreg:s8], $0x5FFFF  }
0xb2: {  	[dreg:$0x1] =	wrdreg $0xFFFFFFFF  }
0xb3: {  	[dreg:$0x0] =	wrdreg $0x60  }
0xb4: {  	[dreg:$0x2] =	wrdreg s24  }
0xb5: {  	[dreg:$0x3] =	wrdreg s15  }
0xb6: {  	[dreg:$0x4] =	wrdreg s16  }
0xb7: {  	[dreg:$0x5] =	wrdreg $0xA  }
0xb8: {  	_ =	task.clear_ibuf [dreg:s8], $0x6FFFF;
	_ =	strace $0x9000005B  }
0xb9: {  	s29 =	simm.s32 $0xA;
	_ =	strace $0x8000005D  }
0xba: {  	_ =	swait.ge [sflag:s29], $0x1  }
0xbb: {  	[sflag:s29] =	ssyncadd.s32 $0xFFFFFFFF  }
0xbc: {  	_ =	strace $0x9000005D  }
0xbd: {  	_ =	sfence  }
0xbe: {  	s30 =	sld [smem:$0x0];
	_ =	sdelay $0x2  }
0xbf: {  	s31 =	sshll.u32 s1, $0xD;
	s1 =	sshrl.u32 s1, $0x2  }
0xc0: {  	s3 =	sand.u32 $0x4000, s31;
	s1 =	sadd.s32 s1, s30  }
0xc1: {  	s0 =	sor.u32 s3, s0;
	s1 =	sshll.u32 s1, $0x11  }
0xc2: {  	s0 =	sor.u32 s1, s0  }
0xc3: {  	s0 =	sadd.s32 $0x8F2B, s0  }
0xc4: {  	[sflag:s0] =	ssyncadd.remote.s32 $0x1  }
0xc5: {  	_ =	sfence.sel $0xFFFF  }
0xc6: {  	[dreg:$0x0] =	wrdreg $0xFFFFFFFF;
	(pc) =	sbr.abs _section_cstart, $3  }
0xc7: {  	[dreg:$0x1] =	wrdreg $0xFFFFFFFF  }
0xc8: {  	_ =	task.clear_ibuf [dreg:s8], $0x2FFFF;
	_ =	strace $0x9FFFFFFF  }
0xc9: {  	(tm) =	ssettm $0x7FFFFFFF  }
tec
execute0_lowered:
.L_overlay_start_1:
0x0: {  	(tag) =	ssettag $0x1  }
0x1: {  	s5 =	rddreg [dreg:$0x0]  }
0x2: {  	s1 =	srdreg.scid;
	s3 =	rddreg [dreg:$0x1]  }
0x3: {  	s0 =	stileid.u32;
	s8 =	rddreg [dreg:$0x2];
	s6 =	sand.u32 $0x1, s1  }
0x4: {  	s2 =	simm.s32 $0x0;
	s7 =	sshll.u32 s0, $0x5;
	s4 =	sshll.u32 s6, $0x9  }
0x5: {  	[smem:$0x7FF] =	sst s2;
	s9 =	sor.u32 s7, s4  }
0x6: {  	s1 =	rddreg [dreg:$0x3];
	_ =	strace $0x8000005C;
	s4 =	sshrl.u32 s9, $0x3  }
0x7: {  	s10 =	ssub.s32 $0x2, s6;
	s4 =	sadd.s32 s3, s4;
	s3 =	simm.s32 $0x2  }
0x8: {  	[tilespmem:s2], [sflag:$0x2] =	stream.linear.gather [hbm4b:s4+s2], $0x20, $0x38;
	[tilespmem:$0x820] =	vst v63  }
0x9: {  	s5 =	sadd.s32 $0x3A00, s5;
	s11 =	sshrl.u32 s10, $0x1;
	_ =	swait.ge [sflag:s3], $0x20  }
0xa: {  	s6 =	simm.s32 $0x20;
	s10 =	ssub.s32 s10, s11;
	[sflag:s3] =	ssyncset.done $0x0  }
0xb: {  	s7 =	simm.s32 $0x1;
	s31 =	smax.u32 s10, $0x1;
	[sflag:s3] =	ssyncadd.s32 $0xFFFFFFE0  }
0xc: {  	[tilespmem:s6], [sflag:$0x1] =	stream.indirect.gather [hbm4b:s5+s6], $0x40, s2, s6, $0xb8;
	[tilespmem:$0x820] =	vst v63  }
0xd: {  	p0 =	sne.s32 s31, $0x1;
	_ =	swait.ge [sflag:s7], $0x800  }
.Ltmp0:
0xe: {  	s9 =	sshll.u32 s9, $0x3;
	[sflag:s7] =	ssyncset.done $0x0;
	(pc) =	sbr.rel @!p0 .LBB2_2-.Ltmp0, $4  }
0xf: {  	s8 =	sadd.s32 s8, s9;
	[sflag:s7] =	ssyncadd.s32 $0xFFFFF800  }
0x10: {  	[hbm4b:s8+s2] =	stream.linear.scatter [tilespmem:s6], [sflag:$0x2], $0x800, $0x38;
	[tilespmem:$0x820] =	vst v63  }
0x11: {  	_ =	swait.ge [sflag:s3], $0x800  }
0x12: {  	s9 =	sadd.s32 $0xFFFFFFFF, s31;
	[sflag:s3] =	ssyncset.done $0x0  }
.LBB2_1:
0x13: {  	p0 =	sne.s32 s9, $0x1;
	s9 =	sadd.s32 $0xFFFFFFFF, s9;
	[sflag:s3] =	ssyncadd.s32 $0xFFFFF800  }
0x14: {  	[tilespmem:s2], [sflag:$0x2] =	stream.linear.gather [hbm4b:s4+s2], $0x20, $0x38;
	[tilespmem:$0x820] =	vst v63  }
0x15: {  	_ =	swait.ge [sflag:s3], $0x20  }
0x16: {  	[sflag:s3] =	ssyncset.done $0x0  }
0x17: {  	[sflag:s3] =	ssyncadd.s32 $0xFFFFFFE0  }
0x18: {  	[tilespmem:s6], [sflag:$0x1] =	stream.indirect.gather [hbm4b:s5+s6], $0x40, s2, s6, $0xb8;
	[tilespmem:$0x820] =	vst v63  }
0x19: {  	_ =	swait.ge [sflag:s7], $0x800  }
.Ltmp1:
0x1a: {  	[sflag:s7] =	ssyncset.done $0x0;
	(pc) =	sbr.rel @p0 .LBB2_1-.Ltmp1, $4  }
0x1b: {  	[sflag:s7] =	ssyncadd.s32 $0xFFFFF800  }
0x1c: {  	[hbm4b:s8+s2] =	stream.linear.scatter [tilespmem:s6], [sflag:$0x2], $0x800, $0x38;
	[tilespmem:$0x820] =	vst v63  }
0x1d: {  	_ =	swait.ge [sflag:s3], $0x800  }
0x1e: {  	[sflag:s3] =	ssyncset.done $0x0  }
.LBB2_2:
0x1f: {  	[sflag:s3] =	ssyncadd.s32 $0xFFFFF800  }
0x20: {  	_ =	sfence.sel $0x180000  }
0x21: {  	[bflag:$0x0] =	sbarrier.arrive $0xFFFF  }
0x22: {  	p0 =	sne.s32 s0, $0x0;
	_ =	strace $0x9000005C  }
0x23: {  	s0 =	sadd.s32 @!p0 $0x100000, s1;
	[bflag:$0x2] =	sbarrier.arrive $0xFFFF  }
0x24: {  	[sflag:s0] =	ssyncadd.tile.s32 @!p0 $0x1;
	_ =	shalt  }
.Lfunc_end2:
_tile_overlayer_lowered:
.L_overlay_start_2:
0x25: {  	(tag) =	ssettag $0x2  }
0x26: {  	s0 =	rddreg [dreg:$0x0];
	s2 =	stileid.u32  }
0x27: {  	s1 =	rddreg [dreg:$0x1];
	p0 =	sne.s32 s2, $0x0  }
0x28: {  	s3 =	rddreg [dreg:$0x2];
	[bflag:$0x3] =	sbarrier.arrive $0xFFFF;
	s2 =	simm.s32 @!p0 $0x1C02  }
0x29: {  	[timem:s3], [sflag:s2] =	dma.local @!p0 [hbm:s0], s1  }
0x2a: {  	s0 =	simm.s32 @!p0 $0x2  }
0x2b: {  	_ =	swait.ge @!p0 [sflag:s0], s1  }
0x2c: {  	s1 =	ssub.s32 @!p0 $0x0, s1;
	[sflag:s0] =	ssyncset.done @!p0 $0x0  }
0x2d: {  	[sflag:s0] =	ssyncadd.s32 @!p0 s1  }
0x2e: {  	[bflag:$0x3] =	sbarrier.arrive $0xFFFF  }
0x2f: {  	_ =	shalt  }

</sc_bundles>
